<compile_context>
chip_gen: v7x
topology: tpu7x:2x2x1
jax: 0.10.2.dev20260603
libtpu: 0.0.44.dev20260713+nightly
codegen_flags: <defaults>
</compile_context>

<pallas_src>
import jax
import jax.numpy as jnp
from jax import lax
from jax.experimental import pallas as pl
from jax.experimental.pallas import tpu as pltpu
from jax.experimental.pallas import tpu_sc as plsc

N = 10000
E = 320000
D = 128
H = 128
C = 64

NS = 16
K = 80
RPT = 624
TAIL = N - NS * RPT
SLAB = 48
NSLAB = RPT // SLAB
ROWS_BLK = 1000


def _sc_aggregate(feat, src, dst, zeros_feat):
    mesh = plsc.VectorSubcoreMesh(core_axis_name="c", subcore_axis_name="s",
                                  num_cores=1)
    epw = E // NS

    def body(feat_hbm, src_hbm, dst_hbm, zf_hbm, acc_out, src0, src1, src2,
             dst0, dst1, dst2, rows0, rows1, rows2, stg_v, acc_sh,
             sg0, sg1, sg2, ss0, ss1, ss2):
        sid = lax.axis_index("s")
        row0 = sid * RPT

        pltpu.sync_copy(zf_hbm.at[pl.ds(0, SLAB)], stg_v)
        for j in range(NSLAB):
            pltpu.sync_copy(stg_v, acc_sh.at[pl.ds(row0 + j * SLAB, SLAB)])

        @pl.when(sid == NS - 1)
        def _():
            pltpu.sync_copy(stg_v.at[pl.ds(0, TAIL)],
                            acc_sh.at[pl.ds(NS * RPT, TAIL)])

        plsc.subcore_barrier()
        ebase = sid * epw
        srcs = (src0, src1, src2)
        dsts = (dst0, dst1, dst2)
        rows = (rows0, rows1, rows2)
        sgs = (sg0, sg1, sg2)
        sss = (ss0, ss1, ss2)

        def chunk(i, carry):
            off = ebase + i * (3 * K)
            for b in range(3):
                pltpu.sync_copy(src_hbm.at[pl.ds(off + b * K, K)], srcs[b])

                @pl.when(i > 0)
                def _():
                    pltpu.make_async_copy(rows[b], acc_sh.at[dsts[b]],
                                          sss[b]).wait()

                pltpu.async_copy(feat_hbm.at[srcs[b]], rows[b], sgs[b])
                pltpu.sync_copy(dst_hbm.at[pl.ds(off + b * K, K)], dsts[b])
            for b in range(3):
                pltpu.make_async_copy(feat_hbm.at[srcs[b]], rows[b],
                                      sgs[b]).wait()
                pltpu.async_copy(rows[b], acc_sh.at[dsts[b]], sss[b],
                                 add=True)
            return carry

        nsteps = epw // (3 * K)
        lax.fori_loop(0, nsteps, chunk, 0)
        for b in range(3):
            pltpu.make_async_copy(rows[b], acc_sh.at[dsts[b]], sss[b]).wait()
        for r in range(epw // K - 3 * nsteps):
            off = ebase + nsteps * 3 * K + r * K
            pltpu.sync_copy(src_hbm.at[pl.ds(off, K)], src0)
            pltpu.sync_copy(dst_hbm.at[pl.ds(off, K)], dst0)
            pltpu.async_copy(feat_hbm.at[src0], rows0, sg0).wait()
            pltpu.async_copy(rows0, acc_sh.at[dst0], ss0, add=True).wait()
        plsc.subcore_barrier()

        for j in range(NSLAB):
            r = row0 + j * SLAB
            pltpu.sync_copy(acc_sh.at[pl.ds(r, SLAB)], stg_v)
            pltpu.sync_copy(stg_v, acc_out.at[pl.ds(r, SLAB)])

        @pl.when(sid == NS - 1)
        def _2():
            pltpu.sync_copy(acc_sh.at[pl.ds(NS * RPT, TAIL)],
                            stg_v.at[pl.ds(0, TAIL)])
            pltpu.sync_copy(stg_v.at[pl.ds(0, TAIL)],
                            acc_out.at[pl.ds(NS * RPT, TAIL)])

    return pl.kernel(
        body,
        out_type=jax.ShapeDtypeStruct((N, H), jnp.float32),
        mesh=mesh,
        scratch_types=(
            [pltpu.VMEM((K,), jnp.int32)] * 6
            + [pltpu.VMEM((K, H), jnp.float32)] * 3
            + [pltpu.VMEM((SLAB, H), jnp.float32),
               pltpu.VMEM_SHARED((N, H), jnp.float32)]
            + [pltpu.SemaphoreType.DMA] * 6
        ))(feat, src, dst, zeros_feat)


def _sc_degree(dst, zeros_feat, ones_deg):
    mesh = plsc.VectorSubcoreMesh(core_axis_name="c", subcore_axis_name="s",
                                  num_cores=1)
    epw = E // NS

    def body(dst_hbm, zf_hbm, ones_hbm, deg_out, dst0, dst1, dst2, ones_v,
             stg_v, deg_sh, ss0, ss1, ss2):
        sid = lax.axis_index("s")
        row0 = sid * RPT

        pltpu.sync_copy(zf_hbm.at[pl.ds(0, SLAB)], stg_v)
        pltpu.sync_copy(ones_hbm, ones_v)
        for j in range(NSLAB):
            pltpu.sync_copy(stg_v, deg_sh.at[pl.ds(row0 + j * SLAB, SLAB)])

        @pl.when(sid == NS - 1)
        def _():
            pltpu.sync_copy(stg_v.at[pl.ds(0, TAIL)],
                            deg_sh.at[pl.ds(NS * RPT, TAIL)])

        plsc.subcore_barrier()
        ebase = sid * epw

        dsts = (dst0, dst1, dst2)
        sss = (ss0, ss1, ss2)

        def chunk(i, carry):
            off = ebase + i * (3 * K)
            for b in range(3):
                @pl.when(i > 0)
                def _():
                    pltpu.make_async_copy(ones_v, deg_sh.at[dsts[b]],
                                          sss[b]).wait()

                pltpu.sync_copy(dst_hbm.at[pl.ds(off + b * K, K)], dsts[b])
                pltpu.async_copy(ones_v, deg_sh.at[dsts[b]], sss[b],
                                 add=True)
            return carry

        nsteps = epw // (3 * K)
        lax.fori_loop(0, nsteps, chunk, 0)
        for b in range(3):
            pltpu.make_async_copy(ones_v, deg_sh.at[dsts[b]], sss[b]).wait()
        for r in range(epw // K - 3 * nsteps):
            off = ebase + nsteps * 3 * K + r * K
            pltpu.sync_copy(dst_hbm.at[pl.ds(off, K)], dst0)
            pltpu.async_copy(ones_v, deg_sh.at[dst0], ss0, add=True).wait()
        plsc.subcore_barrier()

        for j in range(NSLAB):
            r = row0 + j * SLAB
            pltpu.sync_copy(deg_sh.at[pl.ds(r, SLAB)], stg_v)
            pltpu.sync_copy(stg_v, deg_out.at[pl.ds(r, SLAB)])

        @pl.when(sid == NS - 1)
        def _2():
            pltpu.sync_copy(deg_sh.at[pl.ds(NS * RPT, TAIL)],
                            stg_v.at[pl.ds(0, TAIL)])
            pltpu.sync_copy(stg_v.at[pl.ds(0, TAIL)],
                            deg_out.at[pl.ds(NS * RPT, TAIL)])

    return pl.kernel(
        body,
        out_type=jax.ShapeDtypeStruct((N, H), jnp.float32),
        mesh=mesh,
        scratch_types=(
            [pltpu.VMEM((K,), jnp.int32)] * 3
            + [pltpu.VMEM((K, H), jnp.float32),
               pltpu.VMEM((SLAB, H), jnp.float32),
               pltpu.VMEM_SHARED((N, H), jnp.float32)]
            + [pltpu.SemaphoreType.DMA] * 3
        ))(dst, zeros_feat, ones_deg)


def _tc_lin1_body(x_ref, wl_ref, wr_ref, b_ref, p_ref, r_ref):
    xb = x_ref[...]
    p_ref[...] = jnp.dot(xb, wl_ref[...], preferred_element_type=jnp.float32)
    r_ref[...] = jnp.dot(xb, wr_ref[...],
                         preferred_element_type=jnp.float32) + b_ref[...]


def _tc_lin1(x, Wl, Wr, b):
    return pl.pallas_call(
        _tc_lin1_body,
        grid=(N // ROWS_BLK,),
        in_specs=[
            pl.BlockSpec((ROWS_BLK, D), lambda i: (i, 0)),
            pl.BlockSpec((D, H), lambda i: (0, 0)),
            pl.BlockSpec((D, H), lambda i: (0, 0)),
            pl.BlockSpec((1, H), lambda i: (0, 0)),
        ],
        out_specs=[
            pl.BlockSpec((ROWS_BLK, H), lambda i: (i, 0)),
            pl.BlockSpec((ROWS_BLK, H), lambda i: (i, 0)),
        ],
        out_shape=[
            jax.ShapeDtypeStruct((N, H), jnp.float32),
            jax.ShapeDtypeStruct((N, H), jnp.float32),
        ],
    )(x, Wl, Wr, b)


def _tc_mid_body(a_ref, d_ref, r1_ref, h_ref):
    dm = jnp.maximum(d_ref[:, 0:1], 1.0)
    h_ref[...] = jnp.maximum(a_ref[...] / dm + r1_ref[...], 0.0)


def _tc_mid(a, d, R1):
    return pl.pallas_call(
        _tc_mid_body,
        grid=(N // ROWS_BLK,),
        in_specs=[
            pl.BlockSpec((ROWS_BLK, H), lambda i: (i, 0)),
            pl.BlockSpec((ROWS_BLK, H), lambda i: (i, 0)),
            pl.BlockSpec((ROWS_BLK, H), lambda i: (i, 0)),
        ],
        out_specs=pl.BlockSpec((ROWS_BLK, H), lambda i: (i, 0)),
        out_shape=jax.ShapeDtypeStruct((N, H), jnp.float32),
    )(a, d, R1)


def _tc_out_body(a_ref, d_ref, h_ref, wl_ref, wr_ref, b_ref, o_ref):
    dm = jnp.maximum(d_ref[:, 0:1], 1.0)
    mean2 = a_ref[...] / dm
    o = (jnp.dot(mean2, wl_ref[...], preferred_element_type=jnp.float32)
         + jnp.dot(h_ref[...], wr_ref[...],
                   preferred_element_type=jnp.float32)
         + b_ref[...])
    m = jnp.max(o, axis=1, keepdims=True)
    e = jnp.exp(o - m)
    lse = jnp.log(jnp.sum(e, axis=1, keepdims=True))
    o_ref[...] = o - m - lse


def _tc_out(a, d, h, Wl2, Wr2, b2):
    return pl.pallas_call(
        _tc_out_body,
        grid=(N // ROWS_BLK,),
        in_specs=[
            pl.BlockSpec((ROWS_BLK, H), lambda i: (i, 0)),
            pl.BlockSpec((ROWS_BLK, H), lambda i: (i, 0)),
            pl.BlockSpec((ROWS_BLK, H), lambda i: (i, 0)),
            pl.BlockSpec((H, C), lambda i: (0, 0)),
            pl.BlockSpec((H, C), lambda i: (0, 0)),
            pl.BlockSpec((1, C), lambda i: (0, 0)),
        ],
        out_specs=pl.BlockSpec((ROWS_BLK, C), lambda i: (i, 0)),
        out_shape=jax.ShapeDtypeStruct((N, C), jnp.float32),
    )(a, d, h, Wl2, Wr2, b2)


@jax.jit
def kernel(x, edge_index, W_l1, W_r1, b1, W_l2, W_r2, b2):
    src = edge_index[0]
    dst = edge_index[1]
    zeros_h = jnp.zeros((N, H), jnp.float32)
    ones_deg = jnp.ones((K, H), jnp.float32)

    P1, R1 = _tc_lin1(x, W_l1, W_r1, b1.reshape(1, H))
    deg = _sc_degree(dst, zeros_h, ones_deg)
    deg, P1 = lax.optimization_barrier((deg, P1))
    acc1 = _sc_aggregate(P1, src, dst, zeros_h)
    h = _tc_mid(acc1, deg, R1)
    acc2 = _sc_aggregate(h, src, dst, zeros_h)
    return _tc_out(acc2, deg, h, W_l2, W_r2, b2.reshape(1, C))

# --- scband reference (transcript-rebuilt; emitter-appended) ---
"""Pipeline reference for scband-net-16673063043527 (READ-ONLY COPY).

The authoritative reference and input builder live on the scoring server;
editing this copy changes nothing except your own understanding.
"""

import jax, jax.numpy as jnp
import numpy as np

N = 10000
E = 320000
D = 128
H = 128
C = 64


def setup_inputs(seed: int = 0) -> dict:
    key = jax.random.key(seed)
    ks = jax.random.split(key, 8)
    x = jax.random.normal(ks[0], (N, D), dtype=jnp.float32)
    edge_index = jax.random.randint(ks[1], (2, E), 0, N, dtype=jnp.int32)
    # SAGEConv layer 1: lin_l (on aggregated neighbors, with bias), lin_r (root, no bias)
    W_l1 = jax.random.normal(ks[2], (D, H), dtype=jnp.float32) * (1.0 / np.sqrt(D))
    W_r1 = jax.random.normal(ks[3], (D, H), dtype=jnp.float32) * (1.0 / np.sqrt(D))
    b1 = jnp.zeros((H,), dtype=jnp.float32)
    # SAGEConv layer 2
    W_l2 = jax.random.normal(ks[4], (H, C), dtype=jnp.float32) * (1.0 / np.sqrt(H))
    W_r2 = jax.random.normal(ks[5], (H, C), dtype=jnp.float32) * (1.0 / np.sqrt(H))
    b2 = jnp.zeros((C,), dtype=jnp.float32)
    return {"x": x, "edge_index": edge_index, "W_l1": W_l1, "W_r1": W_r1, "b1": b1,
            "W_l2": W_l2, "W_r2": W_r2, "b2": b2}


def _sage_conv(x, src, dst, W_l, W_r, b, num_nodes):
    # mean aggregation of source-node features at destination nodes
    msg = jnp.take(x, src, axis=0)
    summed = jax.ops.segment_sum(msg, dst, num_segments=num_nodes)
    deg = jax.ops.segment_sum(jnp.ones((src.shape[0],), dtype=x.dtype), dst,
                              num_segments=num_nodes)
    mean = summed / jnp.maximum(deg, 1.0)[:, None]
    return mean @ W_l + b + x @ W_r


def reference(x, edge_index, W_l1, W_r1, b1, W_l2, W_r2, b2):
    src = edge_index[0]
    dst = edge_index[1]
    h = _sage_conv(x, src, dst, W_l1, W_r1, b1, N)
    h = jax.nn.relu(h)
    # dropout is identity in eval mode
    out = _sage_conv(h, src, dst, W_l2, W_r2, b2, N)
    # multiclass=False -> log_softmax over classes
    return jax.nn.log_softmax(out, axis=1)

if __name__ == "__main__":
    import jax
    _d = setup_inputs()
    print(jax.jit(kernel)(*tuple(_d.values())))

</pallas_src>

<mosaic_0001>
#map = affine_map<(d0, d1) -> (0, 0)>
#map1 = affine_map<(d0, d1) -> (0)>
module attributes {stable_mosaic.version = 14 : i64} {
  func.func @body(%arg0: i32, %arg1: i32, %arg2: memref<10000x128xf32, #tpu.memory_space<hbm>>, %arg3: memref<320000xi32, #tpu.memory_space<hbm>>, %arg4: memref<320000xi32, #tpu.memory_space<hbm>>, %arg5: memref<10000x128xf32, #tpu.memory_space<hbm>>, %arg6: memref<10000x128xf32, #tpu.memory_space<hbm>>, %arg7: memref<80xi32, #tpu.memory_space<vmem>>, %arg8: memref<80xi32, #tpu.memory_space<vmem>>, %arg9: memref<80xi32, #tpu.memory_space<vmem>>, %arg10: memref<80xi32, #tpu.memory_space<vmem>>, %arg11: memref<80xi32, #tpu.memory_space<vmem>>, %arg12: memref<80xi32, #tpu.memory_space<vmem>>, %arg13: memref<80x128xf32, #tpu.memory_space<vmem>>, %arg14: memref<80x128xf32, #tpu.memory_space<vmem>>, %arg15: memref<80x128xf32, #tpu.memory_space<vmem>>, %arg16: memref<48x128xf32, #tpu.memory_space<vmem>>, %arg17: memref<10000x128xf32, #tpu.memory_space<vmem_shared>>, %arg18: memref<!tpu.dma_semaphore, #tpu.memory_space<semaphore_mem>>, %arg19: memref<!tpu.dma_semaphore, #tpu.memory_space<semaphore_mem>>, %arg20: memref<!tpu.dma_semaphore, #tpu.memory_space<semaphore_mem>>, %arg21: memref<!tpu.dma_semaphore, #tpu.memory_space<semaphore_mem>>, %arg22: memref<!tpu.dma_semaphore, #tpu.memory_space<semaphore_mem>>, %arg23: memref<!tpu.dma_semaphore, #tpu.memory_space<semaphore_mem>>) attributes {dimension_semantics = [#tpu.dimension_semantics<core_parallel>, #tpu.dimension_semantics<subcore_parallel>], iteration_bounds = array<i64: 1, 16>, scalar_prefetch = 0 : i64, scratch_operands = 17 : i64, tpu.core_type = #tpu.core_type<sc_vector_subcore>, window_params = [{transform_indices = #map}, {transform_indices = #map1}, {transform_indices = #map1}, {transform_indices = #map}, {transform_indices = #map}]} {
    %mul3A = arith.constant 624 : i32
    %mul3A_0 = arith.muli %arg1, %mul3A : i32
    "tpu.region"() ({
      %run_scoped3A = tpu.sem_alloc : memref<!tpu.dma_semaphore, #tpu.memory_space<semaphore_mem>>
      %dma_start3A_90 = arith.constant 0 : i32
      %dma_start3A_91 = arith.constant 0 : i32
      %dma_start3A_92 = tpu.memref_slice %arg5[%dma_start3A_90, %dma_start3A_91] : memref<10000x128xf32, #tpu.memory_space<hbm>> -> memref<48x128xf32, #tpu.memory_space<hbm>>
      %dma_start3A_93 = arith.constant 0 : i32
      %dma_start3A_94 = arith.constant 0 : i32
      %dma_start3A_95 = tpu.memref_slice %arg5[%dma_start3A_93, %dma_start3A_94] : memref<10000x128xf32, #tpu.memory_space<hbm>> -> memref<48x128xf32, #tpu.memory_space<hbm>>
      tpu.enqueue_dma source(%dma_start3A_95 : memref<48x128xf32, #tpu.memory_space<hbm>>) target(%arg16 : memref<48x128xf32, #tpu.memory_space<vmem>>) target_semaphore(%run_scoped3A : memref<!tpu.dma_semaphore, #tpu.memory_space<semaphore_mem>>)
      %dma_wait3A_96 = arith.constant 0 : i32
      %dma_wait3A_97 = arith.constant 0 : i32
      %dma_wait3A_98 = tpu.memref_slice %arg5[%dma_wait3A_96, %dma_wait3A_97] : memref<10000x128xf32, #tpu.memory_space<hbm>> -> memref<48x128xf32, #tpu.memory_space<hbm>>
      %dma_wait3A_99 = arith.constant 0 : i32
      %dma_wait3A_100 = arith.constant 0 : i32
      %dma_wait3A_101 = tpu.memref_slice %arg5[%dma_wait3A_99, %dma_wait3A_100] : memref<10000x128xf32, #tpu.memory_space<hbm>> -> memref<48x128xf32, #tpu.memory_space<hbm>>
      tpu.wait_dma2 semaphore(%run_scoped3A : memref<!tpu.dma_semaphore, #tpu.memory_space<semaphore_mem>>) src(%dma_wait3A_101 : memref<48x128xf32, #tpu.memory_space<hbm>>) dst(%arg16 : memref<48x128xf32, #tpu.memory_space<vmem>>)
      tpu.yield
    }) : () -> ()
    %add3A = arith.constant 0 : i32
    %add3A_1 = arith.addi %mul3A_0, %add3A : i32
    "tpu.region"() ({
      %run_scoped3A = tpu.sem_alloc : memref<!tpu.dma_semaphore, #tpu.memory_space<semaphore_mem>>
      %dma_start3A_90 = arith.constant 0 : i32
      %dma_start3A_91 = tpu.memref_slice %arg17[%add3A_1, %dma_start3A_90] : memref<10000x128xf32, #tpu.memory_space<vmem_shared>> -> memref<48x128xf32, #tpu.memory_space<vmem_shared>>
      %dma_start3A_92 = arith.constant 0 : i32
      %dma_start3A_93 = tpu.memref_slice %arg17[%add3A_1, %dma_start3A_92] : memref<10000x128xf32, #tpu.memory_space<vmem_shared>> -> memref<48x128xf32, #tpu.memory_space<vmem_shared>>
      tpu.enqueue_dma source(%arg16 : memref<48x128xf32, #tpu.memory_space<vmem>>) target(%dma_start3A_93 : memref<48x128xf32, #tpu.memory_space<vmem_shared>>) target_semaphore(%run_scoped3A : memref<!tpu.dma_semaphore, #tpu.memory_space<semaphore_mem>>)
      %dma_wait3A_94 = arith.constant 0 : i32
      %dma_wait3A_95 = tpu.memref_slice %arg17[%add3A_1, %dma_wait3A_94] : memref<10000x128xf32, #tpu.memory_space<vmem_shared>> -> memref<48x128xf32, #tpu.memory_space<vmem_shared>>
      %dma_wait3A_96 = arith.constant 0 : i32
      %dma_wait3A_97 = tpu.memref_slice %arg17[%add3A_1, %dma_wait3A_96] : memref<10000x128xf32, #tpu.memory_space<vmem_shared>> -> memref<48x128xf32, #tpu.memory_space<vmem_shared>>
      tpu.wait_dma2 semaphore(%run_scoped3A : memref<!tpu.dma_semaphore, #tpu.memory_space<semaphore_mem>>) src(%arg16 : memref<48x128xf32, #tpu.memory_space<vmem>>) dst(%dma_wait3A_97 : memref<48x128xf32, #tpu.memory_space<vmem_shared>>)
      tpu.yield
    }) : () -> ()
    %add3A_2 = arith.constant 48 : i32
    %add3A_3 = arith.addi %mul3A_0, %add3A_2 : i32
    "tpu.region"() ({
      %run_scoped3A = tpu.sem_alloc : memref<!tpu.dma_semaphore, #tpu.memory_space<semaphore_mem>>
      %dma_start3A_90 = arith.constant 0 : i32
      %dma_start3A_91 = tpu.memref_slice %arg17[%add3A_3, %dma_start3A_90] : memref<10000x128xf32, #tpu.memory_space<vmem_shared>> -> memref<48x128xf32, #tpu.memory_space<vmem_shared>>
      %dma_start3A_92 = arith.constant 0 : i32
      %dma_start3A_93 = tpu.memref_slice %arg17[%add3A_3, %dma_start3A_92] : memref<10000x128xf32, #tpu.memory_space<vmem_shared>> -> memref<48x128xf32, #tpu.memory_space<vmem_shared>>
      tpu.enqueue_dma source(%arg16 : memref<48x128xf32, #tpu.memory_space<vmem>>) target(%dma_start3A_93 : memref<48x128xf32, #tpu.memory_space<vmem_shared>>) target_semaphore(%run_scoped3A : memref<!tpu.dma_semaphore, #tpu.memory_space<semaphore_mem>>)
      %dma_wait3A_94 = arith.constant 0 : i32
      %dma_wait3A_95 = tpu.memref_slice %arg17[%add3A_3, %dma_wait3A_94] : memref<10000x128xf32, #tpu.memory_space<vmem_shared>> -> memref<48x128xf32, #tpu.memory_space<vmem_shared>>
      %dma_wait3A_96 = arith.constant 0 : i32
      %dma_wait3A_97 = tpu.memref_slice %arg17[%add3A_3, %dma_wait3A_96] : memref<10000x128xf32, #tpu.memory_space<vmem_shared>> -> memref<48x128xf32, #tpu.memory_space<vmem_shared>>
      tpu.wait_dma2 semaphore(%run_scoped3A : memref<!tpu.dma_semaphore, #tpu.memory_space<semaphore_mem>>) src(%arg16 : memref<48x128xf32, #tpu.memory_space<vmem>>) dst(%dma_wait3A_97 : memref<48x128xf32, #tpu.memory_space<vmem_shared>>)
      tpu.yield
    }) : () -> ()
    %add3A_4 = arith.constant 96 : i32
    %add3A_5 = arith.addi %mul3A_0, %add3A_4 : i32
    "tpu.region"() ({
      %run_scoped3A = tpu.sem_alloc : memref<!tpu.dma_semaphore, #tpu.memory_space<semaphore_mem>>
      %dma_start3A_90 = arith.constant 0 : i32
      %dma_start3A_91 = tpu.memref_slice %arg17[%add3A_5, %dma_start3A_90] : memref<10000x128xf32, #tpu.memory_space<vmem_shared>> -> memref<48x128xf32, #tpu.memory_space<vmem_shared>>
      %dma_start3A_92 = arith.constant 0 : i32
      %dma_start3A_93 = tpu.memref_slice %arg17[%add3A_5, %dma_start3A_92] : memref<10000x128xf32, #tpu.memory_space<vmem_shared>> -> memref<48x128xf32, #tpu.memory_space<vmem_shared>>
      tpu.enqueue_dma source(%arg16 : memref<48x128xf32, #tpu.memory_space<vmem>>) target(%dma_start3A_93 : memref<48x128xf32, #tpu.memory_space<vmem_shared>>) target_semaphore(%run_scoped3A : memref<!tpu.dma_semaphore, #tpu.memory_space<semaphore_mem>>)
      %dma_wait3A_94 = arith.constant 0 : i32
      %dma_wait3A_95 = tpu.memref_slice %arg17[%add3A_5, %dma_wait3A_94] : memref<10000x128xf32, #tpu.memory_space<vmem_shared>> -> memref<48x128xf32, #tpu.memory_space<vmem_shared>>
      %dma_wait3A_96 = arith.constant 0 : i32
      %dma_wait3A_97 = tpu.memref_slice %arg17[%add3A_5, %dma_wait3A_96] : memref<10000x128xf32, #tpu.memory_space<vmem_shared>> -> memref<48x128xf32, #tpu.memory_space<vmem_shared>>
      tpu.wait_dma2 semaphore(%run_scoped3A : memref<!tpu.dma_semaphore, #tpu.memory_space<semaphore_mem>>) src(%arg16 : memref<48x128xf32, #tpu.memory_space<vmem>>) dst(%dma_wait3A_97 : memref<48x128xf32, #tpu.memory_space<vmem_shared>>)
      tpu.yield
    }) : () -> ()
    %add3A_6 = arith.constant 144 : i32
    %add3A_7 = arith.addi %mul3A_0, %add3A_6 : i32
    "tpu.region"() ({
      %run_scoped3A = tpu.sem_alloc : memref<!tpu.dma_semaphore, #tpu.memory_space<semaphore_mem>>
      %dma_start3A_90 = arith.constant 0 : i32
      %dma_start3A_91 = tpu.memref_slice %arg17[%add3A_7, %dma_start3A_90] : memref<10000x128xf32, #tpu.memory_space<vmem_shared>> -> memref<48x128xf32, #tpu.memory_space<vmem_shared>>
      %dma_start3A_92 = arith.constant 0 : i32
      %dma_start3A_93 = tpu.memref_slice %arg17[%add3A_7, %dma_start3A_92] : memref<10000x128xf32, #tpu.memory_space<vmem_shared>> -> memref<48x128xf32, #tpu.memory_space<vmem_shared>>
      tpu.enqueue_dma source(%arg16 : memref<48x128xf32, #tpu.memory_space<vmem>>) target(%dma_start3A_93 : memref<48x128xf32, #tpu.memory_space<vmem_shared>>) target_semaphore(%run_scoped3A : memref<!tpu.dma_semaphore, #tpu.memory_space<semaphore_mem>>)
      %dma_wait3A_94 = arith.constant 0 : i32
      %dma_wait3A_95 = tpu.memref_slice %arg17[%add3A_7, %dma_wait3A_94] : memref<10000x128xf32, #tpu.memory_space<vmem_shared>> -> memref<48x128xf32, #tpu.memory_space<vmem_shared>>
      %dma_wait3A_96 = arith.constant 0 : i32
      %dma_wait3A_97 = tpu.memref_slice %arg17[%add3A_7, %dma_wait3A_96] : memref<10000x128xf32, #tpu.memory_space<vmem_shared>> -> memref<48x128xf32, #tpu.memory_space<vmem_shared>>
      tpu.wait_dma2 semaphore(%run_scoped3A : memref<!tpu.dma_semaphore, #tpu.memory_space<semaphore_mem>>) src(%arg16 : memref<48x128xf32, #tpu.memory_space<vmem>>) dst(%dma_wait3A_97 : memref<48x128xf32, #tpu.memory_space<vmem_shared>>)
      tpu.yield
    }) : () -> ()
    %add3A_8 = arith.constant 192 : i32
    %add3A_9 = arith.addi %mul3A_0, %add3A_8 : i32
    "tpu.region"() ({
      %run_scoped3A = tpu.sem_alloc : memref<!tpu.dma_semaphore, #tpu.memory_space<semaphore_mem>>
      %dma_start3A_90 = arith.constant 0 : i32
      %dma_start3A_91 = tpu.memref_slice %arg17[%add3A_9, %dma_start3A_90] : memref<10000x128xf32, #tpu.memory_space<vmem_shared>> -> memref<48x128xf32, #tpu.memory_space<vmem_shared>>
      %dma_start3A_92 = arith.constant 0 : i32
      %dma_start3A_93 = tpu.memref_slice %arg17[%add3A_9, %dma_start3A_92] : memref<10000x128xf32, #tpu.memory_space<vmem_shared>> -> memref<48x128xf32, #tpu.memory_space<vmem_shared>>
      tpu.enqueue_dma source(%arg16 : memref<48x128xf32, #tpu.memory_space<vmem>>) target(%dma_start3A_93 : memref<48x128xf32, #tpu.memory_space<vmem_shared>>) target_semaphore(%run_scoped3A : memref<!tpu.dma_semaphore, #tpu.memory_space<semaphore_mem>>)
      %dma_wait3A_94 = arith.constant 0 : i32
      %dma_wait3A_95 = tpu.memref_slice %arg17[%add3A_9, %dma_wait3A_94] : memref<10000x128xf32, #tpu.memory_space<vmem_shared>> -> memref<48x128xf32, #tpu.memory_space<vmem_shared>>
      %dma_wait3A_96 = arith.constant 0 : i32
      %dma_wait3A_97 = tpu.memref_slice %arg17[%add3A_9, %dma_wait3A_96] : memref<10000x128xf32, #tpu.memory_space<vmem_shared>> -> memref<48x128xf32, #tpu.memory_space<vmem_shared>>
      tpu.wait_dma2 semaphore(%run_scoped3A : memref<!tpu.dma_semaphore, #tpu.memory_space<semaphore_mem>>) src(%arg16 : memref<48x128xf32, #tpu.memory_space<vmem>>) dst(%dma_wait3A_97 : memref<48x128xf32, #tpu.memory_space<vmem_shared>>)
      tpu.yield
    }) : () -> ()
    %add3A_10 = arith.constant 240 : i32
    %add3A_11 = arith.addi %mul3A_0, %add3A_10 : i32
    "tpu.region"() ({
      %run_scoped3A = tpu.sem_alloc : memref<!tpu.dma_semaphore, #tpu.memory_space<semaphore_mem>>
      %dma_start3A_90 = arith.constant 0 : i32
      %dma_start3A_91 = tpu.memref_slice %arg17[%add3A_11, %dma_start3A_90] : memref<10000x128xf32, #tpu.memory_space<vmem_shared>> -> memref<48x128xf32, #tpu.memory_space<vmem_shared>>
      %dma_start3A_92 = arith.constant 0 : i32
      %dma_start3A_93 = tpu.memref_slice %arg17[%add3A_11, %dma_start3A_92] : memref<10000x128xf32, #tpu.memory_space<vmem_shared>> -> memref<48x128xf32, #tpu.memory_space<vmem_shared>>
      tpu.enqueue_dma source(%arg16 : memref<48x128xf32, #tpu.memory_space<vmem>>) target(%dma_start3A_93 : memref<48x128xf32, #tpu.memory_space<vmem_shared>>) target_semaphore(%run_scoped3A : memref<!tpu.dma_semaphore, #tpu.memory_space<semaphore_mem>>)
      %dma_wait3A_94 = arith.constant 0 : i32
      %dma_wait3A_95 = tpu.memref_slice %arg17[%add3A_11, %dma_wait3A_94] : memref<10000x128xf32, #tpu.memory_space<vmem_shared>> -> memref<48x128xf32, #tpu.memory_space<vmem_shared>>
      %dma_wait3A_96 = arith.constant 0 : i32
      %dma_wait3A_97 = tpu.memref_slice %arg17[%add3A_11, %dma_wait3A_96] : memref<10000x128xf32, #tpu.memory_space<vmem_shared>> -> memref<48x128xf32, #tpu.memory_space<vmem_shared>>
      tpu.wait_dma2 semaphore(%run_scoped3A : memref<!tpu.dma_semaphore, #tpu.memory_space<semaphore_mem>>) src(%arg16 : memref<48x128xf32, #tpu.memory_space<vmem>>) dst(%dma_wait3A_97 : memref<48x128xf32, #tpu.memory_space<vmem_shared>>)
      tpu.yield
    }) : () -> ()
    %add3A_12 = arith.constant 288 : i32
    %add3A_13 = arith.addi %mul3A_0, %add3A_12 : i32
    "tpu.region"() ({
      %run_scoped3A = tpu.sem_alloc : memref<!tpu.dma_semaphore, #tpu.memory_space<semaphore_mem>>
      %dma_start3A_90 = arith.constant 0 : i32
      %dma_start3A_91 = tpu.memref_slice %arg17[%add3A_13, %dma_start3A_90] : memref<10000x128xf32, #tpu.memory_space<vmem_shared>> -> memref<48x128xf32, #tpu.memory_space<vmem_shared>>
      %dma_start3A_92 = arith.constant 0 : i32
      %dma_start3A_93 = tpu.memref_slice %arg17[%add3A_13, %dma_start3A_92] : memref<10000x128xf32, #tpu.memory_space<vmem_shared>> -> memref<48x128xf32, #tpu.memory_space<vmem_shared>>
      tpu.enqueue_dma source(%arg16 : memref<48x128xf32, #tpu.memory_space<vmem>>) target(%dma_start3A_93 : memref<48x128xf32, #tpu.memory_space<vmem_shared>>) target_semaphore(%run_scoped3A : memref<!tpu.dma_semaphore, #tpu.memory_space<semaphore_mem>>)
      %dma_wait3A_94 = arith.constant 0 : i32
      %dma_wait3A_95 = tpu.memref_slice %arg17[%add3A_13, %dma_wait3A_94] : memref<10000x128xf32, #tpu.memory_space<vmem_shared>> -> memref<48x128xf32, #tpu.memory_space<vmem_shared>>
      %dma_wait3A_96 = arith.constant 0 : i32
      %dma_wait3A_97 = tpu.memref_slice %arg17[%add3A_13, %dma_wait3A_96] : memref<10000x128xf32, #tpu.memory_space<vmem_shared>> -> memref<48x128xf32, #tpu.memory_space<vmem_shared>>
      tpu.wait_dma2 semaphore(%run_scoped3A : memref<!tpu.dma_semaphore, #tpu.memory_space<semaphore_mem>>) src(%arg16 : memref<48x128xf32, #tpu.memory_space<vmem>>) dst(%dma_wait3A_97 : memref<48x128xf32, #tpu.memory_space<vmem_shared>>)
      tpu.yield
    }) : () -> ()
    %add3A_14 = arith.constant 336 : i32
    %add3A_15 = arith.addi %mul3A_0, %add3A_14 : i32
    "tpu.region"() ({
      %run_scoped3A = tpu.sem_alloc : memref<!tpu.dma_semaphore, #tpu.memory_space<semaphore_mem>>
      %dma_start3A_90 = arith.constant 0 : i32
      %dma_start3A_91 = tpu.memref_slice %arg17[%add3A_15, %dma_start3A_90] : memref<10000x128xf32, #tpu.memory_space<vmem_shared>> -> memref<48x128xf32, #tpu.memory_space<vmem_shared>>
      %dma_start3A_92 = arith.constant 0 : i32
      %dma_start3A_93 = tpu.memref_slice %arg17[%add3A_15, %dma_start3A_92] : memref<10000x128xf32, #tpu.memory_space<vmem_shared>> -> memref<48x128xf32, #tpu.memory_space<vmem_shared>>
      tpu.enqueue_dma source(%arg16 : memref<48x128xf32, #tpu.memory_space<vmem>>) target(%dma_start3A_93 : memref<48x128xf32, #tpu.memory_space<vmem_shared>>) target_semaphore(%run_scoped3A : memref<!tpu.dma_semaphore, #tpu.memory_space<semaphore_mem>>)
      %dma_wait3A_94 = arith.constant 0 : i32
      %dma_wait3A_95 = tpu.memref_slice %arg17[%add3A_15, %dma_wait3A_94] : memref<10000x128xf32, #tpu.memory_space<vmem_shared>> -> memref<48x128xf32, #tpu.memory_space<vmem_shared>>
      %dma_wait3A_96 = arith.constant 0 : i32
      %dma_wait3A_97 = tpu.memref_slice %arg17[%add3A_15, %dma_wait3A_96] : memref<10000x128xf32, #tpu.memory_space<vmem_shared>> -> memref<48x128xf32, #tpu.memory_space<vmem_shared>>
      tpu.wait_dma2 semaphore(%run_scoped3A : memref<!tpu.dma_semaphore, #tpu.memory_space<semaphore_mem>>) src(%arg16 : memref<48x128xf32, #tpu.memory_space<vmem>>) dst(%dma_wait3A_97 : memref<48x128xf32, #tpu.memory_space<vmem_shared>>)
      tpu.yield
    }) : () -> ()
    %add3A_16 = arith.constant 384 : i32
    %add3A_17 = arith.addi %mul3A_0, %add3A_16 : i32
    "tpu.region"() ({
      %run_scoped3A = tpu.sem_alloc : memref<!tpu.dma_semaphore, #tpu.memory_space<semaphore_mem>>
      %dma_start3A_90 = arith.constant 0 : i32
      %dma_start3A_91 = tpu.memref_slice %arg17[%add3A_17, %dma_start3A_90] : memref<10000x128xf32, #tpu.memory_space<vmem_shared>> -> memref<48x128xf32, #tpu.memory_space<vmem_shared>>
      %dma_start3A_92 = arith.constant 0 : i32
      %dma_start3A_93 = tpu.memref_slice %arg17[%add3A_17, %dma_start3A_92] : memref<10000x128xf32, #tpu.memory_space<vmem_shared>> -> memref<48x128xf32, #tpu.memory_space<vmem_shared>>
      tpu.enqueue_dma source(%arg16 : memref<48x128xf32, #tpu.memory_space<vmem>>) target(%dma_start3A_93 : memref<48x128xf32, #tpu.memory_space<vmem_shared>>) target_semaphore(%run_scoped3A : memref<!tpu.dma_semaphore, #tpu.memory_space<semaphore_mem>>)
      %dma_wait3A_94 = arith.constant 0 : i32
      %dma_wait3A_95 = tpu.memref_slice %arg17[%add3A_17, %dma_wait3A_94] : memref<10000x128xf32, #tpu.memory_space<vmem_shared>> -> memref<48x128xf32, #tpu.memory_space<vmem_shared>>
      %dma_wait3A_96 = arith.constant 0 : i32
      %dma_wait3A_97 = tpu.memref_slice %arg17[%add3A_17, %dma_wait3A_96] : memref<10000x128xf32, #tpu.memory_space<vmem_shared>> -> memref<48x128xf32, #tpu.memory_space<vmem_shared>>
      tpu.wait_dma2 semaphore(%run_scoped3A : memref<!tpu.dma_semaphore, #tpu.memory_space<semaphore_mem>>) src(%arg16 : memref<48x128xf32, #tpu.memory_space<vmem>>) dst(%dma_wait3A_97 : memref<48x128xf32, #tpu.memory_space<vmem_shared>>)
      tpu.yield
    }) : () -> ()
    %add3A_18 = arith.constant 432 : i32
    %add3A_19 = arith.addi %mul3A_0, %add3A_18 : i32
    "tpu.region"() ({
      %run_scoped3A = tpu.sem_alloc : memref<!tpu.dma_semaphore, #tpu.memory_space<semaphore_mem>>
      %dma_start3A_90 = arith.constant 0 : i32
      %dma_start3A_91 = tpu.memref_slice %arg17[%add3A_19, %dma_start3A_90] : memref<10000x128xf32, #tpu.memory_space<vmem_shared>> -> memref<48x128xf32, #tpu.memory_space<vmem_shared>>
      %dma_start3A_92 = arith.constant 0 : i32
      %dma_start3A_93 = tpu.memref_slice %arg17[%add3A_19, %dma_start3A_92] : memref<10000x128xf32, #tpu.memory_space<vmem_shared>> -> memref<48x128xf32, #tpu.memory_space<vmem_shared>>
      tpu.enqueue_dma source(%arg16 : memref<48x128xf32, #tpu.memory_space<vmem>>) target(%dma_start3A_93 : memref<48x128xf32, #tpu.memory_space<vmem_shared>>) target_semaphore(%run_scoped3A : memref<!tpu.dma_semaphore, #tpu.memory_space<semaphore_mem>>)
      %dma_wait3A_94 = arith.constant 0 : i32
      %dma_wait3A_95 = tpu.memref_slice %arg17[%add3A_19, %dma_wait3A_94] : memref<10000x128xf32, #tpu.memory_space<vmem_shared>> -> memref<48x128xf32, #tpu.memory_space<vmem_shared>>
      %dma_wait3A_96 = arith.constant 0 : i32
      %dma_wait3A_97 = tpu.memref_slice %arg17[%add3A_19, %dma_wait3A_96] : memref<10000x128xf32, #tpu.memory_space<vmem_shared>> -> memref<48x128xf32, #tpu.memory_space<vmem_shared>>
      tpu.wait_dma2 semaphore(%run_scoped3A : memref<!tpu.dma_semaphore, #tpu.memory_space<semaphore_mem>>) src(%arg16 : memref<48x128xf32, #tpu.memory_space<vmem>>) dst(%dma_wait3A_97 : memref<48x128xf32, #tpu.memory_space<vmem_shared>>)
      tpu.yield
    }) : () -> ()
    %add3A_20 = arith.constant 480 : i32
    %add3A_21 = arith.addi %mul3A_0, %add3A_20 : i32
    "tpu.region"() ({
      %run_scoped3A = tpu.sem_alloc : memref<!tpu.dma_semaphore, #tpu.memory_space<semaphore_mem>>
      %dma_start3A_90 = arith.constant 0 : i32
      %dma_start3A_91 = tpu.memref_slice %arg17[%add3A_21, %dma_start3A_90] : memref<10000x128xf32, #tpu.memory_space<vmem_shared>> -> memref<48x128xf32, #tpu.memory_space<vmem_shared>>
      %dma_start3A_92 = arith.constant 0 : i32
      %dma_start3A_93 = tpu.memref_slice %arg17[%add3A_21, %dma_start3A_92] : memref<10000x128xf32, #tpu.memory_space<vmem_shared>> -> memref<48x128xf32, #tpu.memory_space<vmem_shared>>
      tpu.enqueue_dma source(%arg16 : memref<48x128xf32, #tpu.memory_space<vmem>>) target(%dma_start3A_93 : memref<48x128xf32, #tpu.memory_space<vmem_shared>>) target_semaphore(%run_scoped3A : memref<!tpu.dma_semaphore, #tpu.memory_space<semaphore_mem>>)
      %dma_wait3A_94 = arith.constant 0 : i32
      %dma_wait3A_95 = tpu.memref_slice %arg17[%add3A_21, %dma_wait3A_94] : memref<10000x128xf32, #tpu.memory_space<vmem_shared>> -> memref<48x128xf32, #tpu.memory_space<vmem_shared>>
      %dma_wait3A_96 = arith.constant 0 : i32
      %dma_wait3A_97 = tpu.memref_slice %arg17[%add3A_21, %dma_wait3A_96] : memref<10000x128xf32, #tpu.memory_space<vmem_shared>> -> memref<48x128xf32, #tpu.memory_space<vmem_shared>>
      tpu.wait_dma2 semaphore(%run_scoped3A : memref<!tpu.dma_semaphore, #tpu.memory_space<semaphore_mem>>) src(%arg16 : memref<48x128xf32, #tpu.memory_space<vmem>>) dst(%dma_wait3A_97 : memref<48x128xf32, #tpu.memory_space<vmem_shared>>)
      tpu.yield
    }) : () -> ()
    %add3A_22 = arith.constant 528 : i32
    %add3A_23 = arith.addi %mul3A_0, %add3A_22 : i32
    "tpu.region"() ({
      %run_scoped3A = tpu.sem_alloc : memref<!tpu.dma_semaphore, #tpu.memory_space<semaphore_mem>>
      %dma_start3A_90 = arith.constant 0 : i32
      %dma_start3A_91 = tpu.memref_slice %arg17[%add3A_23, %dma_start3A_90] : memref<10000x128xf32, #tpu.memory_space<vmem_shared>> -> memref<48x128xf32, #tpu.memory_space<vmem_shared>>
      %dma_start3A_92 = arith.constant 0 : i32
      %dma_start3A_93 = tpu.memref_slice %arg17[%add3A_23, %dma_start3A_92] : memref<10000x128xf32, #tpu.memory_space<vmem_shared>> -> memref<48x128xf32, #tpu.memory_space<vmem_shared>>
      tpu.enqueue_dma source(%arg16 : memref<48x128xf32, #tpu.memory_space<vmem>>) target(%dma_start3A_93 : memref<48x128xf32, #tpu.memory_space<vmem_shared>>) target_semaphore(%run_scoped3A : memref<!tpu.dma_semaphore, #tpu.memory_space<semaphore_mem>>)
      %dma_wait3A_94 = arith.constant 0 : i32
      %dma_wait3A_95 = tpu.memref_slice %arg17[%add3A_23, %dma_wait3A_94] : memref<10000x128xf32, #tpu.memory_space<vmem_shared>> -> memref<48x128xf32, #tpu.memory_space<vmem_shared>>
      %dma_wait3A_96 = arith.constant 0 : i32
      %dma_wait3A_97 = tpu.memref_slice %arg17[%add3A_23, %dma_wait3A_96] : memref<10000x128xf32, #tpu.memory_space<vmem_shared>> -> memref<48x128xf32, #tpu.memory_space<vmem_shared>>
      tpu.wait_dma2 semaphore(%run_scoped3A : memref<!tpu.dma_semaphore, #tpu.memory_space<semaphore_mem>>) src(%arg16 : memref<48x128xf32, #tpu.memory_space<vmem>>) dst(%dma_wait3A_97 : memref<48x128xf32, #tpu.memory_space<vmem_shared>>)
      tpu.yield
    }) : () -> ()
    %add3A_24 = arith.constant 576 : i32
    %add3A_25 = arith.addi %mul3A_0, %add3A_24 : i32
    "tpu.region"() ({
      %run_scoped3A = tpu.sem_alloc : memref<!tpu.dma_semaphore, #tpu.memory_space<semaphore_mem>>
      %dma_start3A_90 = arith.constant 0 : i32
      %dma_start3A_91 = tpu.memref_slice %arg17[%add3A_25, %dma_start3A_90] : memref<10000x128xf32, #tpu.memory_space<vmem_shared>> -> memref<48x128xf32, #tpu.memory_space<vmem_shared>>
      %dma_start3A_92 = arith.constant 0 : i32
      %dma_start3A_93 = tpu.memref_slice %arg17[%add3A_25, %dma_start3A_92] : memref<10000x128xf32, #tpu.memory_space<vmem_shared>> -> memref<48x128xf32, #tpu.memory_space<vmem_shared>>
      tpu.enqueue_dma source(%arg16 : memref<48x128xf32, #tpu.memory_space<vmem>>) target(%dma_start3A_93 : memref<48x128xf32, #tpu.memory_space<vmem_shared>>) target_semaphore(%run_scoped3A : memref<!tpu.dma_semaphore, #tpu.memory_space<semaphore_mem>>)
      %dma_wait3A_94 = arith.constant 0 : i32
      %dma_wait3A_95 = tpu.memref_slice %arg17[%add3A_25, %dma_wait3A_94] : memref<10000x128xf32, #tpu.memory_space<vmem_shared>> -> memref<48x128xf32, #tpu.memory_space<vmem_shared>>
      %dma_wait3A_96 = arith.constant 0 : i32
      %dma_wait3A_97 = tpu.memref_slice %arg17[%add3A_25, %dma_wait3A_96] : memref<10000x128xf32, #tpu.memory_space<vmem_shared>> -> memref<48x128xf32, #tpu.memory_space<vmem_shared>>
      tpu.wait_dma2 semaphore(%run_scoped3A : memref<!tpu.dma_semaphore, #tpu.memory_space<semaphore_mem>>) src(%arg16 : memref<48x128xf32, #tpu.memory_space<vmem>>) dst(%dma_wait3A_97 : memref<48x128xf32, #tpu.memory_space<vmem_shared>>)
      tpu.yield
    }) : () -> ()
    %eq3A = arith.constant 15 : i32
    %eq3A_26 = arith.cmpi eq, %arg1, %eq3A : i32
    %convert_element_type3A = arith.extui %eq3A_26 : i1 to i32
    %cond3A = arith.constant 0 : i32
    %cond3A_27 = arith.cmpi ne, %convert_element_type3A, %cond3A : i32
    scf.if %cond3A_27 {
      "tpu.region"() ({
        %run_scoped3A = tpu.sem_alloc : memref<!tpu.dma_semaphore, #tpu.memory_space<semaphore_mem>>
        %dma_start3A_90 = arith.constant 0 : i32
        %dma_start3A_91 = arith.constant 0 : i32
        %dma_start3A_92 = tpu.memref_slice %arg16[%dma_start3A_90, %dma_start3A_91] : memref<48x128xf32, #tpu.memory_space<vmem>> -> memref<16x128xf32, #tpu.memory_space<vmem>>
        %dma_start3A_93 = arith.constant 9984 : i32
        %dma_start3A_94 = arith.constant 0 : i32
        %dma_start3A_95 = tpu.memref_slice %arg17[%dma_start3A_93, %dma_start3A_94] : memref<10000x128xf32, #tpu.memory_space<vmem_shared>> -> memref<16x128xf32, #tpu.memory_space<vmem_shared>>
        %dma_start3A_96 = arith.constant 9984 : i32
        %dma_start3A_97 = arith.constant 0 : i32
        %dma_start3A_98 = tpu.memref_slice %arg17[%dma_start3A_96, %dma_start3A_97] : memref<10000x128xf32, #tpu.memory_space<vmem_shared>> -> memref<16x128xf32, #tpu.memory_space<vmem_shared>>
        %dma_start3A_99 = arith.constant 0 : i32
        %dma_start3A_100 = arith.constant 0 : i32
        %dma_start3A_101 = tpu.memref_slice %arg16[%dma_start3A_99, %dma_start3A_100] : memref<48x128xf32, #tpu.memory_space<vmem>> -> memref<16x128xf32, #tpu.memory_space<vmem>>
        tpu.enqueue_dma source(%dma_start3A_101 : memref<16x128xf32, #tpu.memory_space<vmem>>) target(%dma_start3A_98 : memref<16x128xf32, #tpu.memory_space<vmem_shared>>) target_semaphore(%run_scoped3A : memref<!tpu.dma_semaphore, #tpu.memory_space<semaphore_mem>>)
        %dma_wait3A_102 = arith.constant 0 : i32
        %dma_wait3A_103 = arith.constant 0 : i32
        %dma_wait3A_104 = tpu.memref_slice %arg16[%dma_wait3A_102, %dma_wait3A_103] : memref<48x128xf32, #tpu.memory_space<vmem>> -> memref<16x128xf32, #tpu.memory_space<vmem>>
        %dma_wait3A_105 = arith.constant 9984 : i32
        %dma_wait3A_106 = arith.constant 0 : i32
        %dma_wait3A_107 = tpu.memref_slice %arg17[%dma_wait3A_105, %dma_wait3A_106] : memref<10000x128xf32, #tpu.memory_space<vmem_shared>> -> memref<16x128xf32, #tpu.memory_space<vmem_shared>>
        %dma_wait3A_108 = arith.constant 9984 : i32
        %dma_wait3A_109 = arith.constant 0 : i32
        %dma_wait3A_110 = tpu.memref_slice %arg17[%dma_wait3A_108, %dma_wait3A_109] : memref<10000x128xf32, #tpu.memory_space<vmem_shared>> -> memref<16x128xf32, #tpu.memory_space<vmem_shared>>
        %dma_wait3A_111 = arith.constant 0 : i32
        %dma_wait3A_112 = arith.constant 0 : i32
        %dma_wait3A_113 = tpu.memref_slice %arg16[%dma_wait3A_111, %dma_wait3A_112] : memref<48x128xf32, #tpu.memory_space<vmem>> -> memref<16x128xf32, #tpu.memory_space<vmem>>
        tpu.wait_dma2 semaphore(%run_scoped3A : memref<!tpu.dma_semaphore, #tpu.memory_space<semaphore_mem>>) src(%dma_wait3A_113 : memref<16x128xf32, #tpu.memory_space<vmem>>) dst(%dma_wait3A_110 : memref<16x128xf32, #tpu.memory_space<vmem_shared>>)
        tpu.yield
      }) : () -> ()
    } else {
    }
    %barrier3A = arith.constant 0 : index
    tpu.barrier barrier_id(%barrier3A)
    %mul3A_28 = arith.constant 20000 : i32
    %mul3A_29 = arith.muli %arg1, %mul3A_28 : i32
    %scan3A = arith.constant 0 : i32
    %scan3A_30 = arith.constant 0 : i32
    %scan3A_31 = arith.constant 83 : i32
    %scan3A_32 = arith.addi %scan3A_30, %scan3A_31 : i32
    %scan3A_33 = arith.constant 1 : i32
    scf.for %scan3A_90 = %scan3A_30 to %scan3A_32 step %scan3A_33  : i32 {
      %mul3A_91 = arith.constant 240 : i32
      %mul3A_92 = arith.muli %scan3A_90, %mul3A_91 : i32
      %add3A_93 = arith.addi %mul3A_29, %mul3A_92 : i32
      %add3A_94 = arith.constant 0 : i32
      %add3A_95 = arith.addi %add3A_93, %add3A_94 : i32
      "tpu.region"() ({
        %run_scoped3A = tpu.sem_alloc : memref<!tpu.dma_semaphore, #tpu.memory_space<semaphore_mem>>
        %dma_start3A_147 = tpu.memref_slice %arg3[%add3A_95] : memref<320000xi32, #tpu.memory_space<hbm>> -> memref<80xi32, #tpu.memory_space<hbm>>
        %dma_start3A_148 = tpu.memref_slice %arg3[%add3A_95] : memref<320000xi32, #tpu.memory_space<hbm>> -> memref<80xi32, #tpu.memory_space<hbm>>
        tpu.enqueue_dma source(%dma_start3A_148 : memref<80xi32, #tpu.memory_space<hbm>>) target(%arg7 : memref<80xi32, #tpu.memory_space<vmem>>) target_semaphore(%run_scoped3A : memref<!tpu.dma_semaphore, #tpu.memory_space<semaphore_mem>>)
        %dma_wait3A_149 = tpu.memref_slice %arg3[%add3A_95] : memref<320000xi32, #tpu.memory_space<hbm>> -> memref<80xi32, #tpu.memory_space<hbm>>
        %dma_wait3A_150 = tpu.memref_slice %arg3[%add3A_95] : memref<320000xi32, #tpu.memory_space<hbm>> -> memref<80xi32, #tpu.memory_space<hbm>>
        tpu.wait_dma2 semaphore(%run_scoped3A : memref<!tpu.dma_semaphore, #tpu.memory_space<semaphore_mem>>) src(%dma_wait3A_150 : memref<80xi32, #tpu.memory_space<hbm>>) dst(%arg7 : memref<80xi32, #tpu.memory_space<vmem>>)
        tpu.yield
      }) : () -> ()
      %gt3A = arith.constant 0 : i32
      %gt3A_96 = arith.cmpi sgt, %scan3A_90, %gt3A : i32
      %convert_element_type3A_97 = arith.extui %gt3A_96 : i1 to i32
      %cond3A_98 = arith.constant 0 : i32
      %cond3A_99 = arith.cmpi ne, %convert_element_type3A_97, %cond3A_98 : i32
      scf.if %cond3A_99 {
        %dma_wait3A_147 = arith.constant 0 : i32
        %dma_wait3A_148 = arith.constant 0 : i32
        %dma_wait3A_149 = tpu.memref_slice %arg17[%dma_wait3A_147, %dma_wait3A_148] : memref<10000x128xf32, #tpu.memory_space<vmem_shared>> -> memref<10000x128xf32, #tpu.memory_space<vmem_shared>>
        tpu.wait_indirect_dma semaphore(%arg21 : memref<!tpu.dma_semaphore, #tpu.memory_space<semaphore_mem>>) src(%arg13 : memref<80x128xf32, #tpu.memory_space<vmem>>) dst(%dma_wait3A_149 : memref<10000x128xf32, #tpu.memory_space<vmem_shared>>)
      } else {
      }
      %dma_start3A_100 = arith.constant 0 : i32
      %dma_start3A_101 = arith.constant 0 : i32
      %dma_start3A_102 = tpu.memref_slice %arg2[%dma_start3A_100, %dma_start3A_101] : memref<10000x128xf32, #tpu.memory_space<hbm>> -> memref<10000x128xf32, #tpu.memory_space<hbm>>
      tpu.enqueue_indirect_dma source(%dma_start3A_102 : memref<10000x128xf32, #tpu.memory_space<hbm>>) target(%arg13 : memref<80x128xf32, #tpu.memory_space<vmem>>) offsets(%arg7 : memref<80xi32, #tpu.memory_space<vmem>>) semaphore(%arg18 : memref<!tpu.dma_semaphore, #tpu.memory_space<semaphore_mem>>)
      %add3A_103 = arith.constant 0 : i32
      %add3A_104 = arith.addi %add3A_93, %add3A_103 : i32
      "tpu.region"() ({
        %run_scoped3A = tpu.sem_alloc : memref<!tpu.dma_semaphore, #tpu.memory_space<semaphore_mem>>
        %dma_start3A_147 = tpu.memref_slice %arg4[%add3A_104] : memref<320000xi32, #tpu.memory_space<hbm>> -> memref<80xi32, #tpu.memory_space<hbm>>
        %dma_start3A_148 = tpu.memref_slice %arg4[%add3A_104] : memref<320000xi32, #tpu.memory_space<hbm>> -> memref<80xi32, #tpu.memory_space<hbm>>
        tpu.enqueue_dma source(%dma_start3A_148 : memref<80xi32, #tpu.memory_space<hbm>>) target(%arg10 : memref<80xi32, #tpu.memory_space<vmem>>) target_semaphore(%run_scoped3A : memref<!tpu.dma_semaphore, #tpu.memory_space<semaphore_mem>>)
        %dma_wait3A_149 = tpu.memref_slice %arg4[%add3A_104] : memref<320000xi32, #tpu.memory_space<hbm>> -> memref<80xi32, #tpu.memory_space<hbm>>
        %dma_wait3A_150 = tpu.memref_slice %arg4[%add3A_104] : memref<320000xi32, #tpu.memory_space<hbm>> -> memref<80xi32, #tpu.memory_space<hbm>>
        tpu.wait_dma2 semaphore(%run_scoped3A : memref<!tpu.dma_semaphore, #tpu.memory_space<semaphore_mem>>) src(%dma_wait3A_150 : memref<80xi32, #tpu.memory_space<hbm>>) dst(%arg10 : memref<80xi32, #tpu.memory_space<vmem>>)
        tpu.yield
      }) : () -> ()
      %add3A_105 = arith.constant 80 : i32
      %add3A_106 = arith.addi %add3A_93, %add3A_105 : i32
      "tpu.region"() ({
        %run_scoped3A = tpu.sem_alloc : memref<!tpu.dma_semaphore, #tpu.memory_space<semaphore_mem>>
        %dma_start3A_147 = tpu.memref_slice %arg3[%add3A_106] : memref<320000xi32, #tpu.memory_space<hbm>> -> memref<80xi32, #tpu.memory_space<hbm>>
        %dma_start3A_148 = tpu.memref_slice %arg3[%add3A_106] : memref<320000xi32, #tpu.memory_space<hbm>> -> memref<80xi32, #tpu.memory_space<hbm>>
        tpu.enqueue_dma source(%dma_start3A_148 : memref<80xi32, #tpu.memory_space<hbm>>) target(%arg8 : memref<80xi32, #tpu.memory_space<vmem>>) target_semaphore(%run_scoped3A : memref<!tpu.dma_semaphore, #tpu.memory_space<semaphore_mem>>)
        %dma_wait3A_149 = tpu.memref_slice %arg3[%add3A_106] : memref<320000xi32, #tpu.memory_space<hbm>> -> memref<80xi32, #tpu.memory_space<hbm>>
        %dma_wait3A_150 = tpu.memref_slice %arg3[%add3A_106] : memref<320000xi32, #tpu.memory_space<hbm>> -> memref<80xi32, #tpu.memory_space<hbm>>
        tpu.wait_dma2 semaphore(%run_scoped3A : memref<!tpu.dma_semaphore, #tpu.memory_space<semaphore_mem>>) src(%dma_wait3A_150 : memref<80xi32, #tpu.memory_space<hbm>>) dst(%arg8 : memref<80xi32, #tpu.memory_space<vmem>>)
        tpu.yield
      }) : () -> ()
      %gt3A_107 = arith.constant 0 : i32
      %gt3A_108 = arith.cmpi sgt, %scan3A_90, %gt3A_107 : i32
      %convert_element_type3A_109 = arith.extui %gt3A_108 : i1 to i32
      %cond3A_110 = arith.constant 0 : i32
      %cond3A_111 = arith.cmpi ne, %convert_element_type3A_109, %cond3A_110 : i32
      scf.if %cond3A_111 {
        %dma_wait3A_147 = arith.constant 0 : i32
        %dma_wait3A_148 = arith.constant 0 : i32
        %dma_wait3A_149 = tpu.memref_slice %arg17[%dma_wait3A_147, %dma_wait3A_148] : memref<10000x128xf32, #tpu.memory_space<vmem_shared>> -> memref<10000x128xf32, #tpu.memory_space<vmem_shared>>
        tpu.wait_indirect_dma semaphore(%arg22 : memref<!tpu.dma_semaphore, #tpu.memory_space<semaphore_mem>>) src(%arg14 : memref<80x128xf32, #tpu.memory_space<vmem>>) dst(%dma_wait3A_149 : memref<10000x128xf32, #tpu.memory_space<vmem_shared>>)
      } else {
      }
      %dma_start3A_112 = arith.constant 0 : i32
      %dma_start3A_113 = arith.constant 0 : i32
      %dma_start3A_114 = tpu.memref_slice %arg2[%dma_start3A_112, %dma_start3A_113] : memref<10000x128xf32, #tpu.memory_space<hbm>> -> memref<10000x128xf32, #tpu.memory_space<hbm>>
      tpu.enqueue_indirect_dma source(%dma_start3A_114 : memref<10000x128xf32, #tpu.memory_space<hbm>>) target(%arg14 : memref<80x128xf32, #tpu.memory_space<vmem>>) offsets(%arg8 : memref<80xi32, #tpu.memory_space<vmem>>) semaphore(%arg19 : memref<!tpu.dma_semaphore, #tpu.memory_space<semaphore_mem>>)
      %add3A_115 = arith.constant 80 : i32
      %add3A_116 = arith.addi %add3A_93, %add3A_115 : i32
      "tpu.region"() ({
        %run_scoped3A = tpu.sem_alloc : memref<!tpu.dma_semaphore, #tpu.memory_space<semaphore_mem>>
        %dma_start3A_147 = tpu.memref_slice %arg4[%add3A_116] : memref<320000xi32, #tpu.memory_space<hbm>> -> memref<80xi32, #tpu.memory_space<hbm>>
        %dma_start3A_148 = tpu.memref_slice %arg4[%add3A_116] : memref<320000xi32, #tpu.memory_space<hbm>> -> memref<80xi32, #tpu.memory_space<hbm>>
        tpu.enqueue_dma source(%dma_start3A_148 : memref<80xi32, #tpu.memory_space<hbm>>) target(%arg11 : memref<80xi32, #tpu.memory_space<vmem>>) target_semaphore(%run_scoped3A : memref<!tpu.dma_semaphore, #tpu.memory_space<semaphore_mem>>)
        %dma_wait3A_149 = tpu.memref_slice %arg4[%add3A_116] : memref<320000xi32, #tpu.memory_space<hbm>> -> memref<80xi32, #tpu.memory_space<hbm>>
        %dma_wait3A_150 = tpu.memref_slice %arg4[%add3A_116] : memref<320000xi32, #tpu.memory_space<hbm>> -> memref<80xi32, #tpu.memory_space<hbm>>
        tpu.wait_dma2 semaphore(%run_scoped3A : memref<!tpu.dma_semaphore, #tpu.memory_space<semaphore_mem>>) src(%dma_wait3A_150 : memref<80xi32, #tpu.memory_space<hbm>>) dst(%arg11 : memref<80xi32, #tpu.memory_space<vmem>>)
        tpu.yield
      }) : () -> ()
      %add3A_117 = arith.constant 160 : i32
      %add3A_118 = arith.addi %add3A_93, %add3A_117 : i32
      "tpu.region"() ({
        %run_scoped3A = tpu.sem_alloc : memref<!tpu.dma_semaphore, #tpu.memory_space<semaphore_mem>>
        %dma_start3A_147 = tpu.memref_slice %arg3[%add3A_118] : memref<320000xi32, #tpu.memory_space<hbm>> -> memref<80xi32, #tpu.memory_space<hbm>>
        %dma_start3A_148 = tpu.memref_slice %arg3[%add3A_118] : memref<320000xi32, #tpu.memory_space<hbm>> -> memref<80xi32, #tpu.memory_space<hbm>>
        tpu.enqueue_dma source(%dma_start3A_148 : memref<80xi32, #tpu.memory_space<hbm>>) target(%arg9 : memref<80xi32, #tpu.memory_space<vmem>>) target_semaphore(%run_scoped3A : memref<!tpu.dma_semaphore, #tpu.memory_space<semaphore_mem>>)
        %dma_wait3A_149 = tpu.memref_slice %arg3[%add3A_118] : memref<320000xi32, #tpu.memory_space<hbm>> -> memref<80xi32, #tpu.memory_space<hbm>>
        %dma_wait3A_150 = tpu.memref_slice %arg3[%add3A_118] : memref<320000xi32, #tpu.memory_space<hbm>> -> memref<80xi32, #tpu.memory_space<hbm>>
        tpu.wait_dma2 semaphore(%run_scoped3A : memref<!tpu.dma_semaphore, #tpu.memory_space<semaphore_mem>>) src(%dma_wait3A_150 : memref<80xi32, #tpu.memory_space<hbm>>) dst(%arg9 : memref<80xi32, #tpu.memory_space<vmem>>)
        tpu.yield
      }) : () -> ()
      %gt3A_119 = arith.constant 0 : i32
      %gt3A_120 = arith.cmpi sgt, %scan3A_90, %gt3A_119 : i32
      %convert_element_type3A_121 = arith.extui %gt3A_120 : i1 to i32
      %cond3A_122 = arith.constant 0 : i32
      %cond3A_123 = arith.cmpi ne, %convert_element_type3A_121, %cond3A_122 : i32
      scf.if %cond3A_123 {
        %dma_wait3A_147 = arith.constant 0 : i32
        %dma_wait3A_148 = arith.constant 0 : i32
        %dma_wait3A_149 = tpu.memref_slice %arg17[%dma_wait3A_147, %dma_wait3A_148] : memref<10000x128xf32, #tpu.memory_space<vmem_shared>> -> memref<10000x128xf32, #tpu.memory_space<vmem_shared>>
        tpu.wait_indirect_dma semaphore(%arg23 : memref<!tpu.dma_semaphore, #tpu.memory_space<semaphore_mem>>) src(%arg15 : memref<80x128xf32, #tpu.memory_space<vmem>>) dst(%dma_wait3A_149 : memref<10000x128xf32, #tpu.memory_space<vmem_shared>>)
      } else {
      }
      %dma_start3A_124 = arith.constant 0 : i32
      %dma_start3A_125 = arith.constant 0 : i32
      %dma_start3A_126 = tpu.memref_slice %arg2[%dma_start3A_124, %dma_start3A_125] : memref<10000x128xf32, #tpu.memory_space<hbm>> -> memref<10000x128xf32, #tpu.memory_space<hbm>>
      tpu.enqueue_indirect_dma source(%dma_start3A_126 : memref<10000x128xf32, #tpu.memory_space<hbm>>) target(%arg15 : memref<80x128xf32, #tpu.memory_space<vmem>>) offsets(%arg9 : memref<80xi32, #tpu.memory_space<vmem>>) semaphore(%arg20 : memref<!tpu.dma_semaphore, #tpu.memory_space<semaphore_mem>>)
      %add3A_127 = arith.constant 160 : i32
      %add3A_128 = arith.addi %add3A_93, %add3A_127 : i32
      "tpu.region"() ({
        %run_scoped3A = tpu.sem_alloc : memref<!tpu.dma_semaphore, #tpu.memory_space<semaphore_mem>>
        %dma_start3A_147 = tpu.memref_slice %arg4[%add3A_128] : memref<320000xi32, #tpu.memory_space<hbm>> -> memref<80xi32, #tpu.memory_space<hbm>>
        %dma_start3A_148 = tpu.memref_slice %arg4[%add3A_128] : memref<320000xi32, #tpu.memory_space<hbm>> -> memref<80xi32, #tpu.memory_space<hbm>>
        tpu.enqueue_dma source(%dma_start3A_148 : memref<80xi32, #tpu.memory_space<hbm>>) target(%arg12 : memref<80xi32, #tpu.memory_space<vmem>>) target_semaphore(%run_scoped3A : memref<!tpu.dma_semaphore, #tpu.memory_space<semaphore_mem>>)
        %dma_wait3A_149 = tpu.memref_slice %arg4[%add3A_128] : memref<320000xi32, #tpu.memory_space<hbm>> -> memref<80xi32, #tpu.memory_space<hbm>>
        %dma_wait3A_150 = tpu.memref_slice %arg4[%add3A_128] : memref<320000xi32, #tpu.memory_space<hbm>> -> memref<80xi32, #tpu.memory_space<hbm>>
        tpu.wait_dma2 semaphore(%run_scoped3A : memref<!tpu.dma_semaphore, #tpu.memory_space<semaphore_mem>>) src(%dma_wait3A_150 : memref<80xi32, #tpu.memory_space<hbm>>) dst(%arg12 : memref<80xi32, #tpu.memory_space<vmem>>)
        tpu.yield
      }) : () -> ()
      %dma_wait3A_129 = arith.constant 0 : i32
      %dma_wait3A_130 = arith.constant 0 : i32
      %dma_wait3A_131 = tpu.memref_slice %arg2[%dma_wait3A_129, %dma_wait3A_130] : memref<10000x128xf32, #tpu.memory_space<hbm>> -> memref<10000x128xf32, #tpu.memory_space<hbm>>
      tpu.wait_indirect_dma semaphore(%arg18 : memref<!tpu.dma_semaphore, #tpu.memory_space<semaphore_mem>>) src(%dma_wait3A_131 : memref<10000x128xf32, #tpu.memory_space<hbm>>) dst(%arg13 : memref<80x128xf32, #tpu.memory_space<vmem>>)
      %dma_start3A_132 = arith.constant 0 : i32
      %dma_start3A_133 = arith.constant 0 : i32
      %dma_start3A_134 = tpu.memref_slice %arg17[%dma_start3A_132, %dma_start3A_133] : memref<10000x128xf32, #tpu.memory_space<vmem_shared>> -> memref<10000x128xf32, #tpu.memory_space<vmem_shared>>
      tpu.enqueue_indirect_dma source(%arg13 : memref<80x128xf32, #tpu.memory_space<vmem>>) target(%dma_start3A_134 : memref<10000x128xf32, #tpu.memory_space<vmem_shared>>) offsets(%arg10 : memref<80xi32, #tpu.memory_space<vmem>>) semaphore(%arg21 : memref<!tpu.dma_semaphore, #tpu.memory_space<semaphore_mem>>) {add = true}
      %dma_wait3A_135 = arith.constant 0 : i32
      %dma_wait3A_136 = arith.constant 0 : i32
      %dma_wait3A_137 = tpu.memref_slice %arg2[%dma_wait3A_135, %dma_wait3A_136] : memref<10000x128xf32, #tpu.memory_space<hbm>> -> memref<10000x128xf32, #tpu.memory_space<hbm>>
      tpu.wait_indirect_dma semaphore(%arg19 : memref<!tpu.dma_semaphore, #tpu.memory_space<semaphore_mem>>) src(%dma_wait3A_137 : memref<10000x128xf32, #tpu.memory_space<hbm>>) dst(%arg14 : memref<80x128xf32, #tpu.memory_space<vmem>>)
      %dma_start3A_138 = arith.constant 0 : i32
      %dma_start3A_139 = arith.constant 0 : i32
      %dma_start3A_140 = tpu.memref_slice %arg17[%dma_start3A_138, %dma_start3A_139] : memref<10000x128xf32, #tpu.memory_space<vmem_shared>> -> memref<10000x128xf32, #tpu.memory_space<vmem_shared>>
      tpu.enqueue_indirect_dma source(%arg14 : memref<80x128xf32, #tpu.memory_space<vmem>>) target(%dma_start3A_140 : memref<10000x128xf32, #tpu.memory_space<vmem_shared>>) offsets(%arg11 : memref<80xi32, #tpu.memory_space<vmem>>) semaphore(%arg22 : memref<!tpu.dma_semaphore, #tpu.memory_space<semaphore_mem>>) {add = true}
      %dma_wait3A_141 = arith.constant 0 : i32
      %dma_wait3A_142 = arith.constant 0 : i32
      %dma_wait3A_143 = tpu.memref_slice %arg2[%dma_wait3A_141, %dma_wait3A_142] : memref<10000x128xf32, #tpu.memory_space<hbm>> -> memref<10000x128xf32, #tpu.memory_space<hbm>>
      tpu.wait_indirect_dma semaphore(%arg20 : memref<!tpu.dma_semaphore, #tpu.memory_space<semaphore_mem>>) src(%dma_wait3A_143 : memref<10000x128xf32, #tpu.memory_space<hbm>>) dst(%arg15 : memref<80x128xf32, #tpu.memory_space<vmem>>)
      %dma_start3A_144 = arith.constant 0 : i32
      %dma_start3A_145 = arith.constant 0 : i32
      %dma_start3A_146 = tpu.memref_slice %arg17[%dma_start3A_144, %dma_start3A_145] : memref<10000x128xf32, #tpu.memory_space<vmem_shared>> -> memref<10000x128xf32, #tpu.memory_space<vmem_shared>>
      tpu.enqueue_indirect_dma source(%arg15 : memref<80x128xf32, #tpu.memory_space<vmem>>) target(%dma_start3A_146 : memref<10000x128xf32, #tpu.memory_space<vmem_shared>>) offsets(%arg12 : memref<80xi32, #tpu.memory_space<vmem>>) semaphore(%arg23 : memref<!tpu.dma_semaphore, #tpu.memory_space<semaphore_mem>>) {add = true}
    }
    %scan3A_34 = arith.constant 83 : i32
    %dma_wait3A = arith.constant 0 : i32
    %dma_wait3A_35 = arith.constant 0 : i32
    %dma_wait3A_36 = tpu.memref_slice %arg17[%dma_wait3A, %dma_wait3A_35] : memref<10000x128xf32, #tpu.memory_space<vmem_shared>> -> memref<10000x128xf32, #tpu.memory_space<vmem_shared>>
    tpu.wait_indirect_dma semaphore(%arg21 : memref<!tpu.dma_semaphore, #tpu.memory_space<semaphore_mem>>) src(%arg13 : memref<80x128xf32, #tpu.memory_space<vmem>>) dst(%dma_wait3A_36 : memref<10000x128xf32, #tpu.memory_space<vmem_shared>>)
    %dma_wait3A_37 = arith.constant 0 : i32
    %dma_wait3A_38 = arith.constant 0 : i32
    %dma_wait3A_39 = tpu.memref_slice %arg17[%dma_wait3A_37, %dma_wait3A_38] : memref<10000x128xf32, #tpu.memory_space<vmem_shared>> -> memref<10000x128xf32, #tpu.memory_space<vmem_shared>>
    tpu.wait_indirect_dma semaphore(%arg22 : memref<!tpu.dma_semaphore, #tpu.memory_space<semaphore_mem>>) src(%arg14 : memref<80x128xf32, #tpu.memory_space<vmem>>) dst(%dma_wait3A_39 : memref<10000x128xf32, #tpu.memory_space<vmem_shared>>)
    %dma_wait3A_40 = arith.constant 0 : i32
    %dma_wait3A_41 = arith.constant 0 : i32
    %dma_wait3A_42 = tpu.memref_slice %arg17[%dma_wait3A_40, %dma_wait3A_41] : memref<10000x128xf32, #tpu.memory_space<vmem_shared>> -> memref<10000x128xf32, #tpu.memory_space<vmem_shared>>
    tpu.wait_indirect_dma semaphore(%arg23 : memref<!tpu.dma_semaphore, #tpu.memory_space<semaphore_mem>>) src(%arg15 : memref<80x128xf32, #tpu.memory_space<vmem>>) dst(%dma_wait3A_42 : memref<10000x128xf32, #tpu.memory_space<vmem_shared>>)
    %add3A_43 = arith.constant 19920 : i32
    %add3A_44 = arith.addi %mul3A_29, %add3A_43 : i32
    %add3A_45 = arith.constant 0 : i32
    %add3A_46 = arith.addi %add3A_44, %add3A_45 : i32
    "tpu.region"() ({
      %run_scoped3A = tpu.sem_alloc : memref<!tpu.dma_semaphore, #tpu.memory_space<semaphore_mem>>
      %dma_start3A_90 = tpu.memref_slice %arg3[%add3A_46] : memref<320000xi32, #tpu.memory_space<hbm>> -> memref<80xi32, #tpu.memory_space<hbm>>
      %dma_start3A_91 = tpu.memref_slice %arg3[%add3A_46] : memref<320000xi32, #tpu.memory_space<hbm>> -> memref<80xi32, #tpu.memory_space<hbm>>
      tpu.enqueue_dma source(%dma_start3A_91 : memref<80xi32, #tpu.memory_space<hbm>>) target(%arg7 : memref<80xi32, #tpu.memory_space<vmem>>) target_semaphore(%run_scoped3A : memref<!tpu.dma_semaphore, #tpu.memory_space<semaphore_mem>>)
      %dma_wait3A_92 = tpu.memref_slice %arg3[%add3A_46] : memref<320000xi32, #tpu.memory_space<hbm>> -> memref<80xi32, #tpu.memory_space<hbm>>
      %dma_wait3A_93 = tpu.memref_slice %arg3[%add3A_46] : memref<320000xi32, #tpu.memory_space<hbm>> -> memref<80xi32, #tpu.memory_space<hbm>>
      tpu.wait_dma2 semaphore(%run_scoped3A : memref<!tpu.dma_semaphore, #tpu.memory_space<semaphore_mem>>) src(%dma_wait3A_93 : memref<80xi32, #tpu.memory_space<hbm>>) dst(%arg7 : memref<80xi32, #tpu.memory_space<vmem>>)
      tpu.yield
    }) : () -> ()
    "tpu.region"() ({
      %run_scoped3A = tpu.sem_alloc : memref<!tpu.dma_semaphore, #tpu.memory_space<semaphore_mem>>
      %dma_start3A_90 = tpu.memref_slice %arg4[%add3A_46] : memref<320000xi32, #tpu.memory_space<hbm>> -> memref<80xi32, #tpu.memory_space<hbm>>
      %dma_start3A_91 = tpu.memref_slice %arg4[%add3A_46] : memref<320000xi32, #tpu.memory_space<hbm>> -> memref<80xi32, #tpu.memory_space<hbm>>
      tpu.enqueue_dma source(%dma_start3A_91 : memref<80xi32, #tpu.memory_space<hbm>>) target(%arg10 : memref<80xi32, #tpu.memory_space<vmem>>) target_semaphore(%run_scoped3A : memref<!tpu.dma_semaphore, #tpu.memory_space<semaphore_mem>>)
      %dma_wait3A_92 = tpu.memref_slice %arg4[%add3A_46] : memref<320000xi32, #tpu.memory_space<hbm>> -> memref<80xi32, #tpu.memory_space<hbm>>
      %dma_wait3A_93 = tpu.memref_slice %arg4[%add3A_46] : memref<320000xi32, #tpu.memory_space<hbm>> -> memref<80xi32, #tpu.memory_space<hbm>>
      tpu.wait_dma2 semaphore(%run_scoped3A : memref<!tpu.dma_semaphore, #tpu.memory_space<semaphore_mem>>) src(%dma_wait3A_93 : memref<80xi32, #tpu.memory_space<hbm>>) dst(%arg10 : memref<80xi32, #tpu.memory_space<vmem>>)
      tpu.yield
    }) : () -> ()
    %dma_start3A = arith.constant 0 : i32
    %dma_start3A_47 = arith.constant 0 : i32
    %dma_start3A_48 = tpu.memref_slice %arg2[%dma_start3A, %dma_start3A_47] : memref<10000x128xf32, #tpu.memory_space<hbm>> -> memref<10000x128xf32, #tpu.memory_space<hbm>>
    tpu.enqueue_indirect_dma source(%dma_start3A_48 : memref<10000x128xf32, #tpu.memory_space<hbm>>) target(%arg13 : memref<80x128xf32, #tpu.memory_space<vmem>>) offsets(%arg7 : memref<80xi32, #tpu.memory_space<vmem>>) semaphore(%arg18 : memref<!tpu.dma_semaphore, #tpu.memory_space<semaphore_mem>>)
    %dma_wait3A_49 = arith.constant 0 : i32
    %dma_wait3A_50 = arith.constant 0 : i32
    %dma_wait3A_51 = tpu.memref_slice %arg2[%dma_wait3A_49, %dma_wait3A_50] : memref<10000x128xf32, #tpu.memory_space<hbm>> -> memref<10000x128xf32, #tpu.memory_space<hbm>>
    tpu.wait_indirect_dma semaphore(%arg18 : memref<!tpu.dma_semaphore, #tpu.memory_space<semaphore_mem>>) src(%dma_wait3A_51 : memref<10000x128xf32, #tpu.memory_space<hbm>>) dst(%arg13 : memref<80x128xf32, #tpu.memory_space<vmem>>)
    %dma_start3A_52 = arith.constant 0 : i32
    %dma_start3A_53 = arith.constant 0 : i32
    %dma_start3A_54 = tpu.memref_slice %arg17[%dma_start3A_52, %dma_start3A_53] : memref<10000x128xf32, #tpu.memory_space<vmem_shared>> -> memref<10000x128xf32, #tpu.memory_space<vmem_shared>>
    tpu.enqueue_indirect_dma source(%arg13 : memref<80x128xf32, #tpu.memory_space<vmem>>) target(%dma_start3A_54 : memref<10000x128xf32, #tpu.memory_space<vmem_shared>>) offsets(%arg10 : memref<80xi32, #tpu.memory_space<vmem>>) semaphore(%arg21 : memref<!tpu.dma_semaphore, #tpu.memory_space<semaphore_mem>>) {add = true}
    %dma_wait3A_55 = arith.constant 0 : i32
    %dma_wait3A_56 = arith.constant 0 : i32
    %dma_wait3A_57 = tpu.memref_slice %arg17[%dma_wait3A_55, %dma_wait3A_56] : memref<10000x128xf32, #tpu.memory_space<vmem_shared>> -> memref<10000x128xf32, #tpu.memory_space<vmem_shared>>
    tpu.wait_indirect_dma semaphore(%arg21 : memref<!tpu.dma_semaphore, #tpu.memory_space<semaphore_mem>>) src(%arg13 : memref<80x128xf32, #tpu.memory_space<vmem>>) dst(%dma_wait3A_57 : memref<10000x128xf32, #tpu.memory_space<vmem_shared>>)
    %barrier3A_58 = arith.constant 0 : index
    tpu.barrier barrier_id(%barrier3A_58)
    %add3A_59 = arith.constant 0 : i32
    %add3A_60 = arith.addi %mul3A_0, %add3A_59 : i32
    "tpu.region"() ({
      %run_scoped3A = tpu.sem_alloc : memref<!tpu.dma_semaphore, #tpu.memory_space<semaphore_mem>>
      %dma_start3A_90 = arith.constant 0 : i32
      %dma_start3A_91 = tpu.memref_slice %arg17[%add3A_60, %dma_start3A_90] : memref<10000x128xf32, #tpu.memory_space<vmem_shared>> -> memref<48x128xf32, #tpu.memory_space<vmem_shared>>
      %dma_start3A_92 = arith.constant 0 : i32
      %dma_start3A_93 = tpu.memref_slice %arg17[%add3A_60, %dma_start3A_92] : memref<10000x128xf32, #tpu.memory_space<vmem_shared>> -> memref<48x128xf32, #tpu.memory_space<vmem_shared>>
      tpu.enqueue_dma source(%dma_start3A_93 : memref<48x128xf32, #tpu.memory_space<vmem_shared>>) target(%arg16 : memref<48x128xf32, #tpu.memory_space<vmem>>) target_semaphore(%run_scoped3A : memref<!tpu.dma_semaphore, #tpu.memory_space<semaphore_mem>>)
      %dma_wait3A_94 = arith.constant 0 : i32
      %dma_wait3A_95 = tpu.memref_slice %arg17[%add3A_60, %dma_wait3A_94] : memref<10000x128xf32, #tpu.memory_space<vmem_shared>> -> memref<48x128xf32, #tpu.memory_space<vmem_shared>>
      %dma_wait3A_96 = arith.constant 0 : i32
      %dma_wait3A_97 = tpu.memref_slice %arg17[%add3A_60, %dma_wait3A_96] : memref<10000x128xf32, #tpu.memory_space<vmem_shared>> -> memref<48x128xf32, #tpu.memory_space<vmem_shared>>
      tpu.wait_dma2 semaphore(%run_scoped3A : memref<!tpu.dma_semaphore, #tpu.memory_space<semaphore_mem>>) src(%dma_wait3A_97 : memref<48x128xf32, #tpu.memory_space<vmem_shared>>) dst(%arg16 : memref<48x128xf32, #tpu.memory_space<vmem>>)
      tpu.yield
    }) : () -> ()
    "tpu.region"() ({
      %run_scoped3A = tpu.sem_alloc : memref<!tpu.dma_semaphore, #tpu.memory_space<semaphore_mem>>
      %dma_start3A_90 = arith.constant 0 : i32
      %dma_start3A_91 = tpu.memref_slice %arg6[%add3A_60, %dma_start3A_90] : memref<10000x128xf32, #tpu.memory_space<hbm>> -> memref<48x128xf32, #tpu.memory_space<hbm>>
      %dma_start3A_92 = arith.constant 0 : i32
      %dma_start3A_93 = tpu.memref_slice %arg6[%add3A_60, %dma_start3A_92] : memref<10000x128xf32, #tpu.memory_space<hbm>> -> memref<48x128xf32, #tpu.memory_space<hbm>>
      tpu.enqueue_dma source(%arg16 : memref<48x128xf32, #tpu.memory_space<vmem>>) target(%dma_start3A_93 : memref<48x128xf32, #tpu.memory_space<hbm>>) target_semaphore(%run_scoped3A : memref<!tpu.dma_semaphore, #tpu.memory_space<semaphore_mem>>)
      %dma_wait3A_94 = arith.constant 0 : i32
      %dma_wait3A_95 = tpu.memref_slice %arg6[%add3A_60, %dma_wait3A_94] : memref<10000x128xf32, #tpu.memory_space<hbm>> -> memref<48x128xf32, #tpu.memory_space<hbm>>
      %dma_wait3A_96 = arith.constant 0 : i32
      %dma_wait3A_97 = tpu.memref_slice %arg6[%add3A_60, %dma_wait3A_96] : memref<10000x128xf32, #tpu.memory_space<hbm>> -> memref<48x128xf32, #tpu.memory_space<hbm>>
      tpu.wait_dma2 semaphore(%run_scoped3A : memref<!tpu.dma_semaphore, #tpu.memory_space<semaphore_mem>>) src(%arg16 : memref<48x128xf32, #tpu.memory_space<vmem>>) dst(%dma_wait3A_97 : memref<48x128xf32, #tpu.memory_space<hbm>>)
      tpu.yield
    }) : () -> ()
    %add3A_61 = arith.constant 48 : i32
    %add3A_62 = arith.addi %mul3A_0, %add3A_61 : i32
    "tpu.region"() ({
      %run_scoped3A = tpu.sem_alloc : memref<!tpu.dma_semaphore, #tpu.memory_space<semaphore_mem>>
      %dma_start3A_90 = arith.constant 0 : i32
      %dma_start3A_91 = tpu.memref_slice %arg17[%add3A_62, %dma_start3A_90] : memref<10000x128xf32, #tpu.memory_space<vmem_shared>> -> memref<48x128xf32, #tpu.memory_space<vmem_shared>>
      %dma_start3A_92 = arith.constant 0 : i32
      %dma_start3A_93 = tpu.memref_slice %arg17[%add3A_62, %dma_start3A_92] : memref<10000x128xf32, #tpu.memory_space<vmem_shared>> -> memref<48x128xf32, #tpu.memory_space<vmem_shared>>
      tpu.enqueue_dma source(%dma_start3A_93 : memref<48x128xf32, #tpu.memory_space<vmem_shared>>) target(%arg16 : memref<48x128xf32, #tpu.memory_space<vmem>>) target_semaphore(%run_scoped3A : memref<!tpu.dma_semaphore, #tpu.memory_space<semaphore_mem>>)
      %dma_wait3A_94 = arith.constant 0 : i32
      %dma_wait3A_95 = tpu.memref_slice %arg17[%add3A_62, %dma_wait3A_94] : memref<10000x128xf32, #tpu.memory_space<vmem_shared>> -> memref<48x128xf32, #tpu.memory_space<vmem_shared>>
      %dma_wait3A_96 = arith.constant 0 : i32
      %dma_wait3A_97 = tpu.memref_slice %arg17[%add3A_62, %dma_wait3A_96] : memref<10000x128xf32, #tpu.memory_space<vmem_shared>> -> memref<48x128xf32, #tpu.memory_space<vmem_shared>>
      tpu.wait_dma2 semaphore(%run_scoped3A : memref<!tpu.dma_semaphore, #tpu.memory_space<semaphore_mem>>) src(%dma_wait3A_97 : memref<48x128xf32, #tpu.memory_space<vmem_shared>>) dst(%arg16 : memref<48x128xf32, #tpu.memory_space<vmem>>)
      tpu.yield
    }) : () -> ()
    "tpu.region"() ({
      %run_scoped3A = tpu.sem_alloc : memref<!tpu.dma_semaphore, #tpu.memory_space<semaphore_mem>>
      %dma_start3A_90 = arith.constant 0 : i32
      %dma_start3A_91 = tpu.memref_slice %arg6[%add3A_62, %dma_start3A_90] : memref<10000x128xf32, #tpu.memory_space<hbm>> -> memref<48x128xf32, #tpu.memory_space<hbm>>
      %dma_start3A_92 = arith.constant 0 : i32
      %dma_start3A_93 = tpu.memref_slice %arg6[%add3A_62, %dma_start3A_92] : memref<10000x128xf32, #tpu.memory_space<hbm>> -> memref<48x128xf32, #tpu.memory_space<hbm>>
      tpu.enqueue_dma source(%arg16 : memref<48x128xf32, #tpu.memory_space<vmem>>) target(%dma_start3A_93 : memref<48x128xf32, #tpu.memory_space<hbm>>) target_semaphore(%run_scoped3A : memref<!tpu.dma_semaphore, #tpu.memory_space<semaphore_mem>>)
      %dma_wait3A_94 = arith.constant 0 : i32
      %dma_wait3A_95 = tpu.memref_slice %arg6[%add3A_62, %dma_wait3A_94] : memref<10000x128xf32, #tpu.memory_space<hbm>> -> memref<48x128xf32, #tpu.memory_space<hbm>>
      %dma_wait3A_96 = arith.constant 0 : i32
      %dma_wait3A_97 = tpu.memref_slice %arg6[%add3A_62, %dma_wait3A_96] : memref<10000x128xf32, #tpu.memory_space<hbm>> -> memref<48x128xf32, #tpu.memory_space<hbm>>
      tpu.wait_dma2 semaphore(%run_scoped3A : memref<!tpu.dma_semaphore, #tpu.memory_space<semaphore_mem>>) src(%arg16 : memref<48x128xf32, #tpu.memory_space<vmem>>) dst(%dma_wait3A_97 : memref<48x128xf32, #tpu.memory_space<hbm>>)
      tpu.yield
    }) : () -> ()
    %add3A_63 = arith.constant 96 : i32
    %add3A_64 = arith.addi %mul3A_0, %add3A_63 : i32
    "tpu.region"() ({
      %run_scoped3A = tpu.sem_alloc : memref<!tpu.dma_semaphore, #tpu.memory_space<semaphore_mem>>
      %dma_start3A_90 = arith.constant 0 : i32
      %dma_start3A_91 = tpu.memref_slice %arg17[%add3A_64, %dma_start3A_90] : memref<10000x128xf32, #tpu.memory_space<vmem_shared>> -> memref<48x128xf32, #tpu.memory_space<vmem_shared>>
      %dma_start3A_92 = arith.constant 0 : i32
      %dma_start3A_93 = tpu.memref_slice %arg17[%add3A_64, %dma_start3A_92] : memref<10000x128xf32, #tpu.memory_space<vmem_shared>> -> memref<48x128xf32, #tpu.memory_space<vmem_shared>>
      tpu.enqueue_dma source(%dma_start3A_93 : memref<48x128xf32, #tpu.memory_space<vmem_shared>>) target(%arg16 : memref<48x128xf32, #tpu.memory_space<vmem>>) target_semaphore(%run_scoped3A : memref<!tpu.dma_semaphore, #tpu.memory_space<semaphore_mem>>)
      %dma_wait3A_94 = arith.constant 0 : i32
      %dma_wait3A_95 = tpu.memref_slice %arg17[%add3A_64, %dma_wait3A_94] : memref<10000x128xf32, #tpu.memory_space<vmem_shared>> -> memref<48x128xf32, #tpu.memory_space<vmem_shared>>
      %dma_wait3A_96 = arith.constant 0 : i32
      %dma_wait3A_97 = tpu.memref_slice %arg17[%add3A_64, %dma_wait3A_96] : memref<10000x128xf32, #tpu.memory_space<vmem_shared>> -> memref<48x128xf32, #tpu.memory_space<vmem_shared>>
      tpu.wait_dma2 semaphore(%run_scoped3A : memref<!tpu.dma_semaphore, #tpu.memory_space<semaphore_mem>>) src(%dma_wait3A_97 : memref<48x128xf32, #tpu.memory_space<vmem_shared>>) dst(%arg16 : memref<48x128xf32, #tpu.memory_space<vmem>>)
      tpu.yield
    }) : () -> ()
    "tpu.region"() ({
      %run_scoped3A = tpu.sem_alloc : memref<!tpu.dma_semaphore, #tpu.memory_space<semaphore_mem>>
      %dma_start3A_90 = arith.constant 0 : i32
      %dma_start3A_91 = tpu.memref_slice %arg6[%add3A_64, %dma_start3A_90] : memref<10000x128xf32, #tpu.memory_space<hbm>> -> memref<48x128xf32, #tpu.memory_space<hbm>>
      %dma_start3A_92 = arith.constant 0 : i32
      %dma_start3A_93 = tpu.memref_slice %arg6[%add3A_64, %dma_start3A_92] : memref<10000x128xf32, #tpu.memory_space<hbm>> -> memref<48x128xf32, #tpu.memory_space<hbm>>
      tpu.enqueue_dma source(%arg16 : memref<48x128xf32, #tpu.memory_space<vmem>>) target(%dma_start3A_93 : memref<48x128xf32, #tpu.memory_space<hbm>>) target_semaphore(%run_scoped3A : memref<!tpu.dma_semaphore, #tpu.memory_space<semaphore_mem>>)
      %dma_wait3A_94 = arith.constant 0 : i32
      %dma_wait3A_95 = tpu.memref_slice %arg6[%add3A_64, %dma_wait3A_94] : memref<10000x128xf32, #tpu.memory_space<hbm>> -> memref<48x128xf32, #tpu.memory_space<hbm>>
      %dma_wait3A_96 = arith.constant 0 : i32
      %dma_wait3A_97 = tpu.memref_slice %arg6[%add3A_64, %dma_wait3A_96] : memref<10000x128xf32, #tpu.memory_space<hbm>> -> memref<48x128xf32, #tpu.memory_space<hbm>>
      tpu.wait_dma2 semaphore(%run_scoped3A : memref<!tpu.dma_semaphore, #tpu.memory_space<semaphore_mem>>) src(%arg16 : memref<48x128xf32, #tpu.memory_space<vmem>>) dst(%dma_wait3A_97 : memref<48x128xf32, #tpu.memory_space<hbm>>)
      tpu.yield
    }) : () -> ()
    %add3A_65 = arith.constant 144 : i32
    %add3A_66 = arith.addi %mul3A_0, %add3A_65 : i32
    "tpu.region"() ({
      %run_scoped3A = tpu.sem_alloc : memref<!tpu.dma_semaphore, #tpu.memory_space<semaphore_mem>>
      %dma_start3A_90 = arith.constant 0 : i32
      %dma_start3A_91 = tpu.memref_slice %arg17[%add3A_66, %dma_start3A_90] : memref<10000x128xf32, #tpu.memory_space<vmem_shared>> -> memref<48x128xf32, #tpu.memory_space<vmem_shared>>
      %dma_start3A_92 = arith.constant 0 : i32
      %dma_start3A_93 = tpu.memref_slice %arg17[%add3A_66, %dma_start3A_92] : memref<10000x128xf32, #tpu.memory_space<vmem_shared>> -> memref<48x128xf32, #tpu.memory_space<vmem_shared>>
      tpu.enqueue_dma source(%dma_start3A_93 : memref<48x128xf32, #tpu.memory_space<vmem_shared>>) target(%arg16 : memref<48x128xf32, #tpu.memory_space<vmem>>) target_semaphore(%run_scoped3A : memref<!tpu.dma_semaphore, #tpu.memory_space<semaphore_mem>>)
      %dma_wait3A_94 = arith.constant 0 : i32
      %dma_wait3A_95 = tpu.memref_slice %arg17[%add3A_66, %dma_wait3A_94] : memref<10000x128xf32, #tpu.memory_space<vmem_shared>> -> memref<48x128xf32, #tpu.memory_space<vmem_shared>>
      %dma_wait3A_96 = arith.constant 0 : i32
      %dma_wait3A_97 = tpu.memref_slice %arg17[%add3A_66, %dma_wait3A_96] : memref<10000x128xf32, #tpu.memory_space<vmem_shared>> -> memref<48x128xf32, #tpu.memory_space<vmem_shared>>
      tpu.wait_dma2 semaphore(%run_scoped3A : memref<!tpu.dma_semaphore, #tpu.memory_space<semaphore_mem>>) src(%dma_wait3A_97 : memref<48x128xf32, #tpu.memory_space<vmem_shared>>) dst(%arg16 : memref<48x128xf32, #tpu.memory_space<vmem>>)
      tpu.yield
    }) : () -> ()
    "tpu.region"() ({
      %run_scoped3A = tpu.sem_alloc : memref<!tpu.dma_semaphore, #tpu.memory_space<semaphore_mem>>
      %dma_start3A_90 = arith.constant 0 : i32
      %dma_start3A_91 = tpu.memref_slice %arg6[%add3A_66, %dma_start3A_90] : memref<10000x128xf32, #tpu.memory_space<hbm>> -> memref<48x128xf32, #tpu.memory_space<hbm>>
      %dma_start3A_92 = arith.constant 0 : i32
      %dma_start3A_93 = tpu.memref_slice %arg6[%add3A_66, %dma_start3A_92] : memref<10000x128xf32, #tpu.memory_space<hbm>> -> memref<48x128xf32, #tpu.memory_space<hbm>>
      tpu.enqueue_dma source(%arg16 : memref<48x128xf32, #tpu.memory_space<vmem>>) target(%dma_start3A_93 : memref<48x128xf32, #tpu.memory_space<hbm>>) target_semaphore(%run_scoped3A : memref<!tpu.dma_semaphore, #tpu.memory_space<semaphore_mem>>)
      %dma_wait3A_94 = arith.constant 0 : i32
      %dma_wait3A_95 = tpu.memref_slice %arg6[%add3A_66, %dma_wait3A_94] : memref<10000x128xf32, #tpu.memory_space<hbm>> -> memref<48x128xf32, #tpu.memory_space<hbm>>
      %dma_wait3A_96 = arith.constant 0 : i32
      %dma_wait3A_97 = tpu.memref_slice %arg6[%add3A_66, %dma_wait3A_96] : memref<10000x128xf32, #tpu.memory_space<hbm>> -> memref<48x128xf32, #tpu.memory_space<hbm>>
      tpu.wait_dma2 semaphore(%run_scoped3A : memref<!tpu.dma_semaphore, #tpu.memory_space<semaphore_mem>>) src(%arg16 : memref<48x128xf32, #tpu.memory_space<vmem>>) dst(%dma_wait3A_97 : memref<48x128xf32, #tpu.memory_space<hbm>>)
      tpu.yield
    }) : () -> ()
    %add3A_67 = arith.constant 192 : i32
    %add3A_68 = arith.addi %mul3A_0, %add3A_67 : i32
    "tpu.region"() ({
      %run_scoped3A = tpu.sem_alloc : memref<!tpu.dma_semaphore, #tpu.memory_space<semaphore_mem>>
      %dma_start3A_90 = arith.constant 0 : i32
      %dma_start3A_91 = tpu.memref_slice %arg17[%add3A_68, %dma_start3A_90] : memref<10000x128xf32, #tpu.memory_space<vmem_shared>> -> memref<48x128xf32, #tpu.memory_space<vmem_shared>>
      %dma_start3A_92 = arith.constant 0 : i32
      %dma_start3A_93 = tpu.memref_slice %arg17[%add3A_68, %dma_start3A_92] : memref<10000x128xf32, #tpu.memory_space<vmem_shared>> -> memref<48x128xf32, #tpu.memory_space<vmem_shared>>
      tpu.enqueue_dma source(%dma_start3A_93 : memref<48x128xf32, #tpu.memory_space<vmem_shared>>) target(%arg16 : memref<48x128xf32, #tpu.memory_space<vmem>>) target_semaphore(%run_scoped3A : memref<!tpu.dma_semaphore, #tpu.memory_space<semaphore_mem>>)
      %dma_wait3A_94 = arith.constant 0 : i32
      %dma_wait3A_95 = tpu.memref_slice %arg17[%add3A_68, %dma_wait3A_94] : memref<10000x128xf32, #tpu.memory_space<vmem_shared>> -> memref<48x128xf32, #tpu.memory_space<vmem_shared>>
      %dma_wait3A_96 = arith.constant 0 : i32
      %dma_wait3A_97 = tpu.memref_slice %arg17[%add3A_68, %dma_wait3A_96] : memref<10000x128xf32, #tpu.memory_space<vmem_shared>> -> memref<48x128xf32, #tpu.memory_space<vmem_shared>>
      tpu.wait_dma2 semaphore(%run_scoped3A : memref<!tpu.dma_semaphore, #tpu.memory_space<semaphore_mem>>) src(%dma_wait3A_97 : memref<48x128xf32, #tpu.memory_space<vmem_shared>>) dst(%arg16 : memref<48x128xf32, #tpu.memory_space<vmem>>)
      tpu.yield
    }) : () -> ()
    "tpu.region"() ({
      %run_scoped3A = tpu.sem_alloc : memref<!tpu.dma_semaphore, #tpu.memory_space<semaphore_mem>>
      %dma_start3A_90 = arith.constant 0 : i32
      %dma_start3A_91 = tpu.memref_slice %arg6[%add3A_68, %dma_start3A_90] : memref<10000x128xf32, #tpu.memory_space<hbm>> -> memref<48x128xf32, #tpu.memory_space<hbm>>
      %dma_start3A_92 = arith.constant 0 : i32
      %dma_start3A_93 = tpu.memref_slice %arg6[%add3A_68, %dma_start3A_92] : memref<10000x128xf32, #tpu.memory_space<hbm>> -> memref<48x128xf32, #tpu.memory_space<hbm>>
      tpu.enqueue_dma source(%arg16 : memref<48x128xf32, #tpu.memory_space<vmem>>) target(%dma_start3A_93 : memref<48x128xf32, #tpu.memory_space<hbm>>) target_semaphore(%run_scoped3A : memref<!tpu.dma_semaphore, #tpu.memory_space<semaphore_mem>>)
      %dma_wait3A_94 = arith.constant 0 : i32
      %dma_wait3A_95 = tpu.memref_slice %arg6[%add3A_68, %dma_wait3A_94] : memref<10000x128xf32, #tpu.memory_space<hbm>> -> memref<48x128xf32, #tpu.memory_space<hbm>>
      %dma_wait3A_96 = arith.constant 0 : i32
      %dma_wait3A_97 = tpu.memref_slice %arg6[%add3A_68, %dma_wait3A_96] : memref<10000x128xf32, #tpu.memory_space<hbm>> -> memref<48x128xf32, #tpu.memory_space<hbm>>
      tpu.wait_dma2 semaphore(%run_scoped3A : memref<!tpu.dma_semaphore, #tpu.memory_space<semaphore_mem>>) src(%arg16 : memref<48x128xf32, #tpu.memory_space<vmem>>) dst(%dma_wait3A_97 : memref<48x128xf32, #tpu.memory_space<hbm>>)
      tpu.yield
    }) : () -> ()
    %add3A_69 = arith.constant 240 : i32
    %add3A_70 = arith.addi %mul3A_0, %add3A_69 : i32
    "tpu.region"() ({
      %run_scoped3A = tpu.sem_alloc : memref<!tpu.dma_semaphore, #tpu.memory_space<semaphore_mem>>
      %dma_start3A_90 = arith.constant 0 : i32
      %dma_start3A_91 = tpu.memref_slice %arg17[%add3A_70, %dma_start3A_90] : memref<10000x128xf32, #tpu.memory_space<vmem_shared>> -> memref<48x128xf32, #tpu.memory_space<vmem_shared>>
      %dma_start3A_92 = arith.constant 0 : i32
      %dma_start3A_93 = tpu.memref_slice %arg17[%add3A_70, %dma_start3A_92] : memref<10000x128xf32, #tpu.memory_space<vmem_shared>> -> memref<48x128xf32, #tpu.memory_space<vmem_shared>>
      tpu.enqueue_dma source(%dma_start3A_93 : memref<48x128xf32, #tpu.memory_space<vmem_shared>>) target(%arg16 : memref<48x128xf32, #tpu.memory_space<vmem>>) target_semaphore(%run_scoped3A : memref<!tpu.dma_semaphore, #tpu.memory_space<semaphore_mem>>)
      %dma_wait3A_94 = arith.constant 0 : i32
      %dma_wait3A_95 = tpu.memref_slice %arg17[%add3A_70, %dma_wait3A_94] : memref<10000x128xf32, #tpu.memory_space<vmem_shared>> -> memref<48x128xf32, #tpu.memory_space<vmem_shared>>
      %dma_wait3A_96 = arith.constant 0 : i32
      %dma_wait3A_97 = tpu.memref_slice %arg17[%add3A_70, %dma_wait3A_96] : memref<10000x128xf32, #tpu.memory_space<vmem_shared>> -> memref<48x128xf32, #tpu.memory_space<vmem_shared>>
      tpu.wait_dma2 semaphore(%run_scoped3A : memref<!tpu.dma_semaphore, #tpu.memory_space<semaphore_mem>>) src(%dma_wait3A_97 : memref<48x128xf32, #tpu.memory_space<vmem_shared>>) dst(%arg16 : memref<48x128xf32, #tpu.memory_space<vmem>>)
      tpu.yield
    }) : () -> ()
    "tpu.region"() ({
      %run_scoped3A = tpu.sem_alloc : memref<!tpu.dma_semaphore, #tpu.memory_space<semaphore_mem>>
      %dma_start3A_90 = arith.constant 0 : i32
      %dma_start3A_91 = tpu.memref_slice %arg6[%add3A_70, %dma_start3A_90] : memref<10000x128xf32, #tpu.memory_space<hbm>> -> memref<48x128xf32, #tpu.memory_space<hbm>>
      %dma_start3A_92 = arith.constant 0 : i32
      %dma_start3A_93 = tpu.memref_slice %arg6[%add3A_70, %dma_start3A_92] : memref<10000x128xf32, #tpu.memory_space<hbm>> -> memref<48x128xf32, #tpu.memory_space<hbm>>
      tpu.enqueue_dma source(%arg16 : memref<48x128xf32, #tpu.memory_space<vmem>>) target(%dma_start3A_93 : memref<48x128xf32, #tpu.memory_space<hbm>>) target_semaphore(%run_scoped3A : memref<!tpu.dma_semaphore, #tpu.memory_space<semaphore_mem>>)
      %dma_wait3A_94 = arith.constant 0 : i32
      %dma_wait3A_95 = tpu.memref_slice %arg6[%add3A_70, %dma_wait3A_94] : memref<10000x128xf32, #tpu.memory_space<hbm>> -> memref<48x128xf32, #tpu.memory_space<hbm>>
      %dma_wait3A_96 = arith.constant 0 : i32
      %dma_wait3A_97 = tpu.memref_slice %arg6[%add3A_70, %dma_wait3A_96] : memref<10000x128xf32, #tpu.memory_space<hbm>> -> memref<48x128xf32, #tpu.memory_space<hbm>>
      tpu.wait_dma2 semaphore(%run_scoped3A : memref<!tpu.dma_semaphore, #tpu.memory_space<semaphore_mem>>) src(%arg16 : memref<48x128xf32, #tpu.memory_space<vmem>>) dst(%dma_wait3A_97 : memref<48x128xf32, #tpu.memory_space<hbm>>)
      tpu.yield
    }) : () -> ()
    %add3A_71 = arith.constant 288 : i32
    %add3A_72 = arith.addi %mul3A_0, %add3A_71 : i32
    "tpu.region"() ({
      %run_scoped3A = tpu.sem_alloc : memref<!tpu.dma_semaphore, #tpu.memory_space<semaphore_mem>>
      %dma_start3A_90 = arith.constant 0 : i32
      %dma_start3A_91 = tpu.memref_slice %arg17[%add3A_72, %dma_start3A_90] : memref<10000x128xf32, #tpu.memory_space<vmem_shared>> -> memref<48x128xf32, #tpu.memory_space<vmem_shared>>
      %dma_start3A_92 = arith.constant 0 : i32
      %dma_start3A_93 = tpu.memref_slice %arg17[%add3A_72, %dma_start3A_92] : memref<10000x128xf32, #tpu.memory_space<vmem_shared>> -> memref<48x128xf32, #tpu.memory_space<vmem_shared>>
      tpu.enqueue_dma source(%dma_start3A_93 : memref<48x128xf32, #tpu.memory_space<vmem_shared>>) target(%arg16 : memref<48x128xf32, #tpu.memory_space<vmem>>) target_semaphore(%run_scoped3A : memref<!tpu.dma_semaphore, #tpu.memory_space<semaphore_mem>>)
      %dma_wait3A_94 = arith.constant 0 : i32
      %dma_wait3A_95 = tpu.memref_slice %arg17[%add3A_72, %dma_wait3A_94] : memref<10000x128xf32, #tpu.memory_space<vmem_shared>> -> memref<48x128xf32, #tpu.memory_space<vmem_shared>>
      %dma_wait3A_96 = arith.constant 0 : i32
      %dma_wait3A_97 = tpu.memref_slice %arg17[%add3A_72, %dma_wait3A_96] : memref<10000x128xf32, #tpu.memory_space<vmem_shared>> -> memref<48x128xf32, #tpu.memory_space<vmem_shared>>
      tpu.wait_dma2 semaphore(%run_scoped3A : memref<!tpu.dma_semaphore, #tpu.memory_space<semaphore_mem>>) src(%dma_wait3A_97 : memref<48x128xf32, #tpu.memory_space<vmem_shared>>) dst(%arg16 : memref<48x128xf32, #tpu.memory_space<vmem>>)
      tpu.yield
    }) : () -> ()
    "tpu.region"() ({
      %run_scoped3A = tpu.sem_alloc : memref<!tpu.dma_semaphore, #tpu.memory_space<semaphore_mem>>
      %dma_start3A_90 = arith.constant 0 : i32
      %dma_start3A_91 = tpu.memref_slice %arg6[%add3A_72, %dma_start3A_90] : memref<10000x128xf32, #tpu.memory_space<hbm>> -> memref<48x128xf32, #tpu.memory_space<hbm>>
      %dma_start3A_92 = arith.constant 0 : i32
      %dma_start3A_93 = tpu.memref_slice %arg6[%add3A_72, %dma_start3A_92] : memref<10000x128xf32, #tpu.memory_space<hbm>> -> memref<48x128xf32, #tpu.memory_space<hbm>>
      tpu.enqueue_dma source(%arg16 : memref<48x128xf32, #tpu.memory_space<vmem>>) target(%dma_start3A_93 : memref<48x128xf32, #tpu.memory_space<hbm>>) target_semaphore(%run_scoped3A : memref<!tpu.dma_semaphore, #tpu.memory_space<semaphore_mem>>)
      %dma_wait3A_94 = arith.constant 0 : i32
      %dma_wait3A_95 = tpu.memref_slice %arg6[%add3A_72, %dma_wait3A_94] : memref<10000x128xf32, #tpu.memory_space<hbm>> -> memref<48x128xf32, #tpu.memory_space<hbm>>
      %dma_wait3A_96 = arith.constant 0 : i32
      %dma_wait3A_97 = tpu.memref_slice %arg6[%add3A_72, %dma_wait3A_96] : memref<10000x128xf32, #tpu.memory_space<hbm>> -> memref<48x128xf32, #tpu.memory_space<hbm>>
      tpu.wait_dma2 semaphore(%run_scoped3A : memref<!tpu.dma_semaphore, #tpu.memory_space<semaphore_mem>>) src(%arg16 : memref<48x128xf32, #tpu.memory_space<vmem>>) dst(%dma_wait3A_97 : memref<48x128xf32, #tpu.memory_space<hbm>>)
      tpu.yield
    }) : () -> ()
    %add3A_73 = arith.constant 336 : i32
    %add3A_74 = arith.addi %mul3A_0, %add3A_73 : i32
    "tpu.region"() ({
      %run_scoped3A = tpu.sem_alloc : memref<!tpu.dma_semaphore, #tpu.memory_space<semaphore_mem>>
      %dma_start3A_90 = arith.constant 0 : i32
      %dma_start3A_91 = tpu.memref_slice %arg17[%add3A_74, %dma_start3A_90] : memref<10000x128xf32, #tpu.memory_space<vmem_shared>> -> memref<48x128xf32, #tpu.memory_space<vmem_shared>>
      %dma_start3A_92 = arith.constant 0 : i32
      %dma_start3A_93 = tpu.memref_slice %arg17[%add3A_74, %dma_start3A_92] : memref<10000x128xf32, #tpu.memory_space<vmem_shared>> -> memref<48x128xf32, #tpu.memory_space<vmem_shared>>
      tpu.enqueue_dma source(%dma_start3A_93 : memref<48x128xf32, #tpu.memory_space<vmem_shared>>) target(%arg16 : memref<48x128xf32, #tpu.memory_space<vmem>>) target_semaphore(%run_scoped3A : memref<!tpu.dma_semaphore, #tpu.memory_space<semaphore_mem>>)
      %dma_wait3A_94 = arith.constant 0 : i32
      %dma_wait3A_95 = tpu.memref_slice %arg17[%add3A_74, %dma_wait3A_94] : memref<10000x128xf32, #tpu.memory_space<vmem_shared>> -> memref<48x128xf32, #tpu.memory_space<vmem_shared>>
      %dma_wait3A_96 = arith.constant 0 : i32
      %dma_wait3A_97 = tpu.memref_slice %arg17[%add3A_74, %dma_wait3A_96] : memref<10000x128xf32, #tpu.memory_space<vmem_shared>> -> memref<48x128xf32, #tpu.memory_space<vmem_shared>>
      tpu.wait_dma2 semaphore(%run_scoped3A : memref<!tpu.dma_semaphore, #tpu.memory_space<semaphore_mem>>) src(%dma_wait3A_97 : memref<48x128xf32, #tpu.memory_space<vmem_shared>>) dst(%arg16 : memref<48x128xf32, #tpu.memory_space<vmem>>)
      tpu.yield
    }) : () -> ()
    "tpu.region"() ({
      %run_scoped3A = tpu.sem_alloc : memref<!tpu.dma_semaphore, #tpu.memory_space<semaphore_mem>>
      %dma_start3A_90 = arith.constant 0 : i32
      %dma_start3A_91 = tpu.memref_slice %arg6[%add3A_74, %dma_start3A_90] : memref<10000x128xf32, #tpu.memory_space<hbm>> -> memref<48x128xf32, #tpu.memory_space<hbm>>
      %dma_start3A_92 = arith.constant 0 : i32
      %dma_start3A_93 = tpu.memref_slice %arg6[%add3A_74, %dma_start3A_92] : memref<10000x128xf32, #tpu.memory_space<hbm>> -> memref<48x128xf32, #tpu.memory_space<hbm>>
      tpu.enqueue_dma source(%arg16 : memref<48x128xf32, #tpu.memory_space<vmem>>) target(%dma_start3A_93 : memref<48x128xf32, #tpu.memory_space<hbm>>) target_semaphore(%run_scoped3A : memref<!tpu.dma_semaphore, #tpu.memory_space<semaphore_mem>>)
      %dma_wait3A_94 = arith.constant 0 : i32
      %dma_wait3A_95 = tpu.memref_slice %arg6[%add3A_74, %dma_wait3A_94] : memref<10000x128xf32, #tpu.memory_space<hbm>> -> memref<48x128xf32, #tpu.memory_space<hbm>>
      %dma_wait3A_96 = arith.constant 0 : i32
      %dma_wait3A_97 = tpu.memref_slice %arg6[%add3A_74, %dma_wait3A_96] : memref<10000x128xf32, #tpu.memory_space<hbm>> -> memref<48x128xf32, #tpu.memory_space<hbm>>
      tpu.wait_dma2 semaphore(%run_scoped3A : memref<!tpu.dma_semaphore, #tpu.memory_space<semaphore_mem>>) src(%arg16 : memref<48x128xf32, #tpu.memory_space<vmem>>) dst(%dma_wait3A_97 : memref<48x128xf32, #tpu.memory_space<hbm>>)
      tpu.yield
    }) : () -> ()
    %add3A_75 = arith.constant 384 : i32
    %add3A_76 = arith.addi %mul3A_0, %add3A_75 : i32
    "tpu.region"() ({
      %run_scoped3A = tpu.sem_alloc : memref<!tpu.dma_semaphore, #tpu.memory_space<semaphore_mem>>
      %dma_start3A_90 = arith.constant 0 : i32
      %dma_start3A_91 = tpu.memref_slice %arg17[%add3A_76, %dma_start3A_90] : memref<10000x128xf32, #tpu.memory_space<vmem_shared>> -> memref<48x128xf32, #tpu.memory_space<vmem_shared>>
      %dma_start3A_92 = arith.constant 0 : i32
      %dma_start3A_93 = tpu.memref_slice %arg17[%add3A_76, %dma_start3A_92] : memref<10000x128xf32, #tpu.memory_space<vmem_shared>> -> memref<48x128xf32, #tpu.memory_space<vmem_shared>>
      tpu.enqueue_dma source(%dma_start3A_93 : memref<48x128xf32, #tpu.memory_space<vmem_shared>>) target(%arg16 : memref<48x128xf32, #tpu.memory_space<vmem>>) target_semaphore(%run_scoped3A : memref<!tpu.dma_semaphore, #tpu.memory_space<semaphore_mem>>)
      %dma_wait3A_94 = arith.constant 0 : i32
      %dma_wait3A_95 = tpu.memref_slice %arg17[%add3A_76, %dma_wait3A_94] : memref<10000x128xf32, #tpu.memory_space<vmem_shared>> -> memref<48x128xf32, #tpu.memory_space<vmem_shared>>
      %dma_wait3A_96 = arith.constant 0 : i32
      %dma_wait3A_97 = tpu.memref_slice %arg17[%add3A_76, %dma_wait3A_96] : memref<10000x128xf32, #tpu.memory_space<vmem_shared>> -> memref<48x128xf32, #tpu.memory_space<vmem_shared>>
      tpu.wait_dma2 semaphore(%run_scoped3A : memref<!tpu.dma_semaphore, #tpu.memory_space<semaphore_mem>>) src(%dma_wait3A_97 : memref<48x128xf32, #tpu.memory_space<vmem_shared>>) dst(%arg16 : memref<48x128xf32, #tpu.memory_space<vmem>>)
      tpu.yield
    }) : () -> ()
    "tpu.region"() ({
      %run_scoped3A = tpu.sem_alloc : memref<!tpu.dma_semaphore, #tpu.memory_space<semaphore_mem>>
      %dma_start3A_90 = arith.constant 0 : i32
      %dma_start3A_91 = tpu.memref_slice %arg6[%add3A_76, %dma_start3A_90] : memref<10000x128xf32, #tpu.memory_space<hbm>> -> memref<48x128xf32, #tpu.memory_space<hbm>>
      %dma_start3A_92 = arith.constant 0 : i32
      %dma_start3A_93 = tpu.memref_slice %arg6[%add3A_76, %dma_start3A_92] : memref<10000x128xf32, #tpu.memory_space<hbm>> -> memref<48x128xf32, #tpu.memory_space<hbm>>
      tpu.enqueue_dma source(%arg16 : memref<48x128xf32, #tpu.memory_space<vmem>>) target(%dma_start3A_93 : memref<48x128xf32, #tpu.memory_space<hbm>>) target_semaphore(%run_scoped3A : memref<!tpu.dma_semaphore, #tpu.memory_space<semaphore_mem>>)
      %dma_wait3A_94 = arith.constant 0 : i32
      %dma_wait3A_95 = tpu.memref_slice %arg6[%add3A_76, %dma_wait3A_94] : memref<10000x128xf32, #tpu.memory_space<hbm>> -> memref<48x128xf32, #tpu.memory_space<hbm>>
      %dma_wait3A_96 = arith.constant 0 : i32
      %dma_wait3A_97 = tpu.memref_slice %arg6[%add3A_76, %dma_wait3A_96] : memref<10000x128xf32, #tpu.memory_space<hbm>> -> memref<48x128xf32, #tpu.memory_space<hbm>>
      tpu.wait_dma2 semaphore(%run_scoped3A : memref<!tpu.dma_semaphore, #tpu.memory_space<semaphore_mem>>) src(%arg16 : memref<48x128xf32, #tpu.memory_space<vmem>>) dst(%dma_wait3A_97 : memref<48x128xf32, #tpu.memory_space<hbm>>)
      tpu.yield
    }) : () -> ()
    %add3A_77 = arith.constant 432 : i32
    %add3A_78 = arith.addi %mul3A_0, %add3A_77 : i32
    "tpu.region"() ({
      %run_scoped3A = tpu.sem_alloc : memref<!tpu.dma_semaphore, #tpu.memory_space<semaphore_mem>>
      %dma_start3A_90 = arith.constant 0 : i32
      %dma_start3A_91 = tpu.memref_slice %arg17[%add3A_78, %dma_start3A_90] : memref<10000x128xf32, #tpu.memory_space<vmem_shared>> -> memref<48x128xf32, #tpu.memory_space<vmem_shared>>
      %dma_start3A_92 = arith.constant 0 : i32
      %dma_start3A_93 = tpu.memref_slice %arg17[%add3A_78, %dma_start3A_92] : memref<10000x128xf32, #tpu.memory_space<vmem_shared>> -> memref<48x128xf32, #tpu.memory_space<vmem_shared>>
      tpu.enqueue_dma source(%dma_start3A_93 : memref<48x128xf32, #tpu.memory_space<vmem_shared>>) target(%arg16 : memref<48x128xf32, #tpu.memory_space<vmem>>) target_semaphore(%run_scoped3A : memref<!tpu.dma_semaphore, #tpu.memory_space<semaphore_mem>>)
      %dma_wait3A_94 = arith.constant 0 : i32
      %dma_wait3A_95 = tpu.memref_slice %arg17[%add3A_78, %dma_wait3A_94] : memref<10000x128xf32, #tpu.memory_space<vmem_shared>> -> memref<48x128xf32, #tpu.memory_space<vmem_shared>>
      %dma_wait3A_96 = arith.constant 0 : i32
      %dma_wait3A_97 = tpu.memref_slice %arg17[%add3A_78, %dma_wait3A_96] : memref<10000x128xf32, #tpu.memory_space<vmem_shared>> -> memref<48x128xf32, #tpu.memory_space<vmem_shared>>
      tpu.wait_dma2 semaphore(%run_scoped3A : memref<!tpu.dma_semaphore, #tpu.memory_space<semaphore_mem>>) src(%dma_wait3A_97 : memref<48x128xf32, #tpu.memory_space<vmem_shared>>) dst(%arg16 : memref<48x128xf32, #tpu.memory_space<vmem>>)
      tpu.yield
    }) : () -> ()
    "tpu.region"() ({
      %run_scoped3A = tpu.sem_alloc : memref<!tpu.dma_semaphore, #tpu.memory_space<semaphore_mem>>
      %dma_start3A_90 = arith.constant 0 : i32
      %dma_start3A_91 = tpu.memref_slice %arg6[%add3A_78, %dma_start3A_90] : memref<10000x128xf32, #tpu.memory_space<hbm>> -> memref<48x128xf32, #tpu.memory_space<hbm>>
      %dma_start3A_92 = arith.constant 0 : i32
      %dma_start3A_93 = tpu.memref_slice %arg6[%add3A_78, %dma_start3A_92] : memref<10000x128xf32, #tpu.memory_space<hbm>> -> memref<48x128xf32, #tpu.memory_space<hbm>>
      tpu.enqueue_dma source(%arg16 : memref<48x128xf32, #tpu.memory_space<vmem>>) target(%dma_start3A_93 : memref<48x128xf32, #tpu.memory_space<hbm>>) target_semaphore(%run_scoped3A : memref<!tpu.dma_semaphore, #tpu.memory_space<semaphore_mem>>)
      %dma_wait3A_94 = arith.constant 0 : i32
      %dma_wait3A_95 = tpu.memref_slice %arg6[%add3A_78, %dma_wait3A_94] : memref<10000x128xf32, #tpu.memory_space<hbm>> -> memref<48x128xf32, #tpu.memory_space<hbm>>
      %dma_wait3A_96 = arith.constant 0 : i32
      %dma_wait3A_97 = tpu.memref_slice %arg6[%add3A_78, %dma_wait3A_96] : memref<10000x128xf32, #tpu.memory_space<hbm>> -> memref<48x128xf32, #tpu.memory_space<hbm>>
      tpu.wait_dma2 semaphore(%run_scoped3A : memref<!tpu.dma_semaphore, #tpu.memory_space<semaphore_mem>>) src(%arg16 : memref<48x128xf32, #tpu.memory_space<vmem>>) dst(%dma_wait3A_97 : memref<48x128xf32, #tpu.memory_space<hbm>>)
      tpu.yield
    }) : () -> ()
    %add3A_79 = arith.constant 480 : i32
    %add3A_80 = arith.addi %mul3A_0, %add3A_79 : i32
    "tpu.region"() ({
      %run_scoped3A = tpu.sem_alloc : memref<!tpu.dma_semaphore, #tpu.memory_space<semaphore_mem>>
      %dma_start3A_90 = arith.constant 0 : i32
      %dma_start3A_91 = tpu.memref_slice %arg17[%add3A_80, %dma_start3A_90] : memref<10000x128xf32, #tpu.memory_space<vmem_shared>> -> memref<48x128xf32, #tpu.memory_space<vmem_shared>>
      %dma_start3A_92 = arith.constant 0 : i32
      %dma_start3A_93 = tpu.memref_slice %arg17[%add3A_80, %dma_start3A_92] : memref<10000x128xf32, #tpu.memory_space<vmem_shared>> -> memref<48x128xf32, #tpu.memory_space<vmem_shared>>
      tpu.enqueue_dma source(%dma_start3A_93 : memref<48x128xf32, #tpu.memory_space<vmem_shared>>) target(%arg16 : memref<48x128xf32, #tpu.memory_space<vmem>>) target_semaphore(%run_scoped3A : memref<!tpu.dma_semaphore, #tpu.memory_space<semaphore_mem>>)
      %dma_wait3A_94 = arith.constant 0 : i32
      %dma_wait3A_95 = tpu.memref_slice %arg17[%add3A_80, %dma_wait3A_94] : memref<10000x128xf32, #tpu.memory_space<vmem_shared>> -> memref<48x128xf32, #tpu.memory_space<vmem_shared>>
      %dma_wait3A_96 = arith.constant 0 : i32
      %dma_wait3A_97 = tpu.memref_slice %arg17[%add3A_80, %dma_wait3A_96] : memref<10000x128xf32, #tpu.memory_space<vmem_shared>> -> memref<48x128xf32, #tpu.memory_space<vmem_shared>>
      tpu.wait_dma2 semaphore(%run_scoped3A : memref<!tpu.dma_semaphore, #tpu.memory_space<semaphore_mem>>) src(%dma_wait3A_97 : memref<48x128xf32, #tpu.memory_space<vmem_shared>>) dst(%arg16 : memref<48x128xf32, #tpu.memory_space<vmem>>)
      tpu.yield
    }) : () -> ()
    "tpu.region"() ({
      %run_scoped3A = tpu.sem_alloc : memref<!tpu.dma_semaphore, #tpu.memory_space<semaphore_mem>>
      %dma_start3A_90 = arith.constant 0 : i32
      %dma_start3A_91 = tpu.memref_slice %arg6[%add3A_80, %dma_start3A_90] : memref<10000x128xf32, #tpu.memory_space<hbm>> -> memref<48x128xf32, #tpu.memory_space<hbm>>
      %dma_start3A_92 = arith.constant 0 : i32
      %dma_start3A_93 = tpu.memref_slice %arg6[%add3A_80, %dma_start3A_92] : memref<10000x128xf32, #tpu.memory_space<hbm>> -> memref<48x128xf32, #tpu.memory_space<hbm>>
      tpu.enqueue_dma source(%arg16 : memref<48x128xf32, #tpu.memory_space<vmem>>) target(%dma_start3A_93 : memref<48x128xf32, #tpu.memory_space<hbm>>) target_semaphore(%run_scoped3A : memref<!tpu.dma_semaphore, #tpu.memory_space<semaphore_mem>>)
      %dma_wait3A_94 = arith.constant 0 : i32
      %dma_wait3A_95 = tpu.memref_slice %arg6[%add3A_80, %dma_wait3A_94] : memref<10000x128xf32, #tpu.memory_space<hbm>> -> memref<48x128xf32, #tpu.memory_space<hbm>>
      %dma_wait3A_96 = arith.constant 0 : i32
      %dma_wait3A_97 = tpu.memref_slice %arg6[%add3A_80, %dma_wait3A_96] : memref<10000x128xf32, #tpu.memory_space<hbm>> -> memref<48x128xf32, #tpu.memory_space<hbm>>
      tpu.wait_dma2 semaphore(%run_scoped3A : memref<!tpu.dma_semaphore, #tpu.memory_space<semaphore_mem>>) src(%arg16 : memref<48x128xf32, #tpu.memory_space<vmem>>) dst(%dma_wait3A_97 : memref<48x128xf32, #tpu.memory_space<hbm>>)
      tpu.yield
    }) : () -> ()
    %add3A_81 = arith.constant 528 : i32
    %add3A_82 = arith.addi %mul3A_0, %add3A_81 : i32
    "tpu.region"() ({
      %run_scoped3A = tpu.sem_alloc : memref<!tpu.dma_semaphore, #tpu.memory_space<semaphore_mem>>
      %dma_start3A_90 = arith.constant 0 : i32
      %dma_start3A_91 = tpu.memref_slice %arg17[%add3A_82, %dma_start3A_90] : memref<10000x128xf32, #tpu.memory_space<vmem_shared>> -> memref<48x128xf32, #tpu.memory_space<vmem_shared>>
      %dma_start3A_92 = arith.constant 0 : i32
      %dma_start3A_93 = tpu.memref_slice %arg17[%add3A_82, %dma_start3A_92] : memref<10000x128xf32, #tpu.memory_space<vmem_shared>> -> memref<48x128xf32, #tpu.memory_space<vmem_shared>>
      tpu.enqueue_dma source(%dma_start3A_93 : memref<48x128xf32, #tpu.memory_space<vmem_shared>>) target(%arg16 : memref<48x128xf32, #tpu.memory_space<vmem>>) target_semaphore(%run_scoped3A : memref<!tpu.dma_semaphore, #tpu.memory_space<semaphore_mem>>)
      %dma_wait3A_94 = arith.constant 0 : i32
      %dma_wait3A_95 = tpu.memref_slice %arg17[%add3A_82, %dma_wait3A_94] : memref<10000x128xf32, #tpu.memory_space<vmem_shared>> -> memref<48x128xf32, #tpu.memory_space<vmem_shared>>
      %dma_wait3A_96 = arith.constant 0 : i32
      %dma_wait3A_97 = tpu.memref_slice %arg17[%add3A_82, %dma_wait3A_96] : memref<10000x128xf32, #tpu.memory_space<vmem_shared>> -> memref<48x128xf32, #tpu.memory_space<vmem_shared>>
      tpu.wait_dma2 semaphore(%run_scoped3A : memref<!tpu.dma_semaphore, #tpu.memory_space<semaphore_mem>>) src(%dma_wait3A_97 : memref<48x128xf32, #tpu.memory_space<vmem_shared>>) dst(%arg16 : memref<48x128xf32, #tpu.memory_space<vmem>>)
      tpu.yield
    }) : () -> ()
    "tpu.region"() ({
      %run_scoped3A = tpu.sem_alloc : memref<!tpu.dma_semaphore, #tpu.memory_space<semaphore_mem>>
      %dma_start3A_90 = arith.constant 0 : i32
      %dma_start3A_91 = tpu.memref_slice %arg6[%add3A_82, %dma_start3A_90] : memref<10000x128xf32, #tpu.memory_space<hbm>> -> memref<48x128xf32, #tpu.memory_space<hbm>>
      %dma_start3A_92 = arith.constant 0 : i32
      %dma_start3A_93 = tpu.memref_slice %arg6[%add3A_82, %dma_start3A_92] : memref<10000x128xf32, #tpu.memory_space<hbm>> -> memref<48x128xf32, #tpu.memory_space<hbm>>
      tpu.enqueue_dma source(%arg16 : memref<48x128xf32, #tpu.memory_space<vmem>>) target(%dma_start3A_93 : memref<48x128xf32, #tpu.memory_space<hbm>>) target_semaphore(%run_scoped3A : memref<!tpu.dma_semaphore, #tpu.memory_space<semaphore_mem>>)
      %dma_wait3A_94 = arith.constant 0 : i32
      %dma_wait3A_95 = tpu.memref_slice %arg6[%add3A_82, %dma_wait3A_94] : memref<10000x128xf32, #tpu.memory_space<hbm>> -> memref<48x128xf32, #tpu.memory_space<hbm>>
      %dma_wait3A_96 = arith.constant 0 : i32
      %dma_wait3A_97 = tpu.memref_slice %arg6[%add3A_82, %dma_wait3A_96] : memref<10000x128xf32, #tpu.memory_space<hbm>> -> memref<48x128xf32, #tpu.memory_space<hbm>>
      tpu.wait_dma2 semaphore(%run_scoped3A : memref<!tpu.dma_semaphore, #tpu.memory_space<semaphore_mem>>) src(%arg16 : memref<48x128xf32, #tpu.memory_space<vmem>>) dst(%dma_wait3A_97 : memref<48x128xf32, #tpu.memory_space<hbm>>)
      tpu.yield
    }) : () -> ()
    %add3A_83 = arith.constant 576 : i32
    %add3A_84 = arith.addi %mul3A_0, %add3A_83 : i32
    "tpu.region"() ({
      %run_scoped3A = tpu.sem_alloc : memref<!tpu.dma_semaphore, #tpu.memory_space<semaphore_mem>>
      %dma_start3A_90 = arith.constant 0 : i32
      %dma_start3A_91 = tpu.memref_slice %arg17[%add3A_84, %dma_start3A_90] : memref<10000x128xf32, #tpu.memory_space<vmem_shared>> -> memref<48x128xf32, #tpu.memory_space<vmem_shared>>
      %dma_start3A_92 = arith.constant 0 : i32
      %dma_start3A_93 = tpu.memref_slice %arg17[%add3A_84, %dma_start3A_92] : memref<10000x128xf32, #tpu.memory_space<vmem_shared>> -> memref<48x128xf32, #tpu.memory_space<vmem_shared>>
      tpu.enqueue_dma source(%dma_start3A_93 : memref<48x128xf32, #tpu.memory_space<vmem_shared>>) target(%arg16 : memref<48x128xf32, #tpu.memory_space<vmem>>) target_semaphore(%run_scoped3A : memref<!tpu.dma_semaphore, #tpu.memory_space<semaphore_mem>>)
      %dma_wait3A_94 = arith.constant 0 : i32
      %dma_wait3A_95 = tpu.memref_slice %arg17[%add3A_84, %dma_wait3A_94] : memref<10000x128xf32, #tpu.memory_space<vmem_shared>> -> memref<48x128xf32, #tpu.memory_space<vmem_shared>>
      %dma_wait3A_96 = arith.constant 0 : i32
      %dma_wait3A_97 = tpu.memref_slice %arg17[%add3A_84, %dma_wait3A_96] : memref<10000x128xf32, #tpu.memory_space<vmem_shared>> -> memref<48x128xf32, #tpu.memory_space<vmem_shared>>
      tpu.wait_dma2 semaphore(%run_scoped3A : memref<!tpu.dma_semaphore, #tpu.memory_space<semaphore_mem>>) src(%dma_wait3A_97 : memref<48x128xf32, #tpu.memory_space<vmem_shared>>) dst(%arg16 : memref<48x128xf32, #tpu.memory_space<vmem>>)
      tpu.yield
    }) : () -> ()
    "tpu.region"() ({
      %run_scoped3A = tpu.sem_alloc : memref<!tpu.dma_semaphore, #tpu.memory_space<semaphore_mem>>
      %dma_start3A_90 = arith.constant 0 : i32
      %dma_start3A_91 = tpu.memref_slice %arg6[%add3A_84, %dma_start3A_90] : memref<10000x128xf32, #tpu.memory_space<hbm>> -> memref<48x128xf32, #tpu.memory_space<hbm>>
      %dma_start3A_92 = arith.constant 0 : i32
      %dma_start3A_93 = tpu.memref_slice %arg6[%add3A_84, %dma_start3A_92] : memref<10000x128xf32, #tpu.memory_space<hbm>> -> memref<48x128xf32, #tpu.memory_space<hbm>>
      tpu.enqueue_dma source(%arg16 : memref<48x128xf32, #tpu.memory_space<vmem>>) target(%dma_start3A_93 : memref<48x128xf32, #tpu.memory_space<hbm>>) target_semaphore(%run_scoped3A : memref<!tpu.dma_semaphore, #tpu.memory_space<semaphore_mem>>)
      %dma_wait3A_94 = arith.constant 0 : i32
      %dma_wait3A_95 = tpu.memref_slice %arg6[%add3A_84, %dma_wait3A_94] : memref<10000x128xf32, #tpu.memory_space<hbm>> -> memref<48x128xf32, #tpu.memory_space<hbm>>
      %dma_wait3A_96 = arith.constant 0 : i32
      %dma_wait3A_97 = tpu.memref_slice %arg6[%add3A_84, %dma_wait3A_96] : memref<10000x128xf32, #tpu.memory_space<hbm>> -> memref<48x128xf32, #tpu.memory_space<hbm>>
      tpu.wait_dma2 semaphore(%run_scoped3A : memref<!tpu.dma_semaphore, #tpu.memory_space<semaphore_mem>>) src(%arg16 : memref<48x128xf32, #tpu.memory_space<vmem>>) dst(%dma_wait3A_97 : memref<48x128xf32, #tpu.memory_space<hbm>>)
      tpu.yield
    }) : () -> ()
    %eq3A_85 = arith.constant 15 : i32
    %eq3A_86 = arith.cmpi eq, %arg1, %eq3A_85 : i32
    %convert_element_type3A_87 = arith.extui %eq3A_86 : i1 to i32
    %cond3A_88 = arith.constant 0 : i32
    %cond3A_89 = arith.cmpi ne, %convert_element_type3A_87, %cond3A_88 : i32
    scf.if %cond3A_89 {
      "tpu.region"() ({
        %run_scoped3A = tpu.sem_alloc : memref<!tpu.dma_semaphore, #tpu.memory_space<semaphore_mem>>
        %dma_start3A_90 = arith.constant 0 : i32
        %dma_start3A_91 = arith.constant 0 : i32
        %dma_start3A_92 = tpu.memref_slice %arg16[%dma_start3A_90, %dma_start3A_91] : memref<48x128xf32, #tpu.memory_space<vmem>> -> memref<16x128xf32, #tpu.memory_space<vmem>>
        %dma_start3A_93 = arith.constant 9984 : i32
        %dma_start3A_94 = arith.constant 0 : i32
        %dma_start3A_95 = tpu.memref_slice %arg17[%dma_start3A_93, %dma_start3A_94] : memref<10000x128xf32, #tpu.memory_space<vmem_shared>> -> memref<16x128xf32, #tpu.memory_space<vmem_shared>>
        %dma_start3A_96 = arith.constant 0 : i32
        %dma_start3A_97 = arith.constant 0 : i32
        %dma_start3A_98 = tpu.memref_slice %arg16[%dma_start3A_96, %dma_start3A_97] : memref<48x128xf32, #tpu.memory_space<vmem>> -> memref<16x128xf32, #tpu.memory_space<vmem>>
        %dma_start3A_99 = arith.constant 9984 : i32
        %dma_start3A_100 = arith.constant 0 : i32
        %dma_start3A_101 = tpu.memref_slice %arg17[%dma_start3A_99, %dma_start3A_100] : memref<10000x128xf32, #tpu.memory_space<vmem_shared>> -> memref<16x128xf32, #tpu.memory_space<vmem_shared>>
        tpu.enqueue_dma source(%dma_start3A_101 : memref<16x128xf32, #tpu.memory_space<vmem_shared>>) target(%dma_start3A_98 : memref<16x128xf32, #tpu.memory_space<vmem>>) target_semaphore(%run_scoped3A : memref<!tpu.dma_semaphore, #tpu.memory_space<semaphore_mem>>)
        %dma_wait3A_102 = arith.constant 0 : i32
        %dma_wait3A_103 = arith.constant 0 : i32
        %dma_wait3A_104 = tpu.memref_slice %arg16[%dma_wait3A_102, %dma_wait3A_103] : memref<48x128xf32, #tpu.memory_space<vmem>> -> memref<16x128xf32, #tpu.memory_space<vmem>>
        %dma_wait3A_105 = arith.constant 9984 : i32
        %dma_wait3A_106 = arith.constant 0 : i32
        %dma_wait3A_107 = tpu.memref_slice %arg17[%dma_wait3A_105, %dma_wait3A_106] : memref<10000x128xf32, #tpu.memory_space<vmem_shared>> -> memref<16x128xf32, #tpu.memory_space<vmem_shared>>
        %dma_wait3A_108 = arith.constant 0 : i32
        %dma_wait3A_109 = arith.constant 0 : i32
        %dma_wait3A_110 = tpu.memref_slice %arg16[%dma_wait3A_108, %dma_wait3A_109] : memref<48x128xf32, #tpu.memory_space<vmem>> -> memref<16x128xf32, #tpu.memory_space<vmem>>
        %dma_wait3A_111 = arith.constant 9984 : i32
        %dma_wait3A_112 = arith.constant 0 : i32
        %dma_wait3A_113 = tpu.memref_slice %arg17[%dma_wait3A_111, %dma_wait3A_112] : memref<10000x128xf32, #tpu.memory_space<vmem_shared>> -> memref<16x128xf32, #tpu.memory_space<vmem_shared>>
        tpu.wait_dma2 semaphore(%run_scoped3A : memref<!tpu.dma_semaphore, #tpu.memory_space<semaphore_mem>>) src(%dma_wait3A_113 : memref<16x128xf32, #tpu.memory_space<vmem_shared>>) dst(%dma_wait3A_110 : memref<16x128xf32, #tpu.memory_space<vmem>>)
        tpu.yield
      }) : () -> ()
      "tpu.region"() ({
        %run_scoped3A = tpu.sem_alloc : memref<!tpu.dma_semaphore, #tpu.memory_space<semaphore_mem>>
        %dma_start3A_90 = arith.constant 0 : i32
        %dma_start3A_91 = arith.constant 0 : i32
        %dma_start3A_92 = tpu.memref_slice %arg16[%dma_start3A_90, %dma_start3A_91] : memref<48x128xf32, #tpu.memory_space<vmem>> -> memref<16x128xf32, #tpu.memory_space<vmem>>
        %dma_start3A_93 = arith.constant 9984 : i32
        %dma_start3A_94 = arith.constant 0 : i32
        %dma_start3A_95 = tpu.memref_slice %arg6[%dma_start3A_93, %dma_start3A_94] : memref<10000x128xf32, #tpu.memory_space<hbm>> -> memref<16x128xf32, #tpu.memory_space<hbm>>
        %dma_start3A_96 = arith.constant 9984 : i32
        %dma_start3A_97 = arith.constant 0 : i32
        %dma_start3A_98 = tpu.memref_slice %arg6[%dma_start3A_96, %dma_start3A_97] : memref<10000x128xf32, #tpu.memory_space<hbm>> -> memref<16x128xf32, #tpu.memory_space<hbm>>
        %dma_start3A_99 = arith.constant 0 : i32
        %dma_start3A_100 = arith.constant 0 : i32
        %dma_start3A_101 = tpu.memref_slice %arg16[%dma_start3A_99, %dma_start3A_100] : memref<48x128xf32, #tpu.memory_space<vmem>> -> memref<16x128xf32, #tpu.memory_space<vmem>>
        tpu.enqueue_dma source(%dma_start3A_101 : memref<16x128xf32, #tpu.memory_space<vmem>>) target(%dma_start3A_98 : memref<16x128xf32, #tpu.memory_space<hbm>>) target_semaphore(%run_scoped3A : memref<!tpu.dma_semaphore, #tpu.memory_space<semaphore_mem>>)
        %dma_wait3A_102 = arith.constant 0 : i32
        %dma_wait3A_103 = arith.constant 0 : i32
        %dma_wait3A_104 = tpu.memref_slice %arg16[%dma_wait3A_102, %dma_wait3A_103] : memref<48x128xf32, #tpu.memory_space<vmem>> -> memref<16x128xf32, #tpu.memory_space<vmem>>
        %dma_wait3A_105 = arith.constant 9984 : i32
        %dma_wait3A_106 = arith.constant 0 : i32
        %dma_wait3A_107 = tpu.memref_slice %arg6[%dma_wait3A_105, %dma_wait3A_106] : memref<10000x128xf32, #tpu.memory_space<hbm>> -> memref<16x128xf32, #tpu.memory_space<hbm>>
        %dma_wait3A_108 = arith.constant 9984 : i32
        %dma_wait3A_109 = arith.constant 0 : i32
        %dma_wait3A_110 = tpu.memref_slice %arg6[%dma_wait3A_108, %dma_wait3A_109] : memref<10000x128xf32, #tpu.memory_space<hbm>> -> memref<16x128xf32, #tpu.memory_space<hbm>>
        %dma_wait3A_111 = arith.constant 0 : i32
        %dma_wait3A_112 = arith.constant 0 : i32
        %dma_wait3A_113 = tpu.memref_slice %arg16[%dma_wait3A_111, %dma_wait3A_112] : memref<48x128xf32, #tpu.memory_space<vmem>> -> memref<16x128xf32, #tpu.memory_space<vmem>>
        tpu.wait_dma2 semaphore(%run_scoped3A : memref<!tpu.dma_semaphore, #tpu.memory_space<semaphore_mem>>) src(%dma_wait3A_113 : memref<16x128xf32, #tpu.memory_space<vmem>>) dst(%dma_wait3A_110 : memref<16x128xf32, #tpu.memory_space<hbm>>)
        tpu.yield
      }) : () -> ()
    } else {
    }
    return
  }
}

#map = affine_map<(d0, d1) -> (0, 0)>
#map1 = affine_map<(d0, d1) -> (0)>
module attributes {stable_mosaic.version = 14 : i64} {
  func.func @body(%arg0: i32, %arg1: i32, %arg2: memref<10000x128xf32, #tpu.memory_space<hbm>>, %arg3: memref<320000xi32, #tpu.memory_space<hbm>>, %arg4: memref<320000xi32, #tpu.memory_space<hbm>>, %arg5: memref<10000x128xf32, #tpu.memory_space<hbm>>, %arg6: memref<10000x128xf32, #tpu.memory_space<hbm>>, %arg7: memref<80xi32, #tpu.memory_space<vmem>>, %arg8: memref<80xi32, #tpu.memory_space<vmem>>, %arg9: memref<80xi32, #tpu.memory_space<vmem>>, %arg10: memref<80xi32, #tpu.memory_space<vmem>>, %arg11: memref<80xi32, #tpu.memory_space<vmem>>, %arg12: memref<80xi32, #tpu.memory_space<vmem>>, %arg13: memref<80x128xf32, #tpu.memory_space<vmem>>, %arg14: memref<80x128xf32, #tpu.memory_space<vmem>>, %arg15: memref<80x128xf32, #tpu.memory_space<vmem>>, %arg16: memref<48x128xf32, #tpu.memory_space<vmem>>, %arg17: memref<10000x128xf32, #tpu.memory_space<vmem_shared>>, %arg18: memref<!tpu.dma_semaphore, #tpu.memory_space<semaphore_mem>>, %arg19: memref<!tpu.dma_semaphore, #tpu.memory_space<semaphore_mem>>, %arg20: memref<!tpu.dma_semaphore, #tpu.memory_space<semaphore_mem>>, %arg21: memref<!tpu.dma_semaphore, #tpu.memory_space<semaphore_mem>>, %arg22: memref<!tpu.dma_semaphore, #tpu.memory_space<semaphore_mem>>, %arg23: memref<!tpu.dma_semaphore, #tpu.memory_space<semaphore_mem>>) attributes {dimension_semantics = [#tpu.dimension_semantics<core_parallel>, #tpu.dimension_semantics<subcore_parallel>], iteration_bounds = array<i64: 1, 16>, scalar_prefetch = 0 : i64, scratch_operands = 17 : i64, tpu.core_type = #tpu.core_type<sc_vector_subcore>, window_params = [{transform_indices = #map}, {transform_indices = #map1}, {transform_indices = #map1}, {transform_indices = #map}, {transform_indices = #map}]} {
    %mul3A = arith.constant 624 : i32
    %mul3A_0 = arith.muli %arg1, %mul3A : i32
    "tpu.region"() ({
      %run_scoped3A = tpu.sem_alloc : memref<!tpu.dma_semaphore, #tpu.memory_space<semaphore_mem>>
      %dma_start3A_90 = arith.constant 0 : i32
      %dma_start3A_91 = arith.constant 0 : i32
      %dma_start3A_92 = tpu.memref_slice %arg5[%dma_start3A_90, %dma_start3A_91] : memref<10000x128xf32, #tpu.memory_space<hbm>> -> memref<48x128xf32, #tpu.memory_space<hbm>>
      %dma_start3A_93 = arith.constant 0 : i32
      %dma_start3A_94 = arith.constant 0 : i32
      %dma_start3A_95 = tpu.memref_slice %arg5[%dma_start3A_93, %dma_start3A_94] : memref<10000x128xf32, #tpu.memory_space<hbm>> -> memref<48x128xf32, #tpu.memory_space<hbm>>
      tpu.enqueue_dma source(%dma_start3A_95 : memref<48x128xf32, #tpu.memory_space<hbm>>) target(%arg16 : memref<48x128xf32, #tpu.memory_space<vmem>>) target_semaphore(%run_scoped3A : memref<!tpu.dma_semaphore, #tpu.memory_space<semaphore_mem>>)
      %dma_wait3A_96 = arith.constant 0 : i32
      %dma_wait3A_97 = arith.constant 0 : i32
      %dma_wait3A_98 = tpu.memref_slice %arg5[%dma_wait3A_96, %dma_wait3A_97] : memref<10000x128xf32, #tpu.memory_space<hbm>> -> memref<48x128xf32, #tpu.memory_space<hbm>>
      %dma_wait3A_99 = arith.constant 0 : i32
      %dma_wait3A_100 = arith.constant 0 : i32
      %dma_wait3A_101 = tpu.memref_slice %arg5[%dma_wait3A_99, %dma_wait3A_100] : memref<10000x128xf32, #tpu.memory_space<hbm>> -> memref<48x128xf32, #tpu.memory_space<hbm>>
      tpu.wait_dma2 semaphore(%run_scoped3A : memref<!tpu.dma_semaphore, #tpu.memory_space<semaphore_mem>>) src(%dma_wait3A_101 : memref<48x128xf32, #tpu.memory_space<hbm>>) dst(%arg16 : memref<48x128xf32, #tpu.memory_space<vmem>>)
      tpu.yield
    }) : () -> ()
    %add3A = arith.constant 0 : i32
    %add3A_1 = arith.addi %mul3A_0, %add3A : i32
    "tpu.region"() ({
      %run_scoped3A = tpu.sem_alloc : memref<!tpu.dma_semaphore, #tpu.memory_space<semaphore_mem>>
      %dma_start3A_90 = arith.constant 0 : i32
      %dma_start3A_91 = tpu.memref_slice %arg17[%add3A_1, %dma_start3A_90] : memref<10000x128xf32, #tpu.memory_space<vmem_shared>> -> memref<48x128xf32, #tpu.memory_space<vmem_shared>>
      %dma_start3A_92 = arith.constant 0 : i32
      %dma_start3A_93 = tpu.memref_slice %arg17[%add3A_1, %dma_start3A_92] : memref<10000x128xf32, #tpu.memory_space<vmem_shared>> -> memref<48x128xf32, #tpu.memory_space<vmem_shared>>
      tpu.enqueue_dma source(%arg16 : memref<48x128xf32, #tpu.memory_space<vmem>>) target(%dma_start3A_93 : memref<48x128xf32, #tpu.memory_space<vmem_shared>>) target_semaphore(%run_scoped3A : memref<!tpu.dma_semaphore, #tpu.memory_space<semaphore_mem>>)
      %dma_wait3A_94 = arith.constant 0 : i32
      %dma_wait3A_95 = tpu.memref_slice %arg17[%add3A_1, %dma_wait3A_94] : memref<10000x128xf32, #tpu.memory_space<vmem_shared>> -> memref<48x128xf32, #tpu.memory_space<vmem_shared>>
      %dma_wait3A_96 = arith.constant 0 : i32
      %dma_wait3A_97 = tpu.memref_slice %arg17[%add3A_1, %dma_wait3A_96] : memref<10000x128xf32, #tpu.memory_space<vmem_shared>> -> memref<48x128xf32, #tpu.memory_space<vmem_shared>>
      tpu.wait_dma2 semaphore(%run_scoped3A : memref<!tpu.dma_semaphore, #tpu.memory_space<semaphore_mem>>) src(%arg16 : memref<48x128xf32, #tpu.memory_space<vmem>>) dst(%dma_wait3A_97 : memref<48x128xf32, #tpu.memory_space<vmem_shared>>)
      tpu.yield
    }) : () -> ()
    %add3A_2 = arith.constant 48 : i32
    %add3A_3 = arith.addi %mul3A_0, %add3A_2 : i32
    "tpu.region"() ({
      %run_scoped3A = tpu.sem_alloc : memref<!tpu.dma_semaphore, #tpu.memory_space<semaphore_mem>>
      %dma_start3A_90 = arith.constant 0 : i32
      %dma_start3A_91 = tpu.memref_slice %arg17[%add3A_3, %dma_start3A_90] : memref<10000x128xf32, #tpu.memory_space<vmem_shared>> -> memref<48x128xf32, #tpu.memory_space<vmem_shared>>
      %dma_start3A_92 = arith.constant 0 : i32
      %dma_start3A_93 = tpu.memref_slice %arg17[%add3A_3, %dma_start3A_92] : memref<10000x128xf32, #tpu.memory_space<vmem_shared>> -> memref<48x128xf32, #tpu.memory_space<vmem_shared>>
      tpu.enqueue_dma source(%arg16 : memref<48x128xf32, #tpu.memory_space<vmem>>) target(%dma_start3A_93 : memref<48x128xf32, #tpu.memory_space<vmem_shared>>) target_semaphore(%run_scoped3A : memref<!tpu.dma_semaphore, #tpu.memory_space<semaphore_mem>>)
      %dma_wait3A_94 = arith.constant 0 : i32
      %dma_wait3A_95 = tpu.memref_slice %arg17[%add3A_3, %dma_wait3A_94] : memref<10000x128xf32, #tpu.memory_space<vmem_shared>> -> memref<48x128xf32, #tpu.memory_space<vmem_shared>>
      %dma_wait3A_96 = arith.constant 0 : i32
      %dma_wait3A_97 = tpu.memref_slice %arg17[%add3A_3, %dma_wait3A_96] : memref<10000x128xf32, #tpu.memory_space<vmem_shared>> -> memref<48x128xf32, #tpu.memory_space<vmem_shared>>
      tpu.wait_dma2 semaphore(%run_scoped3A : memref<!tpu.dma_semaphore, #tpu.memory_space<semaphore_mem>>) src(%arg16 : memref<48x128xf32, #tpu.memory_space<vmem>>) dst(%dma_wait3A_97 : memref<48x128xf32, #tpu.memory_space<vmem_shared>>)
      tpu.yield
    }) : () -> ()
    %add3A_4 = arith.constant 96 : i32
    %add3A_5 = arith.addi %mul3A_0, %add3A_4 : i32
    "tpu.region"() ({
      %run_scoped3A = tpu.sem_alloc : memref<!tpu.dma_semaphore, #tpu.memory_space<semaphore_mem>>
      %dma_start3A_90 = arith.constant 0 : i32
      %dma_start3A_91 = tpu.memref_slice %arg17[%add3A_5, %dma_start3A_90] : memref<10000x128xf32, #tpu.memory_space<vmem_shared>> -> memref<48x128xf32, #tpu.memory_space<vmem_shared>>
      %dma_start3A_92 = arith.constant 0 : i32
      %dma_start3A_93 = tpu.memref_slice %arg17[%add3A_5, %dma_start3A_92] : memref<10000x128xf32, #tpu.memory_space<vmem_shared>> -> memref<48x128xf32, #tpu.memory_space<vmem_shared>>
      tpu.enqueue_dma source(%arg16 : memref<48x128xf32, #tpu.memory_space<vmem>>) target(%dma_start3A_93 : memref<48x128xf32, #tpu.memory_space<vmem_shared>>) target_semaphore(%run_scoped3A : memref<!tpu.dma_semaphore, #tpu.memory_space<semaphore_mem>>)
      %dma_wait3A_94 = arith.constant 0 : i32
      %dma_wait3A_95 = tpu.memref_slice %arg17[%add3A_5, %dma_wait3A_94] : memref<10000x128xf32, #tpu.memory_space<vmem_shared>> -> memref<48x128xf32, #tpu.memory_space<vmem_shared>>
      %dma_wait3A_96 = arith.constant 0 : i32
      %dma_wait3A_97 = tpu.memref_slice %arg17[%add3A_5, %dma_wait3A_96] : memref<10000x128xf32, #tpu.memory_space<vmem_shared>> -> memref<48x128xf32, #tpu.memory_space<vmem_shared>>
      tpu.wait_dma2 semaphore(%run_scoped3A : memref<!tpu.dma_semaphore, #tpu.memory_space<semaphore_mem>>) src(%arg16 : memref<48x128xf32, #tpu.memory_space<vmem>>) dst(%dma_wait3A_97 : memref<48x128xf32, #tpu.memory_space<vmem_shared>>)
      tpu.yield
    }) : () -> ()
    %add3A_6 = arith.constant 144 : i32
    %add3A_7 = arith.addi %mul3A_0, %add3A_6 : i32
    "tpu.region"() ({
      %run_scoped3A = tpu.sem_alloc : memref<!tpu.dma_semaphore, #tpu.memory_space<semaphore_mem>>
      %dma_start3A_90 = arith.constant 0 : i32
      %dma_start3A_91 = tpu.memref_slice %arg17[%add3A_7, %dma_start3A_90] : memref<10000x128xf32, #tpu.memory_space<vmem_shared>> -> memref<48x128xf32, #tpu.memory_space<vmem_shared>>
      %dma_start3A_92 = arith.constant 0 : i32
      %dma_start3A_93 = tpu.memref_slice %arg17[%add3A_7, %dma_start3A_92] : memref<10000x128xf32, #tpu.memory_space<vmem_shared>> -> memref<48x128xf32, #tpu.memory_space<vmem_shared>>
      tpu.enqueue_dma source(%arg16 : memref<48x128xf32, #tpu.memory_space<vmem>>) target(%dma_start3A_93 : memref<48x128xf32, #tpu.memory_space<vmem_shared>>) target_semaphore(%run_scoped3A : memref<!tpu.dma_semaphore, #tpu.memory_space<semaphore_mem>>)
      %dma_wait3A_94 = arith.constant 0 : i32
      %dma_wait3A_95 = tpu.memref_slice %arg17[%add3A_7, %dma_wait3A_94] : memref<10000x128xf32, #tpu.memory_space<vmem_shared>> -> memref<48x128xf32, #tpu.memory_space<vmem_shared>>
      %dma_wait3A_96 = arith.constant 0 : i32
      %dma_wait3A_97 = tpu.memref_slice %arg17[%add3A_7, %dma_wait3A_96] : memref<10000x128xf32, #tpu.memory_space<vmem_shared>> -> memref<48x128xf32, #tpu.memory_space<vmem_shared>>
      tpu.wait_dma2 semaphore(%run_scoped3A : memref<!tpu.dma_semaphore, #tpu.memory_space<semaphore_mem>>) src(%arg16 : memref<48x128xf32, #tpu.memory_space<vmem>>) dst(%dma_wait3A_97 : memref<48x128xf32, #tpu.memory_space<vmem_shared>>)
      tpu.yield
    }) : () -> ()
    %add3A_8 = arith.constant 192 : i32
    %add3A_9 = arith.addi %mul3A_0, %add3A_8 : i32
    "tpu.region"() ({
      %run_scoped3A = tpu.sem_alloc : memref<!tpu.dma_semaphore, #tpu.memory_space<semaphore_mem>>
      %dma_start3A_90 = arith.constant 0 : i32
      %dma_start3A_91 = tpu.memref_slice %arg17[%add3A_9, %dma_start3A_90] : memref<10000x128xf32, #tpu.memory_space<vmem_shared>> -> memref<48x128xf32, #tpu.memory_space<vmem_shared>>
      %dma_start3A_92 = arith.constant 0 : i32
      %dma_start3A_93 = tpu.memref_slice %arg17[%add3A_9, %dma_start3A_92] : memref<10000x128xf32, #tpu.memory_space<vmem_shared>> -> memref<48x128xf32, #tpu.memory_space<vmem_shared>>
      tpu.enqueue_dma source(%arg16 : memref<48x128xf32, #tpu.memory_space<vmem>>) target(%dma_start3A_93 : memref<48x128xf32, #tpu.memory_space<vmem_shared>>) target_semaphore(%run_scoped3A : memref<!tpu.dma_semaphore, #tpu.memory_space<semaphore_mem>>)
      %dma_wait3A_94 = arith.constant 0 : i32
      %dma_wait3A_95 = tpu.memref_slice %arg17[%add3A_9, %dma_wait3A_94] : memref<10000x128xf32, #tpu.memory_space<vmem_shared>> -> memref<48x128xf32, #tpu.memory_space<vmem_shared>>
      %dma_wait3A_96 = arith.constant 0 : i32
      %dma_wait3A_97 = tpu.memref_slice %arg17[%add3A_9, %dma_wait3A_96] : memref<10000x128xf32, #tpu.memory_space<vmem_shared>> -> memref<48x128xf32, #tpu.memory_space<vmem_shared>>
      tpu.wait_dma2 semaphore(%run_scoped3A : memref<!tpu.dma_semaphore, #tpu.memory_space<semaphore_mem>>) src(%arg16 : memref<48x128xf32, #tpu.memory_space<vmem>>) dst(%dma_wait3A_97 : memref<48x128xf32, #tpu.memory_space<vmem_shared>>)
      tpu.yield
    }) : () -> ()
    %add3A_10 = arith.constant 240 : i32
    %add3A_11 = arith.addi %mul3A_0, %add3A_10 : i32
    "tpu.region"() ({
      %run_scoped3A = tpu.sem_alloc : memref<!tpu.dma_semaphore, #tpu.memory_space<semaphore_mem>>
      %dma_start3A_90 = arith.constant 0 : i32
      %dma_start3A_91 = tpu.memref_slice %arg17[%add3A_11, %dma_start3A_90] : memref<10000x128xf32, #tpu.memory_space<vmem_shared>> -> memref<48x128xf32, #tpu.memory_space<vmem_shared>>
      %dma_start3A_92 = arith.constant 0 : i32
      %dma_start3A_93 = tpu.memref_slice %arg17[%add3A_11, %dma_start3A_92] : memref<10000x128xf32, #tpu.memory_space<vmem_shared>> -> memref<48x128xf32, #tpu.memory_space<vmem_shared>>
      tpu.enqueue_dma source(%arg16 : memref<48x128xf32, #tpu.memory_space<vmem>>) target(%dma_start3A_93 : memref<48x128xf32, #tpu.memory_space<vmem_shared>>) target_semaphore(%run_scoped3A : memref<!tpu.dma_semaphore, #tpu.memory_space<semaphore_mem>>)
      %dma_wait3A_94 = arith.constant 0 : i32
      %dma_wait3A_95 = tpu.memref_slice %arg17[%add3A_11, %dma_wait3A_94] : memref<10000x128xf32, #tpu.memory_space<vmem_shared>> -> memref<48x128xf32, #tpu.memory_space<vmem_shared>>
      %dma_wait3A_96 = arith.constant 0 : i32
      %dma_wait3A_97 = tpu.memref_slice %arg17[%add3A_11, %dma_wait3A_96] : memref<10000x128xf32, #tpu.memory_space<vmem_shared>> -> memref<48x128xf32, #tpu.memory_space<vmem_shared>>
      tpu.wait_dma2 semaphore(%run_scoped3A : memref<!tpu.dma_semaphore, #tpu.memory_space<semaphore_mem>>) src(%arg16 : memref<48x128xf32, #tpu.memory_space<vmem>>) dst(%dma_wait3A_97 : memref<48x128xf32, #tpu.memory_space<vmem_shared>>)
      tpu.yield
    }) : () -> ()
    %add3A_12 = arith.constant 288 : i32
    %add3A_13 = arith.addi %mul3A_0, %add3A_12 : i32
    "tpu.region"() ({
      %run_scoped3A = tpu.sem_alloc : memref<!tpu.dma_semaphore, #tpu.memory_space<semaphore_mem>>
      %dma_start3A_90 = arith.constant 0 : i32
      %dma_start3A_91 = tpu.memref_slice %arg17[%add3A_13, %dma_start3A_90] : memref<10000x128xf32, #tpu.memory_space<vmem_shared>> -> memref<48x128xf32, #tpu.memory_space<vmem_shared>>
      %dma_start3A_92 = arith.constant 0 : i32
      %dma_start3A_93 = tpu.memref_slice %arg17[%add3A_13, %dma_start3A_92] : memref<10000x128xf32, #tpu.memory_space<vmem_shared>> -> memref<48x128xf32, #tpu.memory_space<vmem_shared>>
      tpu.enqueue_dma source(%arg16 : memref<48x128xf32, #tpu.memory_space<vmem>>) target(%dma_start3A_93 : memref<48x128xf32, #tpu.memory_space<vmem_shared>>) target_semaphore(%run_scoped3A : memref<!tpu.dma_semaphore, #tpu.memory_space<semaphore_mem>>)
      %dma_wait3A_94 = arith.constant 0 : i32
      %dma_wait3A_95 = tpu.memref_slice %arg17[%add3A_13, %dma_wait3A_94] : memref<10000x128xf32, #tpu.memory_space<vmem_shared>> -> memref<48x128xf32, #tpu.memory_space<vmem_shared>>
      %dma_wait3A_96 = arith.constant 0 : i32
      %dma_wait3A_97 = tpu.memref_slice %arg17[%add3A_13, %dma_wait3A_96] : memref<10000x128xf32, #tpu.memory_space<vmem_shared>> -> memref<48x128xf32, #tpu.memory_space<vmem_shared>>
      tpu.wait_dma2 semaphore(%run_scoped3A : memref<!tpu.dma_semaphore, #tpu.memory_space<semaphore_mem>>) src(%arg16 : memref<48x128xf32, #tpu.memory_space<vmem>>) dst(%dma_wait3A_97 : memref<48x128xf32, #tpu.memory_space<vmem_shared>>)
      tpu.yield
    }) : () -> ()
    %add3A_14 = arith.constant 336 : i32
    %add3A_15 = arith.addi %mul3A_0, %add3A_14 : i32
    "tpu.region"() ({
      %run_scoped3A = tpu.sem_alloc : memref<!tpu.dma_semaphore, #tpu.memory_space<semaphore_mem>>
      %dma_start3A_90 = arith.constant 0 : i32
      %dma_start3A_91 = tpu.memref_slice %arg17[%add3A_15, %dma_start3A_90] : memref<10000x128xf32, #tpu.memory_space<vmem_shared>> -> memref<48x128xf32, #tpu.memory_space<vmem_shared>>
      %dma_start3A_92 = arith.constant 0 : i32
      %dma_start3A_93 = tpu.memref_slice %arg17[%add3A_15, %dma_start3A_92] : memref<10000x128xf32, #tpu.memory_space<vmem_shared>> -> memref<48x128xf32, #tpu.memory_space<vmem_shared>>
      tpu.enqueue_dma source(%arg16 : memref<48x128xf32, #tpu.memory_space<vmem>>) target(%dma_start3A_93 : memref<48x128xf32, #tpu.memory_space<vmem_shared>>) target_semaphore(%run_scoped3A : memref<!tpu.dma_semaphore, #tpu.memory_space<semaphore_mem>>)
      %dma_wait3A_94 = arith.constant 0 : i32
      %dma_wait3A_95 = tpu.memref_slice %arg17[%add3A_15, %dma_wait3A_94] : memref<10000x128xf32, #tpu.memory_space<vmem_shared>> -> memref<48x128xf32, #tpu.memory_space<vmem_shared>>
      %dma_wait3A_96 = arith.constant 0 : i32
      %dma_wait3A_97 = tpu.memref_slice %arg17[%add3A_15, %dma_wait3A_96] : memref<10000x128xf32, #tpu.memory_space<vmem_shared>> -> memref<48x128xf32, #tpu.memory_space<vmem_shared>>
      tpu.wait_dma2 semaphore(%run_scoped3A : memref<!tpu.dma_semaphore, #tpu.memory_space<semaphore_mem>>) src(%arg16 : memref<48x128xf32, #tpu.memory_space<vmem>>) dst(%dma_wait3A_97 : memref<48x128xf32, #tpu.memory_space<vmem_shared>>)
      tpu.yield
    }) : () -> ()
    %add3A_16 = arith.constant 384 : i32
    %add3A_17 = arith.addi %mul3A_0, %add3A_16 : i32
    "tpu.region"() ({
      %run_scoped3A = tpu.sem_alloc : memref<!tpu.dma_semaphore, #tpu.memory_space<semaphore_mem>>
      %dma_start3A_90 = arith.constant 0 : i32
      %dma_start3A_91 = tpu.memref_slice %arg17[%add3A_17, %dma_start3A_90] : memref<10000x128xf32, #tpu.memory_space<vmem_shared>> -> memref<48x128xf32, #tpu.memory_space<vmem_shared>>
      %dma_start3A_92 = arith.constant 0 : i32
      %dma_start3A_93 = tpu.memref_slice %arg17[%add3A_17, %dma_start3A_92] : memref<10000x128xf32, #tpu.memory_space<vmem_shared>> -> memref<48x128xf32, #tpu.memory_space<vmem_shared>>
      tpu.enqueue_dma source(%arg16 : memref<48x128xf32, #tpu.memory_space<vmem>>) target(%dma_start3A_93 : memref<48x128xf32, #tpu.memory_space<vmem_shared>>) target_semaphore(%run_scoped3A : memref<!tpu.dma_semaphore, #tpu.memory_space<semaphore_mem>>)
      %dma_wait3A_94 = arith.constant 0 : i32
      %dma_wait3A_95 = tpu.memref_slice %arg17[%add3A_17, %dma_wait3A_94] : memref<10000x128xf32, #tpu.memory_space<vmem_shared>> -> memref<48x128xf32, #tpu.memory_space<vmem_shared>>
      %dma_wait3A_96 = arith.constant 0 : i32
      %dma_wait3A_97 = tpu.memref_slice %arg17[%add3A_17, %dma_wait3A_96] : memref<10000x128xf32, #tpu.memory_space<vmem_shared>> -> memref<48x128xf32, #tpu.memory_space<vmem_shared>>
      tpu.wait_dma2 semaphore(%run_scoped3A : memref<!tpu.dma_semaphore, #tpu.memory_space<semaphore_mem>>) src(%arg16 : memref<48x128xf32, #tpu.memory_space<vmem>>) dst(%dma_wait3A_97 : memref<48x128xf32, #tpu.memory_space<vmem_shared>>)
      tpu.yield
    }) : () -> ()
    %add3A_18 = arith.constant 432 : i32
    %add3A_19 = arith.addi %mul3A_0, %add3A_18 : i32
    "tpu.region"() ({
      %run_scoped3A = tpu.sem_alloc : memref<!tpu.dma_semaphore, #tpu.memory_space<semaphore_mem>>
      %dma_start3A_90 = arith.constant 0 : i32
      %dma_start3A_91 = tpu.memref_slice %arg17[%add3A_19, %dma_start3A_90] : memref<10000x128xf32, #tpu.memory_space<vmem_shared>> -> memref<48x128xf32, #tpu.memory_space<vmem_shared>>
      %dma_start3A_92 = arith.constant 0 : i32
      %dma_start3A_93 = tpu.memref_slice %arg17[%add3A_19, %dma_start3A_92] : memref<10000x128xf32, #tpu.memory_space<vmem_shared>> -> memref<48x128xf32, #tpu.memory_space<vmem_shared>>
      tpu.enqueue_dma source(%arg16 : memref<48x128xf32, #tpu.memory_space<vmem>>) target(%dma_start3A_93 : memref<48x128xf32, #tpu.memory_space<vmem_shared>>) target_semaphore(%run_scoped3A : memref<!tpu.dma_semaphore, #tpu.memory_space<semaphore_mem>>)
      %dma_wait3A_94 = arith.constant 0 : i32
      %dma_wait3A_95 = tpu.memref_slice %arg17[%add3A_19, %dma_wait3A_94] : memref<10000x128xf32, #tpu.memory_space<vmem_shared>> -> memref<48x128xf32, #tpu.memory_space<vmem_shared>>
      %dma_wait3A_96 = arith.constant 0 : i32
      %dma_wait3A_97 = tpu.memref_slice %arg17[%add3A_19, %dma_wait3A_96] : memref<10000x128xf32, #tpu.memory_space<vmem_shared>> -> memref<48x128xf32, #tpu.memory_space<vmem_shared>>
      tpu.wait_dma2 semaphore(%run_scoped3A : memref<!tpu.dma_semaphore, #tpu.memory_space<semaphore_mem>>) src(%arg16 : memref<48x128xf32, #tpu.memory_space<vmem>>) dst(%dma_wait3A_97 : memref<48x128xf32, #tpu.memory_space<vmem_shared>>)
      tpu.yield
    }) : () -> ()
    %add3A_20 = arith.constant 480 : i32
    %add3A_21 = arith.addi %mul3A_0, %add3A_20 : i32
    "tpu.region"() ({
      %run_scoped3A = tpu.sem_alloc : memref<!tpu.dma_semaphore, #tpu.memory_space<semaphore_mem>>
      %dma_start3A_90 = arith.constant 0 : i32
      %dma_start3A_91 = tpu.memref_slice %arg17[%add3A_21, %dma_start3A_90] : memref<10000x128xf32, #tpu.memory_space<vmem_shared>> -> memref<48x128xf32, #tpu.memory_space<vmem_shared>>
      %dma_start3A_92 = arith.constant 0 : i32
      %dma_start3A_93 = tpu.memref_slice %arg17[%add3A_21, %dma_start3A_92] : memref<10000x128xf32, #tpu.memory_space<vmem_shared>> -> memref<48x128xf32, #tpu.memory_space<vmem_shared>>
      tpu.enqueue_dma source(%arg16 : memref<48x128xf32, #tpu.memory_space<vmem>>) target(%dma_start3A_93 : memref<48x128xf32, #tpu.memory_space<vmem_shared>>) target_semaphore(%run_scoped3A : memref<!tpu.dma_semaphore, #tpu.memory_space<semaphore_mem>>)
      %dma_wait3A_94 = arith.constant 0 : i32
      %dma_wait3A_95 = tpu.memref_slice %arg17[%add3A_21, %dma_wait3A_94] : memref<10000x128xf32, #tpu.memory_space<vmem_shared>> -> memref<48x128xf32, #tpu.memory_space<vmem_shared>>
      %dma_wait3A_96 = arith.constant 0 : i32
      %dma_wait3A_97 = tpu.memref_slice %arg17[%add3A_21, %dma_wait3A_96] : memref<10000x128xf32, #tpu.memory_space<vmem_shared>> -> memref<48x128xf32, #tpu.memory_space<vmem_shared>>
      tpu.wait_dma2 semaphore(%run_scoped3A : memref<!tpu.dma_semaphore, #tpu.memory_space<semaphore_mem>>) src(%arg16 : memref<48x128xf32, #tpu.memory_space<vmem>>) dst(%dma_wait3A_97 : memref<48x128xf32, #tpu.memory_space<vmem_shared>>)
      tpu.yield
    }) : () -> ()
    %add3A_22 = arith.constant 528 : i32
    %add3A_23 = arith.addi %mul3A_0, %add3A_22 : i32
    "tpu.region"() ({
      %run_scoped3A = tpu.sem_alloc : memref<!tpu.dma_semaphore, #tpu.memory_space<semaphore_mem>>
      %dma_start3A_90 = arith.constant 0 : i32
      %dma_start3A_91 = tpu.memref_slice %arg17[%add3A_23, %dma_start3A_90] : memref<10000x128xf32, #tpu.memory_space<vmem_shared>> -> memref<48x128xf32, #tpu.memory_space<vmem_shared>>
      %dma_start3A_92 = arith.constant 0 : i32
      %dma_start3A_93 = tpu.memref_slice %arg17[%add3A_23, %dma_start3A_92] : memref<10000x128xf32, #tpu.memory_space<vmem_shared>> -> memref<48x128xf32, #tpu.memory_space<vmem_shared>>
      tpu.enqueue_dma source(%arg16 : memref<48x128xf32, #tpu.memory_space<vmem>>) target(%dma_start3A_93 : memref<48x128xf32, #tpu.memory_space<vmem_shared>>) target_semaphore(%run_scoped3A : memref<!tpu.dma_semaphore, #tpu.memory_space<semaphore_mem>>)
      %dma_wait3A_94 = arith.constant 0 : i32
      %dma_wait3A_95 = tpu.memref_slice %arg17[%add3A_23, %dma_wait3A_94] : memref<10000x128xf32, #tpu.memory_space<vmem_shared>> -> memref<48x128xf32, #tpu.memory_space<vmem_shared>>
      %dma_wait3A_96 = arith.constant 0 : i32
      %dma_wait3A_97 = tpu.memref_slice %arg17[%add3A_23, %dma_wait3A_96] : memref<10000x128xf32, #tpu.memory_space<vmem_shared>> -> memref<48x128xf32, #tpu.memory_space<vmem_shared>>
      tpu.wait_dma2 semaphore(%run_scoped3A : memref<!tpu.dma_semaphore, #tpu.memory_space<semaphore_mem>>) src(%arg16 : memref<48x128xf32, #tpu.memory_space<vmem>>) dst(%dma_wait3A_97 : memref<48x128xf32, #tpu.memory_space<vmem_shared>>)
      tpu.yield
    }) : () -> ()
    %add3A_24 = arith.constant 576 : i32
    %add3A_25 = arith.addi %mul3A_0, %add3A_24 : i32
    "tpu.region"() ({
      %run_scoped3A = tpu.sem_alloc : memref<!tpu.dma_semaphore, #tpu.memory_space<semaphore_mem>>
      %dma_start3A_90 = arith.constant 0 : i32
      %dma_start3A_91 = tpu.memref_slice %arg17[%add3A_25, %dma_start3A_90] : memref<10000x128xf32, #tpu.memory_space<vmem_shared>> -> memref<48x128xf32, #tpu.memory_space<vmem_shared>>
      %dma_start3A_92 = arith.constant 0 : i32
      %dma_start3A_93 = tpu.memref_slice %arg17[%add3A_25, %dma_start3A_92] : memref<10000x128xf32, #tpu.memory_space<vmem_shared>> -> memref<48x128xf32, #tpu.memory_space<vmem_shared>>
      tpu.enqueue_dma source(%arg16 : memref<48x128xf32, #tpu.memory_space<vmem>>) target(%dma_start3A_93 : memref<48x128xf32, #tpu.memory_space<vmem_shared>>) target_semaphore(%run_scoped3A : memref<!tpu.dma_semaphore, #tpu.memory_space<semaphore_mem>>)
      %dma_wait3A_94 = arith.constant 0 : i32
      %dma_wait3A_95 = tpu.memref_slice %arg17[%add3A_25, %dma_wait3A_94] : memref<10000x128xf32, #tpu.memory_space<vmem_shared>> -> memref<48x128xf32, #tpu.memory_space<vmem_shared>>
      %dma_wait3A_96 = arith.constant 0 : i32
      %dma_wait3A_97 = tpu.memref_slice %arg17[%add3A_25, %dma_wait3A_96] : memref<10000x128xf32, #tpu.memory_space<vmem_shared>> -> memref<48x128xf32, #tpu.memory_space<vmem_shared>>
      tpu.wait_dma2 semaphore(%run_scoped3A : memref<!tpu.dma_semaphore, #tpu.memory_space<semaphore_mem>>) src(%arg16 : memref<48x128xf32, #tpu.memory_space<vmem>>) dst(%dma_wait3A_97 : memref<48x128xf32, #tpu.memory_space<vmem_shared>>)
      tpu.yield
    }) : () -> ()
    %eq3A = arith.constant 15 : i32
    %eq3A_26 = arith.cmpi eq, %arg1, %eq3A : i32
    %convert_element_type3A = arith.extui %eq3A_26 : i1 to i32
    %cond3A = arith.constant 0 : i32
    %cond3A_27 = arith.cmpi ne, %convert_element_type3A, %cond3A : i32
    scf.if %cond3A_27 {
      "tpu.region"() ({
        %run_scoped3A = tpu.sem_alloc : memref<!tpu.dma_semaphore, #tpu.memory_space<semaphore_mem>>
        %dma_start3A_90 = arith.constant 0 : i32
        %dma_start3A_91 = arith.constant 0 : i32
        %dma_start3A_92 = tpu.memref_slice %arg16[%dma_start3A_90, %dma_start3A_91] : memref<48x128xf32, #tpu.memory_space<vmem>> -> memref<16x128xf32, #tpu.memory_space<vmem>>
        %dma_start3A_93 = arith.constant 9984 : i32
        %dma_start3A_94 = arith.constant 0 : i32
        %dma_start3A_95 = tpu.memref_slice %arg17[%dma_start3A_93, %dma_start3A_94] : memref<10000x128xf32, #tpu.memory_space<vmem_shared>> -> memref<16x128xf32, #tpu.memory_space<vmem_shared>>
        %dma_start3A_96 = arith.constant 9984 : i32
        %dma_start3A_97 = arith.constant 0 : i32
        %dma_start3A_98 = tpu.memref_slice %arg17[%dma_start3A_96, %dma_start3A_97] : memref<10000x128xf32, #tpu.memory_space<vmem_shared>> -> memref<16x128xf32, #tpu.memory_space<vmem_shared>>
        %dma_start3A_99 = arith.constant 0 : i32
        %dma_start3A_100 = arith.constant 0 : i32
        %dma_start3A_101 = tpu.memref_slice %arg16[%dma_start3A_99, %dma_start3A_100] : memref<48x128xf32, #tpu.memory_space<vmem>> -> memref<16x128xf32, #tpu.memory_space<vmem>>
        tpu.enqueue_dma source(%dma_start3A_101 : memref<16x128xf32, #tpu.memory_space<vmem>>) target(%dma_start3A_98 : memref<16x128xf32, #tpu.memory_space<vmem_shared>>) target_semaphore(%run_scoped3A : memref<!tpu.dma_semaphore, #tpu.memory_space<semaphore_mem>>)
        %dma_wait3A_102 = arith.constant 0 : i32
        %dma_wait3A_103 = arith.constant 0 : i32
        %dma_wait3A_104 = tpu.memref_slice %arg16[%dma_wait3A_102, %dma_wait3A_103] : memref<48x128xf32, #tpu.memory_space<vmem>> -> memref<16x128xf32, #tpu.memory_space<vmem>>
        %dma_wait3A_105 = arith.constant 9984 : i32
        %dma_wait3A_106 = arith.constant 0 : i32
        %dma_wait3A_107 = tpu.memref_slice %arg17[%dma_wait3A_105, %dma_wait3A_106] : memref<10000x128xf32, #tpu.memory_space<vmem_shared>> -> memref<16x128xf32, #tpu.memory_space<vmem_shared>>
        %dma_wait3A_108 = arith.constant 9984 : i32
        %dma_wait3A_109 = arith.constant 0 : i32
        %dma_wait3A_110 = tpu.memref_slice %arg17[%dma_wait3A_108, %dma_wait3A_109] : memref<10000x128xf32, #tpu.memory_space<vmem_shared>> -> memref<16x128xf32, #tpu.memory_space<vmem_shared>>
        %dma_wait3A_111 = arith.constant 0 : i32
        %dma_wait3A_112 = arith.constant 0 : i32
        %dma_wait3A_113 = tpu.memref_slice %arg16[%dma_wait3A_111, %dma_wait3A_112] : memref<48x128xf32, #tpu.memory_space<vmem>> -> memref<16x128xf32, #tpu.memory_space<vmem>>
        tpu.wait_dma2 semaphore(%run_scoped3A : memref<!tpu.dma_semaphore, #tpu.memory_space<semaphore_mem>>) src(%dma_wait3A_113 : memref<16x128xf32, #tpu.memory_space<vmem>>) dst(%dma_wait3A_110 : memref<16x128xf32, #tpu.memory_space<vmem_shared>>)
        tpu.yield
      }) : () -> ()
    } else {
    }
    %barrier3A = arith.constant 0 : index
    tpu.barrier barrier_id(%barrier3A)
    %mul3A_28 = arith.constant 20000 : i32
    %mul3A_29 = arith.muli %arg1, %mul3A_28 : i32
    %scan3A = arith.constant 0 : i32
    %scan3A_30 = arith.constant 0 : i32
    %scan3A_31 = arith.constant 83 : i32
    %scan3A_32 = arith.addi %scan3A_30, %scan3A_31 : i32
    %scan3A_33 = arith.constant 1 : i32
    scf.for %scan3A_90 = %scan3A_30 to %scan3A_32 step %scan3A_33  : i32 {
      %mul3A_91 = arith.constant 240 : i32
      %mul3A_92 = arith.muli %scan3A_90, %mul3A_91 : i32
      %add3A_93 = arith.addi %mul3A_29, %mul3A_92 : i32
      %add3A_94 = arith.constant 0 : i32
      %add3A_95 = arith.addi %add3A_93, %add3A_94 : i32
      "tpu.region"() ({
        %run_scoped3A = tpu.sem_alloc : memref<!tpu.dma_semaphore, #tpu.memory_space<semaphore_mem>>
        %dma_start3A_147 = tpu.memref_slice %arg3[%add3A_95] : memref<320000xi32, #tpu.memory_space<hbm>> -> memref<80xi32, #tpu.memory_space<hbm>>
        %dma_start3A_148 = tpu.memref_slice %arg3[%add3A_95] : memref<320000xi32, #tpu.memory_space<hbm>> -> memref<80xi32, #tpu.memory_space<hbm>>
        tpu.enqueue_dma source(%dma_start3A_148 : memref<80xi32, #tpu.memory_space<hbm>>) target(%arg7 : memref<80xi32, #tpu.memory_space<vmem>>) target_semaphore(%run_scoped3A : memref<!tpu.dma_semaphore, #tpu.memory_space<semaphore_mem>>)
        %dma_wait3A_149 = tpu.memref_slice %arg3[%add3A_95] : memref<320000xi32, #tpu.memory_space<hbm>> -> memref<80xi32, #tpu.memory_space<hbm>>
        %dma_wait3A_150 = tpu.memref_slice %arg3[%add3A_95] : memref<320000xi32, #tpu.memory_space<hbm>> -> memref<80xi32, #tpu.memory_space<hbm>>
        tpu.wait_dma2 semaphore(%run_scoped3A : memref<!tpu.dma_semaphore, #tpu.memory_space<semaphore_mem>>) src(%dma_wait3A_150 : memref<80xi32, #tpu.memory_space<hbm>>) dst(%arg7 : memref<80xi32, #tpu.memory_space<vmem>>)
        tpu.yield
      }) : () -> ()
      %gt3A = arith.constant 0 : i32
      %gt3A_96 = arith.cmpi sgt, %scan3A_90, %gt3A : i32
      %convert_element_type3A_97 = arith.extui %gt3A_96 : i1 to i32
      %cond3A_98 = arith.constant 0 : i32
      %cond3A_99 = arith.cmpi ne, %convert_element_type3A_97, %cond3A_98 : i32
      scf.if %cond3A_99 {
        %dma_wait3A_147 = arith.constant 0 : i32
        %dma_wait3A_148 = arith.constant 0 : i32
        %dma_wait3A_149 = tpu.memref_slice %arg17[%dma_wait3A_147, %dma_wait3A_148] : memref<10000x128xf32, #tpu.memory_space<vmem_shared>> -> memref<10000x128xf32, #tpu.memory_space<vmem_shared>>
        tpu.wait_indirect_dma semaphore(%arg21 : memref<!tpu.dma_semaphore, #tpu.memory_space<semaphore_mem>>) src(%arg13 : memref<80x128xf32, #tpu.memory_space<vmem>>) dst(%dma_wait3A_149 : memref<10000x128xf32, #tpu.memory_space<vmem_shared>>)
      } else {
      }
      %dma_start3A_100 = arith.constant 0 : i32
      %dma_start3A_101 = arith.constant 0 : i32
      %dma_start3A_102 = tpu.memref_slice %arg2[%dma_start3A_100, %dma_start3A_101] : memref<10000x128xf32, #tpu.memory_space<hbm>> -> memref<10000x128xf32, #tpu.memory_space<hbm>>
      tpu.enqueue_indirect_dma source(%dma_start3A_102 : memref<10000x128xf32, #tpu.memory_space<hbm>>) target(%arg13 : memref<80x128xf32, #tpu.memory_space<vmem>>) offsets(%arg7 : memref<80xi32, #tpu.memory_space<vmem>>) semaphore(%arg18 : memref<!tpu.dma_semaphore, #tpu.memory_space<semaphore_mem>>)
      %add3A_103 = arith.constant 0 : i32
      %add3A_104 = arith.addi %add3A_93, %add3A_103 : i32
      "tpu.region"() ({
        %run_scoped3A = tpu.sem_alloc : memref<!tpu.dma_semaphore, #tpu.memory_space<semaphore_mem>>
        %dma_start3A_147 = tpu.memref_slice %arg4[%add3A_104] : memref<320000xi32, #tpu.memory_space<hbm>> -> memref<80xi32, #tpu.memory_space<hbm>>
        %dma_start3A_148 = tpu.memref_slice %arg4[%add3A_104] : memref<320000xi32, #tpu.memory_space<hbm>> -> memref<80xi32, #tpu.memory_space<hbm>>
        tpu.enqueue_dma source(%dma_start3A_148 : memref<80xi32, #tpu.memory_space<hbm>>) target(%arg10 : memref<80xi32, #tpu.memory_space<vmem>>) target_semaphore(%run_scoped3A : memref<!tpu.dma_semaphore, #tpu.memory_space<semaphore_mem>>)
        %dma_wait3A_149 = tpu.memref_slice %arg4[%add3A_104] : memref<320000xi32, #tpu.memory_space<hbm>> -> memref<80xi32, #tpu.memory_space<hbm>>
        %dma_wait3A_150 = tpu.memref_slice %arg4[%add3A_104] : memref<320000xi32, #tpu.memory_space<hbm>> -> memref<80xi32, #tpu.memory_space<hbm>>
        tpu.wait_dma2 semaphore(%run_scoped3A : memref<!tpu.dma_semaphore, #tpu.memory_space<semaphore_mem>>) src(%dma_wait3A_150 : memref<80xi32, #tpu.memory_space<hbm>>) dst(%arg10 : memref<80xi32, #tpu.memory_space<vmem>>)
        tpu.yield
      }) : () -> ()
      %add3A_105 = arith.constant 80 : i32
      %add3A_106 = arith.addi %add3A_93, %add3A_105 : i32
      "tpu.region"() ({
        %run_scoped3A = tpu.sem_alloc : memref<!tpu.dma_semaphore, #tpu.memory_space<semaphore_mem>>
        %dma_start3A_147 = tpu.memref_slice %arg3[%add3A_106] : memref<320000xi32, #tpu.memory_space<hbm>> -> memref<80xi32, #tpu.memory_space<hbm>>
        %dma_start3A_148 = tpu.memref_slice %arg3[%add3A_106] : memref<320000xi32, #tpu.memory_space<hbm>> -> memref<80xi32, #tpu.memory_space<hbm>>
        tpu.enqueue_dma source(%dma_start3A_148 : memref<80xi32, #tpu.memory_space<hbm>>) target(%arg8 : memref<80xi32, #tpu.memory_space<vmem>>) target_semaphore(%run_scoped3A : memref<!tpu.dma_semaphore, #tpu.memory_space<semaphore_mem>>)
        %dma_wait3A_149 = tpu.memref_slice %arg3[%add3A_106] : memref<320000xi32, #tpu.memory_space<hbm>> -> memref<80xi32, #tpu.memory_space<hbm>>
        %dma_wait3A_150 = tpu.memref_slice %arg3[%add3A_106] : memref<320000xi32, #tpu.memory_space<hbm>> -> memref<80xi32, #tpu.memory_space<hbm>>
        tpu.wait_dma2 semaphore(%run_scoped3A : memref<!tpu.dma_semaphore, #tpu.memory_space<semaphore_mem>>) src(%dma_wait3A_150 : memref<80xi32, #tpu.memory_space<hbm>>) dst(%arg8 : memref<80xi32, #tpu.memory_space<vmem>>)
        tpu.yield
      }) : () -> ()
      %gt3A_107 = arith.constant 0 : i32
      %gt3A_108 = arith.cmpi sgt, %scan3A_90, %gt3A_107 : i32
      %convert_element_type3A_109 = arith.extui %gt3A_108 : i1 to i32
      %cond3A_110 = arith.constant 0 : i32
      %cond3A_111 = arith.cmpi ne, %convert_element_type3A_109, %cond3A_110 : i32
      scf.if %cond3A_111 {
        %dma_wait3A_147 = arith.constant 0 : i32
        %dma_wait3A_148 = arith.constant 0 : i32
        %dma_wait3A_149 = tpu.memref_slice %arg17[%dma_wait3A_147, %dma_wait3A_148] : memref<10000x128xf32, #tpu.memory_space<vmem_shared>> -> memref<10000x128xf32, #tpu.memory_space<vmem_shared>>
        tpu.wait_indirect_dma semaphore(%arg22 : memref<!tpu.dma_semaphore, #tpu.memory_space<semaphore_mem>>) src(%arg14 : memref<80x128xf32, #tpu.memory_space<vmem>>) dst(%dma_wait3A_149 : memref<10000x128xf32, #tpu.memory_space<vmem_shared>>)
      } else {
      }
      %dma_start3A_112 = arith.constant 0 : i32
      %dma_start3A_113 = arith.constant 0 : i32
      %dma_start3A_114 = tpu.memref_slice %arg2[%dma_start3A_112, %dma_start3A_113] : memref<10000x128xf32, #tpu.memory_space<hbm>> -> memref<10000x128xf32, #tpu.memory_space<hbm>>
      tpu.enqueue_indirect_dma source(%dma_start3A_114 : memref<10000x128xf32, #tpu.memory_space<hbm>>) target(%arg14 : memref<80x128xf32, #tpu.memory_space<vmem>>) offsets(%arg8 : memref<80xi32, #tpu.memory_space<vmem>>) semaphore(%arg19 : memref<!tpu.dma_semaphore, #tpu.memory_space<semaphore_mem>>)
      %add3A_115 = arith.constant 80 : i32
      %add3A_116 = arith.addi %add3A_93, %add3A_115 : i32
      "tpu.region"() ({
        %run_scoped3A = tpu.sem_alloc : memref<!tpu.dma_semaphore, #tpu.memory_space<semaphore_mem>>
        %dma_start3A_147 = tpu.memref_slice %arg4[%add3A_116] : memref<320000xi32, #tpu.memory_space<hbm>> -> memref<80xi32, #tpu.memory_space<hbm>>
        %dma_start3A_148 = tpu.memref_slice %arg4[%add3A_116] : memref<320000xi32, #tpu.memory_space<hbm>> -> memref<80xi32, #tpu.memory_space<hbm>>
        tpu.enqueue_dma source(%dma_start3A_148 : memref<80xi32, #tpu.memory_space<hbm>>) target(%arg11 : memref<80xi32, #tpu.memory_space<vmem>>) target_semaphore(%run_scoped3A : memref<!tpu.dma_semaphore, #tpu.memory_space<semaphore_mem>>)
        %dma_wait3A_149 = tpu.memref_slice %arg4[%add3A_116] : memref<320000xi32, #tpu.memory_space<hbm>> -> memref<80xi32, #tpu.memory_space<hbm>>
        %dma_wait3A_150 = tpu.memref_slice %arg4[%add3A_116] : memref<320000xi32, #tpu.memory_space<hbm>> -> memref<80xi32, #tpu.memory_space<hbm>>
        tpu.wait_dma2 semaphore(%run_scoped3A : memref<!tpu.dma_semaphore, #tpu.memory_space<semaphore_mem>>) src(%dma_wait3A_150 : memref<80xi32, #tpu.memory_space<hbm>>) dst(%arg11 : memref<80xi32, #tpu.memory_space<vmem>>)
        tpu.yield
      }) : () -> ()
      %add3A_117 = arith.constant 160 : i32
      %add3A_118 = arith.addi %add3A_93, %add3A_117 : i32
      "tpu.region"() ({
        %run_scoped3A = tpu.sem_alloc : memref<!tpu.dma_semaphore, #tpu.memory_space<semaphore_mem>>
        %dma_start3A_147 = tpu.memref_slice %arg3[%add3A_118] : memref<320000xi32, #tpu.memory_space<hbm>> -> memref<80xi32, #tpu.memory_space<hbm>>
        %dma_start3A_148 = tpu.memref_slice %arg3[%add3A_118] : memref<320000xi32, #tpu.memory_space<hbm>> -> memref<80xi32, #tpu.memory_space<hbm>>
        tpu.enqueue_dma source(%dma_start3A_148 : memref<80xi32, #tpu.memory_space<hbm>>) target(%arg9 : memref<80xi32, #tpu.memory_space<vmem>>) target_semaphore(%run_scoped3A : memref<!tpu.dma_semaphore, #tpu.memory_space<semaphore_mem>>)
        %dma_wait3A_149 = tpu.memref_slice %arg3[%add3A_118] : memref<320000xi32, #tpu.memory_space<hbm>> -> memref<80xi32, #tpu.memory_space<hbm>>
        %dma_wait3A_150 = tpu.memref_slice %arg3[%add3A_118] : memref<320000xi32, #tpu.memory_space<hbm>> -> memref<80xi32, #tpu.memory_space<hbm>>
        tpu.wait_dma2 semaphore(%run_scoped3A : memref<!tpu.dma_semaphore, #tpu.memory_space<semaphore_mem>>) src(%dma_wait3A_150 : memref<80xi32, #tpu.memory_space<hbm>>) dst(%arg9 : memref<80xi32, #tpu.memory_space<vmem>>)
        tpu.yield
      }) : () -> ()
      %gt3A_119 = arith.constant 0 : i32
      %gt3A_120 = arith.cmpi sgt, %scan3A_90, %gt3A_119 : i32
      %convert_element_type3A_121 = arith.extui %gt3A_120 : i1 to i32
      %cond3A_122 = arith.constant 0 : i32
      %cond3A_123 = arith.cmpi ne, %convert_element_type3A_121, %cond3A_122 : i32
      scf.if %cond3A_123 {
        %dma_wait3A_147 = arith.constant 0 : i32
        %dma_wait3A_148 = arith.constant 0 : i32
        %dma_wait3A_149 = tpu.memref_slice %arg17[%dma_wait3A_147, %dma_wait3A_148] : memref<10000x128xf32, #tpu.memory_space<vmem_shared>> -> memref<10000x128xf32, #tpu.memory_space<vmem_shared>>
        tpu.wait_indirect_dma semaphore(%arg23 : memref<!tpu.dma_semaphore, #tpu.memory_space<semaphore_mem>>) src(%arg15 : memref<80x128xf32, #tpu.memory_space<vmem>>) dst(%dma_wait3A_149 : memref<10000x128xf32, #tpu.memory_space<vmem_shared>>)
      } else {
      }
      %dma_start3A_124 = arith.constant 0 : i32
      %dma_start3A_125 = arith.constant 0 : i32
      %dma_start3A_126 = tpu.memref_slice %arg2[%dma_start3A_124, %dma_start3A_125] : memref<10000x128xf32, #tpu.memory_space<hbm>> -> memref<10000x128xf32, #tpu.memory_space<hbm>>
      tpu.enqueue_indirect_dma source(%dma_start3A_126 : memref<10000x128xf32, #tpu.memory_space<hbm>>) target(%arg15 : memref<80x128xf32, #tpu.memory_space<vmem>>) offsets(%arg9 : memref<80xi32, #tpu.memory_space<vmem>>) semaphore(%arg20 : memref<!tpu.dma_semaphore, #tpu.memory_space<semaphore_mem>>)
      %add3A_127 = arith.constant 160 : i32
      %add3A_128 = arith.addi %add3A_93, %add3A_127 : i32
      "tpu.region"() ({
        %run_scoped3A = tpu.sem_alloc : memref<!tpu.dma_semaphore, #tpu.memory_space<semaphore_mem>>
        %dma_start3A_147 = tpu.memref_slice %arg4[%add3A_128] : memref<320000xi32, #tpu.memory_space<hbm>> -> memref<80xi32, #tpu.memory_space<hbm>>
        %dma_start3A_148 = tpu.memref_slice %arg4[%add3A_128] : memref<320000xi32, #tpu.memory_space<hbm>> -> memref<80xi32, #tpu.memory_space<hbm>>
        tpu.enqueue_dma source(%dma_start3A_148 : memref<80xi32, #tpu.memory_space<hbm>>) target(%arg12 : memref<80xi32, #tpu.memory_space<vmem>>) target_semaphore(%run_scoped3A : memref<!tpu.dma_semaphore, #tpu.memory_space<semaphore_mem>>)
        %dma_wait3A_149 = tpu.memref_slice %arg4[%add3A_128] : memref<320000xi32, #tpu.memory_space<hbm>> -> memref<80xi32, #tpu.memory_space<hbm>>
        %dma_wait3A_150 = tpu.memref_slice %arg4[%add3A_128] : memref<320000xi32, #tpu.memory_space<hbm>> -> memref<80xi32, #tpu.memory_space<hbm>>
        tpu.wait_dma2 semaphore(%run_scoped3A : memref<!tpu.dma_semaphore, #tpu.memory_space<semaphore_mem>>) src(%dma_wait3A_150 : memref<80xi32, #tpu.memory_space<hbm>>) dst(%arg12 : memref<80xi32, #tpu.memory_space<vmem>>)
        tpu.yield
      }) : () -> ()
      %dma_wait3A_129 = arith.constant 0 : i32
      %dma_wait3A_130 = arith.constant 0 : i32
      %dma_wait3A_131 = tpu.memref_slice %arg2[%dma_wait3A_129, %dma_wait3A_130] : memref<10000x128xf32, #tpu.memory_space<hbm>> -> memref<10000x128xf32, #tpu.memory_space<hbm>>
      tpu.wait_indirect_dma semaphore(%arg18 : memref<!tpu.dma_semaphore, #tpu.memory_space<semaphore_mem>>) src(%dma_wait3A_131 : memref<10000x128xf32, #tpu.memory_space<hbm>>) dst(%arg13 : memref<80x128xf32, #tpu.memory_space<vmem>>)
      %dma_start3A_132 = arith.constant 0 : i32
      %dma_start3A_133 = arith.constant 0 : i32
      %dma_start3A_134 = tpu.memref_slice %arg17[%dma_start3A_132, %dma_start3A_133] : memref<10000x128xf32, #tpu.memory_space<vmem_shared>> -> memref<10000x128xf32, #tpu.memory_space<vmem_shared>>
      tpu.enqueue_indirect_dma source(%arg13 : memref<80x128xf32, #tpu.memory_space<vmem>>) target(%dma_start3A_134 : memref<10000x128xf32, #tpu.memory_space<vmem_shared>>) offsets(%arg10 : memref<80xi32, #tpu.memory_space<vmem>>) semaphore(%arg21 : memref<!tpu.dma_semaphore, #tpu.memory_space<semaphore_mem>>) {add = true}
      %dma_wait3A_135 = arith.constant 0 : i32
      %dma_wait3A_136 = arith.constant 0 : i32
      %dma_wait3A_137 = tpu.memref_slice %arg2[%dma_wait3A_135, %dma_wait3A_136] : memref<10000x128xf32, #tpu.memory_space<hbm>> -> memref<10000x128xf32, #tpu.memory_space<hbm>>
      tpu.wait_indirect_dma semaphore(%arg19 : memref<!tpu.dma_semaphore, #tpu.memory_space<semaphore_mem>>) src(%dma_wait3A_137 : memref<10000x128xf32, #tpu.memory_space<hbm>>) dst(%arg14 : memref<80x128xf32, #tpu.memory_space<vmem>>)
      %dma_start3A_138 = arith.constant 0 : i32
      %dma_start3A_139 = arith.constant 0 : i32
      %dma_start3A_140 = tpu.memref_slice %arg17[%dma_start3A_138, %dma_start3A_139] : memref<10000x128xf32, #tpu.memory_space<vmem_shared>> -> memref<10000x128xf32, #tpu.memory_space<vmem_shared>>
      tpu.enqueue_indirect_dma source(%arg14 : memref<80x128xf32, #tpu.memory_space<vmem>>) target(%dma_start3A_140 : memref<10000x128xf32, #tpu.memory_space<vmem_shared>>) offsets(%arg11 : memref<80xi32, #tpu.memory_space<vmem>>) semaphore(%arg22 : memref<!tpu.dma_semaphore, #tpu.memory_space<semaphore_mem>>) {add = true}
      %dma_wait3A_141 = arith.constant 0 : i32
      %dma_wait3A_142 = arith.constant 0 : i32
      %dma_wait3A_143 = tpu.memref_slice %arg2[%dma_wait3A_141, %dma_wait3A_142] : memref<10000x128xf32, #tpu.memory_space<hbm>> -> memref<10000x128xf32, #tpu.memory_space<hbm>>
      tpu.wait_indirect_dma semaphore(%arg20 : memref<!tpu.dma_semaphore, #tpu.memory_space<semaphore_mem>>) src(%dma_wait3A_143 : memref<10000x128xf32, #tpu.memory_space<hbm>>) dst(%arg15 : memref<80x128xf32, #tpu.memory_space<vmem>>)
      %dma_start3A_144 = arith.constant 0 : i32
      %dma_start3A_145 = arith.constant 0 : i32
      %dma_start3A_146 = tpu.memref_slice %arg17[%dma_start3A_144, %dma_start3A_145] : memref<10000x128xf32, #tpu.memory_space<vmem_shared>> -> memref<10000x128xf32, #tpu.memory_space<vmem_shared>>
      tpu.enqueue_indirect_dma source(%arg15 : memref<80x128xf32, #tpu.memory_space<vmem>>) target(%dma_start3A_146 : memref<10000x128xf32, #tpu.memory_space<vmem_shared>>) offsets(%arg12 : memref<80xi32, #tpu.memory_space<vmem>>) semaphore(%arg23 : memref<!tpu.dma_semaphore, #tpu.memory_space<semaphore_mem>>) {add = true}
    }
    %scan3A_34 = arith.constant 83 : i32
    %dma_wait3A = arith.constant 0 : i32
    %dma_wait3A_35 = arith.constant 0 : i32
    %dma_wait3A_36 = tpu.memref_slice %arg17[%dma_wait3A, %dma_wait3A_35] : memref<10000x128xf32, #tpu.memory_space<vmem_shared>> -> memref<10000x128xf32, #tpu.memory_space<vmem_shared>>
    tpu.wait_indirect_dma semaphore(%arg21 : memref<!tpu.dma_semaphore, #tpu.memory_space<semaphore_mem>>) src(%arg13 : memref<80x128xf32, #tpu.memory_space<vmem>>) dst(%dma_wait3A_36 : memref<10000x128xf32, #tpu.memory_space<vmem_shared>>)
    %dma_wait3A_37 = arith.constant 0 : i32
    %dma_wait3A_38 = arith.constant 0 : i32
    %dma_wait3A_39 = tpu.memref_slice %arg17[%dma_wait3A_37, %dma_wait3A_38] : memref<10000x128xf32, #tpu.memory_space<vmem_shared>> -> memref<10000x128xf32, #tpu.memory_space<vmem_shared>>
    tpu.wait_indirect_dma semaphore(%arg22 : memref<!tpu.dma_semaphore, #tpu.memory_space<semaphore_mem>>) src(%arg14 : memref<80x128xf32, #tpu.memory_space<vmem>>) dst(%dma_wait3A_39 : memref<10000x128xf32, #tpu.memory_space<vmem_shared>>)
    %dma_wait3A_40 = arith.constant 0 : i32
    %dma_wait3A_41 = arith.constant 0 : i32
    %dma_wait3A_42 = tpu.memref_slice %arg17[%dma_wait3A_40, %dma_wait3A_41] : memref<10000x128xf32, #tpu.memory_space<vmem_shared>> -> memref<10000x128xf32, #tpu.memory_space<vmem_shared>>
    tpu.wait_indirect_dma semaphore(%arg23 : memref<!tpu.dma_semaphore, #tpu.memory_space<semaphore_mem>>) src(%arg15 : memref<80x128xf32, #tpu.memory_space<vmem>>) dst(%dma_wait3A_42 : memref<10000x128xf32, #tpu.memory_space<vmem_shared>>)
    %add3A_43 = arith.constant 19920 : i32
    %add3A_44 = arith.addi %mul3A_29, %add3A_43 : i32
    %add3A_45 = arith.constant 0 : i32
    %add3A_46 = arith.addi %add3A_44, %add3A_45 : i32
    "tpu.region"() ({
      %run_scoped3A = tpu.sem_alloc : memref<!tpu.dma_semaphore, #tpu.memory_space<semaphore_mem>>
      %dma_start3A_90 = tpu.memref_slice %arg3[%add3A_46] : memref<320000xi32, #tpu.memory_space<hbm>> -> memref<80xi32, #tpu.memory_space<hbm>>
      %dma_start3A_91 = tpu.memref_slice %arg3[%add3A_46] : memref<320000xi32, #tpu.memory_space<hbm>> -> memref<80xi32, #tpu.memory_space<hbm>>
      tpu.enqueue_dma source(%dma_start3A_91 : memref<80xi32, #tpu.memory_space<hbm>>) target(%arg7 : memref<80xi32, #tpu.memory_space<vmem>>) target_semaphore(%run_scoped3A : memref<!tpu.dma_semaphore, #tpu.memory_space<semaphore_mem>>)
      %dma_wait3A_92 = tpu.memref_slice %arg3[%add3A_46] : memref<320000xi32, #tpu.memory_space<hbm>> -> memref<80xi32, #tpu.memory_space<hbm>>
      %dma_wait3A_93 = tpu.memref_slice %arg3[%add3A_46] : memref<320000xi32, #tpu.memory_space<hbm>> -> memref<80xi32, #tpu.memory_space<hbm>>
      tpu.wait_dma2 semaphore(%run_scoped3A : memref<!tpu.dma_semaphore, #tpu.memory_space<semaphore_mem>>) src(%dma_wait3A_93 : memref<80xi32, #tpu.memory_space<hbm>>) dst(%arg7 : memref<80xi32, #tpu.memory_space<vmem>>)
      tpu.yield
    }) : () -> ()
    "tpu.region"() ({
      %run_scoped3A = tpu.sem_alloc : memref<!tpu.dma_semaphore, #tpu.memory_space<semaphore_mem>>
      %dma_start3A_90 = tpu.memref_slice %arg4[%add3A_46] : memref<320000xi32, #tpu.memory_space<hbm>> -> memref<80xi32, #tpu.memory_space<hbm>>
      %dma_start3A_91 = tpu.memref_slice %arg4[%add3A_46] : memref<320000xi32, #tpu.memory_space<hbm>> -> memref<80xi32, #tpu.memory_space<hbm>>
      tpu.enqueue_dma source(%dma_start3A_91 : memref<80xi32, #tpu.memory_space<hbm>>) target(%arg10 : memref<80xi32, #tpu.memory_space<vmem>>) target_semaphore(%run_scoped3A : memref<!tpu.dma_semaphore, #tpu.memory_space<semaphore_mem>>)
      %dma_wait3A_92 = tpu.memref_slice %arg4[%add3A_46] : memref<320000xi32, #tpu.memory_space<hbm>> -> memref<80xi32, #tpu.memory_space<hbm>>
      %dma_wait3A_93 = tpu.memref_slice %arg4[%add3A_46] : memref<320000xi32, #tpu.memory_space<hbm>> -> memref<80xi32, #tpu.memory_space<hbm>>
      tpu.wait_dma2 semaphore(%run_scoped3A : memref<!tpu.dma_semaphore, #tpu.memory_space<semaphore_mem>>) src(%dma_wait3A_93 : memref<80xi32, #tpu.memory_space<hbm>>) dst(%arg10 : memref<80xi32, #tpu.memory_space<vmem>>)
      tpu.yield
    }) : () -> ()
    %dma_start3A = arith.constant 0 : i32
    %dma_start3A_47 = arith.constant 0 : i32
    %dma_start3A_48 = tpu.memref_slice %arg2[%dma_start3A, %dma_start3A_47] : memref<10000x128xf32, #tpu.memory_space<hbm>> -> memref<10000x128xf32, #tpu.memory_space<hbm>>
    tpu.enqueue_indirect_dma source(%dma_start3A_48 : memref<10000x128xf32, #tpu.memory_space<hbm>>) target(%arg13 : memref<80x128xf32, #tpu.memory_space<vmem>>) offsets(%arg7 : memref<80xi32, #tpu.memory_space<vmem>>) semaphore(%arg18 : memref<!tpu.dma_semaphore, #tpu.memory_space<semaphore_mem>>)
    %dma_wait3A_49 = arith.constant 0 : i32
    %dma_wait3A_50 = arith.constant 0 : i32
    %dma_wait3A_51 = tpu.memref_slice %arg2[%dma_wait3A_49, %dma_wait3A_50] : memref<10000x128xf32, #tpu.memory_space<hbm>> -> memref<10000x128xf32, #tpu.memory_space<hbm>>
    tpu.wait_indirect_dma semaphore(%arg18 : memref<!tpu.dma_semaphore, #tpu.memory_space<semaphore_mem>>) src(%dma_wait3A_51 : memref<10000x128xf32, #tpu.memory_space<hbm>>) dst(%arg13 : memref<80x128xf32, #tpu.memory_space<vmem>>)
    %dma_start3A_52 = arith.constant 0 : i32
    %dma_start3A_53 = arith.constant 0 : i32
    %dma_start3A_54 = tpu.memref_slice %arg17[%dma_start3A_52, %dma_start3A_53] : memref<10000x128xf32, #tpu.memory_space<vmem_shared>> -> memref<10000x128xf32, #tpu.memory_space<vmem_shared>>
    tpu.enqueue_indirect_dma source(%arg13 : memref<80x128xf32, #tpu.memory_space<vmem>>) target(%dma_start3A_54 : memref<10000x128xf32, #tpu.memory_space<vmem_shared>>) offsets(%arg10 : memref<80xi32, #tpu.memory_space<vmem>>) semaphore(%arg21 : memref<!tpu.dma_semaphore, #tpu.memory_space<semaphore_mem>>) {add = true}
    %dma_wait3A_55 = arith.constant 0 : i32
    %dma_wait3A_56 = arith.constant 0 : i32
    %dma_wait3A_57 = tpu.memref_slice %arg17[%dma_wait3A_55, %dma_wait3A_56] : memref<10000x128xf32, #tpu.memory_space<vmem_shared>> -> memref<10000x128xf32, #tpu.memory_space<vmem_shared>>
    tpu.wait_indirect_dma semaphore(%arg21 : memref<!tpu.dma_semaphore, #tpu.memory_space<semaphore_mem>>) src(%arg13 : memref<80x128xf32, #tpu.memory_space<vmem>>) dst(%dma_wait3A_57 : memref<10000x128xf32, #tpu.memory_space<vmem_shared>>)
    %barrier3A_58 = arith.constant 0 : index
    tpu.barrier barrier_id(%barrier3A_58)
    %add3A_59 = arith.constant 0 : i32
    %add3A_60 = arith.addi %mul3A_0, %add3A_59 : i32
    "tpu.region"() ({
      %run_scoped3A = tpu.sem_alloc : memref<!tpu.dma_semaphore, #tpu.memory_space<semaphore_mem>>
      %dma_start3A_90 = arith.constant 0 : i32
      %dma_start3A_91 = tpu.memref_slice %arg17[%add3A_60, %dma_start3A_90] : memref<10000x128xf32, #tpu.memory_space<vmem_shared>> -> memref<48x128xf32, #tpu.memory_space<vmem_shared>>
      %dma_start3A_92 = arith.constant 0 : i32
      %dma_start3A_93 = tpu.memref_slice %arg17[%add3A_60, %dma_start3A_92] : memref<10000x128xf32, #tpu.memory_space<vmem_shared>> -> memref<48x128xf32, #tpu.memory_space<vmem_shared>>
      tpu.enqueue_dma source(%dma_start3A_93 : memref<48x128xf32, #tpu.memory_space<vmem_shared>>) target(%arg16 : memref<48x128xf32, #tpu.memory_space<vmem>>) target_semaphore(%run_scoped3A : memref<!tpu.dma_semaphore, #tpu.memory_space<semaphore_mem>>)
      %dma_wait3A_94 = arith.constant 0 : i32
      %dma_wait3A_95 = tpu.memref_slice %arg17[%add3A_60, %dma_wait3A_94] : memref<10000x128xf32, #tpu.memory_space<vmem_shared>> -> memref<48x128xf32, #tpu.memory_space<vmem_shared>>
      %dma_wait3A_96 = arith.constant 0 : i32
      %dma_wait3A_97 = tpu.memref_slice %arg17[%add3A_60, %dma_wait3A_96] : memref<10000x128xf32, #tpu.memory_space<vmem_shared>> -> memref<48x128xf32, #tpu.memory_space<vmem_shared>>
      tpu.wait_dma2 semaphore(%run_scoped3A : memref<!tpu.dma_semaphore, #tpu.memory_space<semaphore_mem>>) src(%dma_wait3A_97 : memref<48x128xf32, #tpu.memory_space<vmem_shared>>) dst(%arg16 : memref<48x128xf32, #tpu.memory_space<vmem>>)
      tpu.yield
    }) : () -> ()
    "tpu.region"() ({
      %run_scoped3A = tpu.sem_alloc : memref<!tpu.dma_semaphore, #tpu.memory_space<semaphore_mem>>
      %dma_start3A_90 = arith.constant 0 : i32
      %dma_start3A_91 = tpu.memref_slice %arg6[%add3A_60, %dma_start3A_90] : memref<10000x128xf32, #tpu.memory_space<hbm>> -> memref<48x128xf32, #tpu.memory_space<hbm>>
      %dma_start3A_92 = arith.constant 0 : i32
      %dma_start3A_93 = tpu.memref_slice %arg6[%add3A_60, %dma_start3A_92] : memref<10000x128xf32, #tpu.memory_space<hbm>> -> memref<48x128xf32, #tpu.memory_space<hbm>>
      tpu.enqueue_dma source(%arg16 : memref<48x128xf32, #tpu.memory_space<vmem>>) target(%dma_start3A_93 : memref<48x128xf32, #tpu.memory_space<hbm>>) target_semaphore(%run_scoped3A : memref<!tpu.dma_semaphore, #tpu.memory_space<semaphore_mem>>)
      %dma_wait3A_94 = arith.constant 0 : i32
      %dma_wait3A_95 = tpu.memref_slice %arg6[%add3A_60, %dma_wait3A_94] : memref<10000x128xf32, #tpu.memory_space<hbm>> -> memref<48x128xf32, #tpu.memory_space<hbm>>
      %dma_wait3A_96 = arith.constant 0 : i32
      %dma_wait3A_97 = tpu.memref_slice %arg6[%add3A_60, %dma_wait3A_96] : memref<10000x128xf32, #tpu.memory_space<hbm>> -> memref<48x128xf32, #tpu.memory_space<hbm>>
      tpu.wait_dma2 semaphore(%run_scoped3A : memref<!tpu.dma_semaphore, #tpu.memory_space<semaphore_mem>>) src(%arg16 : memref<48x128xf32, #tpu.memory_space<vmem>>) dst(%dma_wait3A_97 : memref<48x128xf32, #tpu.memory_space<hbm>>)
      tpu.yield
    }) : () -> ()
    %add3A_61 = arith.constant 48 : i32
    %add3A_62 = arith.addi %mul3A_0, %add3A_61 : i32
    "tpu.region"() ({
      %run_scoped3A = tpu.sem_alloc : memref<!tpu.dma_semaphore, #tpu.memory_space<semaphore_mem>>
      %dma_start3A_90 = arith.constant 0 : i32
      %dma_start3A_91 = tpu.memref_slice %arg17[%add3A_62, %dma_start3A_90] : memref<10000x128xf32, #tpu.memory_space<vmem_shared>> -> memref<48x128xf32, #tpu.memory_space<vmem_shared>>
      %dma_start3A_92 = arith.constant 0 : i32
      %dma_start3A_93 = tpu.memref_slice %arg17[%add3A_62, %dma_start3A_92] : memref<10000x128xf32, #tpu.memory_space<vmem_shared>> -> memref<48x128xf32, #tpu.memory_space<vmem_shared>>
      tpu.enqueue_dma source(%dma_start3A_93 : memref<48x128xf32, #tpu.memory_space<vmem_shared>>) target(%arg16 : memref<48x128xf32, #tpu.memory_space<vmem>>) target_semaphore(%run_scoped3A : memref<!tpu.dma_semaphore, #tpu.memory_space<semaphore_mem>>)
      %dma_wait3A_94 = arith.constant 0 : i32
      %dma_wait3A_95 = tpu.memref_slice %arg17[%add3A_62, %dma_wait3A_94] : memref<10000x128xf32, #tpu.memory_space<vmem_shared>> -> memref<48x128xf32, #tpu.memory_space<vmem_shared>>
      %dma_wait3A_96 = arith.constant 0 : i32
      %dma_wait3A_97 = tpu.memref_slice %arg17[%add3A_62, %dma_wait3A_96] : memref<10000x128xf32, #tpu.memory_space<vmem_shared>> -> memref<48x128xf32, #tpu.memory_space<vmem_shared>>
      tpu.wait_dma2 semaphore(%run_scoped3A : memref<!tpu.dma_semaphore, #tpu.memory_space<semaphore_mem>>) src(%dma_wait3A_97 : memref<48x128xf32, #tpu.memory_space<vmem_shared>>) dst(%arg16 : memref<48x128xf32, #tpu.memory_space<vmem>>)
      tpu.yield
    }) : () -> ()
    "tpu.region"() ({
      %run_scoped3A = tpu.sem_alloc : memref<!tpu.dma_semaphore, #tpu.memory_space<semaphore_mem>>
      %dma_start3A_90 = arith.constant 0 : i32
      %dma_start3A_91 = tpu.memref_slice %arg6[%add3A_62, %dma_start3A_90] : memref<10000x128xf32, #tpu.memory_space<hbm>> -> memref<48x128xf32, #tpu.memory_space<hbm>>
      %dma_start3A_92 = arith.constant 0 : i32
      %dma_start3A_93 = tpu.memref_slice %arg6[%add3A_62, %dma_start3A_92] : memref<10000x128xf32, #tpu.memory_space<hbm>> -> memref<48x128xf32, #tpu.memory_space<hbm>>
      tpu.enqueue_dma source(%arg16 : memref<48x128xf32, #tpu.memory_space<vmem>>) target(%dma_start3A_93 : memref<48x128xf32, #tpu.memory_space<hbm>>) target_semaphore(%run_scoped3A : memref<!tpu.dma_semaphore, #tpu.memory_space<semaphore_mem>>)
      %dma_wait3A_94 = arith.constant 0 : i32
      %dma_wait3A_95 = tpu.memref_slice %arg6[%add3A_62, %dma_wait3A_94] : memref<10000x128xf32, #tpu.memory_space<hbm>> -> memref<48x128xf32, #tpu.memory_space<hbm>>
      %dma_wait3A_96 = arith.constant 0 : i32
      %dma_wait3A_97 = tpu.memref_slice %arg6[%add3A_62, %dma_wait3A_96] : memref<10000x128xf32, #tpu.memory_space<hbm>> -> memref<48x128xf32, #tpu.memory_space<hbm>>
      tpu.wait_dma2 semaphore(%run_scoped3A : memref<!tpu.dma_semaphore, #tpu.memory_space<semaphore_mem>>) src(%arg16 : memref<48x128xf32, #tpu.memory_space<vmem>>) dst(%dma_wait3A_97 : memref<48x128xf32, #tpu.memory_space<hbm>>)
      tpu.yield
    }) : () -> ()
    %add3A_63 = arith.constant 96 : i32
    %add3A_64 = arith.addi %mul3A_0, %add3A_63 : i32
    "tpu.region"() ({
      %run_scoped3A = tpu.sem_alloc : memref<!tpu.dma_semaphore, #tpu.memory_space<semaphore_mem>>
      %dma_start3A_90 = arith.constant 0 : i32
      %dma_start3A_91 = tpu.memref_slice %arg17[%add3A_64, %dma_start3A_90] : memref<10000x128xf32, #tpu.memory_space<vmem_shared>> -> memref<48x128xf32, #tpu.memory_space<vmem_shared>>
      %dma_start3A_92 = arith.constant 0 : i32
      %dma_start3A_93 = tpu.memref_slice %arg17[%add3A_64, %dma_start3A_92] : memref<10000x128xf32, #tpu.memory_space<vmem_shared>> -> memref<48x128xf32, #tpu.memory_space<vmem_shared>>
      tpu.enqueue_dma source(%dma_start3A_93 : memref<48x128xf32, #tpu.memory_space<vmem_shared>>) target(%arg16 : memref<48x128xf32, #tpu.memory_space<vmem>>) target_semaphore(%run_scoped3A : memref<!tpu.dma_semaphore, #tpu.memory_space<semaphore_mem>>)
      %dma_wait3A_94 = arith.constant 0 : i32
      %dma_wait3A_95 = tpu.memref_slice %arg17[%add3A_64, %dma_wait3A_94] : memref<10000x128xf32, #tpu.memory_space<vmem_shared>> -> memref<48x128xf32, #tpu.memory_space<vmem_shared>>
      %dma_wait3A_96 = arith.constant 0 : i32
      %dma_wait3A_97 = tpu.memref_slice %arg17[%add3A_64, %dma_wait3A_96] : memref<10000x128xf32, #tpu.memory_space<vmem_shared>> -> memref<48x128xf32, #tpu.memory_space<vmem_shared>>
      tpu.wait_dma2 semaphore(%run_scoped3A : memref<!tpu.dma_semaphore, #tpu.memory_space<semaphore_mem>>) src(%dma_wait3A_97 : memref<48x128xf32, #tpu.memory_space<vmem_shared>>) dst(%arg16 : memref<48x128xf32, #tpu.memory_space<vmem>>)
      tpu.yield
    }) : () -> ()
    "tpu.region"() ({
      %run_scoped3A = tpu.sem_alloc : memref<!tpu.dma_semaphore, #tpu.memory_space<semaphore_mem>>
      %dma_start3A_90 = arith.constant 0 : i32
      %dma_start3A_91 = tpu.memref_slice %arg6[%add3A_64, %dma_start3A_90] : memref<10000x128xf32, #tpu.memory_space<hbm>> -> memref<48x128xf32, #tpu.memory_space<hbm>>
      %dma_start3A_92 = arith.constant 0 : i32
      %dma_start3A_93 = tpu.memref_slice %arg6[%add3A_64, %dma_start3A_92] : memref<10000x128xf32, #tpu.memory_space<hbm>> -> memref<48x128xf32, #tpu.memory_space<hbm>>
      tpu.enqueue_dma source(%arg16 : memref<48x128xf32, #tpu.memory_space<vmem>>) target(%dma_start3A_93 : memref<48x128xf32, #tpu.memory_space<hbm>>) target_semaphore(%run_scoped3A : memref<!tpu.dma_semaphore, #tpu.memory_space<semaphore_mem>>)
      %dma_wait3A_94 = arith.constant 0 : i32
      %dma_wait3A_95 = tpu.memref_slice %arg6[%add3A_64, %dma_wait3A_94] : memref<10000x128xf32, #tpu.memory_space<hbm>> -> memref<48x128xf32, #tpu.memory_space<hbm>>
      %dma_wait3A_96 = arith.constant 0 : i32
      %dma_wait3A_97 = tpu.memref_slice %arg6[%add3A_64, %dma_wait3A_96] : memref<10000x128xf32, #tpu.memory_space<hbm>> -> memref<48x128xf32, #tpu.memory_space<hbm>>
      tpu.wait_dma2 semaphore(%run_scoped3A : memref<!tpu.dma_semaphore, #tpu.memory_space<semaphore_mem>>) src(%arg16 : memref<48x128xf32, #tpu.memory_space<vmem>>) dst(%dma_wait3A_97 : memref<48x128xf32, #tpu.memory_space<hbm>>)
      tpu.yield
    }) : () -> ()
    %add3A_65 = arith.constant 144 : i32
    %add3A_66 = arith.addi %mul3A_0, %add3A_65 : i32
    "tpu.region"() ({
      %run_scoped3A = tpu.sem_alloc : memref<!tpu.dma_semaphore, #tpu.memory_space<semaphore_mem>>
      %dma_start3A_90 = arith.constant 0 : i32
      %dma_start3A_91 = tpu.memref_slice %arg17[%add3A_66, %dma_start3A_90] : memref<10000x128xf32, #tpu.memory_space<vmem_shared>> -> memref<48x128xf32, #tpu.memory_space<vmem_shared>>
      %dma_start3A_92 = arith.constant 0 : i32
      %dma_start3A_93 = tpu.memref_slice %arg17[%add3A_66, %dma_start3A_92] : memref<10000x128xf32, #tpu.memory_space<vmem_shared>> -> memref<48x128xf32, #tpu.memory_space<vmem_shared>>
      tpu.enqueue_dma source(%dma_start3A_93 : memref<48x128xf32, #tpu.memory_space<vmem_shared>>) target(%arg16 : memref<48x128xf32, #tpu.memory_space<vmem>>) target_semaphore(%run_scoped3A : memref<!tpu.dma_semaphore, #tpu.memory_space<semaphore_mem>>)
      %dma_wait3A_94 = arith.constant 0 : i32
      %dma_wait3A_95 = tpu.memref_slice %arg17[%add3A_66, %dma_wait3A_94] : memref<10000x128xf32, #tpu.memory_space<vmem_shared>> -> memref<48x128xf32, #tpu.memory_space<vmem_shared>>
      %dma_wait3A_96 = arith.constant 0 : i32
      %dma_wait3A_97 = tpu.memref_slice %arg17[%add3A_66, %dma_wait3A_96] : memref<10000x128xf32, #tpu.memory_space<vmem_shared>> -> memref<48x128xf32, #tpu.memory_space<vmem_shared>>
      tpu.wait_dma2 semaphore(%run_scoped3A : memref<!tpu.dma_semaphore, #tpu.memory_space<semaphore_mem>>) src(%dma_wait3A_97 : memref<48x128xf32, #tpu.memory_space<vmem_shared>>) dst(%arg16 : memref<48x128xf32, #tpu.memory_space<vmem>>)
      tpu.yield
    }) : () -> ()
    "tpu.region"() ({
      %run_scoped3A = tpu.sem_alloc : memref<!tpu.dma_semaphore, #tpu.memory_space<semaphore_mem>>
      %dma_start3A_90 = arith.constant 0 : i32
      %dma_start3A_91 = tpu.memref_slice %arg6[%add3A_66, %dma_start3A_90] : memref<10000x128xf32, #tpu.memory_space<hbm>> -> memref<48x128xf32, #tpu.memory_space<hbm>>
      %dma_start3A_92 = arith.constant 0 : i32
      %dma_start3A_93 = tpu.memref_slice %arg6[%add3A_66, %dma_start3A_92] : memref<10000x128xf32, #tpu.memory_space<hbm>> -> memref<48x128xf32, #tpu.memory_space<hbm>>
      tpu.enqueue_dma source(%arg16 : memref<48x128xf32, #tpu.memory_space<vmem>>) target(%dma_start3A_93 : memref<48x128xf32, #tpu.memory_space<hbm>>) target_semaphore(%run_scoped3A : memref<!tpu.dma_semaphore, #tpu.memory_space<semaphore_mem>>)
      %dma_wait3A_94 = arith.constant 0 : i32
      %dma_wait3A_95 = tpu.memref_slice %arg6[%add3A_66, %dma_wait3A_94] : memref<10000x128xf32, #tpu.memory_space<hbm>> -> memref<48x128xf32, #tpu.memory_space<hbm>>
      %dma_wait3A_96 = arith.constant 0 : i32
      %dma_wait3A_97 = tpu.memref_slice %arg6[%add3A_66, %dma_wait3A_96] : memref<10000x128xf32, #tpu.memory_space<hbm>> -> memref<48x128xf32, #tpu.memory_space<hbm>>
      tpu.wait_dma2 semaphore(%run_scoped3A : memref<!tpu.dma_semaphore, #tpu.memory_space<semaphore_mem>>) src(%arg16 : memref<48x128xf32, #tpu.memory_space<vmem>>) dst(%dma_wait3A_97 : memref<48x128xf32, #tpu.memory_space<hbm>>)
      tpu.yield
    }) : () -> ()
    %add3A_67 = arith.constant 192 : i32
    %add3A_68 = arith.addi %mul3A_0, %add3A_67 : i32
    "tpu.region"() ({
      %run_scoped3A = tpu.sem_alloc : memref<!tpu.dma_semaphore, #tpu.memory_space<semaphore_mem>>
      %dma_start3A_90 = arith.constant 0 : i32
      %dma_start3A_91 = tpu.memref_slice %arg17[%add3A_68, %dma_start3A_90] : memref<10000x128xf32, #tpu.memory_space<vmem_shared>> -> memref<48x128xf32, #tpu.memory_space<vmem_shared>>
      %dma_start3A_92 = arith.constant 0 : i32
      %dma_start3A_93 = tpu.memref_slice %arg17[%add3A_68, %dma_start3A_92] : memref<10000x128xf32, #tpu.memory_space<vmem_shared>> -> memref<48x128xf32, #tpu.memory_space<vmem_shared>>
      tpu.enqueue_dma source(%dma_start3A_93 : memref<48x128xf32, #tpu.memory_space<vmem_shared>>) target(%arg16 : memref<48x128xf32, #tpu.memory_space<vmem>>) target_semaphore(%run_scoped3A : memref<!tpu.dma_semaphore, #tpu.memory_space<semaphore_mem>>)
      %dma_wait3A_94 = arith.constant 0 : i32
      %dma_wait3A_95 = tpu.memref_slice %arg17[%add3A_68, %dma_wait3A_94] : memref<10000x128xf32, #tpu.memory_space<vmem_shared>> -> memref<48x128xf32, #tpu.memory_space<vmem_shared>>
      %dma_wait3A_96 = arith.constant 0 : i32
      %dma_wait3A_97 = tpu.memref_slice %arg17[%add3A_68, %dma_wait3A_96] : memref<10000x128xf32, #tpu.memory_space<vmem_shared>> -> memref<48x128xf32, #tpu.memory_space<vmem_shared>>
      tpu.wait_dma2 semaphore(%run_scoped3A : memref<!tpu.dma_semaphore, #tpu.memory_space<semaphore_mem>>) src(%dma_wait3A_97 : memref<48x128xf32, #tpu.memory_space<vmem_shared>>) dst(%arg16 : memref<48x128xf32, #tpu.memory_space<vmem>>)
      tpu.yield
    }) : () -> ()
    "tpu.region"() ({
      %run_scoped3A = tpu.sem_alloc : memref<!tpu.dma_semaphore, #tpu.memory_space<semaphore_mem>>
      %dma_start3A_90 = arith.constant 0 : i32
      %dma_start3A_91 = tpu.memref_slice %arg6[%add3A_68, %dma_start3A_90] : memref<10000x128xf32, #tpu.memory_space<hbm>> -> memref<48x128xf32, #tpu.memory_space<hbm>>
      %dma_start3A_92 = arith.constant 0 : i32
      %dma_start3A_93 = tpu.memref_slice %arg6[%add3A_68, %dma_start3A_92] : memref<10000x128xf32, #tpu.memory_space<hbm>> -> memref<48x128xf32, #tpu.memory_space<hbm>>
      tpu.enqueue_dma source(%arg16 : memref<48x128xf32, #tpu.memory_space<vmem>>) target(%dma_start3A_93 : memref<48x128xf32, #tpu.memory_space<hbm>>) target_semaphore(%run_scoped3A : memref<!tpu.dma_semaphore, #tpu.memory_space<semaphore_mem>>)
      %dma_wait3A_94 = arith.constant 0 : i32
      %dma_wait3A_95 = tpu.memref_slice %arg6[%add3A_68, %dma_wait3A_94] : memref<10000x128xf32, #tpu.memory_space<hbm>> -> memref<48x128xf32, #tpu.memory_space<hbm>>
      %dma_wait3A_96 = arith.constant 0 : i32
      %dma_wait3A_97 = tpu.memref_slice %arg6[%add3A_68, %dma_wait3A_96] : memref<10000x128xf32, #tpu.memory_space<hbm>> -> memref<48x128xf32, #tpu.memory_space<hbm>>
      tpu.wait_dma2 semaphore(%run_scoped3A : memref<!tpu.dma_semaphore, #tpu.memory_space<semaphore_mem>>) src(%arg16 : memref<48x128xf32, #tpu.memory_space<vmem>>) dst(%dma_wait3A_97 : memref<48x128xf32, #tpu.memory_space<hbm>>)
      tpu.yield
    }) : () -> ()
    %add3A_69 = arith.constant 240 : i32
    %add3A_70 = arith.addi %mul3A_0, %add3A_69 : i32
    "tpu.region"() ({
      %run_scoped3A = tpu.sem_alloc : memref<!tpu.dma_semaphore, #tpu.memory_space<semaphore_mem>>
      %dma_start3A_90 = arith.constant 0 : i32
      %dma_start3A_91 = tpu.memref_slice %arg17[%add3A_70, %dma_start3A_90] : memref<10000x128xf32, #tpu.memory_space<vmem_shared>> -> memref<48x128xf32, #tpu.memory_space<vmem_shared>>
      %dma_start3A_92 = arith.constant 0 : i32
      %dma_start3A_93 = tpu.memref_slice %arg17[%add3A_70, %dma_start3A_92] : memref<10000x128xf32, #tpu.memory_space<vmem_shared>> -> memref<48x128xf32, #tpu.memory_space<vmem_shared>>
      tpu.enqueue_dma source(%dma_start3A_93 : memref<48x128xf32, #tpu.memory_space<vmem_shared>>) target(%arg16 : memref<48x128xf32, #tpu.memory_space<vmem>>) target_semaphore(%run_scoped3A : memref<!tpu.dma_semaphore, #tpu.memory_space<semaphore_mem>>)
      %dma_wait3A_94 = arith.constant 0 : i32
      %dma_wait3A_95 = tpu.memref_slice %arg17[%add3A_70, %dma_wait3A_94] : memref<10000x128xf32, #tpu.memory_space<vmem_shared>> -> memref<48x128xf32, #tpu.memory_space<vmem_shared>>
      %dma_wait3A_96 = arith.constant 0 : i32
      %dma_wait3A_97 = tpu.memref_slice %arg17[%add3A_70, %dma_wait3A_96] : memref<10000x128xf32, #tpu.memory_space<vmem_shared>> -> memref<48x128xf32, #tpu.memory_space<vmem_shared>>
      tpu.wait_dma2 semaphore(%run_scoped3A : memref<!tpu.dma_semaphore, #tpu.memory_space<semaphore_mem>>) src(%dma_wait3A_97 : memref<48x128xf32, #tpu.memory_space<vmem_shared>>) dst(%arg16 : memref<48x128xf32, #tpu.memory_space<vmem>>)
      tpu.yield
    }) : () -> ()
    "tpu.region"() ({
      %run_scoped3A = tpu.sem_alloc : memref<!tpu.dma_semaphore, #tpu.memory_space<semaphore_mem>>
      %dma_start3A_90 = arith.constant 0 : i32
      %dma_start3A_91 = tpu.memref_slice %arg6[%add3A_70, %dma_start3A_90] : memref<10000x128xf32, #tpu.memory_space<hbm>> -> memref<48x128xf32, #tpu.memory_space<hbm>>
      %dma_start3A_92 = arith.constant 0 : i32
      %dma_start3A_93 = tpu.memref_slice %arg6[%add3A_70, %dma_start3A_92] : memref<10000x128xf32, #tpu.memory_space<hbm>> -> memref<48x128xf32, #tpu.memory_space<hbm>>
      tpu.enqueue_dma source(%arg16 : memref<48x128xf32, #tpu.memory_space<vmem>>) target(%dma_start3A_93 : memref<48x128xf32, #tpu.memory_space<hbm>>) target_semaphore(%run_scoped3A : memref<!tpu.dma_semaphore, #tpu.memory_space<semaphore_mem>>)
      %dma_wait3A_94 = arith.constant 0 : i32
      %dma_wait3A_95 = tpu.memref_slice %arg6[%add3A_70, %dma_wait3A_94] : memref<10000x128xf32, #tpu.memory_space<hbm>> -> memref<48x128xf32, #tpu.memory_space<hbm>>
      %dma_wait3A_96 = arith.constant 0 : i32
      %dma_wait3A_97 = tpu.memref_slice %arg6[%add3A_70, %dma_wait3A_96] : memref<10000x128xf32, #tpu.memory_space<hbm>> -> memref<48x128xf32, #tpu.memory_space<hbm>>
      tpu.wait_dma2 semaphore(%run_scoped3A : memref<!tpu.dma_semaphore, #tpu.memory_space<semaphore_mem>>) src(%arg16 : memref<48x128xf32, #tpu.memory_space<vmem>>) dst(%dma_wait3A_97 : memref<48x128xf32, #tpu.memory_space<hbm>>)
      tpu.yield
    }) : () -> ()
    %add3A_71 = arith.constant 288 : i32
    %add3A_72 = arith.addi %mul3A_0, %add3A_71 : i32
    "tpu.region"() ({
      %run_scoped3A = tpu.sem_alloc : memref<!tpu.dma_semaphore, #tpu.memory_space<semaphore_mem>>
      %dma_start3A_90 = arith.constant 0 : i32
      %dma_start3A_91 = tpu.memref_slice %arg17[%add3A_72, %dma_start3A_90] : memref<10000x128xf32, #tpu.memory_space<vmem_shared>> -> memref<48x128xf32, #tpu.memory_space<vmem_shared>>
      %dma_start3A_92 = arith.constant 0 : i32
      %dma_start3A_93 = tpu.memref_slice %arg17[%add3A_72, %dma_start3A_92] : memref<10000x128xf32, #tpu.memory_space<vmem_shared>> -> memref<48x128xf32, #tpu.memory_space<vmem_shared>>
      tpu.enqueue_dma source(%dma_start3A_93 : memref<48x128xf32, #tpu.memory_space<vmem_shared>>) target(%arg16 : memref<48x128xf32, #tpu.memory_space<vmem>>) target_semaphore(%run_scoped3A : memref<!tpu.dma_semaphore, #tpu.memory_space<semaphore_mem>>)
      %dma_wait3A_94 = arith.constant 0 : i32
      %dma_wait3A_95 = tpu.memref_slice %arg17[%add3A_72, %dma_wait3A_94] : memref<10000x128xf32, #tpu.memory_space<vmem_shared>> -> memref<48x128xf32, #tpu.memory_space<vmem_shared>>
      %dma_wait3A_96 = arith.constant 0 : i32
      %dma_wait3A_97 = tpu.memref_slice %arg17[%add3A_72, %dma_wait3A_96] : memref<10000x128xf32, #tpu.memory_space<vmem_shared>> -> memref<48x128xf32, #tpu.memory_space<vmem_shared>>
      tpu.wait_dma2 semaphore(%run_scoped3A : memref<!tpu.dma_semaphore, #tpu.memory_space<semaphore_mem>>) src(%dma_wait3A_97 : memref<48x128xf32, #tpu.memory_space<vmem_shared>>) dst(%arg16 : memref<48x128xf32, #tpu.memory_space<vmem>>)
      tpu.yield
    }) : () -> ()
    "tpu.region"() ({
      %run_scoped3A = tpu.sem_alloc : memref<!tpu.dma_semaphore, #tpu.memory_space<semaphore_mem>>
      %dma_start3A_90 = arith.constant 0 : i32
      %dma_start3A_91 = tpu.memref_slice %arg6[%add3A_72, %dma_start3A_90] : memref<10000x128xf32, #tpu.memory_space<hbm>> -> memref<48x128xf32, #tpu.memory_space<hbm>>
      %dma_start3A_92 = arith.constant 0 : i32
      %dma_start3A_93 = tpu.memref_slice %arg6[%add3A_72, %dma_start3A_92] : memref<10000x128xf32, #tpu.memory_space<hbm>> -> memref<48x128xf32, #tpu.memory_space<hbm>>
      tpu.enqueue_dma source(%arg16 : memref<48x128xf32, #tpu.memory_space<vmem>>) target(%dma_start3A_93 : memref<48x128xf32, #tpu.memory_space<hbm>>) target_semaphore(%run_scoped3A : memref<!tpu.dma_semaphore, #tpu.memory_space<semaphore_mem>>)
      %dma_wait3A_94 = arith.constant 0 : i32
      %dma_wait3A_95 = tpu.memref_slice %arg6[%add3A_72, %dma_wait3A_94] : memref<10000x128xf32, #tpu.memory_space<hbm>> -> memref<48x128xf32, #tpu.memory_space<hbm>>
      %dma_wait3A_96 = arith.constant 0 : i32
      %dma_wait3A_97 = tpu.memref_slice %arg6[%add3A_72, %dma_wait3A_96] : memref<10000x128xf32, #tpu.memory_space<hbm>> -> memref<48x128xf32, #tpu.memory_space<hbm>>
      tpu.wait_dma2 semaphore(%run_scoped3A : memref<!tpu.dma_semaphore, #tpu.memory_space<semaphore_mem>>) src(%arg16 : memref<48x128xf32, #tpu.memory_space<vmem>>) dst(%dma_wait3A_97 : memref<48x128xf32, #tpu.memory_space<hbm>>)
      tpu.yield
    }) : () -> ()
    %add3A_73 = arith.constant 336 : i32
    %add3A_74 = arith.addi %mul3A_0, %add3A_73 : i32
    "tpu.region"() ({
      %run_scoped3A = tpu.sem_alloc : memref<!tpu.dma_semaphore, #tpu.memory_space<semaphore_mem>>
      %dma_start3A_90 = arith.constant 0 : i32
      %dma_start3A_91 = tpu.memref_slice %arg17[%add3A_74, %dma_start3A_90] : memref<10000x128xf32, #tpu.memory_space<vmem_shared>> -> memref<48x128xf32, #tpu.memory_space<vmem_shared>>
      %dma_start3A_92 = arith.constant 0 : i32
      %dma_start3A_93 = tpu.memref_slice %arg17[%add3A_74, %dma_start3A_92] : memref<10000x128xf32, #tpu.memory_space<vmem_shared>> -> memref<48x128xf32, #tpu.memory_space<vmem_shared>>
      tpu.enqueue_dma source(%dma_start3A_93 : memref<48x128xf32, #tpu.memory_space<vmem_shared>>) target(%arg16 : memref<48x128xf32, #tpu.memory_space<vmem>>) target_semaphore(%run_scoped3A : memref<!tpu.dma_semaphore, #tpu.memory_space<semaphore_mem>>)
      %dma_wait3A_94 = arith.constant 0 : i32
      %dma_wait3A_95 = tpu.memref_slice %arg17[%add3A_74, %dma_wait3A_94] : memref<10000x128xf32, #tpu.memory_space<vmem_shared>> -> memref<48x128xf32, #tpu.memory_space<vmem_shared>>
      %dma_wait3A_96 = arith.constant 0 : i32
      %dma_wait3A_97 = tpu.memref_slice %arg17[%add3A_74, %dma_wait3A_96] : memref<10000x128xf32, #tpu.memory_space<vmem_shared>> -> memref<48x128xf32, #tpu.memory_space<vmem_shared>>
      tpu.wait_dma2 semaphore(%run_scoped3A : memref<!tpu.dma_semaphore, #tpu.memory_space<semaphore_mem>>) src(%dma_wait3A_97 : memref<48x128xf32, #tpu.memory_space<vmem_shared>>) dst(%arg16 : memref<48x128xf32, #tpu.memory_space<vmem>>)
      tpu.yield
    }) : () -> ()
    "tpu.region"() ({
      %run_scoped3A = tpu.sem_alloc : memref<!tpu.dma_semaphore, #tpu.memory_space<semaphore_mem>>
      %dma_start3A_90 = arith.constant 0 : i32
      %dma_start3A_91 = tpu.memref_slice %arg6[%add3A_74, %dma_start3A_90] : memref<10000x128xf32, #tpu.memory_space<hbm>> -> memref<48x128xf32, #tpu.memory_space<hbm>>
      %dma_start3A_92 = arith.constant 0 : i32
      %dma_start3A_93 = tpu.memref_slice %arg6[%add3A_74, %dma_start3A_92] : memref<10000x128xf32, #tpu.memory_space<hbm>> -> memref<48x128xf32, #tpu.memory_space<hbm>>
      tpu.enqueue_dma source(%arg16 : memref<48x128xf32, #tpu.memory_space<vmem>>) target(%dma_start3A_93 : memref<48x128xf32, #tpu.memory_space<hbm>>) target_semaphore(%run_scoped3A : memref<!tpu.dma_semaphore, #tpu.memory_space<semaphore_mem>>)
      %dma_wait3A_94 = arith.constant 0 : i32
      %dma_wait3A_95 = tpu.memref_slice %arg6[%add3A_74, %dma_wait3A_94] : memref<10000x128xf32, #tpu.memory_space<hbm>> -> memref<48x128xf32, #tpu.memory_space<hbm>>
      %dma_wait3A_96 = arith.constant 0 : i32
      %dma_wait3A_97 = tpu.memref_slice %arg6[%add3A_74, %dma_wait3A_96] : memref<10000x128xf32, #tpu.memory_space<hbm>> -> memref<48x128xf32, #tpu.memory_space<hbm>>
      tpu.wait_dma2 semaphore(%run_scoped3A : memref<!tpu.dma_semaphore, #tpu.memory_space<semaphore_mem>>) src(%arg16 : memref<48x128xf32, #tpu.memory_space<vmem>>) dst(%dma_wait3A_97 : memref<48x128xf32, #tpu.memory_space<hbm>>)
      tpu.yield
    }) : () -> ()
    %add3A_75 = arith.constant 384 : i32
    %add3A_76 = arith.addi %mul3A_0, %add3A_75 : i32
    "tpu.region"() ({
      %run_scoped3A = tpu.sem_alloc : memref<!tpu.dma_semaphore, #tpu.memory_space<semaphore_mem>>
      %dma_start3A_90 = arith.constant 0 : i32
      %dma_start3A_91 = tpu.memref_slice %arg17[%add3A_76, %dma_start3A_90] : memref<10000x128xf32, #tpu.memory_space<vmem_shared>> -> memref<48x128xf32, #tpu.memory_space<vmem_shared>>
      %dma_start3A_92 = arith.constant 0 : i32
      %dma_start3A_93 = tpu.memref_slice %arg17[%add3A_76, %dma_start3A_92] : memref<10000x128xf32, #tpu.memory_space<vmem_shared>> -> memref<48x128xf32, #tpu.memory_space<vmem_shared>>
      tpu.enqueue_dma source(%dma_start3A_93 : memref<48x128xf32, #tpu.memory_space<vmem_shared>>) target(%arg16 : memref<48x128xf32, #tpu.memory_space<vmem>>) target_semaphore(%run_scoped3A : memref<!tpu.dma_semaphore, #tpu.memory_space<semaphore_mem>>)
      %dma_wait3A_94 = arith.constant 0 : i32
      %dma_wait3A_95 = tpu.memref_slice %arg17[%add3A_76, %dma_wait3A_94] : memref<10000x128xf32, #tpu.memory_space<vmem_shared>> -> memref<48x128xf32, #tpu.memory_space<vmem_shared>>
      %dma_wait3A_96 = arith.constant 0 : i32
      %dma_wait3A_97 = tpu.memref_slice %arg17[%add3A_76, %dma_wait3A_96] : memref<10000x128xf32, #tpu.memory_space<vmem_shared>> -> memref<48x128xf32, #tpu.memory_space<vmem_shared>>
      tpu.wait_dma2 semaphore(%run_scoped3A : memref<!tpu.dma_semaphore, #tpu.memory_space<semaphore_mem>>) src(%dma_wait3A_97 : memref<48x128xf32, #tpu.memory_space<vmem_shared>>) dst(%arg16 : memref<48x128xf32, #tpu.memory_space<vmem>>)
      tpu.yield
    }) : () -> ()
    "tpu.region"() ({
      %run_scoped3A = tpu.sem_alloc : memref<!tpu.dma_semaphore, #tpu.memory_space<semaphore_mem>>
      %dma_start3A_90 = arith.constant 0 : i32
      %dma_start3A_91 = tpu.memref_slice %arg6[%add3A_76, %dma_start3A_90] : memref<10000x128xf32, #tpu.memory_space<hbm>> -> memref<48x128xf32, #tpu.memory_space<hbm>>
      %dma_start3A_92 = arith.constant 0 : i32
      %dma_start3A_93 = tpu.memref_slice %arg6[%add3A_76, %dma_start3A_92] : memref<10000x128xf32, #tpu.memory_space<hbm>> -> memref<48x128xf32, #tpu.memory_space<hbm>>
      tpu.enqueue_dma source(%arg16 : memref<48x128xf32, #tpu.memory_space<vmem>>) target(%dma_start3A_93 : memref<48x128xf32, #tpu.memory_space<hbm>>) target_semaphore(%run_scoped3A : memref<!tpu.dma_semaphore, #tpu.memory_space<semaphore_mem>>)
      %dma_wait3A_94 = arith.constant 0 : i32
      %dma_wait3A_95 = tpu.memref_slice %arg6[%add3A_76, %dma_wait3A_94] : memref<10000x128xf32, #tpu.memory_space<hbm>> -> memref<48x128xf32, #tpu.memory_space<hbm>>
      %dma_wait3A_96 = arith.constant 0 : i32
      %dma_wait3A_97 = tpu.memref_slice %arg6[%add3A_76, %dma_wait3A_96] : memref<10000x128xf32, #tpu.memory_space<hbm>> -> memref<48x128xf32, #tpu.memory_space<hbm>>
      tpu.wait_dma2 semaphore(%run_scoped3A : memref<!tpu.dma_semaphore, #tpu.memory_space<semaphore_mem>>) src(%arg16 : memref<48x128xf32, #tpu.memory_space<vmem>>) dst(%dma_wait3A_97 : memref<48x128xf32, #tpu.memory_space<hbm>>)
      tpu.yield
    }) : () -> ()
    %add3A_77 = arith.constant 432 : i32
    %add3A_78 = arith.addi %mul3A_0, %add3A_77 : i32
    "tpu.region"() ({
      %run_scoped3A = tpu.sem_alloc : memref<!tpu.dma_semaphore, #tpu.memory_space<semaphore_mem>>
      %dma_start3A_90 = arith.constant 0 : i32
      %dma_start3A_91 = tpu.memref_slice %arg17[%add3A_78, %dma_start3A_90] : memref<10000x128xf32, #tpu.memory_space<vmem_shared>> -> memref<48x128xf32, #tpu.memory_space<vmem_shared>>
      %dma_start3A_92 = arith.constant 0 : i32
      %dma_start3A_93 = tpu.memref_slice %arg17[%add3A_78, %dma_start3A_92] : memref<10000x128xf32, #tpu.memory_space<vmem_shared>> -> memref<48x128xf32, #tpu.memory_space<vmem_shared>>
      tpu.enqueue_dma source(%dma_start3A_93 : memref<48x128xf32, #tpu.memory_space<vmem_shared>>) target(%arg16 : memref<48x128xf32, #tpu.memory_space<vmem>>) target_semaphore(%run_scoped3A : memref<!tpu.dma_semaphore, #tpu.memory_space<semaphore_mem>>)
      %dma_wait3A_94 = arith.constant 0 : i32
      %dma_wait3A_95 = tpu.memref_slice %arg17[%add3A_78, %dma_wait3A_94] : memref<10000x128xf32, #tpu.memory_space<vmem_shared>> -> memref<48x128xf32, #tpu.memory_space<vmem_shared>>
      %dma_wait3A_96 = arith.constant 0 : i32
      %dma_wait3A_97 = tpu.memref_slice %arg17[%add3A_78, %dma_wait3A_96] : memref<10000x128xf32, #tpu.memory_space<vmem_shared>> -> memref<48x128xf32, #tpu.memory_space<vmem_shared>>
      tpu.wait_dma2 semaphore(%run_scoped3A : memref<!tpu.dma_semaphore, #tpu.memory_space<semaphore_mem>>) src(%dma_wait3A_97 : memref<48x128xf32, #tpu.memory_space<vmem_shared>>) dst(%arg16 : memref<48x128xf32, #tpu.memory_space<vmem>>)
      tpu.yield
    }) : () -> ()
    "tpu.region"() ({
      %run_scoped3A = tpu.sem_alloc : memref<!tpu.dma_semaphore, #tpu.memory_space<semaphore_mem>>
      %dma_start3A_90 = arith.constant 0 : i32
      %dma_start3A_91 = tpu.memref_slice %arg6[%add3A_78, %dma_start3A_90] : memref<10000x128xf32, #tpu.memory_space<hbm>> -> memref<48x128xf32, #tpu.memory_space<hbm>>
      %dma_start3A_92 = arith.constant 0 : i32
      %dma_start3A_93 = tpu.memref_slice %arg6[%add3A_78, %dma_start3A_92] : memref<10000x128xf32, #tpu.memory_space<hbm>> -> memref<48x128xf32, #tpu.memory_space<hbm>>
      tpu.enqueue_dma source(%arg16 : memref<48x128xf32, #tpu.memory_space<vmem>>) target(%dma_start3A_93 : memref<48x128xf32, #tpu.memory_space<hbm>>) target_semaphore(%run_scoped3A : memref<!tpu.dma_semaphore, #tpu.memory_space<semaphore_mem>>)
      %dma_wait3A_94 = arith.constant 0 : i32
      %dma_wait3A_95 = tpu.memref_slice %arg6[%add3A_78, %dma_wait3A_94] : memref<10000x128xf32, #tpu.memory_space<hbm>> -> memref<48x128xf32, #tpu.memory_space<hbm>>
      %dma_wait3A_96 = arith.constant 0 : i32
      %dma_wait3A_97 = tpu.memref_slice %arg6[%add3A_78, %dma_wait3A_96] : memref<10000x128xf32, #tpu.memory_space<hbm>> -> memref<48x128xf32, #tpu.memory_space<hbm>>
      tpu.wait_dma2 semaphore(%run_scoped3A : memref<!tpu.dma_semaphore, #tpu.memory_space<semaphore_mem>>) src(%arg16 : memref<48x128xf32, #tpu.memory_space<vmem>>) dst(%dma_wait3A_97 : memref<48x128xf32, #tpu.memory_space<hbm>>)
      tpu.yield
    }) : () -> ()
    %add3A_79 = arith.constant 480 : i32
    %add3A_80 = arith.addi %mul3A_0, %add3A_79 : i32
    "tpu.region"() ({
      %run_scoped3A = tpu.sem_alloc : memref<!tpu.dma_semaphore, #tpu.memory_space<semaphore_mem>>
      %dma_start3A_90 = arith.constant 0 : i32
      %dma_start3A_91 = tpu.memref_slice %arg17[%add3A_80, %dma_start3A_90] : memref<10000x128xf32, #tpu.memory_space<vmem_shared>> -> memref<48x128xf32, #tpu.memory_space<vmem_shared>>
      %dma_start3A_92 = arith.constant 0 : i32
      %dma_start3A_93 = tpu.memref_slice %arg17[%add3A_80, %dma_start3A_92] : memref<10000x128xf32, #tpu.memory_space<vmem_shared>> -> memref<48x128xf32, #tpu.memory_space<vmem_shared>>
      tpu.enqueue_dma source(%dma_start3A_93 : memref<48x128xf32, #tpu.memory_space<vmem_shared>>) target(%arg16 : memref<48x128xf32, #tpu.memory_space<vmem>>) target_semaphore(%run_scoped3A : memref<!tpu.dma_semaphore, #tpu.memory_space<semaphore_mem>>)
      %dma_wait3A_94 = arith.constant 0 : i32
      %dma_wait3A_95 = tpu.memref_slice %arg17[%add3A_80, %dma_wait3A_94] : memref<10000x128xf32, #tpu.memory_space<vmem_shared>> -> memref<48x128xf32, #tpu.memory_space<vmem_shared>>
      %dma_wait3A_96 = arith.constant 0 : i32
      %dma_wait3A_97 = tpu.memref_slice %arg17[%add3A_80, %dma_wait3A_96] : memref<10000x128xf32, #tpu.memory_space<vmem_shared>> -> memref<48x128xf32, #tpu.memory_space<vmem_shared>>
      tpu.wait_dma2 semaphore(%run_scoped3A : memref<!tpu.dma_semaphore, #tpu.memory_space<semaphore_mem>>) src(%dma_wait3A_97 : memref<48x128xf32, #tpu.memory_space<vmem_shared>>) dst(%arg16 : memref<48x128xf32, #tpu.memory_space<vmem>>)
      tpu.yield
    }) : () -> ()
    "tpu.region"() ({
      %run_scoped3A = tpu.sem_alloc : memref<!tpu.dma_semaphore, #tpu.memory_space<semaphore_mem>>
      %dma_start3A_90 = arith.constant 0 : i32
      %dma_start3A_91 = tpu.memref_slice %arg6[%add3A_80, %dma_start3A_90] : memref<10000x128xf32, #tpu.memory_space<hbm>> -> memref<48x128xf32, #tpu.memory_space<hbm>>
      %dma_start3A_92 = arith.constant 0 : i32
      %dma_start3A_93 = tpu.memref_slice %arg6[%add3A_80, %dma_start3A_92] : memref<10000x128xf32, #tpu.memory_space<hbm>> -> memref<48x128xf32, #tpu.memory_space<hbm>>
      tpu.enqueue_dma source(%arg16 : memref<48x128xf32, #tpu.memory_space<vmem>>) target(%dma_start3A_93 : memref<48x128xf32, #tpu.memory_space<hbm>>) target_semaphore(%run_scoped3A : memref<!tpu.dma_semaphore, #tpu.memory_space<semaphore_mem>>)
      %dma_wait3A_94 = arith.constant 0 : i32
      %dma_wait3A_95 = tpu.memref_slice %arg6[%add3A_80, %dma_wait3A_94] : memref<10000x128xf32, #tpu.memory_space<hbm>> -> memref<48x128xf32, #tpu.memory_space<hbm>>
      %dma_wait3A_96 = arith.constant 0 : i32
      %dma_wait3A_97 = tpu.memref_slice %arg6[%add3A_80, %dma_wait3A_96] : memref<10000x128xf32, #tpu.memory_space<hbm>> -> memref<48x128xf32, #tpu.memory_space<hbm>>
      tpu.wait_dma2 semaphore(%run_scoped3A : memref<!tpu.dma_semaphore, #tpu.memory_space<semaphore_mem>>) src(%arg16 : memref<48x128xf32, #tpu.memory_space<vmem>>) dst(%dma_wait3A_97 : memref<48x128xf32, #tpu.memory_space<hbm>>)
      tpu.yield
    }) : () -> ()
    %add3A_81 = arith.constant 528 : i32
    %add3A_82 = arith.addi %mul3A_0, %add3A_81 : i32
    "tpu.region"() ({
      %run_scoped3A = tpu.sem_alloc : memref<!tpu.dma_semaphore, #tpu.memory_space<semaphore_mem>>
      %dma_start3A_90 = arith.constant 0 : i32
      %dma_start3A_91 = tpu.memref_slice %arg17[%add3A_82, %dma_start3A_90] : memref<10000x128xf32, #tpu.memory_space<vmem_shared>> -> memref<48x128xf32, #tpu.memory_space<vmem_shared>>
      %dma_start3A_92 = arith.constant 0 : i32
      %dma_start3A_93 = tpu.memref_slice %arg17[%add3A_82, %dma_start3A_92] : memref<10000x128xf32, #tpu.memory_space<vmem_shared>> -> memref<48x128xf32, #tpu.memory_space<vmem_shared>>
      tpu.enqueue_dma source(%dma_start3A_93 : memref<48x128xf32, #tpu.memory_space<vmem_shared>>) target(%arg16 : memref<48x128xf32, #tpu.memory_space<vmem>>) target_semaphore(%run_scoped3A : memref<!tpu.dma_semaphore, #tpu.memory_space<semaphore_mem>>)
      %dma_wait3A_94 = arith.constant 0 : i32
      %dma_wait3A_95 = tpu.memref_slice %arg17[%add3A_82, %dma_wait3A_94] : memref<10000x128xf32, #tpu.memory_space<vmem_shared>> -> memref<48x128xf32, #tpu.memory_space<vmem_shared>>
      %dma_wait3A_96 = arith.constant 0 : i32
      %dma_wait3A_97 = tpu.memref_slice %arg17[%add3A_82, %dma_wait3A_96] : memref<10000x128xf32, #tpu.memory_space<vmem_shared>> -> memref<48x128xf32, #tpu.memory_space<vmem_shared>>
      tpu.wait_dma2 semaphore(%run_scoped3A : memref<!tpu.dma_semaphore, #tpu.memory_space<semaphore_mem>>) src(%dma_wait3A_97 : memref<48x128xf32, #tpu.memory_space<vmem_shared>>) dst(%arg16 : memref<48x128xf32, #tpu.memory_space<vmem>>)
      tpu.yield
    }) : () -> ()
    "tpu.region"() ({
      %run_scoped3A = tpu.sem_alloc : memref<!tpu.dma_semaphore, #tpu.memory_space<semaphore_mem>>
      %dma_start3A_90 = arith.constant 0 : i32
      %dma_start3A_91 = tpu.memref_slice %arg6[%add3A_82, %dma_start3A_90] : memref<10000x128xf32, #tpu.memory_space<hbm>> -> memref<48x128xf32, #tpu.memory_space<hbm>>
      %dma_start3A_92 = arith.constant 0 : i32
      %dma_start3A_93 = tpu.memref_slice %arg6[%add3A_82, %dma_start3A_92] : memref<10000x128xf32, #tpu.memory_space<hbm>> -> memref<48x128xf32, #tpu.memory_space<hbm>>
      tpu.enqueue_dma source(%arg16 : memref<48x128xf32, #tpu.memory_space<vmem>>) target(%dma_start3A_93 : memref<48x128xf32, #tpu.memory_space<hbm>>) target_semaphore(%run_scoped3A : memref<!tpu.dma_semaphore, #tpu.memory_space<semaphore_mem>>)
      %dma_wait3A_94 = arith.constant 0 : i32
      %dma_wait3A_95 = tpu.memref_slice %arg6[%add3A_82, %dma_wait3A_94] : memref<10000x128xf32, #tpu.memory_space<hbm>> -> memref<48x128xf32, #tpu.memory_space<hbm>>
      %dma_wait3A_96 = arith.constant 0 : i32
      %dma_wait3A_97 = tpu.memref_slice %arg6[%add3A_82, %dma_wait3A_96] : memref<10000x128xf32, #tpu.memory_space<hbm>> -> memref<48x128xf32, #tpu.memory_space<hbm>>
      tpu.wait_dma2 semaphore(%run_scoped3A : memref<!tpu.dma_semaphore, #tpu.memory_space<semaphore_mem>>) src(%arg16 : memref<48x128xf32, #tpu.memory_space<vmem>>) dst(%dma_wait3A_97 : memref<48x128xf32, #tpu.memory_space<hbm>>)
      tpu.yield
    }) : () -> ()
    %add3A_83 = arith.constant 576 : i32
    %add3A_84 = arith.addi %mul3A_0, %add3A_83 : i32
    "tpu.region"() ({
      %run_scoped3A = tpu.sem_alloc : memref<!tpu.dma_semaphore, #tpu.memory_space<semaphore_mem>>
      %dma_start3A_90 = arith.constant 0 : i32
      %dma_start3A_91 = tpu.memref_slice %arg17[%add3A_84, %dma_start3A_90] : memref<10000x128xf32, #tpu.memory_space<vmem_shared>> -> memref<48x128xf32, #tpu.memory_space<vmem_shared>>
      %dma_start3A_92 = arith.constant 0 : i32
      %dma_start3A_93 = tpu.memref_slice %arg17[%add3A_84, %dma_start3A_92] : memref<10000x128xf32, #tpu.memory_space<vmem_shared>> -> memref<48x128xf32, #tpu.memory_space<vmem_shared>>
      tpu.enqueue_dma source(%dma_start3A_93 : memref<48x128xf32, #tpu.memory_space<vmem_shared>>) target(%arg16 : memref<48x128xf32, #tpu.memory_space<vmem>>) target_semaphore(%run_scoped3A : memref<!tpu.dma_semaphore, #tpu.memory_space<semaphore_mem>>)
      %dma_wait3A_94 = arith.constant 0 : i32
      %dma_wait3A_95 = tpu.memref_slice %arg17[%add3A_84, %dma_wait3A_94] : memref<10000x128xf32, #tpu.memory_space<vmem_shared>> -> memref<48x128xf32, #tpu.memory_space<vmem_shared>>
      %dma_wait3A_96 = arith.constant 0 : i32
      %dma_wait3A_97 = tpu.memref_slice %arg17[%add3A_84, %dma_wait3A_96] : memref<10000x128xf32, #tpu.memory_space<vmem_shared>> -> memref<48x128xf32, #tpu.memory_space<vmem_shared>>
      tpu.wait_dma2 semaphore(%run_scoped3A : memref<!tpu.dma_semaphore, #tpu.memory_space<semaphore_mem>>) src(%dma_wait3A_97 : memref<48x128xf32, #tpu.memory_space<vmem_shared>>) dst(%arg16 : memref<48x128xf32, #tpu.memory_space<vmem>>)
      tpu.yield
    }) : () -> ()
    "tpu.region"() ({
      %run_scoped3A = tpu.sem_alloc : memref<!tpu.dma_semaphore, #tpu.memory_space<semaphore_mem>>
      %dma_start3A_90 = arith.constant 0 : i32
      %dma_start3A_91 = tpu.memref_slice %arg6[%add3A_84, %dma_start3A_90] : memref<10000x128xf32, #tpu.memory_space<hbm>> -> memref<48x128xf32, #tpu.memory_space<hbm>>
      %dma_start3A_92 = arith.constant 0 : i32
      %dma_start3A_93 = tpu.memref_slice %arg6[%add3A_84, %dma_start3A_92] : memref<10000x128xf32, #tpu.memory_space<hbm>> -> memref<48x128xf32, #tpu.memory_space<hbm>>
      tpu.enqueue_dma source(%arg16 : memref<48x128xf32, #tpu.memory_space<vmem>>) target(%dma_start3A_93 : memref<48x128xf32, #tpu.memory_space<hbm>>) target_semaphore(%run_scoped3A : memref<!tpu.dma_semaphore, #tpu.memory_space<semaphore_mem>>)
      %dma_wait3A_94 = arith.constant 0 : i32
      %dma_wait3A_95 = tpu.memref_slice %arg6[%add3A_84, %dma_wait3A_94] : memref<10000x128xf32, #tpu.memory_space<hbm>> -> memref<48x128xf32, #tpu.memory_space<hbm>>
      %dma_wait3A_96 = arith.constant 0 : i32
      %dma_wait3A_97 = tpu.memref_slice %arg6[%add3A_84, %dma_wait3A_96] : memref<10000x128xf32, #tpu.memory_space<hbm>> -> memref<48x128xf32, #tpu.memory_space<hbm>>
      tpu.wait_dma2 semaphore(%run_scoped3A : memref<!tpu.dma_semaphore, #tpu.memory_space<semaphore_mem>>) src(%arg16 : memref<48x128xf32, #tpu.memory_space<vmem>>) dst(%dma_wait3A_97 : memref<48x128xf32, #tpu.memory_space<hbm>>)
      tpu.yield
    }) : () -> ()
    %eq3A_85 = arith.constant 15 : i32
    %eq3A_86 = arith.cmpi eq, %arg1, %eq3A_85 : i32
    %convert_element_type3A_87 = arith.extui %eq3A_86 : i1 to i32
    %cond3A_88 = arith.constant 0 : i32
    %cond3A_89 = arith.cmpi ne, %convert_element_type3A_87, %cond3A_88 : i32
    scf.if %cond3A_89 {
      "tpu.region"() ({
        %run_scoped3A = tpu.sem_alloc : memref<!tpu.dma_semaphore, #tpu.memory_space<semaphore_mem>>
        %dma_start3A_90 = arith.constant 0 : i32
        %dma_start3A_91 = arith.constant 0 : i32
        %dma_start3A_92 = tpu.memref_slice %arg16[%dma_start3A_90, %dma_start3A_91] : memref<48x128xf32, #tpu.memory_space<vmem>> -> memref<16x128xf32, #tpu.memory_space<vmem>>
        %dma_start3A_93 = arith.constant 9984 : i32
        %dma_start3A_94 = arith.constant 0 : i32
        %dma_start3A_95 = tpu.memref_slice %arg17[%dma_start3A_93, %dma_start3A_94] : memref<10000x128xf32, #tpu.memory_space<vmem_shared>> -> memref<16x128xf32, #tpu.memory_space<vmem_shared>>
        %dma_start3A_96 = arith.constant 0 : i32
        %dma_start3A_97 = arith.constant 0 : i32
        %dma_start3A_98 = tpu.memref_slice %arg16[%dma_start3A_96, %dma_start3A_97] : memref<48x128xf32, #tpu.memory_space<vmem>> -> memref<16x128xf32, #tpu.memory_space<vmem>>
        %dma_start3A_99 = arith.constant 9984 : i32
        %dma_start3A_100 = arith.constant 0 : i32
        %dma_start3A_101 = tpu.memref_slice %arg17[%dma_start3A_99, %dma_start3A_100] : memref<10000x128xf32, #tpu.memory_space<vmem_shared>> -> memref<16x128xf32, #tpu.memory_space<vmem_shared>>
        tpu.enqueue_dma source(%dma_start3A_101 : memref<16x128xf32, #tpu.memory_space<vmem_shared>>) target(%dma_start3A_98 : memref<16x128xf32, #tpu.memory_space<vmem>>) target_semaphore(%run_scoped3A : memref<!tpu.dma_semaphore, #tpu.memory_space<semaphore_mem>>)
        %dma_wait3A_102 = arith.constant 0 : i32
        %dma_wait3A_103 = arith.constant 0 : i32
        %dma_wait3A_104 = tpu.memref_slice %arg16[%dma_wait3A_102, %dma_wait3A_103] : memref<48x128xf32, #tpu.memory_space<vmem>> -> memref<16x128xf32, #tpu.memory_space<vmem>>
        %dma_wait3A_105 = arith.constant 9984 : i32
        %dma_wait3A_106 = arith.constant 0 : i32
        %dma_wait3A_107 = tpu.memref_slice %arg17[%dma_wait3A_105, %dma_wait3A_106] : memref<10000x128xf32, #tpu.memory_space<vmem_shared>> -> memref<16x128xf32, #tpu.memory_space<vmem_shared>>
        %dma_wait3A_108 = arith.constant 0 : i32
        %dma_wait3A_109 = arith.constant 0 : i32
        %dma_wait3A_110 = tpu.memref_slice %arg16[%dma_wait3A_108, %dma_wait3A_109] : memref<48x128xf32, #tpu.memory_space<vmem>> -> memref<16x128xf32, #tpu.memory_space<vmem>>
        %dma_wait3A_111 = arith.constant 9984 : i32
        %dma_wait3A_112 = arith.constant 0 : i32
        %dma_wait3A_113 = tpu.memref_slice %arg17[%dma_wait3A_111, %dma_wait3A_112] : memref<10000x128xf32, #tpu.memory_space<vmem_shared>> -> memref<16x128xf32, #tpu.memory_space<vmem_shared>>
        tpu.wait_dma2 semaphore(%run_scoped3A : memref<!tpu.dma_semaphore, #tpu.memory_space<semaphore_mem>>) src(%dma_wait3A_113 : memref<16x128xf32, #tpu.memory_space<vmem_shared>>) dst(%dma_wait3A_110 : memref<16x128xf32, #tpu.memory_space<vmem>>)
        tpu.yield
      }) : () -> ()
      "tpu.region"() ({
        %run_scoped3A = tpu.sem_alloc : memref<!tpu.dma_semaphore, #tpu.memory_space<semaphore_mem>>
        %dma_start3A_90 = arith.constant 0 : i32
        %dma_start3A_91 = arith.constant 0 : i32
        %dma_start3A_92 = tpu.memref_slice %arg16[%dma_start3A_90, %dma_start3A_91] : memref<48x128xf32, #tpu.memory_space<vmem>> -> memref<16x128xf32, #tpu.memory_space<vmem>>
        %dma_start3A_93 = arith.constant 9984 : i32
        %dma_start3A_94 = arith.constant 0 : i32
        %dma_start3A_95 = tpu.memref_slice %arg6[%dma_start3A_93, %dma_start3A_94] : memref<10000x128xf32, #tpu.memory_space<hbm>> -> memref<16x128xf32, #tpu.memory_space<hbm>>
        %dma_start3A_96 = arith.constant 9984 : i32
        %dma_start3A_97 = arith.constant 0 : i32
        %dma_start3A_98 = tpu.memref_slice %arg6[%dma_start3A_96, %dma_start3A_97] : memref<10000x128xf32, #tpu.memory_space<hbm>> -> memref<16x128xf32, #tpu.memory_space<hbm>>
        %dma_start3A_99 = arith.constant 0 : i32
        %dma_start3A_100 = arith.constant 0 : i32
        %dma_start3A_101 = tpu.memref_slice %arg16[%dma_start3A_99, %dma_start3A_100] : memref<48x128xf32, #tpu.memory_space<vmem>> -> memref<16x128xf32, #tpu.memory_space<vmem>>
        tpu.enqueue_dma source(%dma_start3A_101 : memref<16x128xf32, #tpu.memory_space<vmem>>) target(%dma_start3A_98 : memref<16x128xf32, #tpu.memory_space<hbm>>) target_semaphore(%run_scoped3A : memref<!tpu.dma_semaphore, #tpu.memory_space<semaphore_mem>>)
        %dma_wait3A_102 = arith.constant 0 : i32
        %dma_wait3A_103 = arith.constant 0 : i32
        %dma_wait3A_104 = tpu.memref_slice %arg16[%dma_wait3A_102, %dma_wait3A_103] : memref<48x128xf32, #tpu.memory_space<vmem>> -> memref<16x128xf32, #tpu.memory_space<vmem>>
        %dma_wait3A_105 = arith.constant 9984 : i32
        %dma_wait3A_106 = arith.constant 0 : i32
        %dma_wait3A_107 = tpu.memref_slice %arg6[%dma_wait3A_105, %dma_wait3A_106] : memref<10000x128xf32, #tpu.memory_space<hbm>> -> memref<16x128xf32, #tpu.memory_space<hbm>>
        %dma_wait3A_108 = arith.constant 9984 : i32
        %dma_wait3A_109 = arith.constant 0 : i32
        %dma_wait3A_110 = tpu.memref_slice %arg6[%dma_wait3A_108, %dma_wait3A_109] : memref<10000x128xf32, #tpu.memory_space<hbm>> -> memref<16x128xf32, #tpu.memory_space<hbm>>
        %dma_wait3A_111 = arith.constant 0 : i32
        %dma_wait3A_112 = arith.constant 0 : i32
        %dma_wait3A_113 = tpu.memref_slice %arg16[%dma_wait3A_111, %dma_wait3A_112] : memref<48x128xf32, #tpu.memory_space<vmem>> -> memref<16x128xf32, #tpu.memory_space<vmem>>
        tpu.wait_dma2 semaphore(%run_scoped3A : memref<!tpu.dma_semaphore, #tpu.memory_space<semaphore_mem>>) src(%dma_wait3A_113 : memref<16x128xf32, #tpu.memory_space<vmem>>) dst(%dma_wait3A_110 : memref<16x128xf32, #tpu.memory_space<hbm>>)
        tpu.yield
      }) : () -> ()
    } else {
    }
    return
  }
}

#map = affine_map<(d0, d1) -> (0)>
#map1 = affine_map<(d0, d1) -> (0, 0)>
module attributes {stable_mosaic.version = 14 : i64} {
  func.func @body(%arg0: i32, %arg1: i32, %arg2: memref<320000xi32, #tpu.memory_space<hbm>>, %arg3: memref<10000x128xf32, #tpu.memory_space<hbm>>, %arg4: memref<80x128xf32, #tpu.memory_space<hbm>>, %arg5: memref<10000x128xf32, #tpu.memory_space<hbm>>, %arg6: memref<80xi32, #tpu.memory_space<vmem>>, %arg7: memref<80xi32, #tpu.memory_space<vmem>>, %arg8: memref<80xi32, #tpu.memory_space<vmem>>, %arg9: memref<80x128xf32, #tpu.memory_space<vmem>>, %arg10: memref<48x128xf32, #tpu.memory_space<vmem>>, %arg11: memref<10000x128xf32, #tpu.memory_space<vmem_shared>>, %arg12: memref<!tpu.dma_semaphore, #tpu.memory_space<semaphore_mem>>, %arg13: memref<!tpu.dma_semaphore, #tpu.memory_space<semaphore_mem>>, %arg14: memref<!tpu.dma_semaphore, #tpu.memory_space<semaphore_mem>>) attributes {dimension_semantics = [#tpu.dimension_semantics<core_parallel>, #tpu.dimension_semantics<subcore_parallel>], iteration_bounds = array<i64: 1, 16>, scalar_prefetch = 0 : i64, scratch_operands = 9 : i64, tpu.core_type = #tpu.core_type<sc_vector_subcore>, window_params = [{transform_indices = #map}, {transform_indices = #map1}, {transform_indices = #map1}, {transform_indices = #map1}]} {
    %mul3A = arith.constant 624 : i32
    %mul3A_0 = arith.muli %arg1, %mul3A : i32
    "tpu.region"() ({
      %run_scoped3A = tpu.sem_alloc : memref<!tpu.dma_semaphore, #tpu.memory_space<semaphore_mem>>
      %dma_start3A_84 = arith.constant 0 : i32
      %dma_start3A_85 = arith.constant 0 : i32
      %dma_start3A_86 = tpu.memref_slice %arg3[%dma_start3A_84, %dma_start3A_85] : memref<10000x128xf32, #tpu.memory_space<hbm>> -> memref<48x128xf32, #tpu.memory_space<hbm>>
      %dma_start3A_87 = arith.constant 0 : i32
      %dma_start3A_88 = arith.constant 0 : i32
      %dma_start3A_89 = tpu.memref_slice %arg3[%dma_start3A_87, %dma_start3A_88] : memref<10000x128xf32, #tpu.memory_space<hbm>> -> memref<48x128xf32, #tpu.memory_space<hbm>>
      tpu.enqueue_dma source(%dma_start3A_89 : memref<48x128xf32, #tpu.memory_space<hbm>>) target(%arg10 : memref<48x128xf32, #tpu.memory_space<vmem>>) target_semaphore(%run_scoped3A : memref<!tpu.dma_semaphore, #tpu.memory_space<semaphore_mem>>)
      %dma_wait3A_90 = arith.constant 0 : i32
      %dma_wait3A_91 = arith.constant 0 : i32
      %dma_wait3A_92 = tpu.memref_slice %arg3[%dma_wait3A_90, %dma_wait3A_91] : memref<10000x128xf32, #tpu.memory_space<hbm>> -> memref<48x128xf32, #tpu.memory_space<hbm>>
      %dma_wait3A_93 = arith.constant 0 : i32
      %dma_wait3A_94 = arith.constant 0 : i32
      %dma_wait3A_95 = tpu.memref_slice %arg3[%dma_wait3A_93, %dma_wait3A_94] : memref<10000x128xf32, #tpu.memory_space<hbm>> -> memref<48x128xf32, #tpu.memory_space<hbm>>
      tpu.wait_dma2 semaphore(%run_scoped3A : memref<!tpu.dma_semaphore, #tpu.memory_space<semaphore_mem>>) src(%dma_wait3A_95 : memref<48x128xf32, #tpu.memory_space<hbm>>) dst(%arg10 : memref<48x128xf32, #tpu.memory_space<vmem>>)
      tpu.yield
    }) : () -> ()
    "tpu.region"() ({
      %run_scoped3A = tpu.sem_alloc : memref<!tpu.dma_semaphore, #tpu.memory_space<semaphore_mem>>
      tpu.enqueue_dma source(%arg4 : memref<80x128xf32, #tpu.memory_space<hbm>>) target(%arg9 : memref<80x128xf32, #tpu.memory_space<vmem>>) target_semaphore(%run_scoped3A : memref<!tpu.dma_semaphore, #tpu.memory_space<semaphore_mem>>)
      tpu.wait_dma2 semaphore(%run_scoped3A : memref<!tpu.dma_semaphore, #tpu.memory_space<semaphore_mem>>) src(%arg4 : memref<80x128xf32, #tpu.memory_space<hbm>>) dst(%arg9 : memref<80x128xf32, #tpu.memory_space<vmem>>)
      tpu.yield
    }) : () -> ()
    %add3A = arith.constant 0 : i32
    %add3A_1 = arith.addi %mul3A_0, %add3A : i32
    "tpu.region"() ({
      %run_scoped3A = tpu.sem_alloc : memref<!tpu.dma_semaphore, #tpu.memory_space<semaphore_mem>>
      %dma_start3A_84 = arith.constant 0 : i32
      %dma_start3A_85 = tpu.memref_slice %arg11[%add3A_1, %dma_start3A_84] : memref<10000x128xf32, #tpu.memory_space<vmem_shared>> -> memref<48x128xf32, #tpu.memory_space<vmem_shared>>
      %dma_start3A_86 = arith.constant 0 : i32
      %dma_start3A_87 = tpu.memref_slice %arg11[%add3A_1, %dma_start3A_86] : memref<10000x128xf32, #tpu.memory_space<vmem_shared>> -> memref<48x128xf32, #tpu.memory_space<vmem_shared>>
      tpu.enqueue_dma source(%arg10 : memref<48x128xf32, #tpu.memory_space<vmem>>) target(%dma_start3A_87 : memref<48x128xf32, #tpu.memory_space<vmem_shared>>) target_semaphore(%run_scoped3A : memref<!tpu.dma_semaphore, #tpu.memory_space<semaphore_mem>>)
      %dma_wait3A_88 = arith.constant 0 : i32
      %dma_wait3A_89 = tpu.memref_slice %arg11[%add3A_1, %dma_wait3A_88] : memref<10000x128xf32, #tpu.memory_space<vmem_shared>> -> memref<48x128xf32, #tpu.memory_space<vmem_shared>>
      %dma_wait3A_90 = arith.constant 0 : i32
      %dma_wait3A_91 = tpu.memref_slice %arg11[%add3A_1, %dma_wait3A_90] : memref<10000x128xf32, #tpu.memory_space<vmem_shared>> -> memref<48x128xf32, #tpu.memory_space<vmem_shared>>
      tpu.wait_dma2 semaphore(%run_scoped3A : memref<!tpu.dma_semaphore, #tpu.memory_space<semaphore_mem>>) src(%arg10 : memref<48x128xf32, #tpu.memory_space<vmem>>) dst(%dma_wait3A_91 : memref<48x128xf32, #tpu.memory_space<vmem_shared>>)
      tpu.yield
    }) : () -> ()
    %add3A_2 = arith.constant 48 : i32
    %add3A_3 = arith.addi %mul3A_0, %add3A_2 : i32
    "tpu.region"() ({
      %run_scoped3A = tpu.sem_alloc : memref<!tpu.dma_semaphore, #tpu.memory_space<semaphore_mem>>
      %dma_start3A_84 = arith.constant 0 : i32
      %dma_start3A_85 = tpu.memref_slice %arg11[%add3A_3, %dma_start3A_84] : memref<10000x128xf32, #tpu.memory_space<vmem_shared>> -> memref<48x128xf32, #tpu.memory_space<vmem_shared>>
      %dma_start3A_86 = arith.constant 0 : i32
      %dma_start3A_87 = tpu.memref_slice %arg11[%add3A_3, %dma_start3A_86] : memref<10000x128xf32, #tpu.memory_space<vmem_shared>> -> memref<48x128xf32, #tpu.memory_space<vmem_shared>>
      tpu.enqueue_dma source(%arg10 : memref<48x128xf32, #tpu.memory_space<vmem>>) target(%dma_start3A_87 : memref<48x128xf32, #tpu.memory_space<vmem_shared>>) target_semaphore(%run_scoped3A : memref<!tpu.dma_semaphore, #tpu.memory_space<semaphore_mem>>)
      %dma_wait3A_88 = arith.constant 0 : i32
      %dma_wait3A_89 = tpu.memref_slice %arg11[%add3A_3, %dma_wait3A_88] : memref<10000x128xf32, #tpu.memory_space<vmem_shared>> -> memref<48x128xf32, #tpu.memory_space<vmem_shared>>
      %dma_wait3A_90 = arith.constant 0 : i32
      %dma_wait3A_91 = tpu.memref_slice %arg11[%add3A_3, %dma_wait3A_90] : memref<10000x128xf32, #tpu.memory_space<vmem_shared>> -> memref<48x128xf32, #tpu.memory_space<vmem_shared>>
      tpu.wait_dma2 semaphore(%run_scoped3A : memref<!tpu.dma_semaphore, #tpu.memory_space<semaphore_mem>>) src(%arg10 : memref<48x128xf32, #tpu.memory_space<vmem>>) dst(%dma_wait3A_91 : memref<48x128xf32, #tpu.memory_space<vmem_shared>>)
      tpu.yield
    }) : () -> ()
    %add3A_4 = arith.constant 96 : i32
    %add3A_5 = arith.addi %mul3A_0, %add3A_4 : i32
    "tpu.region"() ({
      %run_scoped3A = tpu.sem_alloc : memref<!tpu.dma_semaphore, #tpu.memory_space<semaphore_mem>>
      %dma_start3A_84 = arith.constant 0 : i32
      %dma_start3A_85 = tpu.memref_slice %arg11[%add3A_5, %dma_start3A_84] : memref<10000x128xf32, #tpu.memory_space<vmem_shared>> -> memref<48x128xf32, #tpu.memory_space<vmem_shared>>
      %dma_start3A_86 = arith.constant 0 : i32
      %dma_start3A_87 = tpu.memref_slice %arg11[%add3A_5, %dma_start3A_86] : memref<10000x128xf32, #tpu.memory_space<vmem_shared>> -> memref<48x128xf32, #tpu.memory_space<vmem_shared>>
      tpu.enqueue_dma source(%arg10 : memref<48x128xf32, #tpu.memory_space<vmem>>) target(%dma_start3A_87 : memref<48x128xf32, #tpu.memory_space<vmem_shared>>) target_semaphore(%run_scoped3A : memref<!tpu.dma_semaphore, #tpu.memory_space<semaphore_mem>>)
      %dma_wait3A_88 = arith.constant 0 : i32
      %dma_wait3A_89 = tpu.memref_slice %arg11[%add3A_5, %dma_wait3A_88] : memref<10000x128xf32, #tpu.memory_space<vmem_shared>> -> memref<48x128xf32, #tpu.memory_space<vmem_shared>>
      %dma_wait3A_90 = arith.constant 0 : i32
      %dma_wait3A_91 = tpu.memref_slice %arg11[%add3A_5, %dma_wait3A_90] : memref<10000x128xf32, #tpu.memory_space<vmem_shared>> -> memref<48x128xf32, #tpu.memory_space<vmem_shared>>
      tpu.wait_dma2 semaphore(%run_scoped3A : memref<!tpu.dma_semaphore, #tpu.memory_space<semaphore_mem>>) src(%arg10 : memref<48x128xf32, #tpu.memory_space<vmem>>) dst(%dma_wait3A_91 : memref<48x128xf32, #tpu.memory_space<vmem_shared>>)
      tpu.yield
    }) : () -> ()
    %add3A_6 = arith.constant 144 : i32
    %add3A_7 = arith.addi %mul3A_0, %add3A_6 : i32
    "tpu.region"() ({
      %run_scoped3A = tpu.sem_alloc : memref<!tpu.dma_semaphore, #tpu.memory_space<semaphore_mem>>
      %dma_start3A_84 = arith.constant 0 : i32
      %dma_start3A_85 = tpu.memref_slice %arg11[%add3A_7, %dma_start3A_84] : memref<10000x128xf32, #tpu.memory_space<vmem_shared>> -> memref<48x128xf32, #tpu.memory_space<vmem_shared>>
      %dma_start3A_86 = arith.constant 0 : i32
      %dma_start3A_87 = tpu.memref_slice %arg11[%add3A_7, %dma_start3A_86] : memref<10000x128xf32, #tpu.memory_space<vmem_shared>> -> memref<48x128xf32, #tpu.memory_space<vmem_shared>>
      tpu.enqueue_dma source(%arg10 : memref<48x128xf32, #tpu.memory_space<vmem>>) target(%dma_start3A_87 : memref<48x128xf32, #tpu.memory_space<vmem_shared>>) target_semaphore(%run_scoped3A : memref<!tpu.dma_semaphore, #tpu.memory_space<semaphore_mem>>)
      %dma_wait3A_88 = arith.constant 0 : i32
      %dma_wait3A_89 = tpu.memref_slice %arg11[%add3A_7, %dma_wait3A_88] : memref<10000x128xf32, #tpu.memory_space<vmem_shared>> -> memref<48x128xf32, #tpu.memory_space<vmem_shared>>
      %dma_wait3A_90 = arith.constant 0 : i32
      %dma_wait3A_91 = tpu.memref_slice %arg11[%add3A_7, %dma_wait3A_90] : memref<10000x128xf32, #tpu.memory_space<vmem_shared>> -> memref<48x128xf32, #tpu.memory_space<vmem_shared>>
      tpu.wait_dma2 semaphore(%run_scoped3A : memref<!tpu.dma_semaphore, #tpu.memory_space<semaphore_mem>>) src(%arg10 : memref<48x128xf32, #tpu.memory_space<vmem>>) dst(%dma_wait3A_91 : memref<48x128xf32, #tpu.memory_space<vmem_shared>>)
      tpu.yield
    }) : () -> ()
    %add3A_8 = arith.constant 192 : i32
    %add3A_9 = arith.addi %mul3A_0, %add3A_8 : i32
    "tpu.region"() ({
      %run_scoped3A = tpu.sem_alloc : memref<!tpu.dma_semaphore, #tpu.memory_space<semaphore_mem>>
      %dma_start3A_84 = arith.constant 0 : i32
      %dma_start3A_85 = tpu.memref_slice %arg11[%add3A_9, %dma_start3A_84] : memref<10000x128xf32, #tpu.memory_space<vmem_shared>> -> memref<48x128xf32, #tpu.memory_space<vmem_shared>>
      %dma_start3A_86 = arith.constant 0 : i32
      %dma_start3A_87 = tpu.memref_slice %arg11[%add3A_9, %dma_start3A_86] : memref<10000x128xf32, #tpu.memory_space<vmem_shared>> -> memref<48x128xf32, #tpu.memory_space<vmem_shared>>
      tpu.enqueue_dma source(%arg10 : memref<48x128xf32, #tpu.memory_space<vmem>>) target(%dma_start3A_87 : memref<48x128xf32, #tpu.memory_space<vmem_shared>>) target_semaphore(%run_scoped3A : memref<!tpu.dma_semaphore, #tpu.memory_space<semaphore_mem>>)
      %dma_wait3A_88 = arith.constant 0 : i32
      %dma_wait3A_89 = tpu.memref_slice %arg11[%add3A_9, %dma_wait3A_88] : memref<10000x128xf32, #tpu.memory_space<vmem_shared>> -> memref<48x128xf32, #tpu.memory_space<vmem_shared>>
      %dma_wait3A_90 = arith.constant 0 : i32
      %dma_wait3A_91 = tpu.memref_slice %arg11[%add3A_9, %dma_wait3A_90] : memref<10000x128xf32, #tpu.memory_space<vmem_shared>> -> memref<48x128xf32, #tpu.memory_space<vmem_shared>>
      tpu.wait_dma2 semaphore(%run_scoped3A : memref<!tpu.dma_semaphore, #tpu.memory_space<semaphore_mem>>) src(%arg10 : memref<48x128xf32, #tpu.memory_space<vmem>>) dst(%dma_wait3A_91 : memref<48x128xf32, #tpu.memory_space<vmem_shared>>)
      tpu.yield
    }) : () -> ()
    %add3A_10 = arith.constant 240 : i32
    %add3A_11 = arith.addi %mul3A_0, %add3A_10 : i32
    "tpu.region"() ({
      %run_scoped3A = tpu.sem_alloc : memref<!tpu.dma_semaphore, #tpu.memory_space<semaphore_mem>>
      %dma_start3A_84 = arith.constant 0 : i32
      %dma_start3A_85 = tpu.memref_slice %arg11[%add3A_11, %dma_start3A_84] : memref<10000x128xf32, #tpu.memory_space<vmem_shared>> -> memref<48x128xf32, #tpu.memory_space<vmem_shared>>
      %dma_start3A_86 = arith.constant 0 : i32
      %dma_start3A_87 = tpu.memref_slice %arg11[%add3A_11, %dma_start3A_86] : memref<10000x128xf32, #tpu.memory_space<vmem_shared>> -> memref<48x128xf32, #tpu.memory_space<vmem_shared>>
      tpu.enqueue_dma source(%arg10 : memref<48x128xf32, #tpu.memory_space<vmem>>) target(%dma_start3A_87 : memref<48x128xf32, #tpu.memory_space<vmem_shared>>) target_semaphore(%run_scoped3A : memref<!tpu.dma_semaphore, #tpu.memory_space<semaphore_mem>>)
      %dma_wait3A_88 = arith.constant 0 : i32
      %dma_wait3A_89 = tpu.memref_slice %arg11[%add3A_11, %dma_wait3A_88] : memref<10000x128xf32, #tpu.memory_space<vmem_shared>> -> memref<48x128xf32, #tpu.memory_space<vmem_shared>>
      %dma_wait3A_90 = arith.constant 0 : i32
      %dma_wait3A_91 = tpu.memref_slice %arg11[%add3A_11, %dma_wait3A_90] : memref<10000x128xf32, #tpu.memory_space<vmem_shared>> -> memref<48x128xf32, #tpu.memory_space<vmem_shared>>
      tpu.wait_dma2 semaphore(%run_scoped3A : memref<!tpu.dma_semaphore, #tpu.memory_space<semaphore_mem>>) src(%arg10 : memref<48x128xf32, #tpu.memory_space<vmem>>) dst(%dma_wait3A_91 : memref<48x128xf32, #tpu.memory_space<vmem_shared>>)
      tpu.yield
    }) : () -> ()
    %add3A_12 = arith.constant 288 : i32
    %add3A_13 = arith.addi %mul3A_0, %add3A_12 : i32
    "tpu.region"() ({
      %run_scoped3A = tpu.sem_alloc : memref<!tpu.dma_semaphore, #tpu.memory_space<semaphore_mem>>
      %dma_start3A_84 = arith.constant 0 : i32
      %dma_start3A_85 = tpu.memref_slice %arg11[%add3A_13, %dma_start3A_84] : memref<10000x128xf32, #tpu.memory_space<vmem_shared>> -> memref<48x128xf32, #tpu.memory_space<vmem_shared>>
      %dma_start3A_86 = arith.constant 0 : i32
      %dma_start3A_87 = tpu.memref_slice %arg11[%add3A_13, %dma_start3A_86] : memref<10000x128xf32, #tpu.memory_space<vmem_shared>> -> memref<48x128xf32, #tpu.memory_space<vmem_shared>>
      tpu.enqueue_dma source(%arg10 : memref<48x128xf32, #tpu.memory_space<vmem>>) target(%dma_start3A_87 : memref<48x128xf32, #tpu.memory_space<vmem_shared>>) target_semaphore(%run_scoped3A : memref<!tpu.dma_semaphore, #tpu.memory_space<semaphore_mem>>)
      %dma_wait3A_88 = arith.constant 0 : i32
      %dma_wait3A_89 = tpu.memref_slice %arg11[%add3A_13, %dma_wait3A_88] : memref<10000x128xf32, #tpu.memory_space<vmem_shared>> -> memref<48x128xf32, #tpu.memory_space<vmem_shared>>
      %dma_wait3A_90 = arith.constant 0 : i32
      %dma_wait3A_91 = tpu.memref_slice %arg11[%add3A_13, %dma_wait3A_90] : memref<10000x128xf32, #tpu.memory_space<vmem_shared>> -> memref<48x128xf32, #tpu.memory_space<vmem_shared>>
      tpu.wait_dma2 semaphore(%run_scoped3A : memref<!tpu.dma_semaphore, #tpu.memory_space<semaphore_mem>>) src(%arg10 : memref<48x128xf32, #tpu.memory_space<vmem>>) dst(%dma_wait3A_91 : memref<48x128xf32, #tpu.memory_space<vmem_shared>>)
      tpu.yield
    }) : () -> ()
    %add3A_14 = arith.constant 336 : i32
    %add3A_15 = arith.addi %mul3A_0, %add3A_14 : i32
    "tpu.region"() ({
      %run_scoped3A = tpu.sem_alloc : memref<!tpu.dma_semaphore, #tpu.memory_space<semaphore_mem>>
      %dma_start3A_84 = arith.constant 0 : i32
      %dma_start3A_85 = tpu.memref_slice %arg11[%add3A_15, %dma_start3A_84] : memref<10000x128xf32, #tpu.memory_space<vmem_shared>> -> memref<48x128xf32, #tpu.memory_space<vmem_shared>>
      %dma_start3A_86 = arith.constant 0 : i32
      %dma_start3A_87 = tpu.memref_slice %arg11[%add3A_15, %dma_start3A_86] : memref<10000x128xf32, #tpu.memory_space<vmem_shared>> -> memref<48x128xf32, #tpu.memory_space<vmem_shared>>
      tpu.enqueue_dma source(%arg10 : memref<48x128xf32, #tpu.memory_space<vmem>>) target(%dma_start3A_87 : memref<48x128xf32, #tpu.memory_space<vmem_shared>>) target_semaphore(%run_scoped3A : memref<!tpu.dma_semaphore, #tpu.memory_space<semaphore_mem>>)
      %dma_wait3A_88 = arith.constant 0 : i32
      %dma_wait3A_89 = tpu.memref_slice %arg11[%add3A_15, %dma_wait3A_88] : memref<10000x128xf32, #tpu.memory_space<vmem_shared>> -> memref<48x128xf32, #tpu.memory_space<vmem_shared>>
      %dma_wait3A_90 = arith.constant 0 : i32
      %dma_wait3A_91 = tpu.memref_slice %arg11[%add3A_15, %dma_wait3A_90] : memref<10000x128xf32, #tpu.memory_space<vmem_shared>> -> memref<48x128xf32, #tpu.memory_space<vmem_shared>>
      tpu.wait_dma2 semaphore(%run_scoped3A : memref<!tpu.dma_semaphore, #tpu.memory_space<semaphore_mem>>) src(%arg10 : memref<48x128xf32, #tpu.memory_space<vmem>>) dst(%dma_wait3A_91 : memref<48x128xf32, #tpu.memory_space<vmem_shared>>)
      tpu.yield
    }) : () -> ()
    %add3A_16 = arith.constant 384 : i32
    %add3A_17 = arith.addi %mul3A_0, %add3A_16 : i32
    "tpu.region"() ({
      %run_scoped3A = tpu.sem_alloc : memref<!tpu.dma_semaphore, #tpu.memory_space<semaphore_mem>>
      %dma_start3A_84 = arith.constant 0 : i32
      %dma_start3A_85 = tpu.memref_slice %arg11[%add3A_17, %dma_start3A_84] : memref<10000x128xf32, #tpu.memory_space<vmem_shared>> -> memref<48x128xf32, #tpu.memory_space<vmem_shared>>
      %dma_start3A_86 = arith.constant 0 : i32
      %dma_start3A_87 = tpu.memref_slice %arg11[%add3A_17, %dma_start3A_86] : memref<10000x128xf32, #tpu.memory_space<vmem_shared>> -> memref<48x128xf32, #tpu.memory_space<vmem_shared>>
      tpu.enqueue_dma source(%arg10 : memref<48x128xf32, #tpu.memory_space<vmem>>) target(%dma_start3A_87 : memref<48x128xf32, #tpu.memory_space<vmem_shared>>) target_semaphore(%run_scoped3A : memref<!tpu.dma_semaphore, #tpu.memory_space<semaphore_mem>>)
      %dma_wait3A_88 = arith.constant 0 : i32
      %dma_wait3A_89 = tpu.memref_slice %arg11[%add3A_17, %dma_wait3A_88] : memref<10000x128xf32, #tpu.memory_space<vmem_shared>> -> memref<48x128xf32, #tpu.memory_space<vmem_shared>>
      %dma_wait3A_90 = arith.constant 0 : i32
      %dma_wait3A_91 = tpu.memref_slice %arg11[%add3A_17, %dma_wait3A_90] : memref<10000x128xf32, #tpu.memory_space<vmem_shared>> -> memref<48x128xf32, #tpu.memory_space<vmem_shared>>
      tpu.wait_dma2 semaphore(%run_scoped3A : memref<!tpu.dma_semaphore, #tpu.memory_space<semaphore_mem>>) src(%arg10 : memref<48x128xf32, #tpu.memory_space<vmem>>) dst(%dma_wait3A_91 : memref<48x128xf32, #tpu.memory_space<vmem_shared>>)
      tpu.yield
    }) : () -> ()
    %add3A_18 = arith.constant 432 : i32
    %add3A_19 = arith.addi %mul3A_0, %add3A_18 : i32
    "tpu.region"() ({
      %run_scoped3A = tpu.sem_alloc : memref<!tpu.dma_semaphore, #tpu.memory_space<semaphore_mem>>
      %dma_start3A_84 = arith.constant 0 : i32
      %dma_start3A_85 = tpu.memref_slice %arg11[%add3A_19, %dma_start3A_84] : memref<10000x128xf32, #tpu.memory_space<vmem_shared>> -> memref<48x128xf32, #tpu.memory_space<vmem_shared>>
      %dma_start3A_86 = arith.constant 0 : i32
      %dma_start3A_87 = tpu.memref_slice %arg11[%add3A_19, %dma_start3A_86] : memref<10000x128xf32, #tpu.memory_space<vmem_shared>> -> memref<48x128xf32, #tpu.memory_space<vmem_shared>>
      tpu.enqueue_dma source(%arg10 : memref<48x128xf32, #tpu.memory_space<vmem>>) target(%dma_start3A_87 : memref<48x128xf32, #tpu.memory_space<vmem_shared>>) target_semaphore(%run_scoped3A : memref<!tpu.dma_semaphore, #tpu.memory_space<semaphore_mem>>)
      %dma_wait3A_88 = arith.constant 0 : i32
      %dma_wait3A_89 = tpu.memref_slice %arg11[%add3A_19, %dma_wait3A_88] : memref<10000x128xf32, #tpu.memory_space<vmem_shared>> -> memref<48x128xf32, #tpu.memory_space<vmem_shared>>
      %dma_wait3A_90 = arith.constant 0 : i32
      %dma_wait3A_91 = tpu.memref_slice %arg11[%add3A_19, %dma_wait3A_90] : memref<10000x128xf32, #tpu.memory_space<vmem_shared>> -> memref<48x128xf32, #tpu.memory_space<vmem_shared>>
      tpu.wait_dma2 semaphore(%run_scoped3A : memref<!tpu.dma_semaphore, #tpu.memory_space<semaphore_mem>>) src(%arg10 : memref<48x128xf32, #tpu.memory_space<vmem>>) dst(%dma_wait3A_91 : memref<48x128xf32, #tpu.memory_space<vmem_shared>>)
      tpu.yield
    }) : () -> ()
    %add3A_20 = arith.constant 480 : i32
    %add3A_21 = arith.addi %mul3A_0, %add3A_20 : i32
    "tpu.region"() ({
      %run_scoped3A = tpu.sem_alloc : memref<!tpu.dma_semaphore, #tpu.memory_space<semaphore_mem>>
      %dma_start3A_84 = arith.constant 0 : i32
      %dma_start3A_85 = tpu.memref_slice %arg11[%add3A_21, %dma_start3A_84] : memref<10000x128xf32, #tpu.memory_space<vmem_shared>> -> memref<48x128xf32, #tpu.memory_space<vmem_shared>>
      %dma_start3A_86 = arith.constant 0 : i32
      %dma_start3A_87 = tpu.memref_slice %arg11[%add3A_21, %dma_start3A_86] : memref<10000x128xf32, #tpu.memory_space<vmem_shared>> -> memref<48x128xf32, #tpu.memory_space<vmem_shared>>
      tpu.enqueue_dma source(%arg10 : memref<48x128xf32, #tpu.memory_space<vmem>>) target(%dma_start3A_87 : memref<48x128xf32, #tpu.memory_space<vmem_shared>>) target_semaphore(%run_scoped3A : memref<!tpu.dma_semaphore, #tpu.memory_space<semaphore_mem>>)
      %dma_wait3A_88 = arith.constant 0 : i32
      %dma_wait3A_89 = tpu.memref_slice %arg11[%add3A_21, %dma_wait3A_88] : memref<10000x128xf32, #tpu.memory_space<vmem_shared>> -> memref<48x128xf32, #tpu.memory_space<vmem_shared>>
      %dma_wait3A_90 = arith.constant 0 : i32
      %dma_wait3A_91 = tpu.memref_slice %arg11[%add3A_21, %dma_wait3A_90] : memref<10000x128xf32, #tpu.memory_space<vmem_shared>> -> memref<48x128xf32, #tpu.memory_space<vmem_shared>>
      tpu.wait_dma2 semaphore(%run_scoped3A : memref<!tpu.dma_semaphore, #tpu.memory_space<semaphore_mem>>) src(%arg10 : memref<48x128xf32, #tpu.memory_space<vmem>>) dst(%dma_wait3A_91 : memref<48x128xf32, #tpu.memory_space<vmem_shared>>)
      tpu.yield
    }) : () -> ()
    %add3A_22 = arith.constant 528 : i32
    %add3A_23 = arith.addi %mul3A_0, %add3A_22 : i32
    "tpu.region"() ({
      %run_scoped3A = tpu.sem_alloc : memref<!tpu.dma_semaphore, #tpu.memory_space<semaphore_mem>>
      %dma_start3A_84 = arith.constant 0 : i32
      %dma_start3A_85 = tpu.memref_slice %arg11[%add3A_23, %dma_start3A_84] : memref<10000x128xf32, #tpu.memory_space<vmem_shared>> -> memref<48x128xf32, #tpu.memory_space<vmem_shared>>
      %dma_start3A_86 = arith.constant 0 : i32
      %dma_start3A_87 = tpu.memref_slice %arg11[%add3A_23, %dma_start3A_86] : memref<10000x128xf32, #tpu.memory_space<vmem_shared>> -> memref<48x128xf32, #tpu.memory_space<vmem_shared>>
      tpu.enqueue_dma source(%arg10 : memref<48x128xf32, #tpu.memory_space<vmem>>) target(%dma_start3A_87 : memref<48x128xf32, #tpu.memory_space<vmem_shared>>) target_semaphore(%run_scoped3A : memref<!tpu.dma_semaphore, #tpu.memory_space<semaphore_mem>>)
      %dma_wait3A_88 = arith.constant 0 : i32
      %dma_wait3A_89 = tpu.memref_slice %arg11[%add3A_23, %dma_wait3A_88] : memref<10000x128xf32, #tpu.memory_space<vmem_shared>> -> memref<48x128xf32, #tpu.memory_space<vmem_shared>>
      %dma_wait3A_90 = arith.constant 0 : i32
      %dma_wait3A_91 = tpu.memref_slice %arg11[%add3A_23, %dma_wait3A_90] : memref<10000x128xf32, #tpu.memory_space<vmem_shared>> -> memref<48x128xf32, #tpu.memory_space<vmem_shared>>
      tpu.wait_dma2 semaphore(%run_scoped3A : memref<!tpu.dma_semaphore, #tpu.memory_space<semaphore_mem>>) src(%arg10 : memref<48x128xf32, #tpu.memory_space<vmem>>) dst(%dma_wait3A_91 : memref<48x128xf32, #tpu.memory_space<vmem_shared>>)
      tpu.yield
    }) : () -> ()
    %add3A_24 = arith.constant 576 : i32
    %add3A_25 = arith.addi %mul3A_0, %add3A_24 : i32
    "tpu.region"() ({
      %run_scoped3A = tpu.sem_alloc : memref<!tpu.dma_semaphore, #tpu.memory_space<semaphore_mem>>
      %dma_start3A_84 = arith.constant 0 : i32
      %dma_start3A_85 = tpu.memref_slice %arg11[%add3A_25, %dma_start3A_84] : memref<10000x128xf32, #tpu.memory_space<vmem_shared>> -> memref<48x128xf32, #tpu.memory_space<vmem_shared>>
      %dma_start3A_86 = arith.constant 0 : i32
      %dma_start3A_87 = tpu.memref_slice %arg11[%add3A_25, %dma_start3A_86] : memref<10000x128xf32, #tpu.memory_space<vmem_shared>> -> memref<48x128xf32, #tpu.memory_space<vmem_shared>>
      tpu.enqueue_dma source(%arg10 : memref<48x128xf32, #tpu.memory_space<vmem>>) target(%dma_start3A_87 : memref<48x128xf32, #tpu.memory_space<vmem_shared>>) target_semaphore(%run_scoped3A : memref<!tpu.dma_semaphore, #tpu.memory_space<semaphore_mem>>)
      %dma_wait3A_88 = arith.constant 0 : i32
      %dma_wait3A_89 = tpu.memref_slice %arg11[%add3A_25, %dma_wait3A_88] : memref<10000x128xf32, #tpu.memory_space<vmem_shared>> -> memref<48x128xf32, #tpu.memory_space<vmem_shared>>
      %dma_wait3A_90 = arith.constant 0 : i32
      %dma_wait3A_91 = tpu.memref_slice %arg11[%add3A_25, %dma_wait3A_90] : memref<10000x128xf32, #tpu.memory_space<vmem_shared>> -> memref<48x128xf32, #tpu.memory_space<vmem_shared>>
      tpu.wait_dma2 semaphore(%run_scoped3A : memref<!tpu.dma_semaphore, #tpu.memory_space<semaphore_mem>>) src(%arg10 : memref<48x128xf32, #tpu.memory_space<vmem>>) dst(%dma_wait3A_91 : memref<48x128xf32, #tpu.memory_space<vmem_shared>>)
      tpu.yield
    }) : () -> ()
    %eq3A = arith.constant 15 : i32
    %eq3A_26 = arith.cmpi eq, %arg1, %eq3A : i32
    %convert_element_type3A = arith.extui %eq3A_26 : i1 to i32
    %cond3A = arith.constant 0 : i32
    %cond3A_27 = arith.cmpi ne, %convert_element_type3A, %cond3A : i32
    scf.if %cond3A_27 {
      "tpu.region"() ({
        %run_scoped3A = tpu.sem_alloc : memref<!tpu.dma_semaphore, #tpu.memory_space<semaphore_mem>>
        %dma_start3A_84 = arith.constant 0 : i32
        %dma_start3A_85 = arith.constant 0 : i32
        %dma_start3A_86 = tpu.memref_slice %arg10[%dma_start3A_84, %dma_start3A_85] : memref<48x128xf32, #tpu.memory_space<vmem>> -> memref<16x128xf32, #tpu.memory_space<vmem>>
        %dma_start3A_87 = arith.constant 9984 : i32
        %dma_start3A_88 = arith.constant 0 : i32
        %dma_start3A_89 = tpu.memref_slice %arg11[%dma_start3A_87, %dma_start3A_88] : memref<10000x128xf32, #tpu.memory_space<vmem_shared>> -> memref<16x128xf32, #tpu.memory_space<vmem_shared>>
        %dma_start3A_90 = arith.constant 9984 : i32
        %dma_start3A_91 = arith.constant 0 : i32
        %dma_start3A_92 = tpu.memref_slice %arg11[%dma_start3A_90, %dma_start3A_91] : memref<10000x128xf32, #tpu.memory_space<vmem_shared>> -> memref<16x128xf32, #tpu.memory_space<vmem_shared>>
        %dma_start3A_93 = arith.constant 0 : i32
        %dma_start3A_94 = arith.constant 0 : i32
        %dma_start3A_95 = tpu.memref_slice %arg10[%dma_start3A_93, %dma_start3A_94] : memref<48x128xf32, #tpu.memory_space<vmem>> -> memref<16x128xf32, #tpu.memory_space<vmem>>
        tpu.enqueue_dma source(%dma_start3A_95 : memref<16x128xf32, #tpu.memory_space<vmem>>) target(%dma_start3A_92 : memref<16x128xf32, #tpu.memory_space<vmem_shared>>) target_semaphore(%run_scoped3A : memref<!tpu.dma_semaphore, #tpu.memory_space<semaphore_mem>>)
        %dma_wait3A_96 = arith.constant 0 : i32
        %dma_wait3A_97 = arith.constant 0 : i32
        %dma_wait3A_98 = tpu.memref_slice %arg10[%dma_wait3A_96, %dma_wait3A_97] : memref<48x128xf32, #tpu.memory_space<vmem>> -> memref<16x128xf32, #tpu.memory_space<vmem>>
        %dma_wait3A_99 = arith.constant 9984 : i32
        %dma_wait3A_100 = arith.constant 0 : i32
        %dma_wait3A_101 = tpu.memref_slice %arg11[%dma_wait3A_99, %dma_wait3A_100] : memref<10000x128xf32, #tpu.memory_space<vmem_shared>> -> memref<16x128xf32, #tpu.memory_space<vmem_shared>>
        %dma_wait3A_102 = arith.constant 9984 : i32
        %dma_wait3A_103 = arith.constant 0 : i32
        %dma_wait3A_104 = tpu.memref_slice %arg11[%dma_wait3A_102, %dma_wait3A_103] : memref<10000x128xf32, #tpu.memory_space<vmem_shared>> -> memref<16x128xf32, #tpu.memory_space<vmem_shared>>
        %dma_wait3A_105 = arith.constant 0 : i32
        %dma_wait3A_106 = arith.constant 0 : i32
        %dma_wait3A_107 = tpu.memref_slice %arg10[%dma_wait3A_105, %dma_wait3A_106] : memref<48x128xf32, #tpu.memory_space<vmem>> -> memref<16x128xf32, #tpu.memory_space<vmem>>
        tpu.wait_dma2 semaphore(%run_scoped3A : memref<!tpu.dma_semaphore, #tpu.memory_space<semaphore_mem>>) src(%dma_wait3A_107 : memref<16x128xf32, #tpu.memory_space<vmem>>) dst(%dma_wait3A_104 : memref<16x128xf32, #tpu.memory_space<vmem_shared>>)
        tpu.yield
      }) : () -> ()
    } else {
    }
    %barrier3A = arith.constant 0 : index
    tpu.barrier barrier_id(%barrier3A)
    %mul3A_28 = arith.constant 20000 : i32
    %mul3A_29 = arith.muli %arg1, %mul3A_28 : i32
    %scan3A = arith.constant 0 : i32
    %scan3A_30 = arith.constant 0 : i32
    %scan3A_31 = arith.constant 83 : i32
    %scan3A_32 = arith.addi %scan3A_30, %scan3A_31 : i32
    %scan3A_33 = arith.constant 1 : i32
    scf.for %scan3A_84 = %scan3A_30 to %scan3A_32 step %scan3A_33  : i32 {
      %mul3A_85 = arith.constant 240 : i32
      %mul3A_86 = arith.muli %scan3A_84, %mul3A_85 : i32
      %add3A_87 = arith.addi %mul3A_29, %mul3A_86 : i32
      %gt3A = arith.constant 0 : i32
      %gt3A_88 = arith.cmpi sgt, %scan3A_84, %gt3A : i32
      %convert_element_type3A_89 = arith.extui %gt3A_88 : i1 to i32
      %cond3A_90 = arith.constant 0 : i32
      %cond3A_91 = arith.cmpi ne, %convert_element_type3A_89, %cond3A_90 : i32
      scf.if %cond3A_91 {
        %dma_wait3A_117 = arith.constant 0 : i32
        %dma_wait3A_118 = arith.constant 0 : i32
        %dma_wait3A_119 = tpu.memref_slice %arg11[%dma_wait3A_117, %dma_wait3A_118] : memref<10000x128xf32, #tpu.memory_space<vmem_shared>> -> memref<10000x128xf32, #tpu.memory_space<vmem_shared>>
        tpu.wait_indirect_dma semaphore(%arg12 : memref<!tpu.dma_semaphore, #tpu.memory_space<semaphore_mem>>) src(%arg9 : memref<80x128xf32, #tpu.memory_space<vmem>>) dst(%dma_wait3A_119 : memref<10000x128xf32, #tpu.memory_space<vmem_shared>>)
      } else {
      }
      %add3A_92 = arith.constant 0 : i32
      %add3A_93 = arith.addi %add3A_87, %add3A_92 : i32
      "tpu.region"() ({
        %run_scoped3A = tpu.sem_alloc : memref<!tpu.dma_semaphore, #tpu.memory_space<semaphore_mem>>
        %dma_start3A_117 = tpu.memref_slice %arg2[%add3A_93] : memref<320000xi32, #tpu.memory_space<hbm>> -> memref<80xi32, #tpu.memory_space<hbm>>
        %dma_start3A_118 = tpu.memref_slice %arg2[%add3A_93] : memref<320000xi32, #tpu.memory_space<hbm>> -> memref<80xi32, #tpu.memory_space<hbm>>
        tpu.enqueue_dma source(%dma_start3A_118 : memref<80xi32, #tpu.memory_space<hbm>>) target(%arg6 : memref<80xi32, #tpu.memory_space<vmem>>) target_semaphore(%run_scoped3A : memref<!tpu.dma_semaphore, #tpu.memory_space<semaphore_mem>>)
        %dma_wait3A_119 = tpu.memref_slice %arg2[%add3A_93] : memref<320000xi32, #tpu.memory_space<hbm>> -> memref<80xi32, #tpu.memory_space<hbm>>
        %dma_wait3A_120 = tpu.memref_slice %arg2[%add3A_93] : memref<320000xi32, #tpu.memory_space<hbm>> -> memref<80xi32, #tpu.memory_space<hbm>>
        tpu.wait_dma2 semaphore(%run_scoped3A : memref<!tpu.dma_semaphore, #tpu.memory_space<semaphore_mem>>) src(%dma_wait3A_120 : memref<80xi32, #tpu.memory_space<hbm>>) dst(%arg6 : memref<80xi32, #tpu.memory_space<vmem>>)
        tpu.yield
      }) : () -> ()
      %dma_start3A_94 = arith.constant 0 : i32
      %dma_start3A_95 = arith.constant 0 : i32
      %dma_start3A_96 = tpu.memref_slice %arg11[%dma_start3A_94, %dma_start3A_95] : memref<10000x128xf32, #tpu.memory_space<vmem_shared>> -> memref<10000x128xf32, #tpu.memory_space<vmem_shared>>
      tpu.enqueue_indirect_dma source(%arg9 : memref<80x128xf32, #tpu.memory_space<vmem>>) target(%dma_start3A_96 : memref<10000x128xf32, #tpu.memory_space<vmem_shared>>) offsets(%arg6 : memref<80xi32, #tpu.memory_space<vmem>>) semaphore(%arg12 : memref<!tpu.dma_semaphore, #tpu.memory_space<semaphore_mem>>) {add = true}
      %gt3A_97 = arith.constant 0 : i32
      %gt3A_98 = arith.cmpi sgt, %scan3A_84, %gt3A_97 : i32
      %convert_element_type3A_99 = arith.extui %gt3A_98 : i1 to i32
      %cond3A_100 = arith.constant 0 : i32
      %cond3A_101 = arith.cmpi ne, %convert_element_type3A_99, %cond3A_100 : i32
      scf.if %cond3A_101 {
        %dma_wait3A_117 = arith.constant 0 : i32
        %dma_wait3A_118 = arith.constant 0 : i32
        %dma_wait3A_119 = tpu.memref_slice %arg11[%dma_wait3A_117, %dma_wait3A_118] : memref<10000x128xf32, #tpu.memory_space<vmem_shared>> -> memref<10000x128xf32, #tpu.memory_space<vmem_shared>>
        tpu.wait_indirect_dma semaphore(%arg13 : memref<!tpu.dma_semaphore, #tpu.memory_space<semaphore_mem>>) src(%arg9 : memref<80x128xf32, #tpu.memory_space<vmem>>) dst(%dma_wait3A_119 : memref<10000x128xf32, #tpu.memory_space<vmem_shared>>)
      } else {
      }
      %add3A_102 = arith.constant 80 : i32
      %add3A_103 = arith.addi %add3A_87, %add3A_102 : i32
      "tpu.region"() ({
        %run_scoped3A = tpu.sem_alloc : memref<!tpu.dma_semaphore, #tpu.memory_space<semaphore_mem>>
        %dma_start3A_117 = tpu.memref_slice %arg2[%add3A_103] : memref<320000xi32, #tpu.memory_space<hbm>> -> memref<80xi32, #tpu.memory_space<hbm>>
        %dma_start3A_118 = tpu.memref_slice %arg2[%add3A_103] : memref<320000xi32, #tpu.memory_space<hbm>> -> memref<80xi32, #tpu.memory_space<hbm>>
        tpu.enqueue_dma source(%dma_start3A_118 : memref<80xi32, #tpu.memory_space<hbm>>) target(%arg7 : memref<80xi32, #tpu.memory_space<vmem>>) target_semaphore(%run_scoped3A : memref<!tpu.dma_semaphore, #tpu.memory_space<semaphore_mem>>)
        %dma_wait3A_119 = tpu.memref_slice %arg2[%add3A_103] : memref<320000xi32, #tpu.memory_space<hbm>> -> memref<80xi32, #tpu.memory_space<hbm>>
        %dma_wait3A_120 = tpu.memref_slice %arg2[%add3A_103] : memref<320000xi32, #tpu.memory_space<hbm>> -> memref<80xi32, #tpu.memory_space<hbm>>
        tpu.wait_dma2 semaphore(%run_scoped3A : memref<!tpu.dma_semaphore, #tpu.memory_space<semaphore_mem>>) src(%dma_wait3A_120 : memref<80xi32, #tpu.memory_space<hbm>>) dst(%arg7 : memref<80xi32, #tpu.memory_space<vmem>>)
        tpu.yield
      }) : () -> ()
      %dma_start3A_104 = arith.constant 0 : i32
      %dma_start3A_105 = arith.constant 0 : i32
      %dma_start3A_106 = tpu.memref_slice %arg11[%dma_start3A_104, %dma_start3A_105] : memref<10000x128xf32, #tpu.memory_space<vmem_shared>> -> memref<10000x128xf32, #tpu.memory_space<vmem_shared>>
      tpu.enqueue_indirect_dma source(%arg9 : memref<80x128xf32, #tpu.memory_space<vmem>>) target(%dma_start3A_106 : memref<10000x128xf32, #tpu.memory_space<vmem_shared>>) offsets(%arg7 : memref<80xi32, #tpu.memory_space<vmem>>) semaphore(%arg13 : memref<!tpu.dma_semaphore, #tpu.memory_space<semaphore_mem>>) {add = true}
      %gt3A_107 = arith.constant 0 : i32
      %gt3A_108 = arith.cmpi sgt, %scan3A_84, %gt3A_107 : i32
      %convert_element_type3A_109 = arith.extui %gt3A_108 : i1 to i32
      %cond3A_110 = arith.constant 0 : i32
      %cond3A_111 = arith.cmpi ne, %convert_element_type3A_109, %cond3A_110 : i32
      scf.if %cond3A_111 {
        %dma_wait3A_117 = arith.constant 0 : i32
        %dma_wait3A_118 = arith.constant 0 : i32
        %dma_wait3A_119 = tpu.memref_slice %arg11[%dma_wait3A_117, %dma_wait3A_118] : memref<10000x128xf32, #tpu.memory_space<vmem_shared>> -> memref<10000x128xf32, #tpu.memory_space<vmem_shared>>
        tpu.wait_indirect_dma semaphore(%arg14 : memref<!tpu.dma_semaphore, #tpu.memory_space<semaphore_mem>>) src(%arg9 : memref<80x128xf32, #tpu.memory_space<vmem>>) dst(%dma_wait3A_119 : memref<10000x128xf32, #tpu.memory_space<vmem_shared>>)
      } else {
      }
      %add3A_112 = arith.constant 160 : i32
      %add3A_113 = arith.addi %add3A_87, %add3A_112 : i32
      "tpu.region"() ({
        %run_scoped3A = tpu.sem_alloc : memref<!tpu.dma_semaphore, #tpu.memory_space<semaphore_mem>>
        %dma_start3A_117 = tpu.memref_slice %arg2[%add3A_113] : memref<320000xi32, #tpu.memory_space<hbm>> -> memref<80xi32, #tpu.memory_space<hbm>>
        %dma_start3A_118 = tpu.memref_slice %arg2[%add3A_113] : memref<320000xi32, #tpu.memory_space<hbm>> -> memref<80xi32, #tpu.memory_space<hbm>>
        tpu.enqueue_dma source(%dma_start3A_118 : memref<80xi32, #tpu.memory_space<hbm>>) target(%arg8 : memref<80xi32, #tpu.memory_space<vmem>>) target_semaphore(%run_scoped3A : memref<!tpu.dma_semaphore, #tpu.memory_space<semaphore_mem>>)
        %dma_wait3A_119 = tpu.memref_slice %arg2[%add3A_113] : memref<320000xi32, #tpu.memory_space<hbm>> -> memref<80xi32, #tpu.memory_space<hbm>>
        %dma_wait3A_120 = tpu.memref_slice %arg2[%add3A_113] : memref<320000xi32, #tpu.memory_space<hbm>> -> memref<80xi32, #tpu.memory_space<hbm>>
        tpu.wait_dma2 semaphore(%run_scoped3A : memref<!tpu.dma_semaphore, #tpu.memory_space<semaphore_mem>>) src(%dma_wait3A_120 : memref<80xi32, #tpu.memory_space<hbm>>) dst(%arg8 : memref<80xi32, #tpu.memory_space<vmem>>)
        tpu.yield
      }) : () -> ()
      %dma_start3A_114 = arith.constant 0 : i32
      %dma_start3A_115 = arith.constant 0 : i32
      %dma_start3A_116 = tpu.memref_slice %arg11[%dma_start3A_114, %dma_start3A_115] : memref<10000x128xf32, #tpu.memory_space<vmem_shared>> -> memref<10000x128xf32, #tpu.memory_space<vmem_shared>>
      tpu.enqueue_indirect_dma source(%arg9 : memref<80x128xf32, #tpu.memory_space<vmem>>) target(%dma_start3A_116 : memref<10000x128xf32, #tpu.memory_space<vmem_shared>>) offsets(%arg8 : memref<80xi32, #tpu.memory_space<vmem>>) semaphore(%arg14 : memref<!tpu.dma_semaphore, #tpu.memory_space<semaphore_mem>>) {add = true}
    }
    %scan3A_34 = arith.constant 83 : i32
    %dma_wait3A = arith.constant 0 : i32
    %dma_wait3A_35 = arith.constant 0 : i32
    %dma_wait3A_36 = tpu.memref_slice %arg11[%dma_wait3A, %dma_wait3A_35] : memref<10000x128xf32, #tpu.memory_space<vmem_shared>> -> memref<10000x128xf32, #tpu.memory_space<vmem_shared>>
    tpu.wait_indirect_dma semaphore(%arg12 : memref<!tpu.dma_semaphore, #tpu.memory_space<semaphore_mem>>) src(%arg9 : memref<80x128xf32, #tpu.memory_space<vmem>>) dst(%dma_wait3A_36 : memref<10000x128xf32, #tpu.memory_space<vmem_shared>>)
    %dma_wait3A_37 = arith.constant 0 : i32
    %dma_wait3A_38 = arith.constant 0 : i32
    %dma_wait3A_39 = tpu.memref_slice %arg11[%dma_wait3A_37, %dma_wait3A_38] : memref<10000x128xf32, #tpu.memory_space<vmem_shared>> -> memref<10000x128xf32, #tpu.memory_space<vmem_shared>>
    tpu.wait_indirect_dma semaphore(%arg13 : memref<!tpu.dma_semaphore, #tpu.memory_space<semaphore_mem>>) src(%arg9 : memref<80x128xf32, #tpu.memory_space<vmem>>) dst(%dma_wait3A_39 : memref<10000x128xf32, #tpu.memory_space<vmem_shared>>)
    %dma_wait3A_40 = arith.constant 0 : i32
    %dma_wait3A_41 = arith.constant 0 : i32
    %dma_wait3A_42 = tpu.memref_slice %arg11[%dma_wait3A_40, %dma_wait3A_41] : memref<10000x128xf32, #tpu.memory_space<vmem_shared>> -> memref<10000x128xf32, #tpu.memory_space<vmem_shared>>
    tpu.wait_indirect_dma semaphore(%arg14 : memref<!tpu.dma_semaphore, #tpu.memory_space<semaphore_mem>>) src(%arg9 : memref<80x128xf32, #tpu.memory_space<vmem>>) dst(%dma_wait3A_42 : memref<10000x128xf32, #tpu.memory_space<vmem_shared>>)
    %add3A_43 = arith.constant 19920 : i32
    %add3A_44 = arith.addi %mul3A_29, %add3A_43 : i32
    %add3A_45 = arith.constant 0 : i32
    %add3A_46 = arith.addi %add3A_44, %add3A_45 : i32
    "tpu.region"() ({
      %run_scoped3A = tpu.sem_alloc : memref<!tpu.dma_semaphore, #tpu.memory_space<semaphore_mem>>
      %dma_start3A_84 = tpu.memref_slice %arg2[%add3A_46] : memref<320000xi32, #tpu.memory_space<hbm>> -> memref<80xi32, #tpu.memory_space<hbm>>
      %dma_start3A_85 = tpu.memref_slice %arg2[%add3A_46] : memref<320000xi32, #tpu.memory_space<hbm>> -> memref<80xi32, #tpu.memory_space<hbm>>
      tpu.enqueue_dma source(%dma_start3A_85 : memref<80xi32, #tpu.memory_space<hbm>>) target(%arg6 : memref<80xi32, #tpu.memory_space<vmem>>) target_semaphore(%run_scoped3A : memref<!tpu.dma_semaphore, #tpu.memory_space<semaphore_mem>>)
      %dma_wait3A_86 = tpu.memref_slice %arg2[%add3A_46] : memref<320000xi32, #tpu.memory_space<hbm>> -> memref<80xi32, #tpu.memory_space<hbm>>
      %dma_wait3A_87 = tpu.memref_slice %arg2[%add3A_46] : memref<320000xi32, #tpu.memory_space<hbm>> -> memref<80xi32, #tpu.memory_space<hbm>>
      tpu.wait_dma2 semaphore(%run_scoped3A : memref<!tpu.dma_semaphore, #tpu.memory_space<semaphore_mem>>) src(%dma_wait3A_87 : memref<80xi32, #tpu.memory_space<hbm>>) dst(%arg6 : memref<80xi32, #tpu.memory_space<vmem>>)
      tpu.yield
    }) : () -> ()
    %dma_start3A = arith.constant 0 : i32
    %dma_start3A_47 = arith.constant 0 : i32
    %dma_start3A_48 = tpu.memref_slice %arg11[%dma_start3A, %dma_start3A_47] : memref<10000x128xf32, #tpu.memory_space<vmem_shared>> -> memref<10000x128xf32, #tpu.memory_space<vmem_shared>>
    tpu.enqueue_indirect_dma source(%arg9 : memref<80x128xf32, #tpu.memory_space<vmem>>) target(%dma_start3A_48 : memref<10000x128xf32, #tpu.memory_space<vmem_shared>>) offsets(%arg6 : memref<80xi32, #tpu.memory_space<vmem>>) semaphore(%arg12 : memref<!tpu.dma_semaphore, #tpu.memory_space<semaphore_mem>>) {add = true}
    %dma_wait3A_49 = arith.constant 0 : i32
    %dma_wait3A_50 = arith.constant 0 : i32
    %dma_wait3A_51 = tpu.memref_slice %arg11[%dma_wait3A_49, %dma_wait3A_50] : memref<10000x128xf32, #tpu.memory_space<vmem_shared>> -> memref<10000x128xf32, #tpu.memory_space<vmem_shared>>
    tpu.wait_indirect_dma semaphore(%arg12 : memref<!tpu.dma_semaphore, #tpu.memory_space<semaphore_mem>>) src(%arg9 : memref<80x128xf32, #tpu.memory_space<vmem>>) dst(%dma_wait3A_51 : memref<10000x128xf32, #tpu.memory_space<vmem_shared>>)
    %barrier3A_52 = arith.constant 0 : index
    tpu.barrier barrier_id(%barrier3A_52)
    %add3A_53 = arith.constant 0 : i32
    %add3A_54 = arith.addi %mul3A_0, %add3A_53 : i32
    "tpu.region"() ({
      %run_scoped3A = tpu.sem_alloc : memref<!tpu.dma_semaphore, #tpu.memory_space<semaphore_mem>>
      %dma_start3A_84 = arith.constant 0 : i32
      %dma_start3A_85 = tpu.memref_slice %arg11[%add3A_54, %dma_start3A_84] : memref<10000x128xf32, #tpu.memory_space<vmem_shared>> -> memref<48x128xf32, #tpu.memory_space<vmem_shared>>
      %dma_start3A_86 = arith.constant 0 : i32
      %dma_start3A_87 = tpu.memref_slice %arg11[%add3A_54, %dma_start3A_86] : memref<10000x128xf32, #tpu.memory_space<vmem_shared>> -> memref<48x128xf32, #tpu.memory_space<vmem_shared>>
      tpu.enqueue_dma source(%dma_start3A_87 : memref<48x128xf32, #tpu.memory_space<vmem_shared>>) target(%arg10 : memref<48x128xf32, #tpu.memory_space<vmem>>) target_semaphore(%run_scoped3A : memref<!tpu.dma_semaphore, #tpu.memory_space<semaphore_mem>>)
      %dma_wait3A_88 = arith.constant 0 : i32
      %dma_wait3A_89 = tpu.memref_slice %arg11[%add3A_54, %dma_wait3A_88] : memref<10000x128xf32, #tpu.memory_space<vmem_shared>> -> memref<48x128xf32, #tpu.memory_space<vmem_shared>>
      %dma_wait3A_90 = arith.constant 0 : i32
      %dma_wait3A_91 = tpu.memref_slice %arg11[%add3A_54, %dma_wait3A_90] : memref<10000x128xf32, #tpu.memory_space<vmem_shared>> -> memref<48x128xf32, #tpu.memory_space<vmem_shared>>
      tpu.wait_dma2 semaphore(%run_scoped3A : memref<!tpu.dma_semaphore, #tpu.memory_space<semaphore_mem>>) src(%dma_wait3A_91 : memref<48x128xf32, #tpu.memory_space<vmem_shared>>) dst(%arg10 : memref<48x128xf32, #tpu.memory_space<vmem>>)
      tpu.yield
    }) : () -> ()
    "tpu.region"() ({
      %run_scoped3A = tpu.sem_alloc : memref<!tpu.dma_semaphore, #tpu.memory_space<semaphore_mem>>
      %dma_start3A_84 = arith.constant 0 : i32
      %dma_start3A_85 = tpu.memref_slice %arg5[%add3A_54, %dma_start3A_84] : memref<10000x128xf32, #tpu.memory_space<hbm>> -> memref<48x128xf32, #tpu.memory_space<hbm>>
      %dma_start3A_86 = arith.constant 0 : i32
      %dma_start3A_87 = tpu.memref_slice %arg5[%add3A_54, %dma_start3A_86] : memref<10000x128xf32, #tpu.memory_space<hbm>> -> memref<48x128xf32, #tpu.memory_space<hbm>>
      tpu.enqueue_dma source(%arg10 : memref<48x128xf32, #tpu.memory_space<vmem>>) target(%dma_start3A_87 : memref<48x128xf32, #tpu.memory_space<hbm>>) target_semaphore(%run_scoped3A : memref<!tpu.dma_semaphore, #tpu.memory_space<semaphore_mem>>)
      %dma_wait3A_88 = arith.constant 0 : i32
      %dma_wait3A_89 = tpu.memref_slice %arg5[%add3A_54, %dma_wait3A_88] : memref<10000x128xf32, #tpu.memory_space<hbm>> -> memref<48x128xf32, #tpu.memory_space<hbm>>
      %dma_wait3A_90 = arith.constant 0 : i32
      %dma_wait3A_91 = tpu.memref_slice %arg5[%add3A_54, %dma_wait3A_90] : memref<10000x128xf32, #tpu.memory_space<hbm>> -> memref<48x128xf32, #tpu.memory_space<hbm>>
      tpu.wait_dma2 semaphore(%run_scoped3A : memref<!tpu.dma_semaphore, #tpu.memory_space<semaphore_mem>>) src(%arg10 : memref<48x128xf32, #tpu.memory_space<vmem>>) dst(%dma_wait3A_91 : memref<48x128xf32, #tpu.memory_space<hbm>>)
      tpu.yield
    }) : () -> ()
    %add3A_55 = arith.constant 48 : i32
    %add3A_56 = arith.addi %mul3A_0, %add3A_55 : i32
    "tpu.region"() ({
      %run_scoped3A = tpu.sem_alloc : memref<!tpu.dma_semaphore, #tpu.memory_space<semaphore_mem>>
      %dma_start3A_84 = arith.constant 0 : i32
      %dma_start3A_85 = tpu.memref_slice %arg11[%add3A_56, %dma_start3A_84] : memref<10000x128xf32, #tpu.memory_space<vmem_shared>> -> memref<48x128xf32, #tpu.memory_space<vmem_shared>>
      %dma_start3A_86 = arith.constant 0 : i32
      %dma_start3A_87 = tpu.memref_slice %arg11[%add3A_56, %dma_start3A_86] : memref<10000x128xf32, #tpu.memory_space<vmem_shared>> -> memref<48x128xf32, #tpu.memory_space<vmem_shared>>
      tpu.enqueue_dma source(%dma_start3A_87 : memref<48x128xf32, #tpu.memory_space<vmem_shared>>) target(%arg10 : memref<48x128xf32, #tpu.memory_space<vmem>>) target_semaphore(%run_scoped3A : memref<!tpu.dma_semaphore, #tpu.memory_space<semaphore_mem>>)
      %dma_wait3A_88 = arith.constant 0 : i32
      %dma_wait3A_89 = tpu.memref_slice %arg11[%add3A_56, %dma_wait3A_88] : memref<10000x128xf32, #tpu.memory_space<vmem_shared>> -> memref<48x128xf32, #tpu.memory_space<vmem_shared>>
      %dma_wait3A_90 = arith.constant 0 : i32
      %dma_wait3A_91 = tpu.memref_slice %arg11[%add3A_56, %dma_wait3A_90] : memref<10000x128xf32, #tpu.memory_space<vmem_shared>> -> memref<48x128xf32, #tpu.memory_space<vmem_shared>>
      tpu.wait_dma2 semaphore(%run_scoped3A : memref<!tpu.dma_semaphore, #tpu.memory_space<semaphore_mem>>) src(%dma_wait3A_91 : memref<48x128xf32, #tpu.memory_space<vmem_shared>>) dst(%arg10 : memref<48x128xf32, #tpu.memory_space<vmem>>)
      tpu.yield
    }) : () -> ()
    "tpu.region"() ({
      %run_scoped3A = tpu.sem_alloc : memref<!tpu.dma_semaphore, #tpu.memory_space<semaphore_mem>>
      %dma_start3A_84 = arith.constant 0 : i32
      %dma_start3A_85 = tpu.memref_slice %arg5[%add3A_56, %dma_start3A_84] : memref<10000x128xf32, #tpu.memory_space<hbm>> -> memref<48x128xf32, #tpu.memory_space<hbm>>
      %dma_start3A_86 = arith.constant 0 : i32
      %dma_start3A_87 = tpu.memref_slice %arg5[%add3A_56, %dma_start3A_86] : memref<10000x128xf32, #tpu.memory_space<hbm>> -> memref<48x128xf32, #tpu.memory_space<hbm>>
      tpu.enqueue_dma source(%arg10 : memref<48x128xf32, #tpu.memory_space<vmem>>) target(%dma_start3A_87 : memref<48x128xf32, #tpu.memory_space<hbm>>) target_semaphore(%run_scoped3A : memref<!tpu.dma_semaphore, #tpu.memory_space<semaphore_mem>>)
      %dma_wait3A_88 = arith.constant 0 : i32
      %dma_wait3A_89 = tpu.memref_slice %arg5[%add3A_56, %dma_wait3A_88] : memref<10000x128xf32, #tpu.memory_space<hbm>> -> memref<48x128xf32, #tpu.memory_space<hbm>>
      %dma_wait3A_90 = arith.constant 0 : i32
      %dma_wait3A_91 = tpu.memref_slice %arg5[%add3A_56, %dma_wait3A_90] : memref<10000x128xf32, #tpu.memory_space<hbm>> -> memref<48x128xf32, #tpu.memory_space<hbm>>
      tpu.wait_dma2 semaphore(%run_scoped3A : memref<!tpu.dma_semaphore, #tpu.memory_space<semaphore_mem>>) src(%arg10 : memref<48x128xf32, #tpu.memory_space<vmem>>) dst(%dma_wait3A_91 : memref<48x128xf32, #tpu.memory_space<hbm>>)
      tpu.yield
    }) : () -> ()
    %add3A_57 = arith.constant 96 : i32
    %add3A_58 = arith.addi %mul3A_0, %add3A_57 : i32
    "tpu.region"() ({
      %run_scoped3A = tpu.sem_alloc : memref<!tpu.dma_semaphore, #tpu.memory_space<semaphore_mem>>
      %dma_start3A_84 = arith.constant 0 : i32
      %dma_start3A_85 = tpu.memref_slice %arg11[%add3A_58, %dma_start3A_84] : memref<10000x128xf32, #tpu.memory_space<vmem_shared>> -> memref<48x128xf32, #tpu.memory_space<vmem_shared>>
      %dma_start3A_86 = arith.constant 0 : i32
      %dma_start3A_87 = tpu.memref_slice %arg11[%add3A_58, %dma_start3A_86] : memref<10000x128xf32, #tpu.memory_space<vmem_shared>> -> memref<48x128xf32, #tpu.memory_space<vmem_shared>>
      tpu.enqueue_dma source(%dma_start3A_87 : memref<48x128xf32, #tpu.memory_space<vmem_shared>>) target(%arg10 : memref<48x128xf32, #tpu.memory_space<vmem>>) target_semaphore(%run_scoped3A : memref<!tpu.dma_semaphore, #tpu.memory_space<semaphore_mem>>)
      %dma_wait3A_88 = arith.constant 0 : i32
      %dma_wait3A_89 = tpu.memref_slice %arg11[%add3A_58, %dma_wait3A_88] : memref<10000x128xf32, #tpu.memory_space<vmem_shared>> -> memref<48x128xf32, #tpu.memory_space<vmem_shared>>
      %dma_wait3A_90 = arith.constant 0 : i32
      %dma_wait3A_91 = tpu.memref_slice %arg11[%add3A_58, %dma_wait3A_90] : memref<10000x128xf32, #tpu.memory_space<vmem_shared>> -> memref<48x128xf32, #tpu.memory_space<vmem_shared>>
      tpu.wait_dma2 semaphore(%run_scoped3A : memref<!tpu.dma_semaphore, #tpu.memory_space<semaphore_mem>>) src(%dma_wait3A_91 : memref<48x128xf32, #tpu.memory_space<vmem_shared>>) dst(%arg10 : memref<48x128xf32, #tpu.memory_space<vmem>>)
      tpu.yield
    }) : () -> ()
    "tpu.region"() ({
      %run_scoped3A = tpu.sem_alloc : memref<!tpu.dma_semaphore, #tpu.memory_space<semaphore_mem>>
      %dma_start3A_84 = arith.constant 0 : i32
      %dma_start3A_85 = tpu.memref_slice %arg5[%add3A_58, %dma_start3A_84] : memref<10000x128xf32, #tpu.memory_space<hbm>> -> memref<48x128xf32, #tpu.memory_space<hbm>>
      %dma_start3A_86 = arith.constant 0 : i32
      %dma_start3A_87 = tpu.memref_slice %arg5[%add3A_58, %dma_start3A_86] : memref<10000x128xf32, #tpu.memory_space<hbm>> -> memref<48x128xf32, #tpu.memory_space<hbm>>
      tpu.enqueue_dma source(%arg10 : memref<48x128xf32, #tpu.memory_space<vmem>>) target(%dma_start3A_87 : memref<48x128xf32, #tpu.memory_space<hbm>>) target_semaphore(%run_scoped3A : memref<!tpu.dma_semaphore, #tpu.memory_space<semaphore_mem>>)
      %dma_wait3A_88 = arith.constant 0 : i32
      %dma_wait3A_89 = tpu.memref_slice %arg5[%add3A_58, %dma_wait3A_88] : memref<10000x128xf32, #tpu.memory_space<hbm>> -> memref<48x128xf32, #tpu.memory_space<hbm>>
      %dma_wait3A_90 = arith.constant 0 : i32
      %dma_wait3A_91 = tpu.memref_slice %arg5[%add3A_58, %dma_wait3A_90] : memref<10000x128xf32, #tpu.memory_space<hbm>> -> memref<48x128xf32, #tpu.memory_space<hbm>>
      tpu.wait_dma2 semaphore(%run_scoped3A : memref<!tpu.dma_semaphore, #tpu.memory_space<semaphore_mem>>) src(%arg10 : memref<48x128xf32, #tpu.memory_space<vmem>>) dst(%dma_wait3A_91 : memref<48x128xf32, #tpu.memory_space<hbm>>)
      tpu.yield
    }) : () -> ()
    %add3A_59 = arith.constant 144 : i32
    %add3A_60 = arith.addi %mul3A_0, %add3A_59 : i32
    "tpu.region"() ({
      %run_scoped3A = tpu.sem_alloc : memref<!tpu.dma_semaphore, #tpu.memory_space<semaphore_mem>>
      %dma_start3A_84 = arith.constant 0 : i32
      %dma_start3A_85 = tpu.memref_slice %arg11[%add3A_60, %dma_start3A_84] : memref<10000x128xf32, #tpu.memory_space<vmem_shared>> -> memref<48x128xf32, #tpu.memory_space<vmem_shared>>
      %dma_start3A_86 = arith.constant 0 : i32
      %dma_start3A_87 = tpu.memref_slice %arg11[%add3A_60, %dma_start3A_86] : memref<10000x128xf32, #tpu.memory_space<vmem_shared>> -> memref<48x128xf32, #tpu.memory_space<vmem_shared>>
      tpu.enqueue_dma source(%dma_start3A_87 : memref<48x128xf32, #tpu.memory_space<vmem_shared>>) target(%arg10 : memref<48x128xf32, #tpu.memory_space<vmem>>) target_semaphore(%run_scoped3A : memref<!tpu.dma_semaphore, #tpu.memory_space<semaphore_mem>>)
      %dma_wait3A_88 = arith.constant 0 : i32
      %dma_wait3A_89 = tpu.memref_slice %arg11[%add3A_60, %dma_wait3A_88] : memref<10000x128xf32, #tpu.memory_space<vmem_shared>> -> memref<48x128xf32, #tpu.memory_space<vmem_shared>>
      %dma_wait3A_90 = arith.constant 0 : i32
      %dma_wait3A_91 = tpu.memref_slice %arg11[%add3A_60, %dma_wait3A_90] : memref<10000x128xf32, #tpu.memory_space<vmem_shared>> -> memref<48x128xf32, #tpu.memory_space<vmem_shared>>
      tpu.wait_dma2 semaphore(%run_scoped3A : memref<!tpu.dma_semaphore, #tpu.memory_space<semaphore_mem>>) src(%dma_wait3A_91 : memref<48x128xf32, #tpu.memory_space<vmem_shared>>) dst(%arg10 : memref<48x128xf32, #tpu.memory_space<vmem>>)
      tpu.yield
    }) : () -> ()
    "tpu.region"() ({
      %run_scoped3A = tpu.sem_alloc : memref<!tpu.dma_semaphore, #tpu.memory_space<semaphore_mem>>
      %dma_start3A_84 = arith.constant 0 : i32
      %dma_start3A_85 = tpu.memref_slice %arg5[%add3A_60, %dma_start3A_84] : memref<10000x128xf32, #tpu.memory_space<hbm>> -> memref<48x128xf32, #tpu.memory_space<hbm>>
      %dma_start3A_86 = arith.constant 0 : i32
      %dma_start3A_87 = tpu.memref_slice %arg5[%add3A_60, %dma_start3A_86] : memref<10000x128xf32, #tpu.memory_space<hbm>> -> memref<48x128xf32, #tpu.memory_space<hbm>>
      tpu.enqueue_dma source(%arg10 : memref<48x128xf32, #tpu.memory_space<vmem>>) target(%dma_start3A_87 : memref<48x128xf32, #tpu.memory_space<hbm>>) target_semaphore(%run_scoped3A : memref<!tpu.dma_semaphore, #tpu.memory_space<semaphore_mem>>)
      %dma_wait3A_88 = arith.constant 0 : i32
      %dma_wait3A_89 = tpu.memref_slice %arg5[%add3A_60, %dma_wait3A_88] : memref<10000x128xf32, #tpu.memory_space<hbm>> -> memref<48x128xf32, #tpu.memory_space<hbm>>
      %dma_wait3A_90 = arith.constant 0 : i32
      %dma_wait3A_91 = tpu.memref_slice %arg5[%add3A_60, %dma_wait3A_90] : memref<10000x128xf32, #tpu.memory_space<hbm>> -> memref<48x128xf32, #tpu.memory_space<hbm>>
      tpu.wait_dma2 semaphore(%run_scoped3A : memref<!tpu.dma_semaphore, #tpu.memory_space<semaphore_mem>>) src(%arg10 : memref<48x128xf32, #tpu.memory_space<vmem>>) dst(%dma_wait3A_91 : memref<48x128xf32, #tpu.memory_space<hbm>>)
      tpu.yield
    }) : () -> ()
    %add3A_61 = arith.constant 192 : i32
    %add3A_62 = arith.addi %mul3A_0, %add3A_61 : i32
    "tpu.region"() ({
      %run_scoped3A = tpu.sem_alloc : memref<!tpu.dma_semaphore, #tpu.memory_space<semaphore_mem>>
      %dma_start3A_84 = arith.constant 0 : i32
      %dma_start3A_85 = tpu.memref_slice %arg11[%add3A_62, %dma_start3A_84] : memref<10000x128xf32, #tpu.memory_space<vmem_shared>> -> memref<48x128xf32, #tpu.memory_space<vmem_shared>>
      %dma_start3A_86 = arith.constant 0 : i32
      %dma_start3A_87 = tpu.memref_slice %arg11[%add3A_62, %dma_start3A_86] : memref<10000x128xf32, #tpu.memory_space<vmem_shared>> -> memref<48x128xf32, #tpu.memory_space<vmem_shared>>
      tpu.enqueue_dma source(%dma_start3A_87 : memref<48x128xf32, #tpu.memory_space<vmem_shared>>) target(%arg10 : memref<48x128xf32, #tpu.memory_space<vmem>>) target_semaphore(%run_scoped3A : memref<!tpu.dma_semaphore, #tpu.memory_space<semaphore_mem>>)
      %dma_wait3A_88 = arith.constant 0 : i32
      %dma_wait3A_89 = tpu.memref_slice %arg11[%add3A_62, %dma_wait3A_88] : memref<10000x128xf32, #tpu.memory_space<vmem_shared>> -> memref<48x128xf32, #tpu.memory_space<vmem_shared>>
      %dma_wait3A_90 = arith.constant 0 : i32
      %dma_wait3A_91 = tpu.memref_slice %arg11[%add3A_62, %dma_wait3A_90] : memref<10000x128xf32, #tpu.memory_space<vmem_shared>> -> memref<48x128xf32, #tpu.memory_space<vmem_shared>>
      tpu.wait_dma2 semaphore(%run_scoped3A : memref<!tpu.dma_semaphore, #tpu.memory_space<semaphore_mem>>) src(%dma_wait3A_91 : memref<48x128xf32, #tpu.memory_space<vmem_shared>>) dst(%arg10 : memref<48x128xf32, #tpu.memory_space<vmem>>)
      tpu.yield
    }) : () -> ()
    "tpu.region"() ({
      %run_scoped3A = tpu.sem_alloc : memref<!tpu.dma_semaphore, #tpu.memory_space<semaphore_mem>>
      %dma_start3A_84 = arith.constant 0 : i32
      %dma_start3A_85 = tpu.memref_slice %arg5[%add3A_62, %dma_start3A_84] : memref<10000x128xf32, #tpu.memory_space<hbm>> -> memref<48x128xf32, #tpu.memory_space<hbm>>
      %dma_start3A_86 = arith.constant 0 : i32
      %dma_start3A_87 = tpu.memref_slice %arg5[%add3A_62, %dma_start3A_86] : memref<10000x128xf32, #tpu.memory_space<hbm>> -> memref<48x128xf32, #tpu.memory_space<hbm>>
      tpu.enqueue_dma source(%arg10 : memref<48x128xf32, #tpu.memory_space<vmem>>) target(%dma_start3A_87 : memref<48x128xf32, #tpu.memory_space<hbm>>) target_semaphore(%run_scoped3A : memref<!tpu.dma_semaphore, #tpu.memory_space<semaphore_mem>>)
      %dma_wait3A_88 = arith.constant 0 : i32
      %dma_wait3A_89 = tpu.memref_slice %arg5[%add3A_62, %dma_wait3A_88] : memref<10000x128xf32, #tpu.memory_space<hbm>> -> memref<48x128xf32, #tpu.memory_space<hbm>>
      %dma_wait3A_90 = arith.constant 0 : i32
      %dma_wait3A_91 = tpu.memref_slice %arg5[%add3A_62, %dma_wait3A_90] : memref<10000x128xf32, #tpu.memory_space<hbm>> -> memref<48x128xf32, #tpu.memory_space<hbm>>
      tpu.wait_dma2 semaphore(%run_scoped3A : memref<!tpu.dma_semaphore, #tpu.memory_space<semaphore_mem>>) src(%arg10 : memref<48x128xf32, #tpu.memory_space<vmem>>) dst(%dma_wait3A_91 : memref<48x128xf32, #tpu.memory_space<hbm>>)
      tpu.yield
    }) : () -> ()
    %add3A_63 = arith.constant 240 : i32
    %add3A_64 = arith.addi %mul3A_0, %add3A_63 : i32
    "tpu.region"() ({
      %run_scoped3A = tpu.sem_alloc : memref<!tpu.dma_semaphore, #tpu.memory_space<semaphore_mem>>
      %dma_start3A_84 = arith.constant 0 : i32
      %dma_start3A_85 = tpu.memref_slice %arg11[%add3A_64, %dma_start3A_84] : memref<10000x128xf32, #tpu.memory_space<vmem_shared>> -> memref<48x128xf32, #tpu.memory_space<vmem_shared>>
      %dma_start3A_86 = arith.constant 0 : i32
      %dma_start3A_87 = tpu.memref_slice %arg11[%add3A_64, %dma_start3A_86] : memref<10000x128xf32, #tpu.memory_space<vmem_shared>> -> memref<48x128xf32, #tpu.memory_space<vmem_shared>>
      tpu.enqueue_dma source(%dma_start3A_87 : memref<48x128xf32, #tpu.memory_space<vmem_shared>>) target(%arg10 : memref<48x128xf32, #tpu.memory_space<vmem>>) target_semaphore(%run_scoped3A : memref<!tpu.dma_semaphore, #tpu.memory_space<semaphore_mem>>)
      %dma_wait3A_88 = arith.constant 0 : i32
      %dma_wait3A_89 = tpu.memref_slice %arg11[%add3A_64, %dma_wait3A_88] : memref<10000x128xf32, #tpu.memory_space<vmem_shared>> -> memref<48x128xf32, #tpu.memory_space<vmem_shared>>
      %dma_wait3A_90 = arith.constant 0 : i32
      %dma_wait3A_91 = tpu.memref_slice %arg11[%add3A_64, %dma_wait3A_90] : memref<10000x128xf32, #tpu.memory_space<vmem_shared>> -> memref<48x128xf32, #tpu.memory_space<vmem_shared>>
      tpu.wait_dma2 semaphore(%run_scoped3A : memref<!tpu.dma_semaphore, #tpu.memory_space<semaphore_mem>>) src(%dma_wait3A_91 : memref<48x128xf32, #tpu.memory_space<vmem_shared>>) dst(%arg10 : memref<48x128xf32, #tpu.memory_space<vmem>>)
      tpu.yield
    }) : () -> ()
    "tpu.region"() ({
      %run_scoped3A = tpu.sem_alloc : memref<!tpu.dma_semaphore, #tpu.memory_space<semaphore_mem>>
      %dma_start3A_84 = arith.constant 0 : i32
      %dma_start3A_85 = tpu.memref_slice %arg5[%add3A_64, %dma_start3A_84] : memref<10000x128xf32, #tpu.memory_space<hbm>> -> memref<48x128xf32, #tpu.memory_space<hbm>>
      %dma_start3A_86 = arith.constant 0 : i32
      %dma_start3A_87 = tpu.memref_slice %arg5[%add3A_64, %dma_start3A_86] : memref<10000x128xf32, #tpu.memory_space<hbm>> -> memref<48x128xf32, #tpu.memory_space<hbm>>
      tpu.enqueue_dma source(%arg10 : memref<48x128xf32, #tpu.memory_space<vmem>>) target(%dma_start3A_87 : memref<48x128xf32, #tpu.memory_space<hbm>>) target_semaphore(%run_scoped3A : memref<!tpu.dma_semaphore, #tpu.memory_space<semaphore_mem>>)
      %dma_wait3A_88 = arith.constant 0 : i32
      %dma_wait3A_89 = tpu.memref_slice %arg5[%add3A_64, %dma_wait3A_88] : memref<10000x128xf32, #tpu.memory_space<hbm>> -> memref<48x128xf32, #tpu.memory_space<hbm>>
      %dma_wait3A_90 = arith.constant 0 : i32
      %dma_wait3A_91 = tpu.memref_slice %arg5[%add3A_64, %dma_wait3A_90] : memref<10000x128xf32, #tpu.memory_space<hbm>> -> memref<48x128xf32, #tpu.memory_space<hbm>>
      tpu.wait_dma2 semaphore(%run_scoped3A : memref<!tpu.dma_semaphore, #tpu.memory_space<semaphore_mem>>) src(%arg10 : memref<48x128xf32, #tpu.memory_space<vmem>>) dst(%dma_wait3A_91 : memref<48x128xf32, #tpu.memory_space<hbm>>)
      tpu.yield
    }) : () -> ()
    %add3A_65 = arith.constant 288 : i32
    %add3A_66 = arith.addi %mul3A_0, %add3A_65 : i32
    "tpu.region"() ({
      %run_scoped3A = tpu.sem_alloc : memref<!tpu.dma_semaphore, #tpu.memory_space<semaphore_mem>>
      %dma_start3A_84 = arith.constant 0 : i32
      %dma_start3A_85 = tpu.memref_slice %arg11[%add3A_66, %dma_start3A_84] : memref<10000x128xf32, #tpu.memory_space<vmem_shared>> -> memref<48x128xf32, #tpu.memory_space<vmem_shared>>
      %dma_start3A_86 = arith.constant 0 : i32
      %dma_start3A_87 = tpu.memref_slice %arg11[%add3A_66, %dma_start3A_86] : memref<10000x128xf32, #tpu.memory_space<vmem_shared>> -> memref<48x128xf32, #tpu.memory_space<vmem_shared>>
      tpu.enqueue_dma source(%dma_start3A_87 : memref<48x128xf32, #tpu.memory_space<vmem_shared>>) target(%arg10 : memref<48x128xf32, #tpu.memory_space<vmem>>) target_semaphore(%run_scoped3A : memref<!tpu.dma_semaphore, #tpu.memory_space<semaphore_mem>>)
      %dma_wait3A_88 = arith.constant 0 : i32
      %dma_wait3A_89 = tpu.memref_slice %arg11[%add3A_66, %dma_wait3A_88] : memref<10000x128xf32, #tpu.memory_space<vmem_shared>> -> memref<48x128xf32, #tpu.memory_space<vmem_shared>>
      %dma_wait3A_90 = arith.constant 0 : i32
      %dma_wait3A_91 = tpu.memref_slice %arg11[%add3A_66, %dma_wait3A_90] : memref<10000x128xf32, #tpu.memory_space<vmem_shared>> -> memref<48x128xf32, #tpu.memory_space<vmem_shared>>
      tpu.wait_dma2 semaphore(%run_scoped3A : memref<!tpu.dma_semaphore, #tpu.memory_space<semaphore_mem>>) src(%dma_wait3A_91 : memref<48x128xf32, #tpu.memory_space<vmem_shared>>) dst(%arg10 : memref<48x128xf32, #tpu.memory_space<vmem>>)
      tpu.yield
    }) : () -> ()
    "tpu.region"() ({
      %run_scoped3A = tpu.sem_alloc : memref<!tpu.dma_semaphore, #tpu.memory_space<semaphore_mem>>
      %dma_start3A_84 = arith.constant 0 : i32
      %dma_start3A_85 = tpu.memref_slice %arg5[%add3A_66, %dma_start3A_84] : memref<10000x128xf32, #tpu.memory_space<hbm>> -> memref<48x128xf32, #tpu.memory_space<hbm>>
      %dma_start3A_86 = arith.constant 0 : i32
      %dma_start3A_87 = tpu.memref_slice %arg5[%add3A_66, %dma_start3A_86] : memref<10000x128xf32, #tpu.memory_space<hbm>> -> memref<48x128xf32, #tpu.memory_space<hbm>>
      tpu.enqueue_dma source(%arg10 : memref<48x128xf32, #tpu.memory_space<vmem>>) target(%dma_start3A_87 : memref<48x128xf32, #tpu.memory_space<hbm>>) target_semaphore(%run_scoped3A : memref<!tpu.dma_semaphore, #tpu.memory_space<semaphore_mem>>)
      %dma_wait3A_88 = arith.constant 0 : i32
      %dma_wait3A_89 = tpu.memref_slice %arg5[%add3A_66, %dma_wait3A_88] : memref<10000x128xf32, #tpu.memory_space<hbm>> -> memref<48x128xf32, #tpu.memory_space<hbm>>
      %dma_wait3A_90 = arith.constant 0 : i32
      %dma_wait3A_91 = tpu.memref_slice %arg5[%add3A_66, %dma_wait3A_90] : memref<10000x128xf32, #tpu.memory_space<hbm>> -> memref<48x128xf32, #tpu.memory_space<hbm>>
      tpu.wait_dma2 semaphore(%run_scoped3A : memref<!tpu.dma_semaphore, #tpu.memory_space<semaphore_mem>>) src(%arg10 : memref<48x128xf32, #tpu.memory_space<vmem>>) dst(%dma_wait3A_91 : memref<48x128xf32, #tpu.memory_space<hbm>>)
      tpu.yield
    }) : () -> ()
    %add3A_67 = arith.constant 336 : i32
    %add3A_68 = arith.addi %mul3A_0, %add3A_67 : i32
    "tpu.region"() ({
      %run_scoped3A = tpu.sem_alloc : memref<!tpu.dma_semaphore, #tpu.memory_space<semaphore_mem>>
      %dma_start3A_84 = arith.constant 0 : i32
      %dma_start3A_85 = tpu.memref_slice %arg11[%add3A_68, %dma_start3A_84] : memref<10000x128xf32, #tpu.memory_space<vmem_shared>> -> memref<48x128xf32, #tpu.memory_space<vmem_shared>>
      %dma_start3A_86 = arith.constant 0 : i32
      %dma_start3A_87 = tpu.memref_slice %arg11[%add3A_68, %dma_start3A_86] : memref<10000x128xf32, #tpu.memory_space<vmem_shared>> -> memref<48x128xf32, #tpu.memory_space<vmem_shared>>
      tpu.enqueue_dma source(%dma_start3A_87 : memref<48x128xf32, #tpu.memory_space<vmem_shared>>) target(%arg10 : memref<48x128xf32, #tpu.memory_space<vmem>>) target_semaphore(%run_scoped3A : memref<!tpu.dma_semaphore, #tpu.memory_space<semaphore_mem>>)
      %dma_wait3A_88 = arith.constant 0 : i32
      %dma_wait3A_89 = tpu.memref_slice %arg11[%add3A_68, %dma_wait3A_88] : memref<10000x128xf32, #tpu.memory_space<vmem_shared>> -> memref<48x128xf32, #tpu.memory_space<vmem_shared>>
      %dma_wait3A_90 = arith.constant 0 : i32
      %dma_wait3A_91 = tpu.memref_slice %arg11[%add3A_68, %dma_wait3A_90] : memref<10000x128xf32, #tpu.memory_space<vmem_shared>> -> memref<48x128xf32, #tpu.memory_space<vmem_shared>>
      tpu.wait_dma2 semaphore(%run_scoped3A : memref<!tpu.dma_semaphore, #tpu.memory_space<semaphore_mem>>) src(%dma_wait3A_91 : memref<48x128xf32, #tpu.memory_space<vmem_shared>>) dst(%arg10 : memref<48x128xf32, #tpu.memory_space<vmem>>)
      tpu.yield
    }) : () -> ()
    "tpu.region"() ({
      %run_scoped3A = tpu.sem_alloc : memref<!tpu.dma_semaphore, #tpu.memory_space<semaphore_mem>>
      %dma_start3A_84 = arith.constant 0 : i32
      %dma_start3A_85 = tpu.memref_slice %arg5[%add3A_68, %dma_start3A_84] : memref<10000x128xf32, #tpu.memory_space<hbm>> -> memref<48x128xf32, #tpu.memory_space<hbm>>
      %dma_start3A_86 = arith.constant 0 : i32
      %dma_start3A_87 = tpu.memref_slice %arg5[%add3A_68, %dma_start3A_86] : memref<10000x128xf32, #tpu.memory_space<hbm>> -> memref<48x128xf32, #tpu.memory_space<hbm>>
      tpu.enqueue_dma source(%arg10 : memref<48x128xf32, #tpu.memory_space<vmem>>) target(%dma_start3A_87 : memref<48x128xf32, #tpu.memory_space<hbm>>) target_semaphore(%run_scoped3A : memref<!tpu.dma_semaphore, #tpu.memory_space<semaphore_mem>>)
      %dma_wait3A_88 = arith.constant 0 : i32
      %dma_wait3A_89 = tpu.memref_slice %arg5[%add3A_68, %dma_wait3A_88] : memref<10000x128xf32, #tpu.memory_space<hbm>> -> memref<48x128xf32, #tpu.memory_space<hbm>>
      %dma_wait3A_90 = arith.constant 0 : i32
      %dma_wait3A_91 = tpu.memref_slice %arg5[%add3A_68, %dma_wait3A_90] : memref<10000x128xf32, #tpu.memory_space<hbm>> -> memref<48x128xf32, #tpu.memory_space<hbm>>
      tpu.wait_dma2 semaphore(%run_scoped3A : memref<!tpu.dma_semaphore, #tpu.memory_space<semaphore_mem>>) src(%arg10 : memref<48x128xf32, #tpu.memory_space<vmem>>) dst(%dma_wait3A_91 : memref<48x128xf32, #tpu.memory_space<hbm>>)
      tpu.yield
    }) : () -> ()
    %add3A_69 = arith.constant 384 : i32
    %add3A_70 = arith.addi %mul3A_0, %add3A_69 : i32
    "tpu.region"() ({
      %run_scoped3A = tpu.sem_alloc : memref<!tpu.dma_semaphore, #tpu.memory_space<semaphore_mem>>
      %dma_start3A_84 = arith.constant 0 : i32
      %dma_start3A_85 = tpu.memref_slice %arg11[%add3A_70, %dma_start3A_84] : memref<10000x128xf32, #tpu.memory_space<vmem_shared>> -> memref<48x128xf32, #tpu.memory_space<vmem_shared>>
      %dma_start3A_86 = arith.constant 0 : i32
      %dma_start3A_87 = tpu.memref_slice %arg11[%add3A_70, %dma_start3A_86] : memref<10000x128xf32, #tpu.memory_space<vmem_shared>> -> memref<48x128xf32, #tpu.memory_space<vmem_shared>>
      tpu.enqueue_dma source(%dma_start3A_87 : memref<48x128xf32, #tpu.memory_space<vmem_shared>>) target(%arg10 : memref<48x128xf32, #tpu.memory_space<vmem>>) target_semaphore(%run_scoped3A : memref<!tpu.dma_semaphore, #tpu.memory_space<semaphore_mem>>)
      %dma_wait3A_88 = arith.constant 0 : i32
      %dma_wait3A_89 = tpu.memref_slice %arg11[%add3A_70, %dma_wait3A_88] : memref<10000x128xf32, #tpu.memory_space<vmem_shared>> -> memref<48x128xf32, #tpu.memory_space<vmem_shared>>
      %dma_wait3A_90 = arith.constant 0 : i32
      %dma_wait3A_91 = tpu.memref_slice %arg11[%add3A_70, %dma_wait3A_90] : memref<10000x128xf32, #tpu.memory_space<vmem_shared>> -> memref<48x128xf32, #tpu.memory_space<vmem_shared>>
      tpu.wait_dma2 semaphore(%run_scoped3A : memref<!tpu.dma_semaphore, #tpu.memory_space<semaphore_mem>>) src(%dma_wait3A_91 : memref<48x128xf32, #tpu.memory_space<vmem_shared>>) dst(%arg10 : memref<48x128xf32, #tpu.memory_space<vmem>>)
      tpu.yield
    }) : () -> ()
    "tpu.region"() ({
      %run_scoped3A = tpu.sem_alloc : memref<!tpu.dma_semaphore, #tpu.memory_space<semaphore_mem>>
      %dma_start3A_84 = arith.constant 0 : i32
      %dma_start3A_85 = tpu.memref_slice %arg5[%add3A_70, %dma_start3A_84] : memref<10000x128xf32, #tpu.memory_space<hbm>> -> memref<48x128xf32, #tpu.memory_space<hbm>>
      %dma_start3A_86 = arith.constant 0 : i32
      %dma_start3A_87 = tpu.memref_slice %arg5[%add3A_70, %dma_start3A_86] : memref<10000x128xf32, #tpu.memory_space<hbm>> -> memref<48x128xf32, #tpu.memory_space<hbm>>
      tpu.enqueue_dma source(%arg10 : memref<48x128xf32, #tpu.memory_space<vmem>>) target(%dma_start3A_87 : memref<48x128xf32, #tpu.memory_space<hbm>>) target_semaphore(%run_scoped3A : memref<!tpu.dma_semaphore, #tpu.memory_space<semaphore_mem>>)
      %dma_wait3A_88 = arith.constant 0 : i32
      %dma_wait3A_89 = tpu.memref_slice %arg5[%add3A_70, %dma_wait3A_88] : memref<10000x128xf32, #tpu.memory_space<hbm>> -> memref<48x128xf32, #tpu.memory_space<hbm>>
      %dma_wait3A_90 = arith.constant 0 : i32
      %dma_wait3A_91 = tpu.memref_slice %arg5[%add3A_70, %dma_wait3A_90] : memref<10000x128xf32, #tpu.memory_space<hbm>> -> memref<48x128xf32, #tpu.memory_space<hbm>>
      tpu.wait_dma2 semaphore(%run_scoped3A : memref<!tpu.dma_semaphore, #tpu.memory_space<semaphore_mem>>) src(%arg10 : memref<48x128xf32, #tpu.memory_space<vmem>>) dst(%dma_wait3A_91 : memref<48x128xf32, #tpu.memory_space<hbm>>)
      tpu.yield
    }) : () -> ()
    %add3A_71 = arith.constant 432 : i32
    %add3A_72 = arith.addi %mul3A_0, %add3A_71 : i32
    "tpu.region"() ({
      %run_scoped3A = tpu.sem_alloc : memref<!tpu.dma_semaphore, #tpu.memory_space<semaphore_mem>>
      %dma_start3A_84 = arith.constant 0 : i32
      %dma_start3A_85 = tpu.memref_slice %arg11[%add3A_72, %dma_start3A_84] : memref<10000x128xf32, #tpu.memory_space<vmem_shared>> -> memref<48x128xf32, #tpu.memory_space<vmem_shared>>
      %dma_start3A_86 = arith.constant 0 : i32
      %dma_start3A_87 = tpu.memref_slice %arg11[%add3A_72, %dma_start3A_86] : memref<10000x128xf32, #tpu.memory_space<vmem_shared>> -> memref<48x128xf32, #tpu.memory_space<vmem_shared>>
      tpu.enqueue_dma source(%dma_start3A_87 : memref<48x128xf32, #tpu.memory_space<vmem_shared>>) target(%arg10 : memref<48x128xf32, #tpu.memory_space<vmem>>) target_semaphore(%run_scoped3A : memref<!tpu.dma_semaphore, #tpu.memory_space<semaphore_mem>>)
      %dma_wait3A_88 = arith.constant 0 : i32
      %dma_wait3A_89 = tpu.memref_slice %arg11[%add3A_72, %dma_wait3A_88] : memref<10000x128xf32, #tpu.memory_space<vmem_shared>> -> memref<48x128xf32, #tpu.memory_space<vmem_shared>>
      %dma_wait3A_90 = arith.constant 0 : i32
      %dma_wait3A_91 = tpu.memref_slice %arg11[%add3A_72, %dma_wait3A_90] : memref<10000x128xf32, #tpu.memory_space<vmem_shared>> -> memref<48x128xf32, #tpu.memory_space<vmem_shared>>
      tpu.wait_dma2 semaphore(%run_scoped3A : memref<!tpu.dma_semaphore, #tpu.memory_space<semaphore_mem>>) src(%dma_wait3A_91 : memref<48x128xf32, #tpu.memory_space<vmem_shared>>) dst(%arg10 : memref<48x128xf32, #tpu.memory_space<vmem>>)
      tpu.yield
    }) : () -> ()
    "tpu.region"() ({
      %run_scoped3A = tpu.sem_alloc : memref<!tpu.dma_semaphore, #tpu.memory_space<semaphore_mem>>
      %dma_start3A_84 = arith.constant 0 : i32
      %dma_start3A_85 = tpu.memref_slice %arg5[%add3A_72, %dma_start3A_84] : memref<10000x128xf32, #tpu.memory_space<hbm>> -> memref<48x128xf32, #tpu.memory_space<hbm>>
      %dma_start3A_86 = arith.constant 0 : i32
      %dma_start3A_87 = tpu.memref_slice %arg5[%add3A_72, %dma_start3A_86] : memref<10000x128xf32, #tpu.memory_space<hbm>> -> memref<48x128xf32, #tpu.memory_space<hbm>>
      tpu.enqueue_dma source(%arg10 : memref<48x128xf32, #tpu.memory_space<vmem>>) target(%dma_start3A_87 : memref<48x128xf32, #tpu.memory_space<hbm>>) target_semaphore(%run_scoped3A : memref<!tpu.dma_semaphore, #tpu.memory_space<semaphore_mem>>)
      %dma_wait3A_88 = arith.constant 0 : i32
      %dma_wait3A_89 = tpu.memref_slice %arg5[%add3A_72, %dma_wait3A_88] : memref<10000x128xf32, #tpu.memory_space<hbm>> -> memref<48x128xf32, #tpu.memory_space<hbm>>
      %dma_wait3A_90 = arith.constant 0 : i32
      %dma_wait3A_91 = tpu.memref_slice %arg5[%add3A_72, %dma_wait3A_90] : memref<10000x128xf32, #tpu.memory_space<hbm>> -> memref<48x128xf32, #tpu.memory_space<hbm>>
      tpu.wait_dma2 semaphore(%run_scoped3A : memref<!tpu.dma_semaphore, #tpu.memory_space<semaphore_mem>>) src(%arg10 : memref<48x128xf32, #tpu.memory_space<vmem>>) dst(%dma_wait3A_91 : memref<48x128xf32, #tpu.memory_space<hbm>>)
      tpu.yield
    }) : () -> ()
    %add3A_73 = arith.constant 480 : i32
    %add3A_74 = arith.addi %mul3A_0, %add3A_73 : i32
    "tpu.region"() ({
      %run_scoped3A = tpu.sem_alloc : memref<!tpu.dma_semaphore, #tpu.memory_space<semaphore_mem>>
      %dma_start3A_84 = arith.constant 0 : i32
      %dma_start3A_85 = tpu.memref_slice %arg11[%add3A_74, %dma_start3A_84] : memref<10000x128xf32, #tpu.memory_space<vmem_shared>> -> memref<48x128xf32, #tpu.memory_space<vmem_shared>>
      %dma_start3A_86 = arith.constant 0 : i32
      %dma_start3A_87 = tpu.memref_slice %arg11[%add3A_74, %dma_start3A_86] : memref<10000x128xf32, #tpu.memory_space<vmem_shared>> -> memref<48x128xf32, #tpu.memory_space<vmem_shared>>
      tpu.enqueue_dma source(%dma_start3A_87 : memref<48x128xf32, #tpu.memory_space<vmem_shared>>) target(%arg10 : memref<48x128xf32, #tpu.memory_space<vmem>>) target_semaphore(%run_scoped3A : memref<!tpu.dma_semaphore, #tpu.memory_space<semaphore_mem>>)
      %dma_wait3A_88 = arith.constant 0 : i32
      %dma_wait3A_89 = tpu.memref_slice %arg11[%add3A_74, %dma_wait3A_88] : memref<10000x128xf32, #tpu.memory_space<vmem_shared>> -> memref<48x128xf32, #tpu.memory_space<vmem_shared>>
      %dma_wait3A_90 = arith.constant 0 : i32
      %dma_wait3A_91 = tpu.memref_slice %arg11[%add3A_74, %dma_wait3A_90] : memref<10000x128xf32, #tpu.memory_space<vmem_shared>> -> memref<48x128xf32, #tpu.memory_space<vmem_shared>>
      tpu.wait_dma2 semaphore(%run_scoped3A : memref<!tpu.dma_semaphore, #tpu.memory_space<semaphore_mem>>) src(%dma_wait3A_91 : memref<48x128xf32, #tpu.memory_space<vmem_shared>>) dst(%arg10 : memref<48x128xf32, #tpu.memory_space<vmem>>)
      tpu.yield
    }) : () -> ()
    "tpu.region"() ({
      %run_scoped3A = tpu.sem_alloc : memref<!tpu.dma_semaphore, #tpu.memory_space<semaphore_mem>>
      %dma_start3A_84 = arith.constant 0 : i32
      %dma_start3A_85 = tpu.memref_slice %arg5[%add3A_74, %dma_start3A_84] : memref<10000x128xf32, #tpu.memory_space<hbm>> -> memref<48x128xf32, #tpu.memory_space<hbm>>
      %dma_start3A_86 = arith.constant 0 : i32
      %dma_start3A_87 = tpu.memref_slice %arg5[%add3A_74, %dma_start3A_86] : memref<10000x128xf32, #tpu.memory_space<hbm>> -> memref<48x128xf32, #tpu.memory_space<hbm>>
      tpu.enqueue_dma source(%arg10 : memref<48x128xf32, #tpu.memory_space<vmem>>) target(%dma_start3A_87 : memref<48x128xf32, #tpu.memory_space<hbm>>) target_semaphore(%run_scoped3A : memref<!tpu.dma_semaphore, #tpu.memory_space<semaphore_mem>>)
      %dma_wait3A_88 = arith.constant 0 : i32
      %dma_wait3A_89 = tpu.memref_slice %arg5[%add3A_74, %dma_wait3A_88] : memref<10000x128xf32, #tpu.memory_space<hbm>> -> memref<48x128xf32, #tpu.memory_space<hbm>>
      %dma_wait3A_90 = arith.constant 0 : i32
      %dma_wait3A_91 = tpu.memref_slice %arg5[%add3A_74, %dma_wait3A_90] : memref<10000x128xf32, #tpu.memory_space<hbm>> -> memref<48x128xf32, #tpu.memory_space<hbm>>
      tpu.wait_dma2 semaphore(%run_scoped3A : memref<!tpu.dma_semaphore, #tpu.memory_space<semaphore_mem>>) src(%arg10 : memref<48x128xf32, #tpu.memory_space<vmem>>) dst(%dma_wait3A_91 : memref<48x128xf32, #tpu.memory_space<hbm>>)
      tpu.yield
    }) : () -> ()
    %add3A_75 = arith.constant 528 : i32
    %add3A_76 = arith.addi %mul3A_0, %add3A_75 : i32
    "tpu.region"() ({
      %run_scoped3A = tpu.sem_alloc : memref<!tpu.dma_semaphore, #tpu.memory_space<semaphore_mem>>
      %dma_start3A_84 = arith.constant 0 : i32
      %dma_start3A_85 = tpu.memref_slice %arg11[%add3A_76, %dma_start3A_84] : memref<10000x128xf32, #tpu.memory_space<vmem_shared>> -> memref<48x128xf32, #tpu.memory_space<vmem_shared>>
      %dma_start3A_86 = arith.constant 0 : i32
      %dma_start3A_87 = tpu.memref_slice %arg11[%add3A_76, %dma_start3A_86] : memref<10000x128xf32, #tpu.memory_space<vmem_shared>> -> memref<48x128xf32, #tpu.memory_space<vmem_shared>>
      tpu.enqueue_dma source(%dma_start3A_87 : memref<48x128xf32, #tpu.memory_space<vmem_shared>>) target(%arg10 : memref<48x128xf32, #tpu.memory_space<vmem>>) target_semaphore(%run_scoped3A : memref<!tpu.dma_semaphore, #tpu.memory_space<semaphore_mem>>)
      %dma_wait3A_88 = arith.constant 0 : i32
      %dma_wait3A_89 = tpu.memref_slice %arg11[%add3A_76, %dma_wait3A_88] : memref<10000x128xf32, #tpu.memory_space<vmem_shared>> -> memref<48x128xf32, #tpu.memory_space<vmem_shared>>
      %dma_wait3A_90 = arith.constant 0 : i32
      %dma_wait3A_91 = tpu.memref_slice %arg11[%add3A_76, %dma_wait3A_90] : memref<10000x128xf32, #tpu.memory_space<vmem_shared>> -> memref<48x128xf32, #tpu.memory_space<vmem_shared>>
      tpu.wait_dma2 semaphore(%run_scoped3A : memref<!tpu.dma_semaphore, #tpu.memory_space<semaphore_mem>>) src(%dma_wait3A_91 : memref<48x128xf32, #tpu.memory_space<vmem_shared>>) dst(%arg10 : memref<48x128xf32, #tpu.memory_space<vmem>>)
      tpu.yield
    }) : () -> ()
    "tpu.region"() ({
      %run_scoped3A = tpu.sem_alloc : memref<!tpu.dma_semaphore, #tpu.memory_space<semaphore_mem>>
      %dma_start3A_84 = arith.constant 0 : i32
      %dma_start3A_85 = tpu.memref_slice %arg5[%add3A_76, %dma_start3A_84] : memref<10000x128xf32, #tpu.memory_space<hbm>> -> memref<48x128xf32, #tpu.memory_space<hbm>>
      %dma_start3A_86 = arith.constant 0 : i32
      %dma_start3A_87 = tpu.memref_slice %arg5[%add3A_76, %dma_start3A_86] : memref<10000x128xf32, #tpu.memory_space<hbm>> -> memref<48x128xf32, #tpu.memory_space<hbm>>
      tpu.enqueue_dma source(%arg10 : memref<48x128xf32, #tpu.memory_space<vmem>>) target(%dma_start3A_87 : memref<48x128xf32, #tpu.memory_space<hbm>>) target_semaphore(%run_scoped3A : memref<!tpu.dma_semaphore, #tpu.memory_space<semaphore_mem>>)
      %dma_wait3A_88 = arith.constant 0 : i32
      %dma_wait3A_89 = tpu.memref_slice %arg5[%add3A_76, %dma_wait3A_88] : memref<10000x128xf32, #tpu.memory_space<hbm>> -> memref<48x128xf32, #tpu.memory_space<hbm>>
      %dma_wait3A_90 = arith.constant 0 : i32
      %dma_wait3A_91 = tpu.memref_slice %arg5[%add3A_76, %dma_wait3A_90] : memref<10000x128xf32, #tpu.memory_space<hbm>> -> memref<48x128xf32, #tpu.memory_space<hbm>>
      tpu.wait_dma2 semaphore(%run_scoped3A : memref<!tpu.dma_semaphore, #tpu.memory_space<semaphore_mem>>) src(%arg10 : memref<48x128xf32, #tpu.memory_space<vmem>>) dst(%dma_wait3A_91 : memref<48x128xf32, #tpu.memory_space<hbm>>)
      tpu.yield
    }) : () -> ()
    %add3A_77 = arith.constant 576 : i32
    %add3A_78 = arith.addi %mul3A_0, %add3A_77 : i32
    "tpu.region"() ({
      %run_scoped3A = tpu.sem_alloc : memref<!tpu.dma_semaphore, #tpu.memory_space<semaphore_mem>>
      %dma_start3A_84 = arith.constant 0 : i32
      %dma_start3A_85 = tpu.memref_slice %arg11[%add3A_78, %dma_start3A_84] : memref<10000x128xf32, #tpu.memory_space<vmem_shared>> -> memref<48x128xf32, #tpu.memory_space<vmem_shared>>
      %dma_start3A_86 = arith.constant 0 : i32
      %dma_start3A_87 = tpu.memref_slice %arg11[%add3A_78, %dma_start3A_86] : memref<10000x128xf32, #tpu.memory_space<vmem_shared>> -> memref<48x128xf32, #tpu.memory_space<vmem_shared>>
      tpu.enqueue_dma source(%dma_start3A_87 : memref<48x128xf32, #tpu.memory_space<vmem_shared>>) target(%arg10 : memref<48x128xf32, #tpu.memory_space<vmem>>) target_semaphore(%run_scoped3A : memref<!tpu.dma_semaphore, #tpu.memory_space<semaphore_mem>>)
      %dma_wait3A_88 = arith.constant 0 : i32
      %dma_wait3A_89 = tpu.memref_slice %arg11[%add3A_78, %dma_wait3A_88] : memref<10000x128xf32, #tpu.memory_space<vmem_shared>> -> memref<48x128xf32, #tpu.memory_space<vmem_shared>>
      %dma_wait3A_90 = arith.constant 0 : i32
      %dma_wait3A_91 = tpu.memref_slice %arg11[%add3A_78, %dma_wait3A_90] : memref<10000x128xf32, #tpu.memory_space<vmem_shared>> -> memref<48x128xf32, #tpu.memory_space<vmem_shared>>
      tpu.wait_dma2 semaphore(%run_scoped3A : memref<!tpu.dma_semaphore, #tpu.memory_space<semaphore_mem>>) src(%dma_wait3A_91 : memref<48x128xf32, #tpu.memory_space<vmem_shared>>) dst(%arg10 : memref<48x128xf32, #tpu.memory_space<vmem>>)
      tpu.yield
    }) : () -> ()
    "tpu.region"() ({
      %run_scoped3A = tpu.sem_alloc : memref<!tpu.dma_semaphore, #tpu.memory_space<semaphore_mem>>
      %dma_start3A_84 = arith.constant 0 : i32
      %dma_start3A_85 = tpu.memref_slice %arg5[%add3A_78, %dma_start3A_84] : memref<10000x128xf32, #tpu.memory_space<hbm>> -> memref<48x128xf32, #tpu.memory_space<hbm>>
      %dma_start3A_86 = arith.constant 0 : i32
      %dma_start3A_87 = tpu.memref_slice %arg5[%add3A_78, %dma_start3A_86] : memref<10000x128xf32, #tpu.memory_space<hbm>> -> memref<48x128xf32, #tpu.memory_space<hbm>>
      tpu.enqueue_dma source(%arg10 : memref<48x128xf32, #tpu.memory_space<vmem>>) target(%dma_start3A_87 : memref<48x128xf32, #tpu.memory_space<hbm>>) target_semaphore(%run_scoped3A : memref<!tpu.dma_semaphore, #tpu.memory_space<semaphore_mem>>)
      %dma_wait3A_88 = arith.constant 0 : i32
      %dma_wait3A_89 = tpu.memref_slice %arg5[%add3A_78, %dma_wait3A_88] : memref<10000x128xf32, #tpu.memory_space<hbm>> -> memref<48x128xf32, #tpu.memory_space<hbm>>
      %dma_wait3A_90 = arith.constant 0 : i32
      %dma_wait3A_91 = tpu.memref_slice %arg5[%add3A_78, %dma_wait3A_90] : memref<10000x128xf32, #tpu.memory_space<hbm>> -> memref<48x128xf32, #tpu.memory_space<hbm>>
      tpu.wait_dma2 semaphore(%run_scoped3A : memref<!tpu.dma_semaphore, #tpu.memory_space<semaphore_mem>>) src(%arg10 : memref<48x128xf32, #tpu.memory_space<vmem>>) dst(%dma_wait3A_91 : memref<48x128xf32, #tpu.memory_space<hbm>>)
      tpu.yield
    }) : () -> ()
    %eq3A_79 = arith.constant 15 : i32
    %eq3A_80 = arith.cmpi eq, %arg1, %eq3A_79 : i32
    %convert_element_type3A_81 = arith.extui %eq3A_80 : i1 to i32
    %cond3A_82 = arith.constant 0 : i32
    %cond3A_83 = arith.cmpi ne, %convert_element_type3A_81, %cond3A_82 : i32
    scf.if %cond3A_83 {
      "tpu.region"() ({
        %run_scoped3A = tpu.sem_alloc : memref<!tpu.dma_semaphore, #tpu.memory_space<semaphore_mem>>
        %dma_start3A_84 = arith.constant 0 : i32
        %dma_start3A_85 = arith.constant 0 : i32
        %dma_start3A_86 = tpu.memref_slice %arg10[%dma_start3A_84, %dma_start3A_85] : memref<48x128xf32, #tpu.memory_space<vmem>> -> memref<16x128xf32, #tpu.memory_space<vmem>>
        %dma_start3A_87 = arith.constant 9984 : i32
        %dma_start3A_88 = arith.constant 0 : i32
        %dma_start3A_89 = tpu.memref_slice %arg11[%dma_start3A_87, %dma_start3A_88] : memref<10000x128xf32, #tpu.memory_space<vmem_shared>> -> memref<16x128xf32, #tpu.memory_space<vmem_shared>>
        %dma_start3A_90 = arith.constant 0 : i32
        %dma_start3A_91 = arith.constant 0 : i32
        %dma_start3A_92 = tpu.memref_slice %arg10[%dma_start3A_90, %dma_start3A_91] : memref<48x128xf32, #tpu.memory_space<vmem>> -> memref<16x128xf32, #tpu.memory_space<vmem>>
        %dma_start3A_93 = arith.constant 9984 : i32
        %dma_start3A_94 = arith.constant 0 : i32
        %dma_start3A_95 = tpu.memref_slice %arg11[%dma_start3A_93, %dma_start3A_94] : memref<10000x128xf32, #tpu.memory_space<vmem_shared>> -> memref<16x128xf32, #tpu.memory_space<vmem_shared>>
        tpu.enqueue_dma source(%dma_start3A_95 : memref<16x128xf32, #tpu.memory_space<vmem_shared>>) target(%dma_start3A_92 : memref<16x128xf32, #tpu.memory_space<vmem>>) target_semaphore(%run_scoped3A : memref<!tpu.dma_semaphore, #tpu.memory_space<semaphore_mem>>)
        %dma_wait3A_96 = arith.constant 0 : i32
        %dma_wait3A_97 = arith.constant 0 : i32
        %dma_wait3A_98 = tpu.memref_slice %arg10[%dma_wait3A_96, %dma_wait3A_97] : memref<48x128xf32, #tpu.memory_space<vmem>> -> memref<16x128xf32, #tpu.memory_space<vmem>>
        %dma_wait3A_99 = arith.constant 9984 : i32
        %dma_wait3A_100 = arith.constant 0 : i32
        %dma_wait3A_101 = tpu.memref_slice %arg11[%dma_wait3A_99, %dma_wait3A_100] : memref<10000x128xf32, #tpu.memory_space<vmem_shared>> -> memref<16x128xf32, #tpu.memory_space<vmem_shared>>
        %dma_wait3A_102 = arith.constant 0 : i32
        %dma_wait3A_103 = arith.constant 0 : i32
        %dma_wait3A_104 = tpu.memref_slice %arg10[%dma_wait3A_102, %dma_wait3A_103] : memref<48x128xf32, #tpu.memory_space<vmem>> -> memref<16x128xf32, #tpu.memory_space<vmem>>
        %dma_wait3A_105 = arith.constant 9984 : i32
        %dma_wait3A_106 = arith.constant 0 : i32
        %dma_wait3A_107 = tpu.memref_slice %arg11[%dma_wait3A_105, %dma_wait3A_106] : memref<10000x128xf32, #tpu.memory_space<vmem_shared>> -> memref<16x128xf32, #tpu.memory_space<vmem_shared>>
        tpu.wait_dma2 semaphore(%run_scoped3A : memref<!tpu.dma_semaphore, #tpu.memory_space<semaphore_mem>>) src(%dma_wait3A_107 : memref<16x128xf32, #tpu.memory_space<vmem_shared>>) dst(%dma_wait3A_104 : memref<16x128xf32, #tpu.memory_space<vmem>>)
        tpu.yield
      }) : () -> ()
      "tpu.region"() ({
        %run_scoped3A = tpu.sem_alloc : memref<!tpu.dma_semaphore, #tpu.memory_space<semaphore_mem>>
        %dma_start3A_84 = arith.constant 0 : i32
        %dma_start3A_85 = arith.constant 0 : i32
        %dma_start3A_86 = tpu.memref_slice %arg10[%dma_start3A_84, %dma_start3A_85] : memref<48x128xf32, #tpu.memory_space<vmem>> -> memref<16x128xf32, #tpu.memory_space<vmem>>
        %dma_start3A_87 = arith.constant 9984 : i32
        %dma_start3A_88 = arith.constant 0 : i32
        %dma_start3A_89 = tpu.memref_slice %arg5[%dma_start3A_87, %dma_start3A_88] : memref<10000x128xf32, #tpu.memory_space<hbm>> -> memref<16x128xf32, #tpu.memory_space<hbm>>
        %dma_start3A_90 = arith.constant 9984 : i32
        %dma_start3A_91 = arith.constant 0 : i32
        %dma_start3A_92 = tpu.memref_slice %arg5[%dma_start3A_90, %dma_start3A_91] : memref<10000x128xf32, #tpu.memory_space<hbm>> -> memref<16x128xf32, #tpu.memory_space<hbm>>
        %dma_start3A_93 = arith.constant 0 : i32
        %dma_start3A_94 = arith.constant 0 : i32
        %dma_start3A_95 = tpu.memref_slice %arg10[%dma_start3A_93, %dma_start3A_94] : memref<48x128xf32, #tpu.memory_space<vmem>> -> memref<16x128xf32, #tpu.memory_space<vmem>>
        tpu.enqueue_dma source(%dma_start3A_95 : memref<16x128xf32, #tpu.memory_space<vmem>>) target(%dma_start3A_92 : memref<16x128xf32, #tpu.memory_space<hbm>>) target_semaphore(%run_scoped3A : memref<!tpu.dma_semaphore, #tpu.memory_space<semaphore_mem>>)
        %dma_wait3A_96 = arith.constant 0 : i32
        %dma_wait3A_97 = arith.constant 0 : i32
        %dma_wait3A_98 = tpu.memref_slice %arg10[%dma_wait3A_96, %dma_wait3A_97] : memref<48x128xf32, #tpu.memory_space<vmem>> -> memref<16x128xf32, #tpu.memory_space<vmem>>
        %dma_wait3A_99 = arith.constant 9984 : i32
        %dma_wait3A_100 = arith.constant 0 : i32
        %dma_wait3A_101 = tpu.memref_slice %arg5[%dma_wait3A_99, %dma_wait3A_100] : memref<10000x128xf32, #tpu.memory_space<hbm>> -> memref<16x128xf32, #tpu.memory_space<hbm>>
        %dma_wait3A_102 = arith.constant 9984 : i32
        %dma_wait3A_103 = arith.constant 0 : i32
        %dma_wait3A_104 = tpu.memref_slice %arg5[%dma_wait3A_102, %dma_wait3A_103] : memref<10000x128xf32, #tpu.memory_space<hbm>> -> memref<16x128xf32, #tpu.memory_space<hbm>>
        %dma_wait3A_105 = arith.constant 0 : i32
        %dma_wait3A_106 = arith.constant 0 : i32
        %dma_wait3A_107 = tpu.memref_slice %arg10[%dma_wait3A_105, %dma_wait3A_106] : memref<48x128xf32, #tpu.memory_space<vmem>> -> memref<16x128xf32, #tpu.memory_space<vmem>>
        tpu.wait_dma2 semaphore(%run_scoped3A : memref<!tpu.dma_semaphore, #tpu.memory_space<semaphore_mem>>) src(%dma_wait3A_107 : memref<16x128xf32, #tpu.memory_space<vmem>>) dst(%dma_wait3A_104 : memref<16x128xf32, #tpu.memory_space<hbm>>)
        tpu.yield
      }) : () -> ()
    } else {
    }
    return
  }
}

module attributes {stable_mosaic.version = 14 : i64} {
  func.func @_tc_lin1_body(%arg0: i32, %arg1: memref<1000x128xf32, #tpu.memory_space<vmem>>, %arg2: memref<128x128xf32, #tpu.memory_space<vmem>>, %arg3: memref<128x128xf32, #tpu.memory_space<vmem>>, %arg4: memref<1x128xf32, #tpu.memory_space<vmem>>, %arg5: memref<1000x128xf32, #tpu.memory_space<vmem>>, %arg6: memref<1000x128xf32, #tpu.memory_space<vmem>>) attributes {dimension_semantics = [#tpu.dimension_semantics<arbitrary>], iteration_bounds = array<i64: 10>, scalar_prefetch = 0 : i64, scratch_operands = 0 : i64, tpu.core_type = #tpu.core_type<tc>, window_params = [{transform_indices = @transform_0, window_bounds = array<i64: 1000, 128>}, {pipeline_mode = #tpu.pipeline_mode<synchronous>, transform_indices = @transform_1, window_bounds = array<i64: 128, 128>}, {pipeline_mode = #tpu.pipeline_mode<synchronous>, transform_indices = @transform_2, window_bounds = array<i64: 128, 128>}, {pipeline_mode = #tpu.pipeline_mode<synchronous>, transform_indices = @transform_3, window_bounds = array<i64: 1, 128>}, {transform_indices = @transform_4, window_bounds = array<i64: 1000, 128>}, {transform_indices = @transform_5, window_bounds = array<i64: 1000, 128>}]} {
    %get3A = arith.constant 0 : index
    %get3A_0 = arith.constant 0 : index
    %get3A_1 = vector.load %arg1[%get3A, %get3A_0] : memref<1000x128xf32, #tpu.memory_space<vmem>>, vector<1000x128xf32>
    %get3A_2 = arith.constant 0 : index
    %get3A_3 = arith.constant 0 : index
    %get3A_4 = vector.load %arg2[%get3A_2, %get3A_3] : memref<128x128xf32, #tpu.memory_space<vmem>>, vector<128x128xf32>
    %dot_general3A = arith.constant dense<0.000000e+00> : vector<1000x128xf32>
    %dot_general3A_5 = tpu.matmul %get3A_1, %get3A_4, %dot_general3A {dimension_numbers = #tpu.dot_dimension_numbers<[1], [0], [0], [1], [0, 0, 1, 1], [], []>, transpose_lhs_hint = false} : vector<1000x128xf32>, vector<128x128xf32>, vector<1000x128xf32> -> vector<1000x128xf32>
    %swap3A = arith.constant 0 : index
    %swap3A_6 = arith.constant 0 : index
    %swap3A_7 = vector.load %arg5[%swap3A, %swap3A_6] : memref<1000x128xf32, #tpu.memory_space<vmem>>, vector<1000x128xf32>
    tpu.vector_store %arg5[%swap3A, %swap3A_6], %dot_general3A_5 {strides = array<i32>} : memref<1000x128xf32, #tpu.memory_space<vmem>>, vector<1000x128xf32>,
    %get3A_8 = arith.constant 0 : index
    %get3A_9 = arith.constant 0 : index
    %get3A_10 = vector.load %arg3[%get3A_8, %get3A_9] : memref<128x128xf32, #tpu.memory_space<vmem>>, vector<128x128xf32>
    %dot_general3A_11 = arith.constant dense<0.000000e+00> : vector<1000x128xf32>
    %dot_general3A_12 = tpu.matmul %get3A_1, %get3A_10, %dot_general3A_11 {dimension_numbers = #tpu.dot_dimension_numbers<[1], [0], [0], [1], [0, 0, 1, 1], [], []>, transpose_lhs_hint = false} : vector<1000x128xf32>, vector<128x128xf32>, vector<1000x128xf32> -> vector<1000x128xf32>
    %get3A_13 = arith.constant 0 : index
    %get3A_14 = arith.constant 0 : index
    %get3A_15 = vector.load %arg4[%get3A_13, %get3A_14] : memref<1x128xf32, #tpu.memory_space<vmem>>, vector<1x128xf32>
    %add3A = vector.broadcast %get3A_15 : vector<1x128xf32> to vector<1000x128xf32>
    %add3A_16 = arith.addf %dot_general3A_12, %add3A : vector<1000x128xf32>
    %swap3A_17 = arith.constant 0 : index
    %swap3A_18 = arith.constant 0 : index
    %swap3A_19 = vector.load %arg6[%swap3A_17, %swap3A_18] : memref<1000x128xf32, #tpu.memory_space<vmem>>, vector<1000x128xf32>
    tpu.vector_store %arg6[%swap3A_17, %swap3A_18], %add3A_16 {strides = array<i32>} : memref<1000x128xf32, #tpu.memory_space<vmem>>, vector<1000x128xf32>,
    return
  }
  func.func @transform_0(%arg0: i32) -> (i32, i32) {
    %c0_i32 = arith.constant 0 : i32
    %c0_i32_0 = arith.constant 0 : i32
    return %arg0, %c0_i32 : i32, i32
  }
  func.func @transform_1(%arg0: i32) -> (i32, i32) {
    %c0_i32 = arith.constant 0 : i32
    %c0_i32_0 = arith.constant 0 : i32
    %c0_i32_1 = arith.constant 0 : i32
    return %c0_i32, %c0_i32_0 : i32, i32
  }
  func.func @transform_2(%arg0: i32) -> (i32, i32) {
    %c0_i32 = arith.constant 0 : i32
    %c0_i32_0 = arith.constant 0 : i32
    %c0_i32_1 = arith.constant 0 : i32
    return %c0_i32, %c0_i32_0 : i32, i32
  }
  func.func @transform_3(%arg0: i32) -> (i32, i32) {
    %c0_i32 = arith.constant 0 : i32
    %c0_i32_0 = arith.constant 0 : i32
    %c0_i32_1 = arith.constant 0 : i32
    return %c0_i32, %c0_i32_0 : i32, i32
  }
  func.func @transform_4(%arg0: i32) -> (i32, i32) {
    %c0_i32 = arith.constant 0 : i32
    %c0_i32_0 = arith.constant 0 : i32
    return %arg0, %c0_i32 : i32, i32
  }
  func.func @transform_5(%arg0: i32) -> (i32, i32) {
    %c0_i32 = arith.constant 0 : i32
    %c0_i32_0 = arith.constant 0 : i32
    return %arg0, %c0_i32 : i32, i32
  }
}

module attributes {stable_mosaic.version = 14 : i64} {
  func.func @_tc_mid_body(%arg0: i32, %arg1: memref<1000x128xf32, #tpu.memory_space<vmem>>, %arg2: memref<1000x128xf32, #tpu.memory_space<vmem>>, %arg3: memref<1000x128xf32, #tpu.memory_space<vmem>>, %arg4: memref<1000x128xf32, #tpu.memory_space<vmem>>) attributes {dimension_semantics = [#tpu.dimension_semantics<arbitrary>], iteration_bounds = array<i64: 10>, scalar_prefetch = 0 : i64, scratch_operands = 0 : i64, tpu.core_type = #tpu.core_type<tc>, window_params = [{transform_indices = @transform_0, window_bounds = array<i64: 1000, 128>}, {transform_indices = @transform_1, window_bounds = array<i64: 1000, 128>}, {transform_indices = @transform_2, window_bounds = array<i64: 1000, 128>}, {transform_indices = @transform_3, window_bounds = array<i64: 1000, 128>}]} {
    %get3A = arith.constant 0 : index
    %get3A_0 = arith.constant 0 : index
    %get3A_1 = vector.load %arg2[%get3A, %get3A_0] : memref<1000x128xf32, #tpu.memory_space<vmem>>, vector<1000x1xf32>
    %max3A = arith.constant 1.000000e+00 : f32
    %max3A_2 = vector.broadcast %max3A : f32 to vector<1000x1xf32>
    %max3A_3 = arith.maximumf %get3A_1, %max3A_2 : vector<1000x1xf32>
    %get3A_4 = arith.constant 0 : index
    %get3A_5 = arith.constant 0 : index
    %get3A_6 = vector.load %arg1[%get3A_4, %get3A_5] : memref<1000x128xf32, #tpu.memory_space<vmem>>, vector<1000x128xf32>
    %div3A = vector.broadcast %max3A_3 : vector<1000x1xf32> to vector<1000x128xf32>
    %div3A_7 = arith.divf %get3A_6, %div3A : vector<1000x128xf32>
    %get3A_8 = arith.constant 0 : index
    %get3A_9 = arith.constant 0 : index
    %get3A_10 = vector.load %arg3[%get3A_8, %get3A_9] : memref<1000x128xf32, #tpu.memory_space<vmem>>, vector<1000x128xf32>
    %add3A = arith.addf %div3A_7, %get3A_10 : vector<1000x128xf32>
    %max3A_11 = arith.constant 0.000000e+00 : f32
    %max3A_12 = vector.broadcast %max3A_11 : f32 to vector<1000x128xf32>
    %max3A_13 = arith.maximumf %add3A, %max3A_12 : vector<1000x128xf32>
    %swap3A = arith.constant 0 : index
    %swap3A_14 = arith.constant 0 : index
    %swap3A_15 = vector.load %arg4[%swap3A, %swap3A_14] : memref<1000x128xf32, #tpu.memory_space<vmem>>, vector<1000x128xf32>
    tpu.vector_store %arg4[%swap3A, %swap3A_14], %max3A_13 {strides = array<i32>} : memref<1000x128xf32, #tpu.memory_space<vmem>>, vector<1000x128xf32>,
    return
  }
  func.func @transform_0(%arg0: i32) -> (i32, i32) {
    %c0_i32 = arith.constant 0 : i32
    %c0_i32_0 = arith.constant 0 : i32
    return %arg0, %c0_i32 : i32, i32
  }
  func.func @transform_1(%arg0: i32) -> (i32, i32) {
    %c0_i32 = arith.constant 0 : i32
    %c0_i32_0 = arith.constant 0 : i32
    return %arg0, %c0_i32 : i32, i32
  }
  func.func @transform_2(%arg0: i32) -> (i32, i32) {
    %c0_i32 = arith.constant 0 : i32
    %c0_i32_0 = arith.constant 0 : i32
    return %arg0, %c0_i32 : i32, i32
  }
  func.func @transform_3(%arg0: i32) -> (i32, i32) {
    %c0_i32 = arith.constant 0 : i32
    %c0_i32_0 = arith.constant 0 : i32
    return %arg0, %c0_i32 : i32, i32
  }
}

module attributes {stable_mosaic.version = 14 : i64} {
  func.func @_tc_out_body(%arg0: i32, %arg1: memref<1000x128xf32, #tpu.memory_space<vmem>>, %arg2: memref<1000x128xf32, #tpu.memory_space<vmem>>, %arg3: memref<1000x128xf32, #tpu.memory_space<vmem>>, %arg4: memref<128x64xf32, #tpu.memory_space<vmem>>, %arg5: memref<128x64xf32, #tpu.memory_space<vmem>>, %arg6: memref<1x64xf32, #tpu.memory_space<vmem>>, %arg7: memref<1000x64xf32, #tpu.memory_space<vmem>>) attributes {dimension_semantics = [#tpu.dimension_semantics<arbitrary>], iteration_bounds = array<i64: 10>, scalar_prefetch = 0 : i64, scratch_operands = 0 : i64, tpu.core_type = #tpu.core_type<tc>, window_params = [{transform_indices = @transform_0, window_bounds = array<i64: 1000, 128>}, {transform_indices = @transform_1, window_bounds = array<i64: 1000, 128>}, {transform_indices = @transform_2, window_bounds = array<i64: 1000, 128>}, {pipeline_mode = #tpu.pipeline_mode<synchronous>, transform_indices = @transform_3, window_bounds = array<i64: 128, 64>}, {pipeline_mode = #tpu.pipeline_mode<synchronous>, transform_indices = @transform_4, window_bounds = array<i64: 128, 64>}, {pipeline_mode = #tpu.pipeline_mode<synchronous>, transform_indices = @transform_5, window_bounds = array<i64: 1, 64>}, {transform_indices = @transform_6, window_bounds = array<i64: 1000, 64>}]} {
    %get3A = arith.constant 0 : index
    %get3A_0 = arith.constant 0 : index
    %get3A_1 = vector.load %arg2[%get3A, %get3A_0] : memref<1000x128xf32, #tpu.memory_space<vmem>>, vector<1000x1xf32>
    %max3A = arith.constant 1.000000e+00 : f32
    %max3A_2 = vector.broadcast %max3A : f32 to vector<1000x1xf32>
    %max3A_3 = arith.maximumf %get3A_1, %max3A_2 : vector<1000x1xf32>
    %get3A_4 = arith.constant 0 : index
    %get3A_5 = arith.constant 0 : index
    %get3A_6 = vector.load %arg1[%get3A_4, %get3A_5] : memref<1000x128xf32, #tpu.memory_space<vmem>>, vector<1000x128xf32>
    %div3A = vector.broadcast %max3A_3 : vector<1000x1xf32> to vector<1000x128xf32>
    %div3A_7 = arith.divf %get3A_6, %div3A : vector<1000x128xf32>
    %get3A_8 = arith.constant 0 : index
    %get3A_9 = arith.constant 0 : index
    %get3A_10 = vector.load %arg4[%get3A_8, %get3A_9] : memref<128x64xf32, #tpu.memory_space<vmem>>, vector<128x64xf32>
    %dot_general3A = arith.constant dense<0.000000e+00> : vector<1000x64xf32>
    %dot_general3A_11 = tpu.matmul %div3A_7, %get3A_10, %dot_general3A {dimension_numbers = #tpu.dot_dimension_numbers<[1], [0], [0], [1], [0, 0, 1, 1], [], []>, transpose_lhs_hint = false} : vector<1000x128xf32>, vector<128x64xf32>, vector<1000x64xf32> -> vector<1000x64xf32>
    %get3A_12 = arith.constant 0 : index
    %get3A_13 = arith.constant 0 : index
    %get3A_14 = vector.load %arg3[%get3A_12, %get3A_13] : memref<1000x128xf32, #tpu.memory_space<vmem>>, vector<1000x128xf32>
    %get3A_15 = arith.constant 0 : index
    %get3A_16 = arith.constant 0 : index
    %get3A_17 = vector.load %arg5[%get3A_15, %get3A_16] : memref<128x64xf32, #tpu.memory_space<vmem>>, vector<128x64xf32>
    %dot_general3A_18 = arith.constant dense<0.000000e+00> : vector<1000x64xf32>
    %dot_general3A_19 = tpu.matmul %get3A_14, %get3A_17, %dot_general3A_18 {dimension_numbers = #tpu.dot_dimension_numbers<[1], [0], [0], [1], [0, 0, 1, 1], [], []>, transpose_lhs_hint = false} : vector<1000x128xf32>, vector<128x64xf32>, vector<1000x64xf32> -> vector<1000x64xf32>
    %add3A = arith.addf %dot_general3A_11, %dot_general3A_19 : vector<1000x64xf32>
    %get3A_20 = arith.constant 0 : index
    %get3A_21 = arith.constant 0 : index
    %get3A_22 = vector.load %arg6[%get3A_20, %get3A_21] : memref<1x64xf32, #tpu.memory_space<vmem>>, vector<1x64xf32>
    %add3A_23 = vector.broadcast %get3A_22 : vector<1x64xf32> to vector<1000x64xf32>
    %add3A_24 = arith.addf %add3A, %add3A_23 : vector<1000x64xf32>
    %reduce_max3A = arith.constant dense<0xFF800000> : vector<1000xf32>
    %reduce_max3A_25 = vector.multi_reduction <maximumf>, %add3A_24, %reduce_max3A [1] : vector<1000x64xf32> to vector<1000xf32>
    %broadcast_in_dim3A = vector.shape_cast %reduce_max3A_25 : vector<1000xf32> to vector<1000x1xf32>
    %sub3A = vector.broadcast %broadcast_in_dim3A : vector<1000x1xf32> to vector<1000x64xf32>
    %sub3A_26 = arith.subf %add3A_24, %sub3A : vector<1000x64xf32>
    %exp3A = math.exp %sub3A_26 : vector<1000x64xf32>
    %reduce_sum3A = arith.constant dense<0.000000e+00> : vector<1000xf32>
    %reduce_sum3A_27 = vector.multi_reduction <add>, %exp3A, %reduce_sum3A [1] : vector<1000x64xf32> to vector<1000xf32>
    %broadcast_in_dim3A_28 = vector.shape_cast %reduce_sum3A_27 : vector<1000xf32> to vector<1000x1xf32>
    %log3A = math.log %broadcast_in_dim3A_28 : vector<1000x1xf32>
    %sub3A_29 = vector.broadcast %broadcast_in_dim3A : vector<1000x1xf32> to vector<1000x64xf32>
    %sub3A_30 = arith.subf %add3A_24, %sub3A_29 : vector<1000x64xf32>
    %sub3A_31 = vector.broadcast %log3A : vector<1000x1xf32> to vector<1000x64xf32>
    %sub3A_32 = arith.subf %sub3A_30, %sub3A_31 : vector<1000x64xf32>
    %swap3A = arith.constant 0 : index
    %swap3A_33 = arith.constant 0 : index
    %swap3A_34 = vector.load %arg7[%swap3A, %swap3A_33] : memref<1000x64xf32, #tpu.memory_space<vmem>>, vector<1000x64xf32>
    tpu.vector_store %arg7[%swap3A, %swap3A_33], %sub3A_32 {strides = array<i32>} : memref<1000x64xf32, #tpu.memory_space<vmem>>, vector<1000x64xf32>,
    return
  }
  func.func @transform_0(%arg0: i32) -> (i32, i32) {
    %c0_i32 = arith.constant 0 : i32
    %c0_i32_0 = arith.constant 0 : i32
    return %arg0, %c0_i32 : i32, i32
  }
  func.func @transform_1(%arg0: i32) -> (i32, i32) {
    %c0_i32 = arith.constant 0 : i32
    %c0_i32_0 = arith.constant 0 : i32
    return %arg0, %c0_i32 : i32, i32
  }
  func.func @transform_2(%arg0: i32) -> (i32, i32) {
    %c0_i32 = arith.constant 0 : i32
    %c0_i32_0 = arith.constant 0 : i32
    return %arg0, %c0_i32 : i32, i32
  }
  func.func @transform_3(%arg0: i32) -> (i32, i32) {
    %c0_i32 = arith.constant 0 : i32
    %c0_i32_0 = arith.constant 0 : i32
    %c0_i32_1 = arith.constant 0 : i32
    return %c0_i32, %c0_i32_0 : i32, i32
  }
  func.func @transform_4(%arg0: i32) -> (i32, i32) {
    %c0_i32 = arith.constant 0 : i32
    %c0_i32_0 = arith.constant 0 : i32
    %c0_i32_1 = arith.constant 0 : i32
    return %c0_i32, %c0_i32_0 : i32, i32
  }
  func.func @transform_5(%arg0: i32) -> (i32, i32) {
    %c0_i32 = arith.constant 0 : i32
    %c0_i32_0 = arith.constant 0 : i32
    %c0_i32_1 = arith.constant 0 : i32
    return %c0_i32, %c0_i32_0 : i32, i32
  }
  func.func @transform_6(%arg0: i32) -> (i32, i32) {
    %c0_i32 = arith.constant 0 : i32
    %c0_i32_0 = arith.constant 0 : i32
    return %arg0, %c0_i32 : i32, i32
  }
}

</mosaic_0001>

<sc_bundles>
// kernel: kernel.11.cloned.1.call-start
scs
__scs_entry_jumppad:
0x0: {  	(pc) =	sbr.rel $0x88, $3  }
0x1: {  	(tag) =	ssettag $0x0;
	lr =	simm.s32 $0x1  }
0x2: {  	[smem:$0x3F99] =	sst lr;
	_ =	strace $0xD0000000  }
0x3: {  	_ = 	snop  }
0x4: {  	_ = 	snop  }
0x5: {  	_ = 	snop  }
0x6: {  	_ = 	snop  }
0x7: {  	_ = 	snop  }
__scs_overlays_trampoline_lowered:
0x8: {  	[smem:$0x3FA8] =	sst s0  }
0x9: {  	[smem:$0x3FA9] =	sst s1  }
0xa: {  	[smem:$0x3FAA] =	sst s2  }
0xb: {  	[smem:$0x3FAB] =	sst s3  }
0xc: {  	[smem:$0x3FAC] =	sst s4  }
0xd: {  	[smem:$0x3FAD] =	sst s5  }
0xe: {  	[smem:$0x3FAE] =	sst s6  }
0xf: {  	[smem:$0x3FAF] =	sst s7  }
0x10: {  	[smem:$0x3FB0] =	sst s8  }
0x11: {  	[smem:$0x3FB1] =	sst s9;
	s0 =	simm.s32 @!p0 $0x0  }
0x12: {  	s1 =	sld [smem:$0x3F97];
	s0 =	simm.s32 @p0 $0x1  }
0x13: {  	[smem:$0x3FB2] =	sst s0;
	s0 =	simm.s32 @!p1 $0x0  }
0x14: {  	s2 =	sld [smem:$0x3F96];
	s0 =	simm.s32 @p1 $0x1  }
0x15: {  	[smem:$0x3FB3] =	sst s0;
	s0 =	simm.s32 @!p2 $0x0  }
0x16: {  	s3 =	sld [smem:$0x3FDB];
	s0 =	simm.s32 @p2 $0x1  }
0x17: {  	s4 =	simm.s32 $0x1BF5;
	[smem:$0x3FB5] =	sst s0  }
0x18: {  	s0 =	sld [smem:$0x3F98];
	_ =	swait.ge [sflag:s4], $0x0  }
0x19: {  	s7 =	sld [smem:$0x3F99]  }
0x1a: {  	s8 =	sadd.s32 $0xFFFFE003, lr  }
0x1b: {  	s9 =	sadd.s32 $0xFFFFFEF7, lr;
	s5 =	simm.s32 $0xFFFFFFFF;
	p2 =	slt.u32 s8, $0xFFFFF086  }
0x1c: {  	p1 =	slt.u32 s9, $0xF7A;
	s5 =	simm.s32 @!p2 $0x0  }
0x1d: {  	s5 =	simm.s32 @p1 $0x1;
	p0 =	seq.s32 s7, s2  }
0x1e: {  	s7 =	smul.u32 @!p0 $0xF7A, s2;
	p2 =	seq.s32 @!p0 s5, $0x0  }
0x1f: {  	s9 =	smul.u32 $0xF7A, s1;
	s8 =	simm.s32 @!p0 $0x1BF5;
	p2 =	por !p2, p0  }
0x20: {  	[sflag:s8] =	ssyncset.s32 @!p0 $0xFFFFF086;
	s6 =	sadd.s32 @!p0 s3, s7;
	s7 =	simm.s32 @!p0 $0x108  }
0x21: {  	s3 =	sadd.s32 s3, s9;
	s6 =	sadd.s32 @!p0 $0x88, s6;
	s7 =	simm.s32 @p2 $0x1082  }
0x22: {  	[simem:s7], [sflag:s8] =	dma.local @!p0 [hbm:s6], $0xF7A  }
0x23: {  	s9 =	sor.u32 $0xD0000000, s2;
	s6 =	simm.s32 $0x108;
	_ =	swait.ge @!p0 [sflag:s8], $0x0  }
0x24: {  	s3 =	sadd.s32 $0x88, s3;
	s6 =	simm.s32 @!p1 $0x1082;
	[sflag:s4] =	ssyncset.s32 $0xFFFFF086  }
0x25: {  	[simem:s6], [sflag:s4] =	dma.local [hbm:s3], $0xF7A  }
0x26: {  	[smem:$0x3F99] =	sst s1;
	(tag) =	ssettag s2;
	_ =	strace s9  }
0x27: {  	s1 =	sld [smem:$0x3FA9]  }
0x28: {  	s2 =	sld [smem:$0x3FAA]  }
0x29: {  	s4 =	sld [smem:$0x3FAC]  }
0x2a: {  	p0 =	seq.s32 s5, $0x0;
	s5 =	sld [smem:$0x3FAD]  }
0x2b: {  	s6 =	sld [smem:$0x3FAE]  }
0x2c: {  	s7 =	sld [smem:$0x3FAF]  }
0x2d: {  	s3 =	simm.s32 $0x108;
	s8 =	sld [smem:$0x3FB0]  }
0x2e: {  	s3 =	simm.s32 @!p0 $0x1082;
	s9 =	sld [smem:$0x3FB1]  }
0x2f: {  	lr =	sadd.s32 s0, s3;
	s0 =	sld [smem:$0x3FA8]  }
0x30: {  	s3 =	sld [smem:$0x3FAB]  }
0x31: {  	[smem:$0x3FB4] =	sst s10  }
0x32: {  	s10 =	sld [smem:$0x3FB2];
	_ =	sdelay $0x3  }
0x33: {  	p0 =	seq.s32 s10, $0x1;
	s10 =	sld [smem:$0x3FB4];
	_ =	sdelay $0x3  }
0x34: {  	[smem:$0x3FB4] =	sst s10  }
0x35: {  	s10 =	sld [smem:$0x3FB3];
	_ =	sdelay $0x3  }
0x36: {  	p1 =	seq.s32 s10, $0x1;
	s10 =	sld [smem:$0x3FB4];
	_ =	sdelay $0x3  }
0x37: {  	[smem:$0x3FB4] =	sst s10  }
0x38: {  	s10 =	sld [smem:$0x3FB5]  }
0x39: {  	_ = 	snop;
	(pc) =	sbr.ind lr, $3  }
0x3a: {  	_ = 	snop  }
0x3b: {  	_ = 	snop  }
0x3c: {  	p2 =	seq.s32 s10, $0x1;
	s10 =	sld [smem:$0x3FB4]  }
0x3d: {  	_ =	shalt  }
0x3e: {  	_ =	shalt  }
0x3f: {  	_ =	shalt  }
0x40: {  	_ =	shalt  }
0x41: {  	_ =	shalt  }
0x42: {  	_ =	shalt  }
0x43: {  	_ =	shalt  }
0x44: {  	_ =	shalt  }
0x45: {  	_ =	shalt  }
0x46: {  	_ =	shalt  }
0x47: {  	_ =	shalt  }
0x48: {  	_ =	shalt  }
0x49: {  	_ =	shalt  }
0x4a: {  	_ =	shalt  }
0x4b: {  	_ =	shalt  }
0x4c: {  	_ =	shalt  }
0x4d: {  	_ =	shalt  }
0x4e: {  	_ =	shalt  }
0x4f: {  	_ =	shalt  }
0x50: {  	_ =	shalt  }
0x51: {  	_ =	shalt  }
0x52: {  	_ =	shalt  }
0x53: {  	_ =	shalt  }
0x54: {  	_ =	shalt  }
0x55: {  	_ =	shalt  }
0x56: {  	_ =	shalt  }
0x57: {  	_ =	shalt  }
0x58: {  	_ =	shalt  }
0x59: {  	_ =	shalt  }
0x5a: {  	_ =	shalt  }
0x5b: {  	_ =	shalt  }
0x5c: {  	_ =	shalt  }
0x5d: {  	_ =	shalt  }
0x5e: {  	_ =	shalt  }
0x5f: {  	_ =	shalt  }
0x60: {  	_ =	shalt  }
0x61: {  	_ =	shalt  }
0x62: {  	_ =	shalt  }
0x63: {  	_ =	shalt  }
0x64: {  	_ =	shalt  }
0x65: {  	_ =	shalt  }
0x66: {  	_ =	shalt  }
0x67: {  	_ =	shalt  }
0x68: {  	_ =	shalt  }
0x69: {  	_ =	shalt  }
0x6a: {  	_ =	shalt  }
0x6b: {  	_ =	shalt  }
0x6c: {  	_ =	shalt  }
0x6d: {  	_ =	shalt  }
0x6e: {  	_ =	shalt  }
0x6f: {  	_ =	shalt  }
0x70: {  	_ =	shalt  }
0x71: {  	_ =	shalt  }
0x72: {  	_ =	shalt  }
0x73: {  	_ =	shalt  }
0x74: {  	_ =	shalt  }
0x75: {  	_ =	shalt  }
0x76: {  	_ =	shalt  }
0x77: {  	_ =	shalt  }
0x78: {  	_ =	shalt  }
0x79: {  	_ =	shalt  }
0x7a: {  	_ =	shalt  }
0x7b: {  	_ =	shalt  }
0x7c: {  	_ =	shalt  }
0x7d: {  	_ =	shalt  }
0x7e: {  	_ =	shalt  }
0x7f: {  	_ =	shalt  }
0x80: {  	_ =	shalt  }
0x81: {  	_ =	shalt  }
0x82: {  	_ =	shalt  }
0x83: {  	_ =	shalt  }
0x84: {  	_ =	shalt  }
0x85: {  	_ =	shalt  }
0x86: {  	_ =	shalt  }
0x87: {  	_ =	shalt  }
.Lfunc_end0:
.L_simem_size_0:
called_computation.1_lowered:
.L_overlay_start_0:
0x88: {  	s0 =	sld [smem:$0x3FD9]  }
0x89: {  	s1 =	sld [smem:$0x3FFE];
	_ =	sdelay $0x3  }
0x8a: {  	s0 =	sadd.s32 s1, s0  }
0x8b: {  	[smem:$0x3FC0] =	sst s0  }
0x8c: {  	_ = 	snop  }
0x8d: {  	s0 =	sld [smem:$0x3FD0];
	(tm) =	ssettm $0x1  }
0x8e: {  	s16 =	sld [smem:$0x3FFB];
	_ =	sdelay $0x3  }
0x8f: {  	_ =	strace s16  }
0x90: {  	s1 =	sld [smem:$0x3FFC];
	_ =	sdelay $0x3  }
0x91: {  	_ =	strace s1  }
0x92: {  	s1 =	sld [smem:$0x3FFD];
	_ =	sdelay $0x3  }
0x93: {  	_ =	strace s1  }
0x94: {  	_ =	strace $0x8FFFFFFF  }
0x95: {  	s17 =	sld [smem:$0x3FDB];
	_ =	sdelay $0x1  }
0x96: {  	s2 =	simm.s32 $_scs_section_size  }
0x97: {  	s3 =	simm.s32 $_size__tile_overlayer_lowered;
	s4 =	simm.s32 $_tile_overlayer_lowered  }
0x98: {  	s20 =	simm.s32 $0x1BFF;
	s19 =	sshll.u32 s4, $0x1;
	s1 =	sadd.s32 s2, s17  }
0x99: {  	s5 =	simm.s32 $0x0;
	s18 =	sshll.u32 s3, $0x1;
	s3 =	sadd.s32 s19, s1  }
0x9a: {  	[timem:s5], [sflag:s20] =	dma.local [hbm:s3], s18  }
0x9b: {  	_ =	swait.ge [sflag:s20], s18  }
0x9c: {  	s2 =	ssub.s32 $0x0, s18;
	[sflag:s20] =	ssyncset.done $0x0  }
0x9d: {  	[sflag:s20] =	ssyncadd.s32 s2;
	_ =	sdelay $0x1  }
0x9e: {  	s21 =	simm.s32 $0x1B8B  }
0x9f: {  	_ =	swait.ge [sflag:s21], $0x1  }
0xa0: {  	[sflag:s21] =	ssyncset.done $0x0  }
0xa1: {  	s23 =	simm.s32 $0x1B8E;
	s22 =	sld [smem:$0x3FFE];
	[sflag:s21] =	ssyncadd.s32 $0xFFFFFFFF  }
0xa2: {  	s24 =	simm.s32 $execute0_lowered;
	[smem:$0x3FD2] =	sst s23  }
0xa3: {  	s3 =	sshll.u32 s24, $0x1;
	_ =	strace $0x80000049;
	[dreg:$0x1] =	wrdreg $0xFFFFFFFF  }
0xa4: {  	s25 =	simm.s32 $_size_execute0_lowered;
	s1 =	sadd.s32 s1, s3;
	[dreg:$0x0] =	wrdreg $0x0  }
0xa5: {  	s3 =	sshll.u32 s25, $0x1;
	[dreg:$0x2] =	wrdreg s1  }
0xa6: {  	[dreg:$0x3] =	wrdreg s3  }
0xa7: {  	[dreg:$0x4] =	wrdreg $0xC0  }
0xa8: {  	_ =	task [dreg:s5], $0x5FFFF  }
0xa9: {  	[dreg:$0x1] =	wrdreg $0xFFFFFFFF  }
0xaa: {  	[dreg:$0x0] =	wrdreg $0x60  }
0xab: {  	[dreg:$0x2] =	wrdreg s22  }
0xac: {  	[dreg:$0x3] =	wrdreg s0  }
0xad: {  	[dreg:$0x4] =	wrdreg $0x93000  }
0xae: {  	[dreg:$0x5] =	wrdreg $0x9  }
0xaf: {  	_ =	task.clear_ibuf [dreg:s5], $0x6FFFF;
	_ =	strace $0x90000049  }
0xb0: {  	s26 =	simm.s32 $0x9;
	_ =	strace $0x8000004B  }
0xb1: {  	_ =	swait.ge [sflag:s26], $0x1  }
0xb2: {  	[sflag:s26] =	ssyncadd.s32 $0xFFFFFFFF  }
0xb3: {  	_ =	strace $0x9000004B  }
0xb4: {  	_ =	sfence  }
0xb5: {  	s28 =	sld [smem:$0x0];
	_ =	sdelay $0x1  }
0xb6: {  	s29 =	srdreg.scid  }
0xb7: {  	s30 =	sshll.u32 s29, $0xD;
	s31 =	sshrl.u32 s29, $0x2  }
0xb8: {  	s2 =	sand.u32 $0x4000, s30;
	s1 =	sand.u32 $0x1, s29;
	s0 =	sadd.s32 s31, s28  }
0xb9: {  	s1 =	sor.u32 s2, s1;
	s0 =	sshll.u32 s0, $0x11  }
0xba: {  	s0 =	sor.u32 s0, s1  }
0xbb: {  	s0 =	sadd.s32 $0x8F2B, s0  }
0xbc: {  	[sflag:s0] =	ssyncadd.remote.s32 $0x1  }
0xbd: {  	_ =	sfence.sel $0xFFFF  }
0xbe: {  	[dreg:$0x0] =	wrdreg $0xFFFFFFFF;
	(pc) =	sbr.abs _section_cstart, $3  }
0xbf: {  	[dreg:$0x1] =	wrdreg $0xFFFFFFFF  }
0xc0: {  	_ =	task.clear_ibuf [dreg:s5], $0x2FFFF;
	_ =	strace $0x9FFFFFFF  }
0xc1: {  	(tm) =	ssettm $0x7FFFFFFF  }
tec
execute0_lowered:
.L_overlay_start_1:
0x0: {  	(tag) =	ssettag $0x1  }
0x1: {  	s7 =	rddreg [dreg:$0x0]  }
0x2: {  	s1 =	rddreg [dreg:$0x1]  }
0x3: {  	s6 =	rddreg [dreg:$0x2]  }
0x4: {  	s17 =	simm.s32 $0x0;
	s8 =	stileid.u32;
	s3 =	simm.s32 $0x7B00  }
0x5: {  	s18 =	simm.s32 $0x7;
	[smem:$0x7FF] =	sst s17;
	s14 =	smul.u32 $0x4E000, s8  }
0x6: {  	s0 =	sadd.s32 $0xC400, s7;
	s4 =	smul.u32 $0x270, s8;
	_ =	strace $0x8000004A  }
0x7: {  	[tilespmem:s3], [sflag:$0x7] =	stream.linear.gather [hbm4b:s0+s17], $0x1800, $0x38;
	[tilespmem:$0x1CB80] =	vst v63  }
0x8: {  	s0 =	sshrl.u32 s14, $0x2;
	s15 =	sadd.s32 $0x30, s4;
	_ =	swait.ge [sflag:s18], $0x1800  }
0x9: {  	s0 =	sadd.s32 s0, s6;
	[dreg:$0x19] =	wrdreg s15;
	[sflag:s18] =	ssyncset.done $0x0  }
0xa: {  	[dreg:$0x11] =	wrdreg s0;
	[sflag:s18] =	ssyncadd.s32 $0xFFFFE800  }
0xb: {  	[spmem:s0] =	stream.linear.scatter [tilespmem:s3], [sflag:$0x7], $0x1800, $0x38;
	[tilespmem:$0x1CB80] =	vst v63  }
0xc: {  	s0 =	sshll.u32 s15, $0x7;
	_ =	swait.ge [sflag:s18], $0x1800  }
0xd: {  	s0 =	sadd.s32 s0, s6;
	[sflag:s18] =	ssyncset.done $0x0  }
0xe: {  	s20 =	sadd.s32 $0x60, s4;
	[dreg:$0x10] =	wrdreg s0;
	[sflag:s18] =	ssyncadd.s32 $0xFFFFE800  }
0xf: {  	[spmem:s0] =	stream.linear.scatter [tilespmem:s3], [sflag:$0x7], $0x1800, $0x38;
	[tilespmem:$0x1CB80] =	vst v63  }
0x10: {  	s16 =	sshll.u32 s20, $0x7;
	_ =	swait.ge [sflag:s18], $0x1800  }
0x11: {  	s0 =	sadd.s32 s16, s6;
	[sflag:s18] =	ssyncset.done $0x0  }
0x12: {  	s26 =	sadd.s32 $0x90, s4;
	[dreg:$0xf] =	wrdreg s0;
	[sflag:s18] =	ssyncadd.s32 $0xFFFFE800  }
0x13: {  	[spmem:s0] =	stream.linear.scatter [tilespmem:s3], [sflag:$0x7], $0x1800, $0x38;
	[tilespmem:$0x1CB80] =	vst v63  }
0x14: {  	s19 =	sshll.u32 s26, $0x7;
	_ =	swait.ge [sflag:s18], $0x1800  }
0x15: {  	s0 =	sadd.s32 s19, s6;
	[sflag:s18] =	ssyncset.done $0x0  }
0x16: {  	s28 =	sadd.s32 $0xC0, s4;
	[dreg:$0xe] =	wrdreg s0;
	[sflag:s18] =	ssyncadd.s32 $0xFFFFE800  }
0x17: {  	[spmem:s0] =	stream.linear.scatter [tilespmem:s3], [sflag:$0x7], $0x1800, $0x38;
	[tilespmem:$0x1CB80] =	vst v63  }
0x18: {  	s21 =	sshll.u32 s28, $0x7;
	_ =	swait.ge [sflag:s18], $0x1800  }
0x19: {  	s0 =	sadd.s32 s21, s6;
	[sflag:s18] =	ssyncset.done $0x0  }
0x1a: {  	s30 =	sadd.s32 $0xF0, s4;
	[dreg:$0xd] =	wrdreg s0;
	[sflag:s18] =	ssyncadd.s32 $0xFFFFE800  }
0x1b: {  	[spmem:s0] =	stream.linear.scatter [tilespmem:s3], [sflag:$0x7], $0x1800, $0x38;
	[tilespmem:$0x1CB80] =	vst v63  }
0x1c: {  	s22 =	sshll.u32 s30, $0x7;
	_ =	swait.ge [sflag:s18], $0x1800  }
0x1d: {  	s0 =	sadd.s32 s22, s6;
	[sflag:s18] =	ssyncset.done $0x0  }
0x1e: {  	s14 =	sadd.s32 $0x120, s4;
	[dreg:$0xc] =	wrdreg s0;
	[sflag:s18] =	ssyncadd.s32 $0xFFFFE800  }
0x1f: {  	[spmem:s0] =	stream.linear.scatter [tilespmem:s3], [sflag:$0x7], $0x1800, $0x38;
	[tilespmem:$0x1CB80] =	vst v63  }
0x20: {  	s23 =	sshll.u32 s14, $0x7;
	_ =	swait.ge [sflag:s18], $0x1800  }
0x21: {  	s0 =	sadd.s32 s23, s6;
	[sflag:s18] =	ssyncset.done $0x0  }
0x22: {  	s19 =	sadd.s32 $0x150, s4;
	[dreg:$0xb] =	wrdreg s0;
	[sflag:s18] =	ssyncadd.s32 $0xFFFFE800  }
0x23: {  	[spmem:s0] =	stream.linear.scatter [tilespmem:s3], [sflag:$0x7], $0x1800, $0x38;
	[tilespmem:$0x1CB80] =	vst v63  }
0x24: {  	s24 =	sshll.u32 s19, $0x7;
	_ =	swait.ge [sflag:s18], $0x1800  }
0x25: {  	s0 =	sadd.s32 s24, s6;
	[sflag:s18] =	ssyncset.done $0x0  }
0x26: {  	s16 =	sadd.s32 $0x180, s4;
	[dreg:$0xa] =	wrdreg s0;
	[sflag:s18] =	ssyncadd.s32 $0xFFFFE800  }
0x27: {  	[spmem:s0] =	stream.linear.scatter [tilespmem:s3], [sflag:$0x7], $0x1800, $0x38;
	[tilespmem:$0x1CB80] =	vst v63  }
0x28: {  	s25 =	sshll.u32 s16, $0x7;
	_ =	swait.ge [sflag:s18], $0x1800  }
0x29: {  	s0 =	sadd.s32 s25, s6;
	[sflag:s18] =	ssyncset.done $0x0  }
0x2a: {  	s15 =	sadd.s32 $0x1B0, s4;
	[dreg:$0x9] =	wrdreg s0;
	[sflag:s18] =	ssyncadd.s32 $0xFFFFE800  }
0x2b: {  	[spmem:s0] =	stream.linear.scatter [tilespmem:s3], [sflag:$0x7], $0x1800, $0x38;
	[tilespmem:$0x1CB80] =	vst v63  }
0x2c: {  	s2 =	sshll.u32 s15, $0x7;
	_ =	swait.ge [sflag:s18], $0x1800  }
0x2d: {  	s0 =	sadd.s32 s2, s6;
	[sflag:s18] =	ssyncset.done $0x0  }
0x2e: {  	s31 =	sadd.s32 $0x1E0, s4;
	[dreg:$0x8] =	wrdreg s0;
	[sflag:s18] =	ssyncadd.s32 $0xFFFFE800  }
0x2f: {  	[spmem:s0] =	stream.linear.scatter [tilespmem:s3], [sflag:$0x7], $0x1800, $0x38;
	[tilespmem:$0x1CB80] =	vst v63  }
0x30: {  	s5 =	sshll.u32 s31, $0x7;
	_ =	swait.ge [sflag:s18], $0x1800  }
0x31: {  	s0 =	sadd.s32 s5, s6;
	[sflag:s18] =	ssyncset.done $0x0  }
0x32: {  	s2 =	sadd.s32 $0x210, s4;
	[dreg:$0x7] =	wrdreg s0;
	[sflag:s18] =	ssyncadd.s32 $0xFFFFE800  }
0x33: {  	[spmem:s0] =	stream.linear.scatter [tilespmem:s3], [sflag:$0x7], $0x1800, $0x38;
	[tilespmem:$0x1CB80] =	vst v63  }
0x34: {  	s5 =	sshll.u32 s2, $0x7;
	_ =	swait.ge [sflag:s18], $0x1800  }
0x35: {  	s9 =	sadd.s32 s5, s6;
	[sflag:s18] =	ssyncset.done $0x0  }
0x36: {  	s24 =	sadd.s32 $0x240, s4;
	[dreg:$0x6] =	wrdreg s9;
	[sflag:s18] =	ssyncadd.s32 $0xFFFFE800  }
0x37: {  	[spmem:s9] =	stream.linear.scatter [tilespmem:s3], [sflag:$0x7], $0x1800, $0x38;
	[tilespmem:$0x1CB80] =	vst v63  }
0x38: {  	s4 =	sshll.u32 s24, $0x7;
	_ =	swait.ge [sflag:s18], $0x1800  }
0x39: {  	s10 =	sadd.s32 s4, s6;
	[sflag:s18] =	ssyncset.done $0x0  }
0x3a: {  	[dreg:$0x5] =	wrdreg s10;
	[sflag:s18] =	ssyncadd.s32 $0xFFFFE800  }
0x3b: {  	[spmem:s10] =	stream.linear.scatter [tilespmem:s3], [sflag:$0x7], $0x1800, $0x38;
	[tilespmem:$0x1CB80] =	vst v63  }
0x3c: {  	_ =	swait.ge [sflag:s18], $0x1800  }
0x3d: {  	p0 =	sne.s32 s8, $0xF;
	[sflag:s18] =	ssyncset.done $0x0  }
0x3e: {  	s0 =	sadd.s32 $0x138000, s6;
	s3 =	simm.s32 @!p0 $0x7B00;
	[sflag:s18] =	ssyncadd.s32 $0xFFFFE800  }
0x3f: {  	[spmem:s0] =	stream.linear.scatter @!p0 [tilespmem:s3], [sflag:$0x7], $0x800, $0x38;
	[tilespmem:$0x1CB80] =	vst v63  }
0x40: {  	[dreg:$0x4] =	wrdreg s0;
	s3 =	simm.s32 @!p0 $0x7  }
0x41: {  	s11 =	smul.u32 $0x9C4, s8;
	_ =	swait.ge @!p0 [sflag:s3], $0x800  }
0x42: {  	[sflag:s3] =	ssyncset.done @!p0 $0x0  }
0x43: {  	s29 =	sadd.s32 s11, s1;
	[sflag:s3] =	ssyncadd.s32 @!p0 $0xFFFFF800  }
0x44: {  	s9 =	sadd.s32 $0x0, s29;
	[bflag:$0x0] =	sbarrier.arrive $0xFFFF  }
0x45: {  	[tilespmem:s17], [sflag:$0x7] =	stream.linear.gather [hbm4b:s9+s17], $0x50, $0x38;
	[tilespmem:$0x1CB80] =	vst v63  }
0x46: {  	_ =	swait.ge [sflag:s18], $0x50  }
0x47: {  	p1 =	por $0x1, $0x1;
	[sflag:s18] =	ssyncset.done $0x0  }
0x48: {  	s3 =	simm.s32 @!p1 $0x4;
	[sflag:s18] =	ssyncadd.s32 $0xFFFFFFB0  }
0x49: {  	s13 =	sadd.s32 $0x2600, s7;
	_ =	swait.ge @!p1 [sflag:s3], $0x2800  }
0x4a: {  	s21 =	sadd.s32 s11, s13;
	s22 =	simm.s32 $0x50;
	[sflag:s3] =	ssyncset.done @!p1 $0x0  }
0x4b: {  	s23 =	simm.s32 $0x300;
	s25 =	sadd.s32 $0x5AE00, s7;
	[sflag:s3] =	ssyncadd.s32 @!p1 $0xFFFFD800  }
0x4c: {  	[tilespmem:s23], [sflag:$0x1] =	stream.indirect.gather [hbm4b:s25+s22], $0x80, s17, s22, $0xb8;
	[tilespmem:$0x1CB80] =	vst v63  }
0x4d: {  	s10 =	sadd.s32 $0x0, s21;
	s3 =	simm.s32 $0x180  }
0x4e: {  	[tilespmem:s3], [sflag:$0x7] =	stream.linear.gather [hbm4b:s10+s17], $0x50, $0x38;
	[tilespmem:$0x1CB80] =	vst v63  }
0x4f: {  	_ =	swait.ge [sflag:s18], $0x50  }
0x50: {  	[sflag:s18] =	ssyncset.done $0x0  }
0x51: {  	s4 =	simm.s32 $0x80;
	s12 =	sadd.s32 $0xA, s9;
	[sflag:s18] =	ssyncadd.s32 $0xFFFFFFB0  }
0x52: {  	[tilespmem:s4], [sflag:$0x7] =	stream.linear.gather [hbm4b:s12+s17], $0x50, $0x38;
	[tilespmem:$0x1CB80] =	vst v63  }
0x53: {  	_ =	swait.ge [sflag:s18], $0x50  }
0x54: {  	[sflag:s18] =	ssyncset.done $0x0  }
0x55: {  	s5 =	simm.s32 @!p1 $0x5;
	[sflag:s18] =	ssyncadd.s32 $0xFFFFFFB0  }
0x56: {  	_ =	swait.ge @!p1 [sflag:s5], $0x2800  }
0x57: {  	[sflag:s5] =	ssyncset.done @!p1 $0x0  }
0x58: {  	[sflag:s5] =	ssyncadd.s32 @!p1 $0xFFFFD800;
	s5 =	simm.s32 $0x2B00  }
0x59: {  	[tilespmem:s5], [sflag:$0x2] =	stream.indirect.gather [hbm4b:s25+s22], $0x80, s4, s22, $0xb8;
	[tilespmem:$0x1CB80] =	vst v63  }
0x5a: {  	s1 =	smov.u32 s7;
	s7 =	simm.s32 $0x200;
	s11 =	sadd.s32 $0xA, s10  }
0x5b: {  	[tilespmem:s7], [sflag:$0x7] =	stream.linear.gather [hbm4b:s11+s17], $0x50, $0x38;
	[tilespmem:$0x1CB80] =	vst v63  }
0x5c: {  	_ =	swait.ge [sflag:s18], $0x50  }
0x5d: {  	[sflag:s18] =	ssyncset.done $0x0  }
0x5e: {  	s0 =	sadd.s32 $0x14, s9;
	s9 =	simm.s32 $0x100;
	[sflag:s18] =	ssyncadd.s32 $0xFFFFFFB0  }
0x5f: {  	[tilespmem:s9], [sflag:$0x7] =	stream.linear.gather [hbm4b:s0+s17], $0x50, $0x38;
	[tilespmem:$0x1CB80] =	vst v63  }
0x60: {  	_ =	swait.ge [sflag:s18], $0x50  }
0x61: {  	[sflag:s18] =	ssyncset.done $0x0  }
0x62: {  	s11 =	simm.s32 @!p1 $0x6;
	[sflag:s18] =	ssyncadd.s32 $0xFFFFFFB0  }
0x63: {  	_ =	swait.ge @!p1 [sflag:s11], $0x2800  }
0x64: {  	[sflag:s11] =	ssyncset.done @!p1 $0x0  }
0x65: {  	s0 =	smul.u32 $0x4E20, s8;
	[sflag:s11] =	ssyncadd.s32 @!p1 $0xFFFFD800;
	s11 =	simm.s32 $0x5300  }
0x66: {  	[tilespmem:s11], [sflag:$0x3] =	stream.indirect.gather [hbm4b:s25+s22], $0x80, s9, s22, $0xb8;
	[tilespmem:$0x1CB80] =	vst v63  }
0x67: {  	s10 =	sadd.s32 $0x14, s10;
	s12 =	simm.s32 $0x280;
	s0 =	sshrl.u32 s0, $0x3  }
0x68: {  	[tilespmem:s12], [sflag:$0x7] =	stream.linear.gather [hbm4b:s10+s17], $0x50, $0x38;
	[tilespmem:$0x1CB80] =	vst v63  }
0x69: {  	s0 =	sadd.s32 $0x9BA, s0;
	s10 =	smul.u32 $0x2700, s8;
	s8 =	rddreg [dreg:$0x1]  }
0x6a: {  	s20 =	sshll.u32 s20, $0x4;
	s26 =	sshll.u32 s26, $0x4;
	s8 =	sadd.s32 s8, s0  }
0x6b: {  	s15 =	sshll.u32 s15, $0x4;
	s0 =	sadd.s32 s13, s0;
	[dreg:$0x18] =	wrdreg s8  }
0x6c: {  	s19 =	sshll.u32 s19, $0x4;
	[dreg:$0x17] =	wrdreg s0;
	s0 =	sadd.s32 $0x82000, s1  }
0x6d: {  	s2 =	sshll.u32 s2, $0x4;
	s1 =	sadd.s32 s0, s10;
	s10 =	rddreg [dreg:$0x19]  }
0x6e: {  	s20 =	sadd.s32 s0, s20;
	[dreg:$0x16] =	wrdreg s1;
	s13 =	sshll.u32 s10, $0x4  }
0x6f: {  	s1 =	sshll.u32 s28, $0x4;
	s28 =	sadd.s32 s0, s26;
	_ =	swait.ge [sflag:s18], $0x50  }
0x70: {  	s10 =	sshll.u32 s30, $0x4;
	s8 =	sadd.s32 s0, s13;
	[sflag:s18] =	ssyncset.done $0x0  }
0x71: {  	s13 =	simm.s32 $0x1;
	[dreg:$0x15] =	wrdreg s8;
	[sflag:s18] =	ssyncadd.s32 $0xFFFFFFB0  }
0x72: {  	s26 =	sadd.s32 s0, s1;
	s1 =	sshll.u32 s14, $0x4;
	_ =	swait.ge [sflag:s13], $0x2800  }
0x73: {  	s14 =	sadd.s32 s0, s1;
	s1 =	sshll.u32 s16, $0x4;
	[sflag:s13] =	ssyncset.done $0x0  }
0x74: {  	[dreg:$0x14] =	wrdreg s14;
	s14 =	simm.s32 $0x2;
	[sflag:s13] =	ssyncadd.s32 $0xFFFFD800  }
0x75: {  	[spmem:s6] =	stream.indirect.scatter.add.f32 [tilespmem:s23], [sflag:$0x4], $0x80, s3, s22, $0xb8;
	[tilespmem:$0x1CB80] =	vst v63  }
0x76: {  	s30 =	sadd.s32 s0, s10;
	s10 =	sadd.s32 s0, s1;
	_ =	swait.ge [sflag:s14], $0x2800  }
0x77: {  	s1 =	sadd.s32 s0, s15;
	[dreg:$0x13] =	wrdreg s10;
	[sflag:s14] =	ssyncset.done $0x0  }
0x78: {  	[dreg:$0x12] =	wrdreg s1;
	s1 =	simm.s32 $0x3;
	[sflag:s14] =	ssyncadd.s32 $0xFFFFD800  }
0x79: {  	[spmem:s6] =	stream.indirect.scatter.add.f32 [tilespmem:s5], [sflag:$0x5], $0x80, s7, s22, $0xb8;
	[tilespmem:$0x1CB80] =	vst v63  }
0x7a: {  	s19 =	sadd.s32 s0, s19;
	s16 =	sshll.u32 s31, $0x4;
	_ =	swait.ge [sflag:s1], $0x2800  }
0x7b: {  	s31 =	sadd.s32 s0, s16;
	s10 =	sshll.u32 s24, $0x4;
	[sflag:s1] =	ssyncset.done $0x0  }
0x7c: {  	s24 =	sadd.s32 s0, s2;
	s16 =	sadd.s32 s0, s10;
	s15 =	rddreg [dreg:$0x0]  }
0x7d: {  	s0 =	simm.s32 $0x1E;
	[sflag:s1] =	ssyncadd.s32 $0xFFFFD800;
	s15 =	sadd.s32 $0xA9000, s15  }
.LBB2_1:
0x7e: {  	[spmem:s6] =	stream.indirect.scatter.add.f32 [tilespmem:s11], [sflag:$0x6], $0x80, s12, s22, $0xb8;
	[tilespmem:$0x1CB80] =	vst v63  }
0x7f: {  	s2 =	sadd.s32 s0, s29;
	s8 =	smov.u32 s0;
	s0 =	sadd.s32 $0x1E, s0  }
0x80: {  	[tilespmem:s17], [sflag:$0x7] =	stream.linear.gather [hbm4b:s2+s17], $0x50, $0x38;
	[tilespmem:$0x1CB80] =	vst v63  }
0x81: {  	p1 =	sne.s32 s0, $0x9BA;
	_ =	swait.ge [sflag:s18], $0x50  }
0x82: {  	p2 =	seq.s32 s8, $0x0;
	[sflag:s18] =	ssyncset.done $0x0  }
0x83: {  	s10 =	simm.s32 @!p2 $0x4;
	[sflag:s18] =	ssyncadd.s32 $0xFFFFFFB0  }
0x84: {  	_ =	swait.ge @!p2 [sflag:s10], $0x2800  }
0x85: {  	[sflag:s10] =	ssyncset.done @!p2 $0x0  }
0x86: {  	[sflag:s10] =	ssyncadd.s32 @!p2 $0xFFFFD800  }
0x87: {  	[tilespmem:s23], [sflag:$0x1] =	stream.indirect.gather [hbm4b:s25+s22], $0x80, s17, s22, $0xb8;
	[tilespmem:$0x1CB80] =	vst v63  }
0x88: {  	s8 =	sadd.s32 s8, s21  }
0x89: {  	[tilespmem:s3], [sflag:$0x7] =	stream.linear.gather [hbm4b:s8+s17], $0x50, $0x38;
	[tilespmem:$0x1CB80] =	vst v63  }
0x8a: {  	_ =	swait.ge [sflag:s18], $0x50  }
0x8b: {  	[sflag:s18] =	ssyncset.done $0x0  }
0x8c: {  	s10 =	sadd.s32 $0xA, s2;
	[sflag:s18] =	ssyncadd.s32 $0xFFFFFFB0  }
0x8d: {  	[tilespmem:s4], [sflag:$0x7] =	stream.linear.gather [hbm4b:s10+s17], $0x50, $0x38;
	[tilespmem:$0x1CB80] =	vst v63  }
0x8e: {  	_ =	swait.ge [sflag:s18], $0x50  }
0x8f: {  	[sflag:s18] =	ssyncset.done $0x0  }
0x90: {  	s10 =	simm.s32 @!p2 $0x5;
	[sflag:s18] =	ssyncadd.s32 $0xFFFFFFB0  }
0x91: {  	_ =	swait.ge @!p2 [sflag:s10], $0x2800  }
0x92: {  	[sflag:s10] =	ssyncset.done @!p2 $0x0  }
0x93: {  	[sflag:s10] =	ssyncadd.s32 @!p2 $0xFFFFD800  }
0x94: {  	[tilespmem:s5], [sflag:$0x2] =	stream.indirect.gather [hbm4b:s25+s22], $0x80, s4, s22, $0xb8;
	[tilespmem:$0x1CB80] =	vst v63  }
0x95: {  	s10 =	sadd.s32 $0xA, s8  }
0x96: {  	[tilespmem:s7], [sflag:$0x7] =	stream.linear.gather [hbm4b:s10+s17], $0x50, $0x38;
	[tilespmem:$0x1CB80] =	vst v63  }
0x97: {  	_ =	swait.ge [sflag:s18], $0x50  }
0x98: {  	[sflag:s18] =	ssyncset.done $0x0  }
0x99: {  	s2 =	sadd.s32 $0x14, s2;
	[sflag:s18] =	ssyncadd.s32 $0xFFFFFFB0  }
0x9a: {  	[tilespmem:s9], [sflag:$0x7] =	stream.linear.gather [hbm4b:s2+s17], $0x50, $0x38;
	[tilespmem:$0x1CB80] =	vst v63  }
0x9b: {  	_ =	swait.ge [sflag:s18], $0x50  }
0x9c: {  	[sflag:s18] =	ssyncset.done $0x0  }
0x9d: {  	s2 =	simm.s32 @!p2 $0x6;
	[sflag:s18] =	ssyncadd.s32 $0xFFFFFFB0  }
0x9e: {  	_ =	swait.ge @!p2 [sflag:s2], $0x2800  }
0x9f: {  	[sflag:s2] =	ssyncset.done @!p2 $0x0  }
0xa0: {  	[sflag:s2] =	ssyncadd.s32 @!p2 $0xFFFFD800  }
0xa1: {  	[tilespmem:s11], [sflag:$0x3] =	stream.indirect.gather [hbm4b:s25+s22], $0x80, s9, s22, $0xb8;
	[tilespmem:$0x1CB80] =	vst v63  }
0xa2: {  	s2 =	sadd.s32 $0x14, s8  }
0xa3: {  	[tilespmem:s12], [sflag:$0x7] =	stream.linear.gather [hbm4b:s2+s17], $0x50, $0x38;
	[tilespmem:$0x1CB80] =	vst v63  }
0xa4: {  	_ =	swait.ge [sflag:s18], $0x50  }
0xa5: {  	[sflag:s18] =	ssyncset.done $0x0  }
0xa6: {  	[sflag:s18] =	ssyncadd.s32 $0xFFFFFFB0  }
0xa7: {  	_ =	swait.ge [sflag:s13], $0x2800  }
0xa8: {  	[sflag:s13] =	ssyncset.done $0x0  }
0xa9: {  	[sflag:s13] =	ssyncadd.s32 $0xFFFFD800  }
0xaa: {  	[spmem:s6] =	stream.indirect.scatter.add.f32 [tilespmem:s23], [sflag:$0x4], $0x80, s3, s22, $0xb8;
	[tilespmem:$0x1CB80] =	vst v63  }
0xab: {  	_ =	swait.ge [sflag:s14], $0x2800  }
0xac: {  	[sflag:s14] =	ssyncset.done $0x0  }
.Ltmp0:
0xad: {  	[sflag:s14] =	ssyncadd.s32 $0xFFFFD800;
	(pc) =	sbr.rel @p1 .LBB2_1-.Ltmp0, $4  }
0xae: {  	[spmem:s6] =	stream.indirect.scatter.add.f32 [tilespmem:s5], [sflag:$0x5], $0x80, s7, s22, $0xb8;
	[tilespmem:$0x1CB80] =	vst v63  }
0xaf: {  	_ =	swait.ge [sflag:s1], $0x2800  }
0xb0: {  	[sflag:s1] =	ssyncset.done $0x0  }
0xb1: {  	[sflag:s1] =	ssyncadd.s32 $0xFFFFD800  }
0xb2: {  	[spmem:s6] =	stream.indirect.scatter.add.f32 [tilespmem:s11], [sflag:$0x6], $0x80, s12, s22, $0xb8;
	[tilespmem:$0x1CB80] =	vst v63  }
0xb3: {  	s2 =	simm.s32 $0x4  }
0xb4: {  	_ =	swait.ge [sflag:s2], $0x2800  }
0xb5: {  	[sflag:s2] =	ssyncset.done $0x0  }
0xb6: {  	s0 =	simm.s32 $0x5;
	[sflag:s2] =	ssyncadd.s32 $0xFFFFD800  }
0xb7: {  	_ =	swait.ge [sflag:s0], $0x2800  }
0xb8: {  	[sflag:s0] =	ssyncset.done $0x0  }
0xb9: {  	s23 =	simm.s32 $0x6;
	[sflag:s0] =	ssyncadd.s32 $0xFFFFD800  }
0xba: {  	_ =	swait.ge [sflag:s23], $0x2800  }
0xbb: {  	[sflag:s23] =	ssyncset.done $0x0  }
0xbc: {  	s0 =	simm.s32 $0x0;
	s1 =	rddreg [dreg:$0x18];
	[sflag:s23] =	ssyncadd.s32 $0xFFFFD800  }
0xbd: {  	[tilespmem:s0], [sflag:$0x7] =	stream.linear.gather [hbm4b:s1+s0], $0x50, $0x38;
	[tilespmem:$0x1CB80] =	vst v63  }
0xbe: {  	s1 =	simm.s32 $0x7  }
0xbf: {  	_ =	swait.ge [sflag:s1], $0x50  }
0xc0: {  	[sflag:s1] =	ssyncset.done $0x0  }
0xc1: {  	s3 =	simm.s32 $0x180;
	s4 =	rddreg [dreg:$0x17];
	[sflag:s1] =	ssyncadd.s32 $0xFFFFFFB0  }
0xc2: {  	[tilespmem:s3], [sflag:$0x7] =	stream.linear.gather [hbm4b:s4+s0], $0x50, $0x38;
	[tilespmem:$0x1CB80] =	vst v63  }
0xc3: {  	_ =	swait.ge [sflag:s1], $0x50  }
0xc4: {  	s29 =	simm.s32 $0x50;
	[sflag:s1] =	ssyncset.done $0x0  }
0xc5: {  	s5 =	simm.s32 $0x300;
	s7 =	simm.s32 $0x1;
	[sflag:s1] =	ssyncadd.s32 $0xFFFFFFB0  }
0xc6: {  	[tilespmem:s5], [sflag:$0x1] =	stream.indirect.gather [hbm4b:s25+s29], $0x80, s0, s29, $0xb8;
	[tilespmem:$0x1CB80] =	vst v63  }
0xc7: {  	_ =	swait.ge [sflag:s7], $0x2800  }
0xc8: {  	[sflag:s7] =	ssyncset.done $0x0  }
0xc9: {  	[sflag:s7] =	ssyncadd.s32 $0xFFFFD800  }
0xca: {  	[spmem:s6] =	stream.indirect.scatter.add.f32 [tilespmem:s5], [sflag:$0x4], $0x80, s3, s29, $0xb8;
	[tilespmem:$0x1CB80] =	vst v63  }
0xcb: {  	_ =	swait.ge [sflag:s2], $0x2800  }
0xcc: {  	[sflag:s2] =	ssyncset.done $0x0  }
0xcd: {  	[sflag:s2] =	ssyncadd.s32 $0xFFFFD800  }
0xce: {  	[bflag:$0x0] =	sbarrier.arrive $0xFFFF  }
0xcf: {  	s7 =	simm.s32 $0x7B00;
	s8 =	rddreg [dreg:$0x11]  }
0xd0: {  	[tilespmem:s7], [sflag:$0x7] =	stream.linear.gather [spmem:s8], $0x1800, $0x38;
	[tilespmem:$0x1CB80] =	vst v63  }
0xd1: {  	_ =	swait.ge [sflag:s1], $0x1800  }
0xd2: {  	[sflag:s1] =	ssyncset.done $0x0  }
0xd3: {  	s9 =	rddreg [dreg:$0x16];
	[sflag:s1] =	ssyncadd.s32 $0xFFFFE800  }
0xd4: {  	[hbm4b:s9+s0] =	stream.linear.scatter [tilespmem:s7], [sflag:$0x7], $0x1800, $0x38;
	[tilespmem:$0x1CB80] =	vst v63  }
0xd5: {  	_ =	swait.ge [sflag:s1], $0x1800  }
0xd6: {  	[sflag:s1] =	ssyncset.done $0x0  }
0xd7: {  	s10 =	rddreg [dreg:$0x10];
	[sflag:s1] =	ssyncadd.s32 $0xFFFFE800  }
0xd8: {  	[tilespmem:s7], [sflag:$0x7] =	stream.linear.gather [spmem:s10], $0x1800, $0x38;
	[tilespmem:$0x1CB80] =	vst v63  }
0xd9: {  	_ =	swait.ge [sflag:s1], $0x1800  }
0xda: {  	[sflag:s1] =	ssyncset.done $0x0  }
0xdb: {  	s11 =	rddreg [dreg:$0x15];
	[sflag:s1] =	ssyncadd.s32 $0xFFFFE800  }
0xdc: {  	[hbm4b:s11+s0] =	stream.linear.scatter [tilespmem:s7], [sflag:$0x7], $0x1800, $0x38;
	[tilespmem:$0x1CB80] =	vst v63  }
0xdd: {  	_ =	swait.ge [sflag:s1], $0x1800  }
0xde: {  	[sflag:s1] =	ssyncset.done $0x0  }
0xdf: {  	s12 =	rddreg [dreg:$0xf];
	[sflag:s1] =	ssyncadd.s32 $0xFFFFE800  }
0xe0: {  	[tilespmem:s7], [sflag:$0x7] =	stream.linear.gather [spmem:s12], $0x1800, $0x38;
	[tilespmem:$0x1CB80] =	vst v63  }
0xe1: {  	_ =	swait.ge [sflag:s1], $0x1800  }
0xe2: {  	[sflag:s1] =	ssyncset.done $0x0  }
0xe3: {  	[sflag:s1] =	ssyncadd.s32 $0xFFFFE800  }
0xe4: {  	[hbm4b:s20+s0] =	stream.linear.scatter [tilespmem:s7], [sflag:$0x7], $0x1800, $0x38;
	[tilespmem:$0x1CB80] =	vst v63  }
0xe5: {  	_ =	swait.ge [sflag:s1], $0x1800  }
0xe6: {  	[sflag:s1] =	ssyncset.done $0x0  }
0xe7: {  	s13 =	rddreg [dreg:$0xe];
	[sflag:s1] =	ssyncadd.s32 $0xFFFFE800  }
0xe8: {  	[tilespmem:s7], [sflag:$0x7] =	stream.linear.gather [spmem:s13], $0x1800, $0x38;
	[tilespmem:$0x1CB80] =	vst v63  }
0xe9: {  	_ =	swait.ge [sflag:s1], $0x1800  }
0xea: {  	[sflag:s1] =	ssyncset.done $0x0  }
0xeb: {  	[sflag:s1] =	ssyncadd.s32 $0xFFFFE800  }
0xec: {  	[hbm4b:s28+s0] =	stream.linear.scatter [tilespmem:s7], [sflag:$0x7], $0x1800, $0x38;
	[tilespmem:$0x1CB80] =	vst v63  }
0xed: {  	_ =	swait.ge [sflag:s1], $0x1800  }
0xee: {  	[sflag:s1] =	ssyncset.done $0x0  }
0xef: {  	s14 =	rddreg [dreg:$0xd];
	[sflag:s1] =	ssyncadd.s32 $0xFFFFE800  }
0xf0: {  	[tilespmem:s7], [sflag:$0x7] =	stream.linear.gather [spmem:s14], $0x1800, $0x38;
	[tilespmem:$0x1CB80] =	vst v63  }
0xf1: {  	_ =	swait.ge [sflag:s1], $0x1800  }
0xf2: {  	[sflag:s1] =	ssyncset.done $0x0  }
0xf3: {  	[sflag:s1] =	ssyncadd.s32 $0xFFFFE800  }
0xf4: {  	[hbm4b:s26+s0] =	stream.linear.scatter [tilespmem:s7], [sflag:$0x7], $0x1800, $0x38;
	[tilespmem:$0x1CB80] =	vst v63  }
0xf5: {  	_ =	swait.ge [sflag:s1], $0x1800  }
0xf6: {  	[sflag:s1] =	ssyncset.done $0x0  }
0xf7: {  	s17 =	rddreg [dreg:$0xc];
	[sflag:s1] =	ssyncadd.s32 $0xFFFFE800  }
0xf8: {  	[tilespmem:s7], [sflag:$0x7] =	stream.linear.gather [spmem:s17], $0x1800, $0x38;
	[tilespmem:$0x1CB80] =	vst v63  }
0xf9: {  	_ =	swait.ge [sflag:s1], $0x1800  }
0xfa: {  	[sflag:s1] =	ssyncset.done $0x0  }
0xfb: {  	[sflag:s1] =	ssyncadd.s32 $0xFFFFE800  }
0xfc: {  	[hbm4b:s30+s0] =	stream.linear.scatter [tilespmem:s7], [sflag:$0x7], $0x1800, $0x38;
	[tilespmem:$0x1CB80] =	vst v63  }
0xfd: {  	_ =	swait.ge [sflag:s1], $0x1800  }
0xfe: {  	[sflag:s1] =	ssyncset.done $0x0  }
0xff: {  	s18 =	rddreg [dreg:$0xb];
	[sflag:s1] =	ssyncadd.s32 $0xFFFFE800  }
0x100: {  	[tilespmem:s7], [sflag:$0x7] =	stream.linear.gather [spmem:s18], $0x1800, $0x38;
	[tilespmem:$0x1CB80] =	vst v63  }
0x101: {  	_ =	swait.ge [sflag:s1], $0x1800  }
0x102: {  	[sflag:s1] =	ssyncset.done $0x0  }
0x103: {  	s20 =	rddreg [dreg:$0x14];
	[sflag:s1] =	ssyncadd.s32 $0xFFFFE800  }
0x104: {  	[hbm4b:s20+s0] =	stream.linear.scatter [tilespmem:s7], [sflag:$0x7], $0x1800, $0x38;
	[tilespmem:$0x1CB80] =	vst v63  }
0x105: {  	_ =	swait.ge [sflag:s1], $0x1800  }
0x106: {  	[sflag:s1] =	ssyncset.done $0x0  }
0x107: {  	s21 =	rddreg [dreg:$0xa];
	[sflag:s1] =	ssyncadd.s32 $0xFFFFE800  }
0x108: {  	[tilespmem:s7], [sflag:$0x7] =	stream.linear.gather [spmem:s21], $0x1800, $0x38;
	[tilespmem:$0x1CB80] =	vst v63  }
0x109: {  	_ =	swait.ge [sflag:s1], $0x1800  }
0x10a: {  	[sflag:s1] =	ssyncset.done $0x0  }
0x10b: {  	[sflag:s1] =	ssyncadd.s32 $0xFFFFE800  }
0x10c: {  	[hbm4b:s19+s0] =	stream.linear.scatter [tilespmem:s7], [sflag:$0x7], $0x1800, $0x38;
	[tilespmem:$0x1CB80] =	vst v63  }
0x10d: {  	_ =	swait.ge [sflag:s1], $0x1800  }
0x10e: {  	[sflag:s1] =	ssyncset.done $0x0  }
0x10f: {  	s22 =	rddreg [dreg:$0x9];
	[sflag:s1] =	ssyncadd.s32 $0xFFFFE800  }
0x110: {  	[tilespmem:s7], [sflag:$0x7] =	stream.linear.gather [spmem:s22], $0x1800, $0x38;
	[tilespmem:$0x1CB80] =	vst v63  }
0x111: {  	_ =	swait.ge [sflag:s1], $0x1800  }
0x112: {  	[sflag:s1] =	ssyncset.done $0x0  }
0x113: {  	s23 =	rddreg [dreg:$0x13];
	[sflag:s1] =	ssyncadd.s32 $0xFFFFE800  }
0x114: {  	[hbm4b:s23+s0] =	stream.linear.scatter [tilespmem:s7], [sflag:$0x7], $0x1800, $0x38;
	[tilespmem:$0x1CB80] =	vst v63  }
0x115: {  	_ =	swait.ge [sflag:s1], $0x1800  }
0x116: {  	[sflag:s1] =	ssyncset.done $0x0  }
0x117: {  	s25 =	rddreg [dreg:$0x8];
	[sflag:s1] =	ssyncadd.s32 $0xFFFFE800  }
0x118: {  	[tilespmem:s7], [sflag:$0x7] =	stream.linear.gather [spmem:s25], $0x1800, $0x38;
	[tilespmem:$0x1CB80] =	vst v63  }
0x119: {  	_ =	swait.ge [sflag:s1], $0x1800  }
0x11a: {  	[sflag:s1] =	ssyncset.done $0x0  }
0x11b: {  	s26 =	rddreg [dreg:$0x12];
	[sflag:s1] =	ssyncadd.s32 $0xFFFFE800  }
0x11c: {  	[hbm4b:s26+s0] =	stream.linear.scatter [tilespmem:s7], [sflag:$0x7], $0x1800, $0x38;
	[tilespmem:$0x1CB80] =	vst v63  }
0x11d: {  	_ =	swait.ge [sflag:s1], $0x1800  }
0x11e: {  	[sflag:s1] =	ssyncset.done $0x0  }
0x11f: {  	s28 =	rddreg [dreg:$0x7];
	[sflag:s1] =	ssyncadd.s32 $0xFFFFE800  }
0x120: {  	[tilespmem:s7], [sflag:$0x7] =	stream.linear.gather [spmem:s28], $0x1800, $0x38;
	[tilespmem:$0x1CB80] =	vst v63  }
0x121: {  	_ =	swait.ge [sflag:s1], $0x1800  }
0x122: {  	[sflag:s1] =	ssyncset.done $0x0  }
0x123: {  	[sflag:s1] =	ssyncadd.s32 $0xFFFFE800  }
0x124: {  	[hbm4b:s31+s0] =	stream.linear.scatter [tilespmem:s7], [sflag:$0x7], $0x1800, $0x38;
	[tilespmem:$0x1CB80] =	vst v63  }
0x125: {  	_ =	swait.ge [sflag:s1], $0x1800  }
0x126: {  	[sflag:s1] =	ssyncset.done $0x0  }
0x127: {  	s29 =	rddreg [dreg:$0x6];
	[sflag:s1] =	ssyncadd.s32 $0xFFFFE800  }
0x128: {  	[tilespmem:s7], [sflag:$0x7] =	stream.linear.gather [spmem:s29], $0x1800, $0x38;
	[tilespmem:$0x1CB80] =	vst v63  }
0x129: {  	_ =	swait.ge [sflag:s1], $0x1800  }
0x12a: {  	[sflag:s1] =	ssyncset.done $0x0  }
0x12b: {  	[sflag:s1] =	ssyncadd.s32 $0xFFFFE800  }
0x12c: {  	[hbm4b:s24+s0] =	stream.linear.scatter [tilespmem:s7], [sflag:$0x7], $0x1800, $0x38;
	[tilespmem:$0x1CB80] =	vst v63  }
0x12d: {  	_ =	swait.ge [sflag:s1], $0x1800  }
0x12e: {  	[sflag:s1] =	ssyncset.done $0x0  }
0x12f: {  	s30 =	rddreg [dreg:$0x5];
	[sflag:s1] =	ssyncadd.s32 $0xFFFFE800  }
0x130: {  	[tilespmem:s7], [sflag:$0x7] =	stream.linear.gather [spmem:s30], $0x1800, $0x38;
	[tilespmem:$0x1CB80] =	vst v63  }
0x131: {  	_ =	swait.ge [sflag:s1], $0x1800  }
0x132: {  	[sflag:s1] =	ssyncset.done $0x0  }
0x133: {  	[sflag:s1] =	ssyncadd.s32 $0xFFFFE800  }
0x134: {  	[hbm4b:s16+s0] =	stream.linear.scatter [tilespmem:s7], [sflag:$0x7], $0x1800, $0x38;
	[tilespmem:$0x1CB80] =	vst v63  }
0x135: {  	_ =	swait.ge [sflag:s1], $0x1800  }
0x136: {  	[sflag:s1] =	ssyncset.done $0x0  }
0x137: {  	s0 =	simm.s32 @!p0 $0x7B00;
	[sflag:s1] =	ssyncadd.s32 $0xFFFFE800;
	s1 =	rddreg [dreg:$0x4]  }
0x138: {  	[tilespmem:s0], [sflag:$0x7] =	stream.linear.gather @!p0 [spmem:s1], $0x800, $0x38;
	[tilespmem:$0x1CB80] =	vst v63  }
0x139: {  	s1 =	simm.s32 @!p0 $0x7  }
0x13a: {  	_ =	swait.ge @!p0 [sflag:s1], $0x800  }
0x13b: {  	[sflag:s1] =	ssyncset.done @!p0 $0x0  }
0x13c: {  	s2 =	simm.s32 @!p0 $0x0;
	[sflag:s1] =	ssyncadd.s32 @!p0 $0xFFFFF800  }
0x13d: {  	[hbm4b:s15+s2] =	stream.linear.scatter @!p0 [tilespmem:s0], [sflag:$0x7], $0x800, $0x38;
	[tilespmem:$0x1CB80] =	vst v63  }
0x13e: {  	_ =	swait.ge @!p0 [sflag:s1], $0x800  }
0x13f: {  	[sflag:s1] =	ssyncset.done @!p0 $0x0  }
0x140: {  	[sflag:s1] =	ssyncadd.s32 @!p0 $0xFFFFF800  }
0x141: {  	_ =	sfence.sel $0x180000  }
0x142: {  	[bflag:$0x0] =	sbarrier.arrive $0xFFFF  }
0x143: {  	_ =	strace $0x9000004A  }
0x144: {  	s31 =	stileid.u32;
	[bflag:$0x2] =	sbarrier.arrive $0xFFFF  }
0x145: {  	p0 =	sne.s32 s31, $0x0;
	s0 =	rddreg [dreg:$0x3]  }
0x146: {  	s0 =	sadd.s32 @!p0 $0x100000, s0  }
0x147: {  	[sflag:s0] =	ssyncadd.tile.s32 @!p0 $0x1;
	_ =	shalt  }
.Lfunc_end2:
_tile_overlayer_lowered:
.L_overlay_start_2:
0x148: {  	(tag) =	ssettag $0x2  }
0x149: {  	s0 =	rddreg [dreg:$0x0];
	s2 =	stileid.u32  }
0x14a: {  	s1 =	rddreg [dreg:$0x1];
	p0 =	sne.s32 s2, $0x0  }
0x14b: {  	s3 =	rddreg [dreg:$0x2];
	[bflag:$0x3] =	sbarrier.arrive $0xFFFF;
	s2 =	simm.s32 @!p0 $0x1C07  }
0x14c: {  	[timem:s3], [sflag:s2] =	dma.local @!p0 [hbm:s0], s1  }
0x14d: {  	s0 =	simm.s32 @!p0 $0x7  }
0x14e: {  	_ =	swait.ge @!p0 [sflag:s0], s1  }
0x14f: {  	s1 =	ssub.s32 @!p0 $0x0, s1;
	[sflag:s0] =	ssyncset.done @!p0 $0x0  }
0x150: {  	[sflag:s0] =	ssyncadd.s32 @!p0 s1  }
0x151: {  	[bflag:$0x3] =	sbarrier.arrive $0xFFFF  }
0x152: {  	_ =	shalt  }

// kernel: kernel.14.cloned.1.call-start
scs
__scs_entry_jumppad:
0x0: {  	(pc) =	sbr.rel $0x88, $3  }
0x1: {  	(tag) =	ssettag $0x0;
	lr =	simm.s32 $0x1  }
0x2: {  	[smem:$0x3F99] =	sst lr;
	_ =	strace $0xD0000000  }
0x3: {  	_ = 	snop  }
0x4: {  	_ = 	snop  }
0x5: {  	_ = 	snop  }
0x6: {  	_ = 	snop  }
0x7: {  	_ = 	snop  }
__scs_overlays_trampoline_lowered:
0x8: {  	[smem:$0x3FA8] =	sst s0  }
0x9: {  	[smem:$0x3FA9] =	sst s1  }
0xa: {  	[smem:$0x3FAA] =	sst s2  }
0xb: {  	[smem:$0x3FAB] =	sst s3  }
0xc: {  	[smem:$0x3FAC] =	sst s4  }
0xd: {  	[smem:$0x3FAD] =	sst s5  }
0xe: {  	[smem:$0x3FAE] =	sst s6  }
0xf: {  	[smem:$0x3FAF] =	sst s7  }
0x10: {  	[smem:$0x3FB0] =	sst s8  }
0x11: {  	[smem:$0x3FB1] =	sst s9;
	s0 =	simm.s32 @!p0 $0x0  }
0x12: {  	s1 =	sld [smem:$0x3F97];
	s0 =	simm.s32 @p0 $0x1  }
0x13: {  	[smem:$0x3FB2] =	sst s0;
	s0 =	simm.s32 @!p1 $0x0  }
0x14: {  	s2 =	sld [smem:$0x3F96];
	s0 =	simm.s32 @p1 $0x1  }
0x15: {  	[smem:$0x3FB3] =	sst s0;
	s0 =	simm.s32 @!p2 $0x0  }
0x16: {  	s3 =	sld [smem:$0x3FDB];
	s0 =	simm.s32 @p2 $0x1  }
0x17: {  	s4 =	simm.s32 $0x1BF5;
	[smem:$0x3FB5] =	sst s0  }
0x18: {  	s0 =	sld [smem:$0x3F98];
	_ =	swait.ge [sflag:s4], $0x0  }
0x19: {  	s7 =	sld [smem:$0x3F99]  }
0x1a: {  	s8 =	sadd.s32 $0xFFFFE003, lr  }
0x1b: {  	s9 =	sadd.s32 $0xFFFFFEF7, lr;
	s5 =	simm.s32 $0xFFFFFFFF;
	p2 =	slt.u32 s8, $0xFFFFF086  }
0x1c: {  	p1 =	slt.u32 s9, $0xF7A;
	s5 =	simm.s32 @!p2 $0x0  }
0x1d: {  	s5 =	simm.s32 @p1 $0x1;
	p0 =	seq.s32 s7, s2  }
0x1e: {  	s7 =	smul.u32 @!p0 $0xF7A, s2;
	p2 =	seq.s32 @!p0 s5, $0x0  }
0x1f: {  	s9 =	smul.u32 $0xF7A, s1;
	s8 =	simm.s32 @!p0 $0x1BF5;
	p2 =	por !p2, p0  }
0x20: {  	[sflag:s8] =	ssyncset.s32 @!p0 $0xFFFFF086;
	s6 =	sadd.s32 @!p0 s3, s7;
	s7 =	simm.s32 @!p0 $0x108  }
0x21: {  	s3 =	sadd.s32 s3, s9;
	s6 =	sadd.s32 @!p0 $0x88, s6;
	s7 =	simm.s32 @p2 $0x1082  }
0x22: {  	[simem:s7], [sflag:s8] =	dma.local @!p0 [hbm:s6], $0xF7A  }
0x23: {  	s9 =	sor.u32 $0xD0000000, s2;
	s6 =	simm.s32 $0x108;
	_ =	swait.ge @!p0 [sflag:s8], $0x0  }
0x24: {  	s3 =	sadd.s32 $0x88, s3;
	s6 =	simm.s32 @!p1 $0x1082;
	[sflag:s4] =	ssyncset.s32 $0xFFFFF086  }
0x25: {  	[simem:s6], [sflag:s4] =	dma.local [hbm:s3], $0xF7A  }
0x26: {  	[smem:$0x3F99] =	sst s1;
	(tag) =	ssettag s2;
	_ =	strace s9  }
0x27: {  	s1 =	sld [smem:$0x3FA9]  }
0x28: {  	s2 =	sld [smem:$0x3FAA]  }
0x29: {  	s4 =	sld [smem:$0x3FAC]  }
0x2a: {  	p0 =	seq.s32 s5, $0x0;
	s5 =	sld [smem:$0x3FAD]  }
0x2b: {  	s6 =	sld [smem:$0x3FAE]  }
0x2c: {  	s7 =	sld [smem:$0x3FAF]  }
0x2d: {  	s3 =	simm.s32 $0x108;
	s8 =	sld [smem:$0x3FB0]  }
0x2e: {  	s3 =	simm.s32 @!p0 $0x1082;
	s9 =	sld [smem:$0x3FB1]  }
0x2f: {  	lr =	sadd.s32 s0, s3;
	s0 =	sld [smem:$0x3FA8]  }
0x30: {  	s3 =	sld [smem:$0x3FAB]  }
0x31: {  	[smem:$0x3FB4] =	sst s10  }
0x32: {  	s10 =	sld [smem:$0x3FB2];
	_ =	sdelay $0x3  }
0x33: {  	p0 =	seq.s32 s10, $0x1;
	s10 =	sld [smem:$0x3FB4];
	_ =	sdelay $0x3  }
0x34: {  	[smem:$0x3FB4] =	sst s10  }
0x35: {  	s10 =	sld [smem:$0x3FB3];
	_ =	sdelay $0x3  }
0x36: {  	p1 =	seq.s32 s10, $0x1;
	s10 =	sld [smem:$0x3FB4];
	_ =	sdelay $0x3  }
0x37: {  	[smem:$0x3FB4] =	sst s10  }
0x38: {  	s10 =	sld [smem:$0x3FB5]  }
0x39: {  	_ = 	snop;
	(pc) =	sbr.ind lr, $3  }
0x3a: {  	_ = 	snop  }
0x3b: {  	_ = 	snop  }
0x3c: {  	p2 =	seq.s32 s10, $0x1;
	s10 =	sld [smem:$0x3FB4]  }
0x3d: {  	_ =	shalt  }
0x3e: {  	_ =	shalt  }
0x3f: {  	_ =	shalt  }
0x40: {  	_ =	shalt  }
0x41: {  	_ =	shalt  }
0x42: {  	_ =	shalt  }
0x43: {  	_ =	shalt  }
0x44: {  	_ =	shalt  }
0x45: {  	_ =	shalt  }
0x46: {  	_ =	shalt  }
0x47: {  	_ =	shalt  }
0x48: {  	_ =	shalt  }
0x49: {  	_ =	shalt  }
0x4a: {  	_ =	shalt  }
0x4b: {  	_ =	shalt  }
0x4c: {  	_ =	shalt  }
0x4d: {  	_ =	shalt  }
0x4e: {  	_ =	shalt  }
0x4f: {  	_ =	shalt  }
0x50: {  	_ =	shalt  }
0x51: {  	_ =	shalt  }
0x52: {  	_ =	shalt  }
0x53: {  	_ =	shalt  }
0x54: {  	_ =	shalt  }
0x55: {  	_ =	shalt  }
0x56: {  	_ =	shalt  }
0x57: {  	_ =	shalt  }
0x58: {  	_ =	shalt  }
0x59: {  	_ =	shalt  }
0x5a: {  	_ =	shalt  }
0x5b: {  	_ =	shalt  }
0x5c: {  	_ =	shalt  }
0x5d: {  	_ =	shalt  }
0x5e: {  	_ =	shalt  }
0x5f: {  	_ =	shalt  }
0x60: {  	_ =	shalt  }
0x61: {  	_ =	shalt  }
0x62: {  	_ =	shalt  }
0x63: {  	_ =	shalt  }
0x64: {  	_ =	shalt  }
0x65: {  	_ =	shalt  }
0x66: {  	_ =	shalt  }
0x67: {  	_ =	shalt  }
0x68: {  	_ =	shalt  }
0x69: {  	_ =	shalt  }
0x6a: {  	_ =	shalt  }
0x6b: {  	_ =	shalt  }
0x6c: {  	_ =	shalt  }
0x6d: {  	_ =	shalt  }
0x6e: {  	_ =	shalt  }
0x6f: {  	_ =	shalt  }
0x70: {  	_ =	shalt  }
0x71: {  	_ =	shalt  }
0x72: {  	_ =	shalt  }
0x73: {  	_ =	shalt  }
0x74: {  	_ =	shalt  }
0x75: {  	_ =	shalt  }
0x76: {  	_ =	shalt  }
0x77: {  	_ =	shalt  }
0x78: {  	_ =	shalt  }
0x79: {  	_ =	shalt  }
0x7a: {  	_ =	shalt  }
0x7b: {  	_ =	shalt  }
0x7c: {  	_ =	shalt  }
0x7d: {  	_ =	shalt  }
0x7e: {  	_ =	shalt  }
0x7f: {  	_ =	shalt  }
0x80: {  	_ =	shalt  }
0x81: {  	_ =	shalt  }
0x82: {  	_ =	shalt  }
0x83: {  	_ =	shalt  }
0x84: {  	_ =	shalt  }
0x85: {  	_ =	shalt  }
0x86: {  	_ =	shalt  }
0x87: {  	_ =	shalt  }
.Lfunc_end0:
.L_simem_size_0:
called_computation.2_lowered:
.L_overlay_start_0:
0x88: {  	s0 =	sld [smem:$0x3FD9]  }
0x89: {  	s1 =	sld [smem:$0x3FFE];
	_ =	sdelay $0x3  }
0x8a: {  	s0 =	sadd.s32 s1, s0  }
0x8b: {  	[smem:$0x3FC0] =	sst s0  }
0x8c: {  	_ = 	snop  }
0x8d: {  	s0 =	sld [smem:$0x3FD0];
	(tm) =	ssettm $0x1  }
0x8e: {  	s16 =	sld [smem:$0x3FFB];
	_ =	sdelay $0x3  }
0x8f: {  	_ =	strace s16  }
0x90: {  	s1 =	sld [smem:$0x3FFC];
	_ =	sdelay $0x3  }
0x91: {  	_ =	strace s1  }
0x92: {  	s1 =	sld [smem:$0x3FFD];
	_ =	sdelay $0x3  }
0x93: {  	_ =	strace s1  }
0x94: {  	_ =	strace $0x8FFFFFFF  }
0x95: {  	s17 =	sld [smem:$0x3FDB];
	_ =	sdelay $0x1  }
0x96: {  	s2 =	simm.s32 $_scs_section_size  }
0x97: {  	s3 =	simm.s32 $_size__tile_overlayer_lowered;
	s4 =	simm.s32 $_tile_overlayer_lowered  }
0x98: {  	s20 =	simm.s32 $0x1BFF;
	s19 =	sshll.u32 s4, $0x1;
	s1 =	sadd.s32 s2, s17  }
0x99: {  	s5 =	simm.s32 $0x0;
	s18 =	sshll.u32 s3, $0x1;
	s3 =	sadd.s32 s19, s1  }
0x9a: {  	[timem:s5], [sflag:s20] =	dma.local [hbm:s3], s18  }
0x9b: {  	_ =	swait.ge [sflag:s20], s18  }
0x9c: {  	s2 =	ssub.s32 $0x0, s18;
	[sflag:s20] =	ssyncset.done $0x0  }
0x9d: {  	[sflag:s20] =	ssyncadd.s32 s2;
	_ =	sdelay $0x1  }
0x9e: {  	s21 =	simm.s32 $0x1B8B  }
0x9f: {  	_ =	swait.ge [sflag:s21], $0x1  }
0xa0: {  	[sflag:s21] =	ssyncset.done $0x0  }
0xa1: {  	s23 =	simm.s32 $0x1B8E;
	s22 =	sld [smem:$0x3FFE];
	[sflag:s21] =	ssyncadd.s32 $0xFFFFFFFF  }
0xa2: {  	s24 =	simm.s32 $execute0_lowered;
	[smem:$0x3FD2] =	sst s23  }
0xa3: {  	s3 =	sshll.u32 s24, $0x1;
	_ =	strace $0x8000004C;
	[dreg:$0x1] =	wrdreg $0xFFFFFFFF  }
0xa4: {  	s25 =	simm.s32 $_size_execute0_lowered;
	s1 =	sadd.s32 s1, s3;
	[dreg:$0x0] =	wrdreg $0x0  }
0xa5: {  	s3 =	sshll.u32 s25, $0x1;
	[dreg:$0x2] =	wrdreg s1  }
0xa6: {  	[dreg:$0x3] =	wrdreg s3  }
0xa7: {  	[dreg:$0x4] =	wrdreg $0xC0  }
0xa8: {  	_ =	task [dreg:s5], $0x5FFFF  }
0xa9: {  	[dreg:$0x1] =	wrdreg $0xFFFFFFFF  }
0xaa: {  	[dreg:$0x0] =	wrdreg $0x60  }
0xab: {  	[dreg:$0x2] =	wrdreg s22  }
0xac: {  	[dreg:$0x3] =	wrdreg s0  }
0xad: {  	[dreg:$0x4] =	wrdreg $0x93000  }
0xae: {  	[dreg:$0x5] =	wrdreg $0x9  }
0xaf: {  	_ =	task.clear_ibuf [dreg:s5], $0x6FFFF;
	_ =	strace $0x9000004C  }
0xb0: {  	s26 =	simm.s32 $0x9;
	_ =	strace $0x8000004E  }
0xb1: {  	_ =	swait.ge [sflag:s26], $0x1  }
0xb2: {  	[sflag:s26] =	ssyncadd.s32 $0xFFFFFFFF  }
0xb3: {  	_ =	strace $0x9000004E  }
0xb4: {  	_ =	sfence  }
0xb5: {  	s28 =	sld [smem:$0x0];
	_ =	sdelay $0x1  }
0xb6: {  	s29 =	srdreg.scid  }
0xb7: {  	s30 =	sshll.u32 s29, $0xD;
	s31 =	sshrl.u32 s29, $0x2  }
0xb8: {  	s2 =	sand.u32 $0x4000, s30;
	s1 =	sand.u32 $0x1, s29;
	s0 =	sadd.s32 s31, s28  }
0xb9: {  	s1 =	sor.u32 s2, s1;
	s0 =	sshll.u32 s0, $0x11  }
0xba: {  	s0 =	sor.u32 s0, s1  }
0xbb: {  	s0 =	sadd.s32 $0x8F2B, s0  }
0xbc: {  	[sflag:s0] =	ssyncadd.remote.s32 $0x1  }
0xbd: {  	_ =	sfence.sel $0xFFFF  }
0xbe: {  	[dreg:$0x0] =	wrdreg $0xFFFFFFFF;
	(pc) =	sbr.abs _section_cstart, $3  }
0xbf: {  	[dreg:$0x1] =	wrdreg $0xFFFFFFFF  }
0xc0: {  	_ =	task.clear_ibuf [dreg:s5], $0x2FFFF;
	_ =	strace $0x9FFFFFFF  }
0xc1: {  	(tm) =	ssettm $0x7FFFFFFF  }
tec
execute0_lowered:
.L_overlay_start_1:
0x0: {  	(tag) =	ssettag $0x1  }
0x1: {  	s7 =	rddreg [dreg:$0x0]  }
0x2: {  	s1 =	rddreg [dreg:$0x1]  }
0x3: {  	s6 =	rddreg [dreg:$0x2]  }
0x4: {  	s17 =	simm.s32 $0x0;
	s8 =	stileid.u32;
	s3 =	simm.s32 $0x7B00  }
0x5: {  	s18 =	simm.s32 $0x7;
	[smem:$0x7FF] =	sst s17;
	s14 =	smul.u32 $0x4E000, s8  }
0x6: {  	s0 =	sadd.s32 $0xC400, s7;
	s4 =	smul.u32 $0x270, s8;
	_ =	strace $0x8000004D  }
0x7: {  	[tilespmem:s3], [sflag:$0x7] =	stream.linear.gather [hbm4b:s0+s17], $0x1800, $0x38;
	[tilespmem:$0x1CB80] =	vst v63  }
0x8: {  	s0 =	sshrl.u32 s14, $0x2;
	s15 =	sadd.s32 $0x30, s4;
	_ =	swait.ge [sflag:s18], $0x1800  }
0x9: {  	s0 =	sadd.s32 s0, s6;
	[dreg:$0x19] =	wrdreg s15;
	[sflag:s18] =	ssyncset.done $0x0  }
0xa: {  	[dreg:$0x11] =	wrdreg s0;
	[sflag:s18] =	ssyncadd.s32 $0xFFFFE800  }
0xb: {  	[spmem:s0] =	stream.linear.scatter [tilespmem:s3], [sflag:$0x7], $0x1800, $0x38;
	[tilespmem:$0x1CB80] =	vst v63  }
0xc: {  	s0 =	sshll.u32 s15, $0x7;
	_ =	swait.ge [sflag:s18], $0x1800  }
0xd: {  	s0 =	sadd.s32 s0, s6;
	[sflag:s18] =	ssyncset.done $0x0  }
0xe: {  	s20 =	sadd.s32 $0x60, s4;
	[dreg:$0x10] =	wrdreg s0;
	[sflag:s18] =	ssyncadd.s32 $0xFFFFE800  }
0xf: {  	[spmem:s0] =	stream.linear.scatter [tilespmem:s3], [sflag:$0x7], $0x1800, $0x38;
	[tilespmem:$0x1CB80] =	vst v63  }
0x10: {  	s16 =	sshll.u32 s20, $0x7;
	_ =	swait.ge [sflag:s18], $0x1800  }
0x11: {  	s0 =	sadd.s32 s16, s6;
	[sflag:s18] =	ssyncset.done $0x0  }
0x12: {  	s26 =	sadd.s32 $0x90, s4;
	[dreg:$0xf] =	wrdreg s0;
	[sflag:s18] =	ssyncadd.s32 $0xFFFFE800  }
0x13: {  	[spmem:s0] =	stream.linear.scatter [tilespmem:s3], [sflag:$0x7], $0x1800, $0x38;
	[tilespmem:$0x1CB80] =	vst v63  }
0x14: {  	s19 =	sshll.u32 s26, $0x7;
	_ =	swait.ge [sflag:s18], $0x1800  }
0x15: {  	s0 =	sadd.s32 s19, s6;
	[sflag:s18] =	ssyncset.done $0x0  }
0x16: {  	s28 =	sadd.s32 $0xC0, s4;
	[dreg:$0xe] =	wrdreg s0;
	[sflag:s18] =	ssyncadd.s32 $0xFFFFE800  }
0x17: {  	[spmem:s0] =	stream.linear.scatter [tilespmem:s3], [sflag:$0x7], $0x1800, $0x38;
	[tilespmem:$0x1CB80] =	vst v63  }
0x18: {  	s21 =	sshll.u32 s28, $0x7;
	_ =	swait.ge [sflag:s18], $0x1800  }
0x19: {  	s0 =	sadd.s32 s21, s6;
	[sflag:s18] =	ssyncset.done $0x0  }
0x1a: {  	s30 =	sadd.s32 $0xF0, s4;
	[dreg:$0xd] =	wrdreg s0;
	[sflag:s18] =	ssyncadd.s32 $0xFFFFE800  }
0x1b: {  	[spmem:s0] =	stream.linear.scatter [tilespmem:s3], [sflag:$0x7], $0x1800, $0x38;
	[tilespmem:$0x1CB80] =	vst v63  }
0x1c: {  	s22 =	sshll.u32 s30, $0x7;
	_ =	swait.ge [sflag:s18], $0x1800  }
0x1d: {  	s0 =	sadd.s32 s22, s6;
	[sflag:s18] =	ssyncset.done $0x0  }
0x1e: {  	s14 =	sadd.s32 $0x120, s4;
	[dreg:$0xc] =	wrdreg s0;
	[sflag:s18] =	ssyncadd.s32 $0xFFFFE800  }
0x1f: {  	[spmem:s0] =	stream.linear.scatter [tilespmem:s3], [sflag:$0x7], $0x1800, $0x38;
	[tilespmem:$0x1CB80] =	vst v63  }
0x20: {  	s23 =	sshll.u32 s14, $0x7;
	_ =	swait.ge [sflag:s18], $0x1800  }
0x21: {  	s0 =	sadd.s32 s23, s6;
	[sflag:s18] =	ssyncset.done $0x0  }
0x22: {  	s19 =	sadd.s32 $0x150, s4;
	[dreg:$0xb] =	wrdreg s0;
	[sflag:s18] =	ssyncadd.s32 $0xFFFFE800  }
0x23: {  	[spmem:s0] =	stream.linear.scatter [tilespmem:s3], [sflag:$0x7], $0x1800, $0x38;
	[tilespmem:$0x1CB80] =	vst v63  }
0x24: {  	s24 =	sshll.u32 s19, $0x7;
	_ =	swait.ge [sflag:s18], $0x1800  }
0x25: {  	s0 =	sadd.s32 s24, s6;
	[sflag:s18] =	ssyncset.done $0x0  }
0x26: {  	s16 =	sadd.s32 $0x180, s4;
	[dreg:$0xa] =	wrdreg s0;
	[sflag:s18] =	ssyncadd.s32 $0xFFFFE800  }
0x27: {  	[spmem:s0] =	stream.linear.scatter [tilespmem:s3], [sflag:$0x7], $0x1800, $0x38;
	[tilespmem:$0x1CB80] =	vst v63  }
0x28: {  	s25 =	sshll.u32 s16, $0x7;
	_ =	swait.ge [sflag:s18], $0x1800  }
0x29: {  	s0 =	sadd.s32 s25, s6;
	[sflag:s18] =	ssyncset.done $0x0  }
0x2a: {  	s15 =	sadd.s32 $0x1B0, s4;
	[dreg:$0x9] =	wrdreg s0;
	[sflag:s18] =	ssyncadd.s32 $0xFFFFE800  }
0x2b: {  	[spmem:s0] =	stream.linear.scatter [tilespmem:s3], [sflag:$0x7], $0x1800, $0x38;
	[tilespmem:$0x1CB80] =	vst v63  }
0x2c: {  	s2 =	sshll.u32 s15, $0x7;
	_ =	swait.ge [sflag:s18], $0x1800  }
0x2d: {  	s0 =	sadd.s32 s2, s6;
	[sflag:s18] =	ssyncset.done $0x0  }
0x2e: {  	s31 =	sadd.s32 $0x1E0, s4;
	[dreg:$0x8] =	wrdreg s0;
	[sflag:s18] =	ssyncadd.s32 $0xFFFFE800  }
0x2f: {  	[spmem:s0] =	stream.linear.scatter [tilespmem:s3], [sflag:$0x7], $0x1800, $0x38;
	[tilespmem:$0x1CB80] =	vst v63  }
0x30: {  	s5 =	sshll.u32 s31, $0x7;
	_ =	swait.ge [sflag:s18], $0x1800  }
0x31: {  	s0 =	sadd.s32 s5, s6;
	[sflag:s18] =	ssyncset.done $0x0  }
0x32: {  	s2 =	sadd.s32 $0x210, s4;
	[dreg:$0x7] =	wrdreg s0;
	[sflag:s18] =	ssyncadd.s32 $0xFFFFE800  }
0x33: {  	[spmem:s0] =	stream.linear.scatter [tilespmem:s3], [sflag:$0x7], $0x1800, $0x38;
	[tilespmem:$0x1CB80] =	vst v63  }
0x34: {  	s5 =	sshll.u32 s2, $0x7;
	_ =	swait.ge [sflag:s18], $0x1800  }
0x35: {  	s9 =	sadd.s32 s5, s6;
	[sflag:s18] =	ssyncset.done $0x0  }
0x36: {  	s24 =	sadd.s32 $0x240, s4;
	[dreg:$0x6] =	wrdreg s9;
	[sflag:s18] =	ssyncadd.s32 $0xFFFFE800  }
0x37: {  	[spmem:s9] =	stream.linear.scatter [tilespmem:s3], [sflag:$0x7], $0x1800, $0x38;
	[tilespmem:$0x1CB80] =	vst v63  }
0x38: {  	s4 =	sshll.u32 s24, $0x7;
	_ =	swait.ge [sflag:s18], $0x1800  }
0x39: {  	s10 =	sadd.s32 s4, s6;
	[sflag:s18] =	ssyncset.done $0x0  }
0x3a: {  	[dreg:$0x5] =	wrdreg s10;
	[sflag:s18] =	ssyncadd.s32 $0xFFFFE800  }
0x3b: {  	[spmem:s10] =	stream.linear.scatter [tilespmem:s3], [sflag:$0x7], $0x1800, $0x38;
	[tilespmem:$0x1CB80] =	vst v63  }
0x3c: {  	_ =	swait.ge [sflag:s18], $0x1800  }
0x3d: {  	p0 =	sne.s32 s8, $0xF;
	[sflag:s18] =	ssyncset.done $0x0  }
0x3e: {  	s0 =	sadd.s32 $0x138000, s6;
	s3 =	simm.s32 @!p0 $0x7B00;
	[sflag:s18] =	ssyncadd.s32 $0xFFFFE800  }
0x3f: {  	[spmem:s0] =	stream.linear.scatter @!p0 [tilespmem:s3], [sflag:$0x7], $0x800, $0x38;
	[tilespmem:$0x1CB80] =	vst v63  }
0x40: {  	[dreg:$0x4] =	wrdreg s0;
	s3 =	simm.s32 @!p0 $0x7  }
0x41: {  	s11 =	smul.u32 $0x9C4, s8;
	_ =	swait.ge @!p0 [sflag:s3], $0x800  }
0x42: {  	[sflag:s3] =	ssyncset.done @!p0 $0x0  }
0x43: {  	s29 =	sadd.s32 s11, s1;
	[sflag:s3] =	ssyncadd.s32 @!p0 $0xFFFFF800  }
0x44: {  	s9 =	sadd.s32 $0x0, s29;
	[bflag:$0x0] =	sbarrier.arrive $0xFFFF  }
0x45: {  	[tilespmem:s17], [sflag:$0x7] =	stream.linear.gather [hbm4b:s9+s17], $0x50, $0x38;
	[tilespmem:$0x1CB80] =	vst v63  }
0x46: {  	_ =	swait.ge [sflag:s18], $0x50  }
0x47: {  	p1 =	por $0x1, $0x1;
	[sflag:s18] =	ssyncset.done $0x0  }
0x48: {  	s3 =	simm.s32 @!p1 $0x4;
	[sflag:s18] =	ssyncadd.s32 $0xFFFFFFB0  }
0x49: {  	s13 =	sadd.s32 $0x2600, s7;
	_ =	swait.ge @!p1 [sflag:s3], $0x2800  }
0x4a: {  	s21 =	sadd.s32 s11, s13;
	s22 =	simm.s32 $0x50;
	[sflag:s3] =	ssyncset.done @!p1 $0x0  }
0x4b: {  	s23 =	simm.s32 $0x300;
	s25 =	sadd.s32 $0x33600, s7;
	[sflag:s3] =	ssyncadd.s32 @!p1 $0xFFFFD800  }
0x4c: {  	[tilespmem:s23], [sflag:$0x1] =	stream.indirect.gather [hbm4b:s25+s22], $0x80, s17, s22, $0xb8;
	[tilespmem:$0x1CB80] =	vst v63  }
0x4d: {  	s10 =	sadd.s32 $0x0, s21;
	s3 =	simm.s32 $0x180  }
0x4e: {  	[tilespmem:s3], [sflag:$0x7] =	stream.linear.gather [hbm4b:s10+s17], $0x50, $0x38;
	[tilespmem:$0x1CB80] =	vst v63  }
0x4f: {  	_ =	swait.ge [sflag:s18], $0x50  }
0x50: {  	[sflag:s18] =	ssyncset.done $0x0  }
0x51: {  	s4 =	simm.s32 $0x80;
	s12 =	sadd.s32 $0xA, s9;
	[sflag:s18] =	ssyncadd.s32 $0xFFFFFFB0  }
0x52: {  	[tilespmem:s4], [sflag:$0x7] =	stream.linear.gather [hbm4b:s12+s17], $0x50, $0x38;
	[tilespmem:$0x1CB80] =	vst v63  }
0x53: {  	_ =	swait.ge [sflag:s18], $0x50  }
0x54: {  	[sflag:s18] =	ssyncset.done $0x0  }
0x55: {  	s5 =	simm.s32 @!p1 $0x5;
	[sflag:s18] =	ssyncadd.s32 $0xFFFFFFB0  }
0x56: {  	_ =	swait.ge @!p1 [sflag:s5], $0x2800  }
0x57: {  	[sflag:s5] =	ssyncset.done @!p1 $0x0  }
0x58: {  	[sflag:s5] =	ssyncadd.s32 @!p1 $0xFFFFD800;
	s5 =	simm.s32 $0x2B00  }
0x59: {  	[tilespmem:s5], [sflag:$0x2] =	stream.indirect.gather [hbm4b:s25+s22], $0x80, s4, s22, $0xb8;
	[tilespmem:$0x1CB80] =	vst v63  }
0x5a: {  	s1 =	smov.u32 s7;
	s7 =	simm.s32 $0x200;
	s11 =	sadd.s32 $0xA, s10  }
0x5b: {  	[tilespmem:s7], [sflag:$0x7] =	stream.linear.gather [hbm4b:s11+s17], $0x50, $0x38;
	[tilespmem:$0x1CB80] =	vst v63  }
0x5c: {  	_ =	swait.ge [sflag:s18], $0x50  }
0x5d: {  	[sflag:s18] =	ssyncset.done $0x0  }
0x5e: {  	s0 =	sadd.s32 $0x14, s9;
	s9 =	simm.s32 $0x100;
	[sflag:s18] =	ssyncadd.s32 $0xFFFFFFB0  }
0x5f: {  	[tilespmem:s9], [sflag:$0x7] =	stream.linear.gather [hbm4b:s0+s17], $0x50, $0x38;
	[tilespmem:$0x1CB80] =	vst v63  }
0x60: {  	_ =	swait.ge [sflag:s18], $0x50  }
0x61: {  	[sflag:s18] =	ssyncset.done $0x0  }
0x62: {  	s11 =	simm.s32 @!p1 $0x6;
	[sflag:s18] =	ssyncadd.s32 $0xFFFFFFB0  }
0x63: {  	_ =	swait.ge @!p1 [sflag:s11], $0x2800  }
0x64: {  	[sflag:s11] =	ssyncset.done @!p1 $0x0  }
0x65: {  	s0 =	smul.u32 $0x4E20, s8;
	[sflag:s11] =	ssyncadd.s32 @!p1 $0xFFFFD800;
	s11 =	simm.s32 $0x5300  }
0x66: {  	[tilespmem:s11], [sflag:$0x3] =	stream.indirect.gather [hbm4b:s25+s22], $0x80, s9, s22, $0xb8;
	[tilespmem:$0x1CB80] =	vst v63  }
0x67: {  	s10 =	sadd.s32 $0x14, s10;
	s12 =	simm.s32 $0x280;
	s0 =	sshrl.u32 s0, $0x3  }
0x68: {  	[tilespmem:s12], [sflag:$0x7] =	stream.linear.gather [hbm4b:s10+s17], $0x50, $0x38;
	[tilespmem:$0x1CB80] =	vst v63  }
0x69: {  	s0 =	sadd.s32 $0x9BA, s0;
	s10 =	smul.u32 $0x2700, s8;
	s8 =	rddreg [dreg:$0x1]  }
0x6a: {  	s20 =	sshll.u32 s20, $0x4;
	s26 =	sshll.u32 s26, $0x4;
	s8 =	sadd.s32 s8, s0  }
0x6b: {  	s15 =	sshll.u32 s15, $0x4;
	s0 =	sadd.s32 s13, s0;
	[dreg:$0x18] =	wrdreg s8  }
0x6c: {  	s19 =	sshll.u32 s19, $0x4;
	[dreg:$0x17] =	wrdreg s0;
	s0 =	sadd.s32 $0x5A800, s1  }
0x6d: {  	s2 =	sshll.u32 s2, $0x4;
	s1 =	sadd.s32 s0, s10;
	s10 =	rddreg [dreg:$0x19]  }
0x6e: {  	s20 =	sadd.s32 s0, s20;
	[dreg:$0x16] =	wrdreg s1;
	s13 =	sshll.u32 s10, $0x4  }
0x6f: {  	s1 =	sshll.u32 s28, $0x4;
	s28 =	sadd.s32 s0, s26;
	_ =	swait.ge [sflag:s18], $0x50  }
0x70: {  	s10 =	sshll.u32 s30, $0x4;
	s8 =	sadd.s32 s0, s13;
	[sflag:s18] =	ssyncset.done $0x0  }
0x71: {  	s13 =	simm.s32 $0x1;
	[dreg:$0x15] =	wrdreg s8;
	[sflag:s18] =	ssyncadd.s32 $0xFFFFFFB0  }
0x72: {  	s26 =	sadd.s32 s0, s1;
	s1 =	sshll.u32 s14, $0x4;
	_ =	swait.ge [sflag:s13], $0x2800  }
0x73: {  	s14 =	sadd.s32 s0, s1;
	s1 =	sshll.u32 s16, $0x4;
	[sflag:s13] =	ssyncset.done $0x0  }
0x74: {  	[dreg:$0x14] =	wrdreg s14;
	s14 =	simm.s32 $0x2;
	[sflag:s13] =	ssyncadd.s32 $0xFFFFD800  }
0x75: {  	[spmem:s6] =	stream.indirect.scatter.add.f32 [tilespmem:s23], [sflag:$0x4], $0x80, s3, s22, $0xb8;
	[tilespmem:$0x1CB80] =	vst v63  }
0x76: {  	s30 =	sadd.s32 s0, s10;
	s10 =	sadd.s32 s0, s1;
	_ =	swait.ge [sflag:s14], $0x2800  }
0x77: {  	s1 =	sadd.s32 s0, s15;
	[dreg:$0x13] =	wrdreg s10;
	[sflag:s14] =	ssyncset.done $0x0  }
0x78: {  	[dreg:$0x12] =	wrdreg s1;
	s1 =	simm.s32 $0x3;
	[sflag:s14] =	ssyncadd.s32 $0xFFFFD800  }
0x79: {  	[spmem:s6] =	stream.indirect.scatter.add.f32 [tilespmem:s5], [sflag:$0x5], $0x80, s7, s22, $0xb8;
	[tilespmem:$0x1CB80] =	vst v63  }
0x7a: {  	s19 =	sadd.s32 s0, s19;
	s16 =	sshll.u32 s31, $0x4;
	_ =	swait.ge [sflag:s1], $0x2800  }
0x7b: {  	s31 =	sadd.s32 s0, s16;
	s10 =	sshll.u32 s24, $0x4;
	[sflag:s1] =	ssyncset.done $0x0  }
0x7c: {  	s24 =	sadd.s32 s0, s2;
	s16 =	sadd.s32 s0, s10;
	s15 =	rddreg [dreg:$0x0]  }
0x7d: {  	s0 =	simm.s32 $0x1E;
	[sflag:s1] =	ssyncadd.s32 $0xFFFFD800;
	s15 =	sadd.s32 $0x81800, s15  }
.LBB2_1:
0x7e: {  	[spmem:s6] =	stream.indirect.scatter.add.f32 [tilespmem:s11], [sflag:$0x6], $0x80, s12, s22, $0xb8;
	[tilespmem:$0x1CB80] =	vst v63  }
0x7f: {  	s2 =	sadd.s32 s0, s29;
	s8 =	smov.u32 s0;
	s0 =	sadd.s32 $0x1E, s0  }
0x80: {  	[tilespmem:s17], [sflag:$0x7] =	stream.linear.gather [hbm4b:s2+s17], $0x50, $0x38;
	[tilespmem:$0x1CB80] =	vst v63  }
0x81: {  	p1 =	sne.s32 s0, $0x9BA;
	_ =	swait.ge [sflag:s18], $0x50  }
0x82: {  	p2 =	seq.s32 s8, $0x0;
	[sflag:s18] =	ssyncset.done $0x0  }
0x83: {  	s10 =	simm.s32 @!p2 $0x4;
	[sflag:s18] =	ssyncadd.s32 $0xFFFFFFB0  }
0x84: {  	_ =	swait.ge @!p2 [sflag:s10], $0x2800  }
0x85: {  	[sflag:s10] =	ssyncset.done @!p2 $0x0  }
0x86: {  	[sflag:s10] =	ssyncadd.s32 @!p2 $0xFFFFD800  }
0x87: {  	[tilespmem:s23], [sflag:$0x1] =	stream.indirect.gather [hbm4b:s25+s22], $0x80, s17, s22, $0xb8;
	[tilespmem:$0x1CB80] =	vst v63  }
0x88: {  	s8 =	sadd.s32 s8, s21  }
0x89: {  	[tilespmem:s3], [sflag:$0x7] =	stream.linear.gather [hbm4b:s8+s17], $0x50, $0x38;
	[tilespmem:$0x1CB80] =	vst v63  }
0x8a: {  	_ =	swait.ge [sflag:s18], $0x50  }
0x8b: {  	[sflag:s18] =	ssyncset.done $0x0  }
0x8c: {  	s10 =	sadd.s32 $0xA, s2;
	[sflag:s18] =	ssyncadd.s32 $0xFFFFFFB0  }
0x8d: {  	[tilespmem:s4], [sflag:$0x7] =	stream.linear.gather [hbm4b:s10+s17], $0x50, $0x38;
	[tilespmem:$0x1CB80] =	vst v63  }
0x8e: {  	_ =	swait.ge [sflag:s18], $0x50  }
0x8f: {  	[sflag:s18] =	ssyncset.done $0x0  }
0x90: {  	s10 =	simm.s32 @!p2 $0x5;
	[sflag:s18] =	ssyncadd.s32 $0xFFFFFFB0  }
0x91: {  	_ =	swait.ge @!p2 [sflag:s10], $0x2800  }
0x92: {  	[sflag:s10] =	ssyncset.done @!p2 $0x0  }
0x93: {  	[sflag:s10] =	ssyncadd.s32 @!p2 $0xFFFFD800  }
0x94: {  	[tilespmem:s5], [sflag:$0x2] =	stream.indirect.gather [hbm4b:s25+s22], $0x80, s4, s22, $0xb8;
	[tilespmem:$0x1CB80] =	vst v63  }
0x95: {  	s10 =	sadd.s32 $0xA, s8  }
0x96: {  	[tilespmem:s7], [sflag:$0x7] =	stream.linear.gather [hbm4b:s10+s17], $0x50, $0x38;
	[tilespmem:$0x1CB80] =	vst v63  }
0x97: {  	_ =	swait.ge [sflag:s18], $0x50  }
0x98: {  	[sflag:s18] =	ssyncset.done $0x0  }
0x99: {  	s2 =	sadd.s32 $0x14, s2;
	[sflag:s18] =	ssyncadd.s32 $0xFFFFFFB0  }
0x9a: {  	[tilespmem:s9], [sflag:$0x7] =	stream.linear.gather [hbm4b:s2+s17], $0x50, $0x38;
	[tilespmem:$0x1CB80] =	vst v63  }
0x9b: {  	_ =	swait.ge [sflag:s18], $0x50  }
0x9c: {  	[sflag:s18] =	ssyncset.done $0x0  }
0x9d: {  	s2 =	simm.s32 @!p2 $0x6;
	[sflag:s18] =	ssyncadd.s32 $0xFFFFFFB0  }
0x9e: {  	_ =	swait.ge @!p2 [sflag:s2], $0x2800  }
0x9f: {  	[sflag:s2] =	ssyncset.done @!p2 $0x0  }
0xa0: {  	[sflag:s2] =	ssyncadd.s32 @!p2 $0xFFFFD800  }
0xa1: {  	[tilespmem:s11], [sflag:$0x3] =	stream.indirect.gather [hbm4b:s25+s22], $0x80, s9, s22, $0xb8;
	[tilespmem:$0x1CB80] =	vst v63  }
0xa2: {  	s2 =	sadd.s32 $0x14, s8  }
0xa3: {  	[tilespmem:s12], [sflag:$0x7] =	stream.linear.gather [hbm4b:s2+s17], $0x50, $0x38;
	[tilespmem:$0x1CB80] =	vst v63  }
0xa4: {  	_ =	swait.ge [sflag:s18], $0x50  }
0xa5: {  	[sflag:s18] =	ssyncset.done $0x0  }
0xa6: {  	[sflag:s18] =	ssyncadd.s32 $0xFFFFFFB0  }
0xa7: {  	_ =	swait.ge [sflag:s13], $0x2800  }
0xa8: {  	[sflag:s13] =	ssyncset.done $0x0  }
0xa9: {  	[sflag:s13] =	ssyncadd.s32 $0xFFFFD800  }
0xaa: {  	[spmem:s6] =	stream.indirect.scatter.add.f32 [tilespmem:s23], [sflag:$0x4], $0x80, s3, s22, $0xb8;
	[tilespmem:$0x1CB80] =	vst v63  }
0xab: {  	_ =	swait.ge [sflag:s14], $0x2800  }
0xac: {  	[sflag:s14] =	ssyncset.done $0x0  }
.Ltmp0:
0xad: {  	[sflag:s14] =	ssyncadd.s32 $0xFFFFD800;
	(pc) =	sbr.rel @p1 .LBB2_1-.Ltmp0, $4  }
0xae: {  	[spmem:s6] =	stream.indirect.scatter.add.f32 [tilespmem:s5], [sflag:$0x5], $0x80, s7, s22, $0xb8;
	[tilespmem:$0x1CB80] =	vst v63  }
0xaf: {  	_ =	swait.ge [sflag:s1], $0x2800  }
0xb0: {  	[sflag:s1] =	ssyncset.done $0x0  }
0xb1: {  	[sflag:s1] =	ssyncadd.s32 $0xFFFFD800  }
0xb2: {  	[spmem:s6] =	stream.indirect.scatter.add.f32 [tilespmem:s11], [sflag:$0x6], $0x80, s12, s22, $0xb8;
	[tilespmem:$0x1CB80] =	vst v63  }
0xb3: {  	s2 =	simm.s32 $0x4  }
0xb4: {  	_ =	swait.ge [sflag:s2], $0x2800  }
0xb5: {  	[sflag:s2] =	ssyncset.done $0x0  }
0xb6: {  	s0 =	simm.s32 $0x5;
	[sflag:s2] =	ssyncadd.s32 $0xFFFFD800  }
0xb7: {  	_ =	swait.ge [sflag:s0], $0x2800  }
0xb8: {  	[sflag:s0] =	ssyncset.done $0x0  }
0xb9: {  	s23 =	simm.s32 $0x6;
	[sflag:s0] =	ssyncadd.s32 $0xFFFFD800  }
0xba: {  	_ =	swait.ge [sflag:s23], $0x2800  }
0xbb: {  	[sflag:s23] =	ssyncset.done $0x0  }
0xbc: {  	s0 =	simm.s32 $0x0;
	s1 =	rddreg [dreg:$0x18];
	[sflag:s23] =	ssyncadd.s32 $0xFFFFD800  }
0xbd: {  	[tilespmem:s0], [sflag:$0x7] =	stream.linear.gather [hbm4b:s1+s0], $0x50, $0x38;
	[tilespmem:$0x1CB80] =	vst v63  }
0xbe: {  	s1 =	simm.s32 $0x7  }
0xbf: {  	_ =	swait.ge [sflag:s1], $0x50  }
0xc0: {  	[sflag:s1] =	ssyncset.done $0x0  }
0xc1: {  	s3 =	simm.s32 $0x180;
	s4 =	rddreg [dreg:$0x17];
	[sflag:s1] =	ssyncadd.s32 $0xFFFFFFB0  }
0xc2: {  	[tilespmem:s3], [sflag:$0x7] =	stream.linear.gather [hbm4b:s4+s0], $0x50, $0x38;
	[tilespmem:$0x1CB80] =	vst v63  }
0xc3: {  	_ =	swait.ge [sflag:s1], $0x50  }
0xc4: {  	s29 =	simm.s32 $0x50;
	[sflag:s1] =	ssyncset.done $0x0  }
0xc5: {  	s5 =	simm.s32 $0x300;
	s7 =	simm.s32 $0x1;
	[sflag:s1] =	ssyncadd.s32 $0xFFFFFFB0  }
0xc6: {  	[tilespmem:s5], [sflag:$0x1] =	stream.indirect.gather [hbm4b:s25+s29], $0x80, s0, s29, $0xb8;
	[tilespmem:$0x1CB80] =	vst v63  }
0xc7: {  	_ =	swait.ge [sflag:s7], $0x2800  }
0xc8: {  	[sflag:s7] =	ssyncset.done $0x0  }
0xc9: {  	[sflag:s7] =	ssyncadd.s32 $0xFFFFD800  }
0xca: {  	[spmem:s6] =	stream.indirect.scatter.add.f32 [tilespmem:s5], [sflag:$0x4], $0x80, s3, s29, $0xb8;
	[tilespmem:$0x1CB80] =	vst v63  }
0xcb: {  	_ =	swait.ge [sflag:s2], $0x2800  }
0xcc: {  	[sflag:s2] =	ssyncset.done $0x0  }
0xcd: {  	[sflag:s2] =	ssyncadd.s32 $0xFFFFD800  }
0xce: {  	[bflag:$0x0] =	sbarrier.arrive $0xFFFF  }
0xcf: {  	s7 =	simm.s32 $0x7B00;
	s8 =	rddreg [dreg:$0x11]  }
0xd0: {  	[tilespmem:s7], [sflag:$0x7] =	stream.linear.gather [spmem:s8], $0x1800, $0x38;
	[tilespmem:$0x1CB80] =	vst v63  }
0xd1: {  	_ =	swait.ge [sflag:s1], $0x1800  }
0xd2: {  	[sflag:s1] =	ssyncset.done $0x0  }
0xd3: {  	s9 =	rddreg [dreg:$0x16];
	[sflag:s1] =	ssyncadd.s32 $0xFFFFE800  }
0xd4: {  	[hbm4b:s9+s0] =	stream.linear.scatter [tilespmem:s7], [sflag:$0x7], $0x1800, $0x38;
	[tilespmem:$0x1CB80] =	vst v63  }
0xd5: {  	_ =	swait.ge [sflag:s1], $0x1800  }
0xd6: {  	[sflag:s1] =	ssyncset.done $0x0  }
0xd7: {  	s10 =	rddreg [dreg:$0x10];
	[sflag:s1] =	ssyncadd.s32 $0xFFFFE800  }
0xd8: {  	[tilespmem:s7], [sflag:$0x7] =	stream.linear.gather [spmem:s10], $0x1800, $0x38;
	[tilespmem:$0x1CB80] =	vst v63  }
0xd9: {  	_ =	swait.ge [sflag:s1], $0x1800  }
0xda: {  	[sflag:s1] =	ssyncset.done $0x0  }
0xdb: {  	s11 =	rddreg [dreg:$0x15];
	[sflag:s1] =	ssyncadd.s32 $0xFFFFE800  }
0xdc: {  	[hbm4b:s11+s0] =	stream.linear.scatter [tilespmem:s7], [sflag:$0x7], $0x1800, $0x38;
	[tilespmem:$0x1CB80] =	vst v63  }
0xdd: {  	_ =	swait.ge [sflag:s1], $0x1800  }
0xde: {  	[sflag:s1] =	ssyncset.done $0x0  }
0xdf: {  	s12 =	rddreg [dreg:$0xf];
	[sflag:s1] =	ssyncadd.s32 $0xFFFFE800  }
0xe0: {  	[tilespmem:s7], [sflag:$0x7] =	stream.linear.gather [spmem:s12], $0x1800, $0x38;
	[tilespmem:$0x1CB80] =	vst v63  }
0xe1: {  	_ =	swait.ge [sflag:s1], $0x1800  }
0xe2: {  	[sflag:s1] =	ssyncset.done $0x0  }
0xe3: {  	[sflag:s1] =	ssyncadd.s32 $0xFFFFE800  }
0xe4: {  	[hbm4b:s20+s0] =	stream.linear.scatter [tilespmem:s7], [sflag:$0x7], $0x1800, $0x38;
	[tilespmem:$0x1CB80] =	vst v63  }
0xe5: {  	_ =	swait.ge [sflag:s1], $0x1800  }
0xe6: {  	[sflag:s1] =	ssyncset.done $0x0  }
0xe7: {  	s13 =	rddreg [dreg:$0xe];
	[sflag:s1] =	ssyncadd.s32 $0xFFFFE800  }
0xe8: {  	[tilespmem:s7], [sflag:$0x7] =	stream.linear.gather [spmem:s13], $0x1800, $0x38;
	[tilespmem:$0x1CB80] =	vst v63  }
0xe9: {  	_ =	swait.ge [sflag:s1], $0x1800  }
0xea: {  	[sflag:s1] =	ssyncset.done $0x0  }
0xeb: {  	[sflag:s1] =	ssyncadd.s32 $0xFFFFE800  }
0xec: {  	[hbm4b:s28+s0] =	stream.linear.scatter [tilespmem:s7], [sflag:$0x7], $0x1800, $0x38;
	[tilespmem:$0x1CB80] =	vst v63  }
0xed: {  	_ =	swait.ge [sflag:s1], $0x1800  }
0xee: {  	[sflag:s1] =	ssyncset.done $0x0  }
0xef: {  	s14 =	rddreg [dreg:$0xd];
	[sflag:s1] =	ssyncadd.s32 $0xFFFFE800  }
0xf0: {  	[tilespmem:s7], [sflag:$0x7] =	stream.linear.gather [spmem:s14], $0x1800, $0x38;
	[tilespmem:$0x1CB80] =	vst v63  }
0xf1: {  	_ =	swait.ge [sflag:s1], $0x1800  }
0xf2: {  	[sflag:s1] =	ssyncset.done $0x0  }
0xf3: {  	[sflag:s1] =	ssyncadd.s32 $0xFFFFE800  }
0xf4: {  	[hbm4b:s26+s0] =	stream.linear.scatter [tilespmem:s7], [sflag:$0x7], $0x1800, $0x38;
	[tilespmem:$0x1CB80] =	vst v63  }
0xf5: {  	_ =	swait.ge [sflag:s1], $0x1800  }
0xf6: {  	[sflag:s1] =	ssyncset.done $0x0  }
0xf7: {  	s17 =	rddreg [dreg:$0xc];
	[sflag:s1] =	ssyncadd.s32 $0xFFFFE800  }
0xf8: {  	[tilespmem:s7], [sflag:$0x7] =	stream.linear.gather [spmem:s17], $0x1800, $0x38;
	[tilespmem:$0x1CB80] =	vst v63  }
0xf9: {  	_ =	swait.ge [sflag:s1], $0x1800  }
0xfa: {  	[sflag:s1] =	ssyncset.done $0x0  }
0xfb: {  	[sflag:s1] =	ssyncadd.s32 $0xFFFFE800  }
0xfc: {  	[hbm4b:s30+s0] =	stream.linear.scatter [tilespmem:s7], [sflag:$0x7], $0x1800, $0x38;
	[tilespmem:$0x1CB80] =	vst v63  }
0xfd: {  	_ =	swait.ge [sflag:s1], $0x1800  }
0xfe: {  	[sflag:s1] =	ssyncset.done $0x0  }
0xff: {  	s18 =	rddreg [dreg:$0xb];
	[sflag:s1] =	ssyncadd.s32 $0xFFFFE800  }
0x100: {  	[tilespmem:s7], [sflag:$0x7] =	stream.linear.gather [spmem:s18], $0x1800, $0x38;
	[tilespmem:$0x1CB80] =	vst v63  }
0x101: {  	_ =	swait.ge [sflag:s1], $0x1800  }
0x102: {  	[sflag:s1] =	ssyncset.done $0x0  }
0x103: {  	s20 =	rddreg [dreg:$0x14];
	[sflag:s1] =	ssyncadd.s32 $0xFFFFE800  }
0x104: {  	[hbm4b:s20+s0] =	stream.linear.scatter [tilespmem:s7], [sflag:$0x7], $0x1800, $0x38;
	[tilespmem:$0x1CB80] =	vst v63  }
0x105: {  	_ =	swait.ge [sflag:s1], $0x1800  }
0x106: {  	[sflag:s1] =	ssyncset.done $0x0  }
0x107: {  	s21 =	rddreg [dreg:$0xa];
	[sflag:s1] =	ssyncadd.s32 $0xFFFFE800  }
0x108: {  	[tilespmem:s7], [sflag:$0x7] =	stream.linear.gather [spmem:s21], $0x1800, $0x38;
	[tilespmem:$0x1CB80] =	vst v63  }
0x109: {  	_ =	swait.ge [sflag:s1], $0x1800  }
0x10a: {  	[sflag:s1] =	ssyncset.done $0x0  }
0x10b: {  	[sflag:s1] =	ssyncadd.s32 $0xFFFFE800  }
0x10c: {  	[hbm4b:s19+s0] =	stream.linear.scatter [tilespmem:s7], [sflag:$0x7], $0x1800, $0x38;
	[tilespmem:$0x1CB80] =	vst v63  }
0x10d: {  	_ =	swait.ge [sflag:s1], $0x1800  }
0x10e: {  	[sflag:s1] =	ssyncset.done $0x0  }
0x10f: {  	s22 =	rddreg [dreg:$0x9];
	[sflag:s1] =	ssyncadd.s32 $0xFFFFE800  }
0x110: {  	[tilespmem:s7], [sflag:$0x7] =	stream.linear.gather [spmem:s22], $0x1800, $0x38;
	[tilespmem:$0x1CB80] =	vst v63  }
0x111: {  	_ =	swait.ge [sflag:s1], $0x1800  }
0x112: {  	[sflag:s1] =	ssyncset.done $0x0  }
0x113: {  	s23 =	rddreg [dreg:$0x13];
	[sflag:s1] =	ssyncadd.s32 $0xFFFFE800  }
0x114: {  	[hbm4b:s23+s0] =	stream.linear.scatter [tilespmem:s7], [sflag:$0x7], $0x1800, $0x38;
	[tilespmem:$0x1CB80] =	vst v63  }
0x115: {  	_ =	swait.ge [sflag:s1], $0x1800  }
0x116: {  	[sflag:s1] =	ssyncset.done $0x0  }
0x117: {  	s25 =	rddreg [dreg:$0x8];
	[sflag:s1] =	ssyncadd.s32 $0xFFFFE800  }
0x118: {  	[tilespmem:s7], [sflag:$0x7] =	stream.linear.gather [spmem:s25], $0x1800, $0x38;
	[tilespmem:$0x1CB80] =	vst v63  }
0x119: {  	_ =	swait.ge [sflag:s1], $0x1800  }
0x11a: {  	[sflag:s1] =	ssyncset.done $0x0  }
0x11b: {  	s26 =	rddreg [dreg:$0x12];
	[sflag:s1] =	ssyncadd.s32 $0xFFFFE800  }
0x11c: {  	[hbm4b:s26+s0] =	stream.linear.scatter [tilespmem:s7], [sflag:$0x7], $0x1800, $0x38;
	[tilespmem:$0x1CB80] =	vst v63  }
0x11d: {  	_ =	swait.ge [sflag:s1], $0x1800  }
0x11e: {  	[sflag:s1] =	ssyncset.done $0x0  }
0x11f: {  	s28 =	rddreg [dreg:$0x7];
	[sflag:s1] =	ssyncadd.s32 $0xFFFFE800  }
0x120: {  	[tilespmem:s7], [sflag:$0x7] =	stream.linear.gather [spmem:s28], $0x1800, $0x38;
	[tilespmem:$0x1CB80] =	vst v63  }
0x121: {  	_ =	swait.ge [sflag:s1], $0x1800  }
0x122: {  	[sflag:s1] =	ssyncset.done $0x0  }
0x123: {  	[sflag:s1] =	ssyncadd.s32 $0xFFFFE800  }
0x124: {  	[hbm4b:s31+s0] =	stream.linear.scatter [tilespmem:s7], [sflag:$0x7], $0x1800, $0x38;
	[tilespmem:$0x1CB80] =	vst v63  }
0x125: {  	_ =	swait.ge [sflag:s1], $0x1800  }
0x126: {  	[sflag:s1] =	ssyncset.done $0x0  }
0x127: {  	s29 =	rddreg [dreg:$0x6];
	[sflag:s1] =	ssyncadd.s32 $0xFFFFE800  }
0x128: {  	[tilespmem:s7], [sflag:$0x7] =	stream.linear.gather [spmem:s29], $0x1800, $0x38;
	[tilespmem:$0x1CB80] =	vst v63  }
0x129: {  	_ =	swait.ge [sflag:s1], $0x1800  }
0x12a: {  	[sflag:s1] =	ssyncset.done $0x0  }
0x12b: {  	[sflag:s1] =	ssyncadd.s32 $0xFFFFE800  }
0x12c: {  	[hbm4b:s24+s0] =	stream.linear.scatter [tilespmem:s7], [sflag:$0x7], $0x1800, $0x38;
	[tilespmem:$0x1CB80] =	vst v63  }
0x12d: {  	_ =	swait.ge [sflag:s1], $0x1800  }
0x12e: {  	[sflag:s1] =	ssyncset.done $0x0  }
0x12f: {  	s30 =	rddreg [dreg:$0x5];
	[sflag:s1] =	ssyncadd.s32 $0xFFFFE800  }
0x130: {  	[tilespmem:s7], [sflag:$0x7] =	stream.linear.gather [spmem:s30], $0x1800, $0x38;
	[tilespmem:$0x1CB80] =	vst v63  }
0x131: {  	_ =	swait.ge [sflag:s1], $0x1800  }
0x132: {  	[sflag:s1] =	ssyncset.done $0x0  }
0x133: {  	[sflag:s1] =	ssyncadd.s32 $0xFFFFE800  }
0x134: {  	[hbm4b:s16+s0] =	stream.linear.scatter [tilespmem:s7], [sflag:$0x7], $0x1800, $0x38;
	[tilespmem:$0x1CB80] =	vst v63  }
0x135: {  	_ =	swait.ge [sflag:s1], $0x1800  }
0x136: {  	[sflag:s1] =	ssyncset.done $0x0  }
0x137: {  	s0 =	simm.s32 @!p0 $0x7B00;
	[sflag:s1] =	ssyncadd.s32 $0xFFFFE800;
	s1 =	rddreg [dreg:$0x4]  }
0x138: {  	[tilespmem:s0], [sflag:$0x7] =	stream.linear.gather @!p0 [spmem:s1], $0x800, $0x38;
	[tilespmem:$0x1CB80] =	vst v63  }
0x139: {  	s1 =	simm.s32 @!p0 $0x7  }
0x13a: {  	_ =	swait.ge @!p0 [sflag:s1], $0x800  }
0x13b: {  	[sflag:s1] =	ssyncset.done @!p0 $0x0  }
0x13c: {  	s2 =	simm.s32 @!p0 $0x0;
	[sflag:s1] =	ssyncadd.s32 @!p0 $0xFFFFF800  }
0x13d: {  	[hbm4b:s15+s2] =	stream.linear.scatter @!p0 [tilespmem:s0], [sflag:$0x7], $0x800, $0x38;
	[tilespmem:$0x1CB80] =	vst v63  }
0x13e: {  	_ =	swait.ge @!p0 [sflag:s1], $0x800  }
0x13f: {  	[sflag:s1] =	ssyncset.done @!p0 $0x0  }
0x140: {  	[sflag:s1] =	ssyncadd.s32 @!p0 $0xFFFFF800  }
0x141: {  	_ =	sfence.sel $0x180000  }
0x142: {  	[bflag:$0x0] =	sbarrier.arrive $0xFFFF  }
0x143: {  	_ =	strace $0x9000004D  }
0x144: {  	s31 =	stileid.u32;
	[bflag:$0x2] =	sbarrier.arrive $0xFFFF  }
0x145: {  	p0 =	sne.s32 s31, $0x0;
	s0 =	rddreg [dreg:$0x3]  }
0x146: {  	s0 =	sadd.s32 @!p0 $0x100000, s0  }
0x147: {  	[sflag:s0] =	ssyncadd.tile.s32 @!p0 $0x1;
	_ =	shalt  }
.Lfunc_end2:
_tile_overlayer_lowered:
.L_overlay_start_2:
0x148: {  	(tag) =	ssettag $0x2  }
0x149: {  	s0 =	rddreg [dreg:$0x0];
	s2 =	stileid.u32  }
0x14a: {  	s1 =	rddreg [dreg:$0x1];
	p0 =	sne.s32 s2, $0x0  }
0x14b: {  	s3 =	rddreg [dreg:$0x2];
	[bflag:$0x3] =	sbarrier.arrive $0xFFFF;
	s2 =	simm.s32 @!p0 $0x1C07  }
0x14c: {  	[timem:s3], [sflag:s2] =	dma.local @!p0 [hbm:s0], s1  }
0x14d: {  	s0 =	simm.s32 @!p0 $0x7  }
0x14e: {  	_ =	swait.ge @!p0 [sflag:s0], s1  }
0x14f: {  	s1 =	ssub.s32 @!p0 $0x0, s1;
	[sflag:s0] =	ssyncset.done @!p0 $0x0  }
0x150: {  	[sflag:s0] =	ssyncadd.s32 @!p0 s1  }
0x151: {  	[bflag:$0x3] =	sbarrier.arrive $0xFFFF  }
0x152: {  	_ =	shalt  }

// kernel: kernel.8.cloned.1.call-start
scs
__scs_entry_jumppad:
0x0: {  	(pc) =	sbr.rel $0x88, $3  }
0x1: {  	(tag) =	ssettag $0x0;
	lr =	simm.s32 $0x1  }
0x2: {  	[smem:$0x3F99] =	sst lr;
	_ =	strace $0xD0000000  }
0x3: {  	_ = 	snop  }
0x4: {  	_ = 	snop  }
0x5: {  	_ = 	snop  }
0x6: {  	_ = 	snop  }
0x7: {  	_ = 	snop  }
__scs_overlays_trampoline_lowered:
0x8: {  	[smem:$0x3FA8] =	sst s0  }
0x9: {  	[smem:$0x3FA9] =	sst s1  }
0xa: {  	[smem:$0x3FAA] =	sst s2  }
0xb: {  	[smem:$0x3FAB] =	sst s3  }
0xc: {  	[smem:$0x3FAC] =	sst s4  }
0xd: {  	[smem:$0x3FAD] =	sst s5  }
0xe: {  	[smem:$0x3FAE] =	sst s6  }
0xf: {  	[smem:$0x3FAF] =	sst s7  }
0x10: {  	[smem:$0x3FB0] =	sst s8  }
0x11: {  	[smem:$0x3FB1] =	sst s9;
	s0 =	simm.s32 @!p0 $0x0  }
0x12: {  	s1 =	sld [smem:$0x3F97];
	s0 =	simm.s32 @p0 $0x1  }
0x13: {  	[smem:$0x3FB2] =	sst s0;
	s0 =	simm.s32 @!p1 $0x0  }
0x14: {  	s2 =	sld [smem:$0x3F96];
	s0 =	simm.s32 @p1 $0x1  }
0x15: {  	[smem:$0x3FB3] =	sst s0;
	s0 =	simm.s32 @!p2 $0x0  }
0x16: {  	s3 =	sld [smem:$0x3FDB];
	s0 =	simm.s32 @p2 $0x1  }
0x17: {  	s4 =	simm.s32 $0x1BF5;
	[smem:$0x3FB5] =	sst s0  }
0x18: {  	s0 =	sld [smem:$0x3F98];
	_ =	swait.ge [sflag:s4], $0x0  }
0x19: {  	s7 =	sld [smem:$0x3F99]  }
0x1a: {  	s8 =	sadd.s32 $0xFFFFE003, lr  }
0x1b: {  	s9 =	sadd.s32 $0xFFFFFEF7, lr;
	s5 =	simm.s32 $0xFFFFFFFF;
	p2 =	slt.u32 s8, $0xFFFFF086  }
0x1c: {  	p1 =	slt.u32 s9, $0xF7A;
	s5 =	simm.s32 @!p2 $0x0  }
0x1d: {  	s5 =	simm.s32 @p1 $0x1;
	p0 =	seq.s32 s7, s2  }
0x1e: {  	s7 =	smul.u32 @!p0 $0xF7A, s2;
	p2 =	seq.s32 @!p0 s5, $0x0  }
0x1f: {  	s9 =	smul.u32 $0xF7A, s1;
	s8 =	simm.s32 @!p0 $0x1BF5;
	p2 =	por !p2, p0  }
0x20: {  	[sflag:s8] =	ssyncset.s32 @!p0 $0xFFFFF086;
	s6 =	sadd.s32 @!p0 s3, s7;
	s7 =	simm.s32 @!p0 $0x108  }
0x21: {  	s3 =	sadd.s32 s3, s9;
	s6 =	sadd.s32 @!p0 $0x88, s6;
	s7 =	simm.s32 @p2 $0x1082  }
0x22: {  	[simem:s7], [sflag:s8] =	dma.local @!p0 [hbm:s6], $0xF7A  }
0x23: {  	s9 =	sor.u32 $0xD0000000, s2;
	s6 =	simm.s32 $0x108;
	_ =	swait.ge @!p0 [sflag:s8], $0x0  }
0x24: {  	s3 =	sadd.s32 $0x88, s3;
	s6 =	simm.s32 @!p1 $0x1082;
	[sflag:s4] =	ssyncset.s32 $0xFFFFF086  }
0x25: {  	[simem:s6], [sflag:s4] =	dma.local [hbm:s3], $0xF7A  }
0x26: {  	[smem:$0x3F99] =	sst s1;
	(tag) =	ssettag s2;
	_ =	strace s9  }
0x27: {  	s1 =	sld [smem:$0x3FA9]  }
0x28: {  	s2 =	sld [smem:$0x3FAA]  }
0x29: {  	s4 =	sld [smem:$0x3FAC]  }
0x2a: {  	p0 =	seq.s32 s5, $0x0;
	s5 =	sld [smem:$0x3FAD]  }
0x2b: {  	s6 =	sld [smem:$0x3FAE]  }
0x2c: {  	s7 =	sld [smem:$0x3FAF]  }
0x2d: {  	s3 =	simm.s32 $0x108;
	s8 =	sld [smem:$0x3FB0]  }
0x2e: {  	s3 =	simm.s32 @!p0 $0x1082;
	s9 =	sld [smem:$0x3FB1]  }
0x2f: {  	lr =	sadd.s32 s0, s3;
	s0 =	sld [smem:$0x3FA8]  }
0x30: {  	s3 =	sld [smem:$0x3FAB]  }
0x31: {  	[smem:$0x3FB4] =	sst s10  }
0x32: {  	s10 =	sld [smem:$0x3FB2];
	_ =	sdelay $0x3  }
0x33: {  	p0 =	seq.s32 s10, $0x1;
	s10 =	sld [smem:$0x3FB4];
	_ =	sdelay $0x3  }
0x34: {  	[smem:$0x3FB4] =	sst s10  }
0x35: {  	s10 =	sld [smem:$0x3FB3];
	_ =	sdelay $0x3  }
0x36: {  	p1 =	seq.s32 s10, $0x1;
	s10 =	sld [smem:$0x3FB4];
	_ =	sdelay $0x3  }
0x37: {  	[smem:$0x3FB4] =	sst s10  }
0x38: {  	s10 =	sld [smem:$0x3FB5]  }
0x39: {  	_ = 	snop;
	(pc) =	sbr.ind lr, $3  }
0x3a: {  	_ = 	snop  }
0x3b: {  	_ = 	snop  }
0x3c: {  	p2 =	seq.s32 s10, $0x1;
	s10 =	sld [smem:$0x3FB4]  }
0x3d: {  	_ =	shalt  }
0x3e: {  	_ =	shalt  }
0x3f: {  	_ =	shalt  }
0x40: {  	_ =	shalt  }
0x41: {  	_ =	shalt  }
0x42: {  	_ =	shalt  }
0x43: {  	_ =	shalt  }
0x44: {  	_ =	shalt  }
0x45: {  	_ =	shalt  }
0x46: {  	_ =	shalt  }
0x47: {  	_ =	shalt  }
0x48: {  	_ =	shalt  }
0x49: {  	_ =	shalt  }
0x4a: {  	_ =	shalt  }
0x4b: {  	_ =	shalt  }
0x4c: {  	_ =	shalt  }
0x4d: {  	_ =	shalt  }
0x4e: {  	_ =	shalt  }
0x4f: {  	_ =	shalt  }
0x50: {  	_ =	shalt  }
0x51: {  	_ =	shalt  }
0x52: {  	_ =	shalt  }
0x53: {  	_ =	shalt  }
0x54: {  	_ =	shalt  }
0x55: {  	_ =	shalt  }
0x56: {  	_ =	shalt  }
0x57: {  	_ =	shalt  }
0x58: {  	_ =	shalt  }
0x59: {  	_ =	shalt  }
0x5a: {  	_ =	shalt  }
0x5b: {  	_ =	shalt  }
0x5c: {  	_ =	shalt  }
0x5d: {  	_ =	shalt  }
0x5e: {  	_ =	shalt  }
0x5f: {  	_ =	shalt  }
0x60: {  	_ =	shalt  }
0x61: {  	_ =	shalt  }
0x62: {  	_ =	shalt  }
0x63: {  	_ =	shalt  }
0x64: {  	_ =	shalt  }
0x65: {  	_ =	shalt  }
0x66: {  	_ =	shalt  }
0x67: {  	_ =	shalt  }
0x68: {  	_ =	shalt  }
0x69: {  	_ =	shalt  }
0x6a: {  	_ =	shalt  }
0x6b: {  	_ =	shalt  }
0x6c: {  	_ =	shalt  }
0x6d: {  	_ =	shalt  }
0x6e: {  	_ =	shalt  }
0x6f: {  	_ =	shalt  }
0x70: {  	_ =	shalt  }
0x71: {  	_ =	shalt  }
0x72: {  	_ =	shalt  }
0x73: {  	_ =	shalt  }
0x74: {  	_ =	shalt  }
0x75: {  	_ =	shalt  }
0x76: {  	_ =	shalt  }
0x77: {  	_ =	shalt  }
0x78: {  	_ =	shalt  }
0x79: {  	_ =	shalt  }
0x7a: {  	_ =	shalt  }
0x7b: {  	_ =	shalt  }
0x7c: {  	_ =	shalt  }
0x7d: {  	_ =	shalt  }
0x7e: {  	_ =	shalt  }
0x7f: {  	_ =	shalt  }
0x80: {  	_ =	shalt  }
0x81: {  	_ =	shalt  }
0x82: {  	_ =	shalt  }
0x83: {  	_ =	shalt  }
0x84: {  	_ =	shalt  }
0x85: {  	_ =	shalt  }
0x86: {  	_ =	shalt  }
0x87: {  	_ =	shalt  }
.Lfunc_end0:
.L_simem_size_0:
called_computation_lowered:
.L_overlay_start_0:
0x88: {  	s0 =	sld [smem:$0x3FD9]  }
0x89: {  	s1 =	sld [smem:$0x3FFE];
	_ =	sdelay $0x3  }
0x8a: {  	s0 =	sadd.s32 s1, s0  }
0x8b: {  	[smem:$0x3FC0] =	sst s0  }
0x8c: {  	_ = 	snop  }
0x8d: {  	(tm) =	ssettm $0x1  }
0x8e: {  	s15 =	sld [smem:$0x3FFB];
	_ =	sdelay $0x3  }
0x8f: {  	_ =	strace s15  }
0x90: {  	s0 =	sld [smem:$0x3FFC];
	_ =	sdelay $0x3  }
0x91: {  	_ =	strace s0  }
0x92: {  	s0 =	sld [smem:$0x3FFD];
	_ =	sdelay $0x3  }
0x93: {  	_ =	strace s0  }
0x94: {  	_ =	strace $0x8FFFFFFF  }
0x95: {  	s16 =	sld [smem:$0x3FDB];
	_ =	sdelay $0x1  }
0x96: {  	s17 =	simm.s32 $_scs_section_size  }
0x97: {  	s2 =	simm.s32 $_size__tile_overlayer_lowered;
	s3 =	simm.s32 $_tile_overlayer_lowered  }
0x98: {  	s20 =	simm.s32 $0x1BFF;
	s19 =	sshll.u32 s3, $0x1;
	s0 =	sadd.s32 s17, s16  }
0x99: {  	s4 =	simm.s32 $0x0;
	s18 =	sshll.u32 s2, $0x1;
	s2 =	sadd.s32 s19, s0  }
0x9a: {  	[timem:s4], [sflag:s20] =	dma.local [hbm:s2], s18  }
0x9b: {  	_ =	swait.ge [sflag:s20], s18  }
0x9c: {  	s1 =	ssub.s32 $0x0, s18;
	[sflag:s20] =	ssyncset.done $0x0  }
0x9d: {  	[sflag:s20] =	ssyncadd.s32 s1;
	_ =	sdelay $0x1  }
0x9e: {  	s21 =	simm.s32 $0x1B8B  }
0x9f: {  	_ =	swait.ge [sflag:s21], $0x1  }
0xa0: {  	[sflag:s21] =	ssyncset.done $0x0  }
0xa1: {  	s23 =	simm.s32 $0x1B8E;
	s22 =	sld [smem:$0x3FFE];
	[sflag:s21] =	ssyncadd.s32 $0xFFFFFFFF  }
0xa2: {  	s24 =	simm.s32 $execute0_lowered;
	[smem:$0x3FD2] =	sst s23  }
0xa3: {  	s2 =	sshll.u32 s24, $0x1;
	_ =	strace $0x80000046;
	[dreg:$0x1] =	wrdreg $0xFFFFFFFF  }
0xa4: {  	s25 =	simm.s32 $_size_execute0_lowered;
	s0 =	sadd.s32 s0, s2;
	[dreg:$0x0] =	wrdreg $0x0  }
0xa5: {  	s2 =	sshll.u32 s25, $0x1;
	[dreg:$0x2] =	wrdreg s0  }
0xa6: {  	[dreg:$0x3] =	wrdreg s2  }
0xa7: {  	[dreg:$0x4] =	wrdreg $0xC0  }
0xa8: {  	_ =	task [dreg:s4], $0x5FFFF  }
0xa9: {  	[dreg:$0x1] =	wrdreg $0xFFFFFFFF  }
0xaa: {  	[dreg:$0x0] =	wrdreg $0x60  }
0xab: {  	[dreg:$0x2] =	wrdreg s22  }
0xac: {  	[dreg:$0x3] =	wrdreg $0x41800  }
0xad: {  	[dreg:$0x4] =	wrdreg $0x9  }
0xae: {  	_ =	task.clear_ibuf [dreg:s4], $0x5FFFF;
	_ =	strace $0x90000046  }
0xaf: {  	s26 =	simm.s32 $0x9;
	_ =	strace $0x80000048  }
0xb0: {  	_ =	swait.ge [sflag:s26], $0x1  }
0xb1: {  	[sflag:s26] =	ssyncadd.s32 $0xFFFFFFFF  }
0xb2: {  	_ =	strace $0x90000048  }
0xb3: {  	_ =	sfence  }
0xb4: {  	s28 =	sld [smem:$0x0];
	_ =	sdelay $0x1  }
0xb5: {  	s29 =	srdreg.scid  }
0xb6: {  	s30 =	sshll.u32 s29, $0xD;
	s31 =	sshrl.u32 s29, $0x2  }
0xb7: {  	s1 =	sand.u32 $0x1, s29;
	s2 =	sand.u32 $0x4000, s30;
	s0 =	sadd.s32 s31, s28  }
0xb8: {  	s1 =	sor.u32 s2, s1;
	s0 =	sshll.u32 s0, $0x11  }
0xb9: {  	s0 =	sor.u32 s0, s1  }
0xba: {  	s0 =	sadd.s32 $0x8F2B, s0  }
0xbb: {  	[sflag:s0] =	ssyncadd.remote.s32 $0x1  }
0xbc: {  	_ =	sfence.sel $0xFFFF  }
0xbd: {  	[dreg:$0x0] =	wrdreg $0xFFFFFFFF;
	(pc) =	sbr.abs _section_cstart, $3  }
0xbe: {  	[dreg:$0x1] =	wrdreg $0xFFFFFFFF  }
0xbf: {  	_ =	task.clear_ibuf [dreg:s4], $0x2FFFF;
	_ =	strace $0x9FFFFFFF  }
0xc0: {  	(tm) =	ssettm $0x7FFFFFFF  }
0xc1: {  	_ =	shalt  }
tec
execute0_lowered:
.L_overlay_start_1:
0x0: {  	(tag) =	ssettag $0x1  }
0x1: {  	s20 =	rddreg [dreg:$0x0]  }
0x2: {  	s2 =	rddreg [dreg:$0x1];
	s17 =	simm.s32 $0x0  }
0x3: {  	s0 =	simm.s32 $0x2980;
	[smem:$0x7FF] =	sst s17  }
0x4: {  	s18 =	simm.s32 $0x4;
	s1 =	sadd.s32 $0xC400, s20;
	_ =	strace $0x80000047  }
0x5: {  	[tilespmem:s0], [sflag:$0x4] =	stream.linear.gather [hbm4b:s1+s17], $0x1800, $0x38;
	[tilespmem:$0x17A00] =	vst v63  }
0x6: {  	_ =	swait.ge [sflag:s18], $0x1800  }
0x7: {  	s16 =	stileid.u32;
	s19 =	simm.s32 $0x180;
	[sflag:s18] =	ssyncset.done $0x0  }
0x8: {  	s6 =	sadd.s32 $0x33600, s20;
	s3 =	smul.u32 $0x4E000, s16;
	[sflag:s18] =	ssyncadd.s32 $0xFFFFE800  }
0x9: {  	[tilespmem:s19], [sflag:$0x4] =	stream.linear.gather [hbm4b:s6+s17], $0x2800, $0x38;
	[tilespmem:$0x17A00] =	vst v63  }
0xa: {  	s7 =	smul.u32 $0x270, s16;
	s3 =	sshrl.u32 s3, $0x2;
	_ =	swait.ge [sflag:s18], $0x2800  }
0xb: {  	s3 =	sadd.s32 s3, s2;
	[sflag:s18] =	ssyncset.done $0x0  }
0xc: {  	s21 =	sadd.s32 $0x30, s7;
	[dreg:$0x10] =	wrdreg s3;
	[sflag:s18] =	ssyncadd.s32 $0xFFFFD800  }
0xd: {  	[spmem:s3] =	stream.linear.scatter [tilespmem:s0], [sflag:$0x4], $0x1800, $0x38;
	[tilespmem:$0x17A00] =	vst v63  }
0xe: {  	s8 =	sshll.u32 s21, $0x7;
	_ =	swait.ge [sflag:s18], $0x1800  }
0xf: {  	s3 =	sadd.s32 s8, s2;
	[sflag:s18] =	ssyncset.done $0x0  }
0x10: {  	s22 =	sadd.s32 $0x60, s7;
	[dreg:$0xf] =	wrdreg s3;
	[sflag:s18] =	ssyncadd.s32 $0xFFFFE800  }
0x11: {  	[spmem:s3] =	stream.linear.scatter [tilespmem:s0], [sflag:$0x4], $0x1800, $0x38;
	[tilespmem:$0x17A00] =	vst v63  }
0x12: {  	s9 =	sshll.u32 s22, $0x7;
	_ =	swait.ge [sflag:s18], $0x1800  }
0x13: {  	s3 =	sadd.s32 s9, s2;
	[sflag:s18] =	ssyncset.done $0x0  }
0x14: {  	s23 =	sadd.s32 $0x90, s7;
	[dreg:$0xe] =	wrdreg s3;
	[sflag:s18] =	ssyncadd.s32 $0xFFFFE800  }
0x15: {  	[spmem:s3] =	stream.linear.scatter [tilespmem:s0], [sflag:$0x4], $0x1800, $0x38;
	[tilespmem:$0x17A00] =	vst v63  }
0x16: {  	s10 =	sshll.u32 s23, $0x7;
	_ =	swait.ge [sflag:s18], $0x1800  }
0x17: {  	s3 =	sadd.s32 s10, s2;
	[sflag:s18] =	ssyncset.done $0x0  }
0x18: {  	s24 =	sadd.s32 $0xC0, s7;
	[dreg:$0xd] =	wrdreg s3;
	[sflag:s18] =	ssyncadd.s32 $0xFFFFE800  }
0x19: {  	[spmem:s3] =	stream.linear.scatter [tilespmem:s0], [sflag:$0x4], $0x1800, $0x38;
	[tilespmem:$0x17A00] =	vst v63  }
0x1a: {  	s11 =	sshll.u32 s24, $0x7;
	_ =	swait.ge [sflag:s18], $0x1800  }
0x1b: {  	s3 =	sadd.s32 s11, s2;
	[sflag:s18] =	ssyncset.done $0x0  }
0x1c: {  	s25 =	sadd.s32 $0xF0, s7;
	[dreg:$0xc] =	wrdreg s3;
	[sflag:s18] =	ssyncadd.s32 $0xFFFFE800  }
0x1d: {  	[spmem:s3] =	stream.linear.scatter [tilespmem:s0], [sflag:$0x4], $0x1800, $0x38;
	[tilespmem:$0x17A00] =	vst v63  }
0x1e: {  	s12 =	sshll.u32 s25, $0x7;
	_ =	swait.ge [sflag:s18], $0x1800  }
0x1f: {  	s3 =	sadd.s32 s12, s2;
	[sflag:s18] =	ssyncset.done $0x0  }
0x20: {  	s26 =	sadd.s32 $0x120, s7;
	[dreg:$0xb] =	wrdreg s3;
	[sflag:s18] =	ssyncadd.s32 $0xFFFFE800  }
0x21: {  	[spmem:s3] =	stream.linear.scatter [tilespmem:s0], [sflag:$0x4], $0x1800, $0x38;
	[tilespmem:$0x17A00] =	vst v63  }
0x22: {  	s13 =	sshll.u32 s26, $0x7;
	_ =	swait.ge [sflag:s18], $0x1800  }
0x23: {  	s3 =	sadd.s32 s13, s2;
	[sflag:s18] =	ssyncset.done $0x0  }
0x24: {  	s28 =	sadd.s32 $0x150, s7;
	[dreg:$0xa] =	wrdreg s3;
	[sflag:s18] =	ssyncadd.s32 $0xFFFFE800  }
0x25: {  	[spmem:s3] =	stream.linear.scatter [tilespmem:s0], [sflag:$0x4], $0x1800, $0x38;
	[tilespmem:$0x17A00] =	vst v63  }
0x26: {  	s14 =	sshll.u32 s28, $0x7;
	_ =	swait.ge [sflag:s18], $0x1800  }
0x27: {  	s3 =	sadd.s32 s14, s2;
	[sflag:s18] =	ssyncset.done $0x0  }
0x28: {  	s8 =	sadd.s32 $0x180, s7;
	[dreg:$0x9] =	wrdreg s3;
	[sflag:s18] =	ssyncadd.s32 $0xFFFFE800  }
0x29: {  	[spmem:s3] =	stream.linear.scatter [tilespmem:s0], [sflag:$0x4], $0x1800, $0x38;
	[tilespmem:$0x17A00] =	vst v63  }
0x2a: {  	s15 =	sshll.u32 s8, $0x7;
	_ =	swait.ge [sflag:s18], $0x1800  }
0x2b: {  	s3 =	sadd.s32 s15, s2;
	[sflag:s18] =	ssyncset.done $0x0  }
0x2c: {  	s9 =	sadd.s32 $0x1B0, s7;
	[dreg:$0x8] =	wrdreg s3;
	[sflag:s18] =	ssyncadd.s32 $0xFFFFE800  }
0x2d: {  	[spmem:s3] =	stream.linear.scatter [tilespmem:s0], [sflag:$0x4], $0x1800, $0x38;
	[tilespmem:$0x17A00] =	vst v63  }
0x2e: {  	s4 =	sshll.u32 s9, $0x7;
	_ =	swait.ge [sflag:s18], $0x1800  }
0x2f: {  	s3 =	sadd.s32 s4, s2;
	[sflag:s18] =	ssyncset.done $0x0  }
0x30: {  	s11 =	sadd.s32 $0x1E0, s7;
	[dreg:$0x7] =	wrdreg s3;
	[sflag:s18] =	ssyncadd.s32 $0xFFFFE800  }
0x31: {  	[spmem:s3] =	stream.linear.scatter [tilespmem:s0], [sflag:$0x4], $0x1800, $0x38;
	[tilespmem:$0x17A00] =	vst v63  }
0x32: {  	s5 =	sshll.u32 s11, $0x7;
	_ =	swait.ge [sflag:s18], $0x1800  }
0x33: {  	s3 =	sadd.s32 s5, s2;
	[sflag:s18] =	ssyncset.done $0x0  }
0x34: {  	s12 =	sadd.s32 $0x210, s7;
	[dreg:$0x6] =	wrdreg s3;
	[sflag:s18] =	ssyncadd.s32 $0xFFFFE800  }
0x35: {  	[spmem:s3] =	stream.linear.scatter [tilespmem:s0], [sflag:$0x4], $0x1800, $0x38;
	[tilespmem:$0x17A00] =	vst v63  }
0x36: {  	s6 =	sshll.u32 s12, $0x7;
	_ =	swait.ge [sflag:s18], $0x1800  }
0x37: {  	s3 =	sadd.s32 s6, s2;
	[sflag:s18] =	ssyncset.done $0x0  }
0x38: {  	s13 =	sadd.s32 $0x240, s7;
	[dreg:$0x5] =	wrdreg s3;
	[sflag:s18] =	ssyncadd.s32 $0xFFFFE800  }
0x39: {  	[spmem:s3] =	stream.linear.scatter [tilespmem:s0], [sflag:$0x4], $0x1800, $0x38;
	[tilespmem:$0x17A00] =	vst v63  }
0x3a: {  	s1 =	sshll.u32 s13, $0x7;
	_ =	swait.ge [sflag:s18], $0x1800  }
0x3b: {  	s1 =	sadd.s32 s1, s2;
	[sflag:s18] =	ssyncset.done $0x0  }
0x3c: {  	[dreg:$0x4] =	wrdreg s1;
	[sflag:s18] =	ssyncadd.s32 $0xFFFFE800  }
0x3d: {  	[spmem:s1] =	stream.linear.scatter [tilespmem:s0], [sflag:$0x4], $0x1800, $0x38;
	[tilespmem:$0x17A00] =	vst v63  }
0x3e: {  	_ =	swait.ge [sflag:s18], $0x1800  }
0x3f: {  	p0 =	sne.s32 s16, $0xF;
	[sflag:s18] =	ssyncset.done $0x0  }
0x40: {  	s1 =	sadd.s32 $0x138000, s2;
	s0 =	simm.s32 @!p0 $0x2980;
	[sflag:s18] =	ssyncadd.s32 $0xFFFFE800  }
0x41: {  	[spmem:s1] =	stream.linear.scatter @!p0 [tilespmem:s0], [sflag:$0x4], $0x800, $0x38;
	[tilespmem:$0x17A00] =	vst v63  }
0x42: {  	[dreg:$0x3] =	wrdreg s1;
	s0 =	simm.s32 @!p0 $0x4  }
0x43: {  	s7 =	smul.u32 $0x4E20, s16;
	_ =	swait.ge @!p0 [sflag:s0], $0x800  }
0x44: {  	[sflag:s0] =	ssyncset.done @!p0 $0x0  }
0x45: {  	s10 =	sshrl.u32 s7, $0x3;
	s14 =	sadd.s32 $0x2600, s20;
	[sflag:s0] =	ssyncadd.s32 @!p0 $0xFFFFF800  }
0x46: {  	s15 =	sadd.s32 s14, s10;
	[bflag:$0x0] =	sbarrier.arrive $0xFFFF  }
0x47: {  	[tilespmem:s17], [sflag:$0x4] =	stream.linear.gather [hbm4b:s15+s17], $0x50, $0x38;
	[tilespmem:$0x17A00] =	vst v63  }
0x48: {  	_ =	swait.ge [sflag:s18], $0x50  }
0x49: {  	[sflag:s18] =	ssyncset.done $0x0  }
0x4a: {  	s0 =	simm.s32 $0x50;
	[sflag:s18] =	ssyncadd.s32 $0xFFFFFFB0  }
0x4b: {  	[spmem:s2] =	stream.indirect.scatter.add.f32 [tilespmem:s19], [sflag:$0x1], $0x80, s17, s0, $0xb8;
	[tilespmem:$0x17A00] =	vst v63  }
0x4c: {  	s4 =	sadd.s32 $0xA, s15;
	s1 =	simm.s32 $0x80  }
0x4d: {  	[tilespmem:s1], [sflag:$0x4] =	stream.linear.gather [hbm4b:s4+s17], $0x50, $0x38;
	[tilespmem:$0x17A00] =	vst v63  }
0x4e: {  	_ =	swait.ge [sflag:s18], $0x50  }
0x4f: {  	[sflag:s18] =	ssyncset.done $0x0  }
0x50: {  	[sflag:s18] =	ssyncadd.s32 $0xFFFFFFB0  }
0x51: {  	[spmem:s2] =	stream.indirect.scatter.add.f32 [tilespmem:s19], [sflag:$0x2], $0x80, s1, s0, $0xb8;
	[tilespmem:$0x17A00] =	vst v63  }
0x52: {  	s5 =	sadd.s32 $0x14, s15;
	s4 =	simm.s32 $0x100  }
0x53: {  	[tilespmem:s4], [sflag:$0x4] =	stream.linear.gather [hbm4b:s5+s17], $0x50, $0x38;
	[tilespmem:$0x17A00] =	vst v63  }
0x54: {  	_ =	swait.ge [sflag:s18], $0x50  }
0x55: {  	s21 =	sshll.u32 s21, $0x4;
	[sflag:s18] =	ssyncset.done $0x0  }
0x56: {  	s7 =	smul.u32 $0x9C4, s16;
	s6 =	simm.s32 $0x1;
	[sflag:s18] =	ssyncadd.s32 $0xFFFFFFB0  }
0x57: {  	[spmem:s2] =	stream.indirect.scatter.add.f32 [tilespmem:s19], [sflag:$0x3], $0x80, s4, s0, $0xb8;
	[tilespmem:$0x17A00] =	vst v63  }
0x58: {  	s22 =	sshll.u32 s22, $0x4;
	s7 =	sadd.s32 s7, s14;
	_ =	swait.ge [sflag:s6], $0x2800  }
0x59: {  	s23 =	sshll.u32 s23, $0x4;
	s3 =	sadd.s32 $0xFFFFF664, s7;
	[sflag:s6] =	ssyncset.done $0x0  }
0x5a: {  	s24 =	sshll.u32 s24, $0x4;
	s10 =	sadd.s32 $0x9BA, s3;
	[sflag:s6] =	ssyncadd.s32 $0xFFFFD800  }
0x5b: {  	[tilespmem:s17], [sflag:$0x4] =	stream.linear.gather [hbm4b:s10+s17], $0x50, $0x38;
	[tilespmem:$0x17A00] =	vst v63  }
0x5c: {  	s8 =	sshll.u32 s8, $0x4;
	s9 =	sshll.u32 s9, $0x4;
	_ =	swait.ge [sflag:s18], $0x50  }
0x5d: {  	s11 =	sshll.u32 s11, $0x4;
	s12 =	sshll.u32 s12, $0x4;
	[sflag:s18] =	ssyncset.done $0x0  }
0x5e: {  	s13 =	sshll.u32 s13, $0x4;
	s10 =	simm.s32 $0x2;
	[sflag:s18] =	ssyncadd.s32 $0xFFFFFFB0  }
0x5f: {  	[spmem:s2] =	stream.indirect.scatter.add.f32 [tilespmem:s19], [sflag:$0x1], $0x80, s17, s0, $0xb8;
	[tilespmem:$0x17A00] =	vst v63  }
0x60: {  	s14 =	sadd.s32 $0x9C4, s3;
	s3 =	sadd.s32 $0x9CE, s3;
	_ =	swait.ge [sflag:s10], $0x2800  }
0x61: {  	s5 =	smul.u32 $0x2700, s16;
	s16 =	sadd.s32 $0x33C00, s20;
	[sflag:s10] =	ssyncset.done $0x0  }
0x62: {  	s20 =	sadd.s32 $0x5AC00, s20;
	s31 =	sadd.s32 s16, s23;
	[sflag:s10] =	ssyncadd.s32 $0xFFFFD800  }
0x63: {  	[tilespmem:s1], [sflag:$0x4] =	stream.linear.gather [hbm4b:s14+s17], $0x50, $0x38;
	[tilespmem:$0x17A00] =	vst v63  }
0x64: {  	s30 =	sadd.s32 s16, s24;
	s24 =	sshll.u32 s25, $0x4;
	_ =	swait.ge [sflag:s18], $0x50  }
0x65: {  	s25 =	sshll.u32 s26, $0x4;
	s26 =	sshll.u32 s28, $0x4;
	[sflag:s18] =	ssyncset.done $0x0  }
0x66: {  	s23 =	sadd.s32 s16, s11;
	s14 =	simm.s32 $0x3;
	[sflag:s18] =	ssyncadd.s32 $0xFFFFFFB0  }
0x67: {  	[spmem:s2] =	stream.indirect.scatter.add.f32 [tilespmem:s19], [sflag:$0x2], $0x80, s1, s0, $0xb8;
	[tilespmem:$0x17A00] =	vst v63  }
0x68: {  	s13 =	sadd.s32 s16, s13;
	s5 =	sadd.s32 s16, s5;
	_ =	swait.ge [sflag:s14], $0x2800  }
0x69: {  	s29 =	sadd.s32 s16, s24;
	s28 =	sadd.s32 s16, s25;
	[sflag:s14] =	ssyncset.done $0x0  }
0x6a: {  	s26 =	sadd.s32 s16, s26;
	s25 =	sadd.s32 s16, s8;
	[sflag:s14] =	ssyncadd.s32 $0xFFFFD800  }
0x6b: {  	[tilespmem:s4], [sflag:$0x4] =	stream.linear.gather [hbm4b:s3+s17], $0x50, $0x38;
	[tilespmem:$0x17A00] =	vst v63  }
0x6c: {  	s24 =	sadd.s32 s16, s9;
	s8 =	sadd.s32 $0x9BA, s15;
	_ =	swait.ge [sflag:s18], $0x50  }
0x6d: {  	s9 =	simm.s32 $0xFFFFF682;
	s3 =	sadd.s32 s16, s21;
	[sflag:s18] =	ssyncset.done $0x0  }
0x6e: {  	s21 =	sadd.s32 s16, s22;
	s22 =	sadd.s32 s16, s12;
	[sflag:s18] =	ssyncadd.s32 $0xFFFFFFB0  }
.LBB2_1:
0x6f: {  	[spmem:s2] =	stream.indirect.scatter.add.f32 [tilespmem:s19], [sflag:$0x3], $0x80, s4, s0, $0xb8;
	[tilespmem:$0x17A00] =	vst v63  }
0x70: {  	s11 =	smov.u32 s9  }
0x71: {  	p1 =	sne.s32 s9, $0xFFFFFFE2;
	s9 =	sadd.s32 $0x1E, s9;
	_ =	swait.ge [sflag:s6], $0x2800  }
0x72: {  	s11 =	sadd.s32 s11, s7;
	[sflag:s6] =	ssyncset.done $0x0  }
0x73: {  	s12 =	sadd.s32 $0x9BA, s11;
	[sflag:s6] =	ssyncadd.s32 $0xFFFFD800  }
0x74: {  	[tilespmem:s17], [sflag:$0x4] =	stream.linear.gather [hbm4b:s12+s17], $0x50, $0x38;
	[tilespmem:$0x17A00] =	vst v63  }
0x75: {  	_ =	swait.ge [sflag:s18], $0x50  }
0x76: {  	[sflag:s18] =	ssyncset.done $0x0  }
0x77: {  	[sflag:s18] =	ssyncadd.s32 $0xFFFFFFB0  }
0x78: {  	[spmem:s2] =	stream.indirect.scatter.add.f32 [tilespmem:s19], [sflag:$0x1], $0x80, s17, s0, $0xb8;
	[tilespmem:$0x17A00] =	vst v63  }
0x79: {  	_ =	swait.ge [sflag:s10], $0x2800  }
0x7a: {  	[sflag:s10] =	ssyncset.done $0x0  }
0x7b: {  	s12 =	sadd.s32 $0x9C4, s11;
	[sflag:s10] =	ssyncadd.s32 $0xFFFFD800  }
0x7c: {  	[tilespmem:s1], [sflag:$0x4] =	stream.linear.gather [hbm4b:s12+s17], $0x50, $0x38;
	[tilespmem:$0x17A00] =	vst v63  }
0x7d: {  	_ =	swait.ge [sflag:s18], $0x50  }
0x7e: {  	[sflag:s18] =	ssyncset.done $0x0  }
0x7f: {  	[sflag:s18] =	ssyncadd.s32 $0xFFFFFFB0  }
0x80: {  	[spmem:s2] =	stream.indirect.scatter.add.f32 [tilespmem:s19], [sflag:$0x2], $0x80, s1, s0, $0xb8;
	[tilespmem:$0x17A00] =	vst v63  }
0x81: {  	_ =	swait.ge [sflag:s14], $0x2800  }
0x82: {  	[sflag:s14] =	ssyncset.done $0x0  }
.Ltmp0:
0x83: {  	s11 =	sadd.s32 $0x9CE, s11;
	[sflag:s14] =	ssyncadd.s32 $0xFFFFD800;
	(pc) =	sbr.rel @p1 .LBB2_1-.Ltmp0, $4  }
0x84: {  	[tilespmem:s4], [sflag:$0x4] =	stream.linear.gather [hbm4b:s11+s17], $0x50, $0x38;
	[tilespmem:$0x17A00] =	vst v63  }
0x85: {  	_ =	swait.ge [sflag:s18], $0x50  }
0x86: {  	[sflag:s18] =	ssyncset.done $0x0  }
0x87: {  	[sflag:s18] =	ssyncadd.s32 $0xFFFFFFB0  }
0x88: {  	[spmem:s2] =	stream.indirect.scatter.add.f32 [tilespmem:s19], [sflag:$0x3], $0x80, s4, s0, $0xb8;
	[tilespmem:$0x17A00] =	vst v63  }
0x89: {  	s19 =	simm.s32 $0x1  }
0x8a: {  	_ =	swait.ge [sflag:s19], $0x2800  }
0x8b: {  	[sflag:s19] =	ssyncset.done $0x0  }
0x8c: {  	s6 =	simm.s32 $0x2;
	[sflag:s19] =	ssyncadd.s32 $0xFFFFD800  }
0x8d: {  	_ =	swait.ge [sflag:s6], $0x2800  }
0x8e: {  	[sflag:s6] =	ssyncset.done $0x0  }
0x8f: {  	s7 =	simm.s32 $0x3;
	[sflag:s6] =	ssyncadd.s32 $0xFFFFD800  }
0x90: {  	_ =	swait.ge [sflag:s7], $0x2800  }
0x91: {  	[sflag:s7] =	ssyncset.done $0x0  }
0x92: {  	s1 =	simm.s32 $0x0;
	s9 =	simm.s32 $0x4;
	[sflag:s7] =	ssyncadd.s32 $0xFFFFD800  }
0x93: {  	[tilespmem:s1], [sflag:$0x4] =	stream.linear.gather [hbm4b:s8+s1], $0x50, $0x38;
	[tilespmem:$0x17A00] =	vst v63  }
0x94: {  	_ =	swait.ge [sflag:s9], $0x50  }
0x95: {  	[sflag:s9] =	ssyncset.done $0x0  }
0x96: {  	s6 =	simm.s32 $0x50;
	s7 =	simm.s32 $0x180;
	[sflag:s9] =	ssyncadd.s32 $0xFFFFFFB0  }
0x97: {  	[spmem:s2] =	stream.indirect.scatter.add.f32 [tilespmem:s7], [sflag:$0x1], $0x80, s1, s6, $0xb8;
	[tilespmem:$0x17A00] =	vst v63  }
0x98: {  	_ =	swait.ge [sflag:s19], $0x2800  }
0x99: {  	[sflag:s19] =	ssyncset.done $0x0  }
0x9a: {  	[sflag:s19] =	ssyncadd.s32 $0xFFFFD800  }
0x9b: {  	[bflag:$0x0] =	sbarrier.arrive $0xFFFF  }
0x9c: {  	s10 =	simm.s32 $0x2980;
	s11 =	rddreg [dreg:$0x10]  }
0x9d: {  	[tilespmem:s10], [sflag:$0x4] =	stream.linear.gather [spmem:s11], $0x1800, $0x38;
	[tilespmem:$0x17A00] =	vst v63  }
0x9e: {  	_ =	swait.ge [sflag:s9], $0x1800  }
0x9f: {  	[sflag:s9] =	ssyncset.done $0x0  }
0xa0: {  	[sflag:s9] =	ssyncadd.s32 $0xFFFFE800  }
0xa1: {  	[hbm4b:s5+s1] =	stream.linear.scatter [tilespmem:s10], [sflag:$0x4], $0x1800, $0x38;
	[tilespmem:$0x17A00] =	vst v63  }
0xa2: {  	_ =	swait.ge [sflag:s9], $0x1800  }
0xa3: {  	[sflag:s9] =	ssyncset.done $0x0  }
0xa4: {  	s12 =	rddreg [dreg:$0xf];
	[sflag:s9] =	ssyncadd.s32 $0xFFFFE800  }
0xa5: {  	[tilespmem:s10], [sflag:$0x4] =	stream.linear.gather [spmem:s12], $0x1800, $0x38;
	[tilespmem:$0x17A00] =	vst v63  }
0xa6: {  	_ =	swait.ge [sflag:s9], $0x1800  }
0xa7: {  	[sflag:s9] =	ssyncset.done $0x0  }
0xa8: {  	[sflag:s9] =	ssyncadd.s32 $0xFFFFE800  }
0xa9: {  	[hbm4b:s3+s1] =	stream.linear.scatter [tilespmem:s10], [sflag:$0x4], $0x1800, $0x38;
	[tilespmem:$0x17A00] =	vst v63  }
0xaa: {  	_ =	swait.ge [sflag:s9], $0x1800  }
0xab: {  	[sflag:s9] =	ssyncset.done $0x0  }
0xac: {  	s14 =	rddreg [dreg:$0xe];
	[sflag:s9] =	ssyncadd.s32 $0xFFFFE800  }
0xad: {  	[tilespmem:s10], [sflag:$0x4] =	stream.linear.gather [spmem:s14], $0x1800, $0x38;
	[tilespmem:$0x17A00] =	vst v63  }
0xae: {  	_ =	swait.ge [sflag:s9], $0x1800  }
0xaf: {  	[sflag:s9] =	ssyncset.done $0x0  }
0xb0: {  	[sflag:s9] =	ssyncadd.s32 $0xFFFFE800  }
0xb1: {  	[hbm4b:s21+s1] =	stream.linear.scatter [tilespmem:s10], [sflag:$0x4], $0x1800, $0x38;
	[tilespmem:$0x17A00] =	vst v63  }
0xb2: {  	_ =	swait.ge [sflag:s9], $0x1800  }
0xb3: {  	[sflag:s9] =	ssyncset.done $0x0  }
0xb4: {  	s15 =	rddreg [dreg:$0xd];
	[sflag:s9] =	ssyncadd.s32 $0xFFFFE800  }
0xb5: {  	[tilespmem:s10], [sflag:$0x4] =	stream.linear.gather [spmem:s15], $0x1800, $0x38;
	[tilespmem:$0x17A00] =	vst v63  }
0xb6: {  	_ =	swait.ge [sflag:s9], $0x1800  }
0xb7: {  	[sflag:s9] =	ssyncset.done $0x0  }
0xb8: {  	[sflag:s9] =	ssyncadd.s32 $0xFFFFE800  }
0xb9: {  	[hbm4b:s31+s1] =	stream.linear.scatter [tilespmem:s10], [sflag:$0x4], $0x1800, $0x38;
	[tilespmem:$0x17A00] =	vst v63  }
0xba: {  	_ =	swait.ge [sflag:s9], $0x1800  }
0xbb: {  	[sflag:s9] =	ssyncset.done $0x0  }
0xbc: {  	s16 =	rddreg [dreg:$0xc];
	[sflag:s9] =	ssyncadd.s32 $0xFFFFE800  }
0xbd: {  	[tilespmem:s10], [sflag:$0x4] =	stream.linear.gather [spmem:s16], $0x1800, $0x38;
	[tilespmem:$0x17A00] =	vst v63  }
0xbe: {  	_ =	swait.ge [sflag:s9], $0x1800  }
0xbf: {  	[sflag:s9] =	ssyncset.done $0x0  }
0xc0: {  	[sflag:s9] =	ssyncadd.s32 $0xFFFFE800  }
0xc1: {  	[hbm4b:s30+s1] =	stream.linear.scatter [tilespmem:s10], [sflag:$0x4], $0x1800, $0x38;
	[tilespmem:$0x17A00] =	vst v63  }
0xc2: {  	_ =	swait.ge [sflag:s9], $0x1800  }
0xc3: {  	[sflag:s9] =	ssyncset.done $0x0  }
0xc4: {  	s17 =	rddreg [dreg:$0xb];
	[sflag:s9] =	ssyncadd.s32 $0xFFFFE800  }
0xc5: {  	[tilespmem:s10], [sflag:$0x4] =	stream.linear.gather [spmem:s17], $0x1800, $0x38;
	[tilespmem:$0x17A00] =	vst v63  }
0xc6: {  	_ =	swait.ge [sflag:s9], $0x1800  }
0xc7: {  	[sflag:s9] =	ssyncset.done $0x0  }
0xc8: {  	[sflag:s9] =	ssyncadd.s32 $0xFFFFE800  }
0xc9: {  	[hbm4b:s29+s1] =	stream.linear.scatter [tilespmem:s10], [sflag:$0x4], $0x1800, $0x38;
	[tilespmem:$0x17A00] =	vst v63  }
0xca: {  	_ =	swait.ge [sflag:s9], $0x1800  }
0xcb: {  	[sflag:s9] =	ssyncset.done $0x0  }
0xcc: {  	s18 =	rddreg [dreg:$0xa];
	[sflag:s9] =	ssyncadd.s32 $0xFFFFE800  }
0xcd: {  	[tilespmem:s10], [sflag:$0x4] =	stream.linear.gather [spmem:s18], $0x1800, $0x38;
	[tilespmem:$0x17A00] =	vst v63  }
0xce: {  	_ =	swait.ge [sflag:s9], $0x1800  }
0xcf: {  	[sflag:s9] =	ssyncset.done $0x0  }
0xd0: {  	[sflag:s9] =	ssyncadd.s32 $0xFFFFE800  }
0xd1: {  	[hbm4b:s28+s1] =	stream.linear.scatter [tilespmem:s10], [sflag:$0x4], $0x1800, $0x38;
	[tilespmem:$0x17A00] =	vst v63  }
0xd2: {  	_ =	swait.ge [sflag:s9], $0x1800  }
0xd3: {  	[sflag:s9] =	ssyncset.done $0x0  }
0xd4: {  	s19 =	rddreg [dreg:$0x9];
	[sflag:s9] =	ssyncadd.s32 $0xFFFFE800  }
0xd5: {  	[tilespmem:s10], [sflag:$0x4] =	stream.linear.gather [spmem:s19], $0x1800, $0x38;
	[tilespmem:$0x17A00] =	vst v63  }
0xd6: {  	_ =	swait.ge [sflag:s9], $0x1800  }
0xd7: {  	[sflag:s9] =	ssyncset.done $0x0  }
0xd8: {  	[sflag:s9] =	ssyncadd.s32 $0xFFFFE800  }
0xd9: {  	[hbm4b:s26+s1] =	stream.linear.scatter [tilespmem:s10], [sflag:$0x4], $0x1800, $0x38;
	[tilespmem:$0x17A00] =	vst v63  }
0xda: {  	_ =	swait.ge [sflag:s9], $0x1800  }
0xdb: {  	[sflag:s9] =	ssyncset.done $0x0  }
0xdc: {  	s21 =	rddreg [dreg:$0x8];
	[sflag:s9] =	ssyncadd.s32 $0xFFFFE800  }
0xdd: {  	[tilespmem:s10], [sflag:$0x4] =	stream.linear.gather [spmem:s21], $0x1800, $0x38;
	[tilespmem:$0x17A00] =	vst v63  }
0xde: {  	_ =	swait.ge [sflag:s9], $0x1800  }
0xdf: {  	[sflag:s9] =	ssyncset.done $0x0  }
0xe0: {  	[sflag:s9] =	ssyncadd.s32 $0xFFFFE800  }
0xe1: {  	[hbm4b:s25+s1] =	stream.linear.scatter [tilespmem:s10], [sflag:$0x4], $0x1800, $0x38;
	[tilespmem:$0x17A00] =	vst v63  }
0xe2: {  	_ =	swait.ge [sflag:s9], $0x1800  }
0xe3: {  	[sflag:s9] =	ssyncset.done $0x0  }
0xe4: {  	s26 =	rddreg [dreg:$0x7];
	[sflag:s9] =	ssyncadd.s32 $0xFFFFE800  }
0xe5: {  	[tilespmem:s10], [sflag:$0x4] =	stream.linear.gather [spmem:s26], $0x1800, $0x38;
	[tilespmem:$0x17A00] =	vst v63  }
0xe6: {  	_ =	swait.ge [sflag:s9], $0x1800  }
0xe7: {  	[sflag:s9] =	ssyncset.done $0x0  }
0xe8: {  	[sflag:s9] =	ssyncadd.s32 $0xFFFFE800  }
0xe9: {  	[hbm4b:s24+s1] =	stream.linear.scatter [tilespmem:s10], [sflag:$0x4], $0x1800, $0x38;
	[tilespmem:$0x17A00] =	vst v63  }
0xea: {  	_ =	swait.ge [sflag:s9], $0x1800  }
0xeb: {  	[sflag:s9] =	ssyncset.done $0x0  }
0xec: {  	s28 =	rddreg [dreg:$0x6];
	[sflag:s9] =	ssyncadd.s32 $0xFFFFE800  }
0xed: {  	[tilespmem:s10], [sflag:$0x4] =	stream.linear.gather [spmem:s28], $0x1800, $0x38;
	[tilespmem:$0x17A00] =	vst v63  }
0xee: {  	_ =	swait.ge [sflag:s9], $0x1800  }
0xef: {  	[sflag:s9] =	ssyncset.done $0x0  }
0xf0: {  	[sflag:s9] =	ssyncadd.s32 $0xFFFFE800  }
0xf1: {  	[hbm4b:s23+s1] =	stream.linear.scatter [tilespmem:s10], [sflag:$0x4], $0x1800, $0x38;
	[tilespmem:$0x17A00] =	vst v63  }
0xf2: {  	_ =	swait.ge [sflag:s9], $0x1800  }
0xf3: {  	[sflag:s9] =	ssyncset.done $0x0  }
0xf4: {  	s29 =	rddreg [dreg:$0x5];
	[sflag:s9] =	ssyncadd.s32 $0xFFFFE800  }
0xf5: {  	[tilespmem:s10], [sflag:$0x4] =	stream.linear.gather [spmem:s29], $0x1800, $0x38;
	[tilespmem:$0x17A00] =	vst v63  }
0xf6: {  	_ =	swait.ge [sflag:s9], $0x1800  }
0xf7: {  	[sflag:s9] =	ssyncset.done $0x0  }
0xf8: {  	[sflag:s9] =	ssyncadd.s32 $0xFFFFE800  }
0xf9: {  	[hbm4b:s22+s1] =	stream.linear.scatter [tilespmem:s10], [sflag:$0x4], $0x1800, $0x38;
	[tilespmem:$0x17A00] =	vst v63  }
0xfa: {  	_ =	swait.ge [sflag:s9], $0x1800  }
0xfb: {  	[sflag:s9] =	ssyncset.done $0x0  }
0xfc: {  	s30 =	rddreg [dreg:$0x4];
	[sflag:s9] =	ssyncadd.s32 $0xFFFFE800  }
0xfd: {  	[tilespmem:s10], [sflag:$0x4] =	stream.linear.gather [spmem:s30], $0x1800, $0x38;
	[tilespmem:$0x17A00] =	vst v63  }
0xfe: {  	_ =	swait.ge [sflag:s9], $0x1800  }
0xff: {  	[sflag:s9] =	ssyncset.done $0x0  }
0x100: {  	[sflag:s9] =	ssyncadd.s32 $0xFFFFE800  }
0x101: {  	[hbm4b:s13+s1] =	stream.linear.scatter [tilespmem:s10], [sflag:$0x4], $0x1800, $0x38;
	[tilespmem:$0x17A00] =	vst v63  }
0x102: {  	_ =	swait.ge [sflag:s9], $0x1800  }
0x103: {  	[sflag:s9] =	ssyncset.done $0x0  }
0x104: {  	s0 =	simm.s32 @!p0 $0x2980;
	s1 =	rddreg [dreg:$0x3];
	[sflag:s9] =	ssyncadd.s32 $0xFFFFE800  }
0x105: {  	[tilespmem:s0], [sflag:$0x4] =	stream.linear.gather @!p0 [spmem:s1], $0x800, $0x38;
	[tilespmem:$0x17A00] =	vst v63  }
0x106: {  	s1 =	simm.s32 @!p0 $0x4  }
0x107: {  	_ =	swait.ge @!p0 [sflag:s1], $0x800  }
0x108: {  	[sflag:s1] =	ssyncset.done @!p0 $0x0  }
0x109: {  	s2 =	simm.s32 @!p0 $0x0;
	[sflag:s1] =	ssyncadd.s32 @!p0 $0xFFFFF800  }
0x10a: {  	[hbm4b:s20+s2] =	stream.linear.scatter @!p0 [tilespmem:s0], [sflag:$0x4], $0x800, $0x38;
	[tilespmem:$0x17A00] =	vst v63  }
0x10b: {  	_ =	swait.ge @!p0 [sflag:s1], $0x800  }
0x10c: {  	[sflag:s1] =	ssyncset.done @!p0 $0x0  }
0x10d: {  	[sflag:s1] =	ssyncadd.s32 @!p0 $0xFFFFF800  }
0x10e: {  	_ =	sfence.sel $0x180000  }
0x10f: {  	[bflag:$0x0] =	sbarrier.arrive $0xFFFF  }
0x110: {  	_ =	strace $0x90000047  }
0x111: {  	s31 =	stileid.u32;
	[bflag:$0x2] =	sbarrier.arrive $0xFFFF  }
0x112: {  	p0 =	sne.s32 s31, $0x0;
	s0 =	rddreg [dreg:$0x2]  }
0x113: {  	s0 =	sadd.s32 @!p0 $0x100000, s0  }
0x114: {  	[sflag:s0] =	ssyncadd.tile.s32 @!p0 $0x1;
	_ =	shalt  }
.Lfunc_end2:
_tile_overlayer_lowered:
.L_overlay_start_2:
0x115: {  	(tag) =	ssettag $0x2  }
0x116: {  	s0 =	rddreg [dreg:$0x0];
	s2 =	stileid.u32  }
0x117: {  	s1 =	rddreg [dreg:$0x1];
	p0 =	sne.s32 s2, $0x0  }
0x118: {  	s3 =	rddreg [dreg:$0x2];
	[bflag:$0x3] =	sbarrier.arrive $0xFFFF;
	s2 =	simm.s32 @!p0 $0x1C04  }
0x119: {  	[timem:s3], [sflag:s2] =	dma.local @!p0 [hbm:s0], s1  }
0x11a: {  	s0 =	simm.s32 @!p0 $0x4  }
0x11b: {  	_ =	swait.ge @!p0 [sflag:s0], s1  }
0x11c: {  	s1 =	ssub.s32 @!p0 $0x0, s1;
	[sflag:s0] =	ssyncset.done @!p0 $0x0  }
0x11d: {  	[sflag:s0] =	ssyncadd.s32 @!p0 s1  }
0x11e: {  	[bflag:$0x3] =	sbarrier.arrive $0xFFFF  }
0x11f: {  	_ =	shalt  }

</sc_bundles>
